<compile_context>
chip_gen: v7x
topology: tpu7x:2x2x1
jax: 0.10.2.dev20260603
libtpu: 0.0.44.dev20260713+nightly
codegen_flags: <defaults>
</compile_context>

<pallas_src>
import functools

import jax
import jax.numpy as jnp
from jax import lax
from jax.experimental import pallas as pl
from jax.experimental.pallas import tpu as pltpu
from jax.experimental.pallas import tpu_sc as plsc

D_IN = 1024
HID = 32768
K = 32
B = 64
L = 16
CHUNKS = HID // L
NBUCKET = 1024
BSHIFT = 21
SLOT = 32
EQN = 4
NSC = 2
NSUB = 16


def _enc_body(x_ref, w_ref, benc_ref, bdec_ref, o_ref):
    sae = x_ref[...] - bdec_ref[...]
    acts = lax.dot_general(sae, w_ref[...], (((1,), (1,)), ((), ())),
                           preferred_element_type=jnp.float32)
    o_ref[...] = jnp.maximum(acts + benc_ref[...], 0.0)


def _encode(x, W_enc, b_enc2d, b_dec2d):
    BH = 2048
    return pl.pallas_call(
        _enc_body,
        grid=(HID // BH,),
        in_specs=[
            pl.BlockSpec((B, D_IN), lambda j: (0, 0)),
            pl.BlockSpec((BH, D_IN), lambda j: (j, 0)),
            pl.BlockSpec((1, BH), lambda j: (0, j)),
            pl.BlockSpec((1, D_IN), lambda j: (0, 0)),
        ],
        out_specs=pl.BlockSpec((B, BH), lambda j: (0, j)),
        out_shape=jax.ShapeDtypeStruct((B, HID), jnp.float32),
    )(x, W_enc, b_enc2d, b_dec2d)


def _sc_body(pre_hbm, wdec_hbm, bdec_hbm, out_hbm,
             row_v, gmax_v, cand_v, candi_v, topv_v, topi_v, topi32_v,
             eqi_v, bc_v, rows_v, acc_v, bdec_v, sem):
    wid = lax.axis_index("s") * NSC + lax.axis_index("c")
    lane = lax.iota(jnp.int32, L)
    ones_i = jnp.ones((L,), jnp.int32)
    zeros_i = jnp.zeros((L,), jnp.int32)
    bigi = jnp.full((L,), jnp.int32(1 << 30), jnp.int32)
    lane0 = lane == 0

    pltpu.sync_copy(bdec_hbm, bdec_v)

    for r in range(2):
        row_id = wid * 2 + r
        pltpu.sync_copy(pre_hbm.at[row_id], row_v)

        neg1f = jnp.full((L,), -1.0, jnp.float32)
        NGRP = CHUNKS // 16

        def pbody(g, hs):
            h1, h2 = hs
            gm = neg1f
            for u in range(16):
                v = row_v[pl.ds((g * 16 + u) * L, L)]
                h2 = jnp.maximum(h2, jnp.minimum(h1, v))
                h1 = jnp.maximum(h1, v)
                gm = jnp.maximum(gm, v)
            gmax_v[pl.ds(g * L, L)] = gm
            return (h1, h2)
        h1, h2 = lax.fori_loop(0, NGRP, pbody, (neg1f, neg1f))
        t0vec = jnp.full((L,), jnp.min(h2), jnp.float32)
        tvec = t0vec
        lo0 = plsc.bitcast(t0vec, jnp.int32)[0]
        hi0 = plsc.bitcast(jnp.full((L,), jnp.max(h1), jnp.float32),
                           jnp.int32)[0]

        neg1 = jnp.full((L,), -1.0, jnp.float32)

        def cinit(i, _):
            for u in range(4):
                cand_v[pl.ds((i * 4 + u) * L, L)] = neg1
            return 0
        lax.fori_loop(0, SLOT // 4, cinit, 0)

        def sbody(g, cnt_v):
            gmv = gmax_v[pl.ds(g * L, L)]
            hit = plsc.all_reduce_population_count(gmv >= tvec)[0]

            def scan(cv):
                for u in range(16):
                    j = g * 16 + u
                    v = row_v[pl.ds(j * L, L)]
                    m = v >= tvec
                    addr = jnp.minimum(cv, SLOT - 1) * L + lane
                    plsc.store_scatter(cand_v, [addr], v, mask=m)
                    plsc.store_scatter(candi_v, [addr], j * L + lane,
                                       mask=m)
                    cv = cv + jnp.where(m, 1, 0)
                return cv
            return lax.cond(hit > 0, scan, lambda cv: cv, cnt_v)
        lax.fori_loop(0, NGRP, sbody, zeros_i)

        def bsbody(it, st):
            lo, hi = st
            mid = lo + ((hi - lo + 1) >> 1)
            tm = plsc.bitcast(jnp.full((L,), mid, jnp.int32), jnp.float32)

            def cb(i, cv):
                return cv + jnp.where(cand_v[pl.ds(i * L, L)] >= tm, 1, 0)
            c = jnp.sum(lax.fori_loop(0, SLOT, cb, zeros_i))
            ge = c >= K
            return (jnp.where(ge, mid, lo), jnp.where(ge, hi, mid - 1))
        tstar, _ = lax.fori_loop(0, 31, bsbody, (lo0, hi0))
        tsv = plsc.bitcast(jnp.full((L,), tstar, jnp.int32), jnp.float32)

        def gcomp(i, cnt):
            cv_ = cand_v[pl.ds(i * L, L)]
            ci_ = candi_v[pl.ds(i * L, L)]
            m = cv_ > tsv
            off = jnp.minimum(cnt, K)
            plsc.store_compressed(topv_v.at[pl.ds(off, L)], cv_, mask=m)
            plsc.store_compressed(topi_v.at[pl.ds(off, L)], ci_, mask=m)
            return cnt + plsc.all_reduce_population_count(m)[0]
        cnt_gt = jnp.minimum(lax.fori_loop(0, SLOT, gcomp, jnp.int32(0)),
                             jnp.int32(K - 1))

        for i in range(EQN):
            eqi_v[pl.ds(i * L, L)] = bigi

        def ecomp(i, cnt):
            cv_ = cand_v[pl.ds(i * L, L)]
            ci_ = candi_v[pl.ds(i * L, L)]
            m = cv_ == tsv
            off = jnp.minimum(cnt, (EQN - 1) * L)
            plsc.store_compressed(eqi_v.at[pl.ds(off, L)], ci_, mask=m)
            return cnt + plsc.all_reduce_population_count(m)[0]
        lax.fori_loop(0, SLOT, ecomp, jnp.int32(0))

        def rbody(rr, _):
            def mb(i, mv):
                return jnp.minimum(mv, eqi_v[pl.ds(i * L, L)])
            mi = jnp.min(lax.fori_loop(0, EQN, mb, bigi))
            mis = jnp.full((L,), mi, jnp.int32)

            def rm(i, _):
                ci_ = eqi_v[pl.ds(i * L, L)]
                eqi_v[pl.ds(i * L, L)] = jnp.where(ci_ == mis, bigi, ci_)
                return 0
            lax.fori_loop(0, EQN, rm, 0)
            ks = jnp.full((L,), cnt_gt + rr, jnp.int32)
            plsc.store_scatter(topi_v, [ks],
                               jnp.minimum(mis, jnp.int32(HID - 1)),
                               mask=lane0)
            plsc.store_scatter(topv_v, [ks], tsv, mask=lane0)
            return 0
        lax.fori_loop(0, K - cnt_gt, rbody, 0)

        for g in range(2):
            topi32_v[pl.ds(g * L, L)] = topi_v[pl.ds(g * L, L)]
            va = topv_v[pl.ds(g * L, L)]
            for j in range(L):
                addr = lane * L + g * (L * L) + ((lane + j) & (L - 1))
                plsc.store_scatter(bc_v, [addr], va)

        pltpu.async_copy(wdec_hbm.at[topi32_v], rows_v, sem).wait()

        def abody(c, _):
            acc_v[pl.ds(c * L, L)] = bdec_v[pl.ds(c * L, L)]
            return 0
        lax.fori_loop(0, D_IN // L, abody, 0)

        for kb in range(K // 8):
            bcs = [bc_v[pl.ds((kb * 8 + u) * L, L)] for u in range(8)]

            def dbody(c, _, kb=kb, bcs=bcs):
                a = acc_v[pl.ds(c * L, L)]
                for u in range(8):
                    a = a + bcs[u] * rows_v[kb * 8 + u, pl.ds(c * L, L)]
                acc_v[pl.ds(c * L, L)] = a
                return 0
            lax.fori_loop(0, D_IN // L, dbody, 0)

        pltpu.sync_copy(acc_v, out_hbm.at[row_id])


@functools.partial(
    pl.kernel,
    out_type=jax.ShapeDtypeStruct((B, D_IN), jnp.float32),
    mesh=plsc.VectorSubcoreMesh(core_axis_name="c", subcore_axis_name="s",
                                num_cores=NSC, num_subcores=NSUB),
    compiler_params=pltpu.CompilerParams(needs_layout_passes=False),
    scratch_types=[
        pltpu.VMEM((HID,), jnp.float32),
        pltpu.VMEM((CHUNKS,), jnp.float32),
        pltpu.VMEM((SLOT * L,), jnp.float32),
        pltpu.VMEM((SLOT * L,), jnp.int32),
        pltpu.VMEM((K + L,), jnp.float32),
        pltpu.VMEM((K + L,), jnp.int32),
        pltpu.VMEM((K,), jnp.int32),
        pltpu.VMEM((EQN * L,), jnp.int32),
        pltpu.VMEM((K * L,), jnp.float32),
        pltpu.VMEM((K, D_IN), jnp.float32),
        pltpu.VMEM((D_IN,), jnp.float32),
        pltpu.VMEM((D_IN,), jnp.float32),
        pltpu.SemaphoreType.DMA,
    ],
)
def _sc_topk_decode(pre_hbm, wdec_hbm, bdec_hbm, out_hbm, *scratch):
    _sc_body(pre_hbm, wdec_hbm, bdec_hbm, out_hbm, *scratch)


def kernel(x, W_enc, b_enc, W_dec, b_dec):
    pre = _encode(x, W_enc, b_enc.reshape(1, HID), b_dec.reshape(1, D_IN))
    return _sc_topk_decode(pre, W_dec, b_dec)

# --- scband reference (transcript-rebuilt; emitter-appended) ---
"""Pipeline reference for scband-sae-38190849196168 (READ-ONLY COPY).

The authoritative reference and input builder live on the scoring server;
editing this copy changes nothing except your own understanding.
"""

import jax, jax.numpy as jnp
import numpy as np

D_IN = 1024
SCALE = 32
HIDDEN = D_IN * SCALE
K = 32
B = 64


def setup_inputs(seed: int = 0) -> dict:
    key = jax.random.key(seed)
    k1, k2 = jax.random.split(key)
    x = jax.random.normal(k1, (B, D_IN), dtype=jnp.float32)
    # encoder weight ~ nn.Linear default-ish init
    W_enc = jax.random.normal(k2, (HIDDEN, D_IN), dtype=jnp.float32) * (1.0 / np.sqrt(D_IN))
    b_enc = jnp.zeros((HIDDEN,), dtype=jnp.float32)
    # W_dec = clone of encoder weight with rows normalized to unit norm
    eps = jnp.finfo(jnp.float32).eps
    norm = jnp.linalg.norm(W_enc, axis=1, keepdims=True)
    W_dec = W_enc / (norm + eps)
    b_dec = jnp.zeros((D_IN,), dtype=jnp.float32)
    return {"x": x, "W_enc": W_enc, "b_enc": b_enc, "W_dec": W_dec, "b_dec": b_dec}


def reference(x, W_enc, b_enc, W_dec, b_dec):
    # sae_in = x - b_dec
    sae_in = x - b_dec[None, :]
    # pre_acts = relu(encoder(sae_in))
    pre_acts = jax.nn.relu(sae_in @ W_enc.T + b_enc[None, :])
    # top-k activation: keep top K latents per row, zero the rest (scatter-overwrite)
    topk_vals, topk_idx = jax.lax.top_k(pre_acts, K)
    rows = jnp.arange(pre_acts.shape[0])[:, None]
    z = jnp.zeros_like(pre_acts).at[rows, topk_idx].set(topk_vals)
    # decode
    x_reconstructed = z @ W_dec + b_dec[None, :]
    return x_reconstructed

if __name__ == "__main__":
    import jax
    _d = setup_inputs()
    print(jax.jit(kernel)(*tuple(_d.values())))

</pallas_src>

<mosaic_0001>
#map = affine_map<(d0, d1) -> (0, 0)>
#map1 = affine_map<(d0, d1) -> (0)>
module attributes {stable_mosaic.version = 14 : i64} {
  func.func @_sc_topk_decode(%arg0: i32, %arg1: i32, %arg2: memref<64x32768xf32, #tpu.memory_space<hbm>>, %arg3: memref<32768x1024xf32, #tpu.memory_space<hbm>>, %arg4: memref<1024xf32, #tpu.memory_space<hbm>>, %arg5: memref<64x1024xf32, #tpu.memory_space<hbm>>, %arg6: memref<32768xf32, #tpu.memory_space<vmem>>, %arg7: memref<2048xf32, #tpu.memory_space<vmem>>, %arg8: memref<512xf32, #tpu.memory_space<vmem>>, %arg9: memref<512xi32, #tpu.memory_space<vmem>>, %arg10: memref<48xf32, #tpu.memory_space<vmem>>, %arg11: memref<48xi32, #tpu.memory_space<vmem>>, %arg12: memref<32xi32, #tpu.memory_space<vmem>>, %arg13: memref<64xi32, #tpu.memory_space<vmem>>, %arg14: memref<512xf32, #tpu.memory_space<vmem>>, %arg15: memref<32x1024xf32, #tpu.memory_space<vmem>>, %arg16: memref<1024xf32, #tpu.memory_space<vmem>>, %arg17: memref<1024xf32, #tpu.memory_space<vmem>>, %arg18: memref<!tpu.dma_semaphore, #tpu.memory_space<semaphore_mem>>) attributes {dimension_semantics = [#tpu.dimension_semantics<core_parallel>, #tpu.dimension_semantics<subcore_parallel>], iteration_bounds = array<i64: 2, 16>, scalar_prefetch = 0 : i64, scratch_operands = 13 : i64, tpu.core_type = #tpu.core_type<sc_vector_subcore>, window_params = [{transform_indices = #map}, {transform_indices = #map}, {transform_indices = #map1}, {transform_indices = #map}]} {
    %mul3A = arith.constant 2 : i32
    %mul3A_0 = arith.muli %arg1, %mul3A : i32
    %add3A = arith.addi %mul3A_0, %arg0 : i32
    %iota3A = tpu.iota {dimensions = array<i32: 0>} : vector<16xi32>
    %broadcast_in_dim3A = arith.constant 1 : i32
    %broadcast_in_dim3A_1 = vector.broadcast %broadcast_in_dim3A : i32 to vector<16xi32>
    %broadcast_in_dim3A_2 = arith.constant 0 : i32
    %broadcast_in_dim3A_3 = vector.broadcast %broadcast_in_dim3A_2 : i32 to vector<16xi32>
    %broadcast_in_dim3A_4 = arith.constant 1073741824 : i32
    %broadcast_in_dim3A_5 = vector.broadcast %broadcast_in_dim3A_4 : i32 to vector<16xi32>
    %eq3A = arith.constant 0 : i32
    %eq3A_6 = vector.broadcast %eq3A : i32 to vector<16xi32>
    %eq3A_7 = arith.cmpi eq, %iota3A, %eq3A_6 : vector<16xi32>
    "tpu.region"() ({
      %run_scoped3A = tpu.sem_alloc : memref<!tpu.dma_semaphore, #tpu.memory_space<semaphore_mem>>
      tpu.enqueue_dma source(%arg4 : memref<1024xf32, #tpu.memory_space<hbm>>) target(%arg17 : memref<1024xf32, #tpu.memory_space<vmem>>) target_semaphore(%run_scoped3A : memref<!tpu.dma_semaphore, #tpu.memory_space<semaphore_mem>>)
      tpu.wait_dma2 semaphore(%run_scoped3A : memref<!tpu.dma_semaphore, #tpu.memory_space<semaphore_mem>>) src(%arg4 : memref<1024xf32, #tpu.memory_space<hbm>>) dst(%arg17 : memref<1024xf32, #tpu.memory_space<vmem>>)
      tpu.yield
    }) : () -> ()
    %mul3A_8 = arith.constant 2 : i32
    %mul3A_9 = arith.muli %add3A, %mul3A_8 : i32
    %add3A_10 = arith.constant 0 : i32
    %add3A_11 = arith.addi %mul3A_9, %add3A_10 : i32
    "tpu.region"() ({
      %run_scoped3A = tpu.sem_alloc : memref<!tpu.dma_semaphore, #tpu.memory_space<semaphore_mem>>
      %dma_start3A_1238 = arith.constant 0 : i32
      %dma_start3A_1239 = tpu.memref_slice %arg2[%add3A_11, %dma_start3A_1238] : memref<64x32768xf32, #tpu.memory_space<hbm>> -> memref<1x32768xf32, #tpu.memory_space<hbm>>
      %dma_start3A_1240 = tpu.memref_squeeze %dma_start3A_1239 : memref<1x32768xf32, #tpu.memory_space<hbm>> -> memref<32768xf32, #tpu.memory_space<hbm>>
      %dma_start3A_1241 = arith.constant 0 : i32
      %dma_start3A_1242 = tpu.memref_slice %arg2[%add3A_11, %dma_start3A_1241] : memref<64x32768xf32, #tpu.memory_space<hbm>> -> memref<1x32768xf32, #tpu.memory_space<hbm>>
      %dma_start3A_1243 = tpu.memref_squeeze %dma_start3A_1242 : memref<1x32768xf32, #tpu.memory_space<hbm>> -> memref<32768xf32, #tpu.memory_space<hbm>>
      tpu.enqueue_dma source(%dma_start3A_1243 : memref<32768xf32, #tpu.memory_space<hbm>>) target(%arg6 : memref<32768xf32, #tpu.memory_space<vmem>>) target_semaphore(%run_scoped3A : memref<!tpu.dma_semaphore, #tpu.memory_space<semaphore_mem>>)
      %dma_wait3A_1244 = arith.constant 0 : i32
      %dma_wait3A_1245 = tpu.memref_slice %arg2[%add3A_11, %dma_wait3A_1244] : memref<64x32768xf32, #tpu.memory_space<hbm>> -> memref<1x32768xf32, #tpu.memory_space<hbm>>
      %dma_wait3A_1246 = tpu.memref_squeeze %dma_wait3A_1245 : memref<1x32768xf32, #tpu.memory_space<hbm>> -> memref<32768xf32, #tpu.memory_space<hbm>>
      %dma_wait3A_1247 = arith.constant 0 : i32
      %dma_wait3A_1248 = tpu.memref_slice %arg2[%add3A_11, %dma_wait3A_1247] : memref<64x32768xf32, #tpu.memory_space<hbm>> -> memref<1x32768xf32, #tpu.memory_space<hbm>>
      %dma_wait3A_1249 = tpu.memref_squeeze %dma_wait3A_1248 : memref<1x32768xf32, #tpu.memory_space<hbm>> -> memref<32768xf32, #tpu.memory_space<hbm>>
      tpu.wait_dma2 semaphore(%run_scoped3A : memref<!tpu.dma_semaphore, #tpu.memory_space<semaphore_mem>>) src(%dma_wait3A_1249 : memref<32768xf32, #tpu.memory_space<hbm>>) dst(%arg6 : memref<32768xf32, #tpu.memory_space<vmem>>)
      tpu.yield
    }) : () -> ()
    %broadcast_in_dim3A_12 = arith.constant -1.000000e+00 : f32
    %broadcast_in_dim3A_13 = vector.broadcast %broadcast_in_dim3A_12 : f32 to vector<16xf32>
    %scan3A = arith.constant 0 : i32
    %scan3A_14 = arith.constant 128 : i32
    %scan3A_15 = arith.addi %scan3A, %scan3A_14 : i32
    %scan3A_16 = arith.constant 1 : i32
    %scan3A_17:2 = scf.for %scan3A_1238 = %scan3A to %scan3A_15 step %scan3A_16 iter_args(%scan3A_1239 = %broadcast_in_dim3A_13, %scan3A_1240 = %broadcast_in_dim3A_13) -> (vector<16xf32>, vector<16xf32>)  : i32 {
      %mul3A_1241 = arith.constant 16 : i32
      %mul3A_1242 = arith.muli %scan3A_1238, %mul3A_1241 : i32
      %add3A_1243 = arith.constant 0 : i32
      %add3A_1244 = arith.addi %mul3A_1242, %add3A_1243 : i32
      %mul3A_1245 = arith.constant 16 : i32
      %mul3A_1246 = arith.muli %add3A_1244, %mul3A_1245 : i32
      %get3A_1247 = arith.index_cast %mul3A_1246 : i32 to index
      %get3A_1248 = tpu.vector_load %arg6[%get3A_1247] {strides = array<i32>} : memref<32768xf32, #tpu.memory_space<vmem>>, vector<16xf32>,
      %min3A_1249 = arith.minimumf %scan3A_1239, %get3A_1248 : vector<16xf32>
      %max3A = arith.maximumf %scan3A_1240, %min3A_1249 : vector<16xf32>
      %max3A_1250 = arith.maximumf %scan3A_1239, %get3A_1248 : vector<16xf32>
      %max3A_1251 = arith.maximumf %broadcast_in_dim3A_13, %get3A_1248 : vector<16xf32>
      %mul3A_1252 = arith.constant 16 : i32
      %mul3A_1253 = arith.muli %scan3A_1238, %mul3A_1252 : i32
      %add3A_1254 = arith.constant 1 : i32
      %add3A_1255 = arith.addi %mul3A_1253, %add3A_1254 : i32
      %mul3A_1256 = arith.constant 16 : i32
      %mul3A_1257 = arith.muli %add3A_1255, %mul3A_1256 : i32
      %get3A_1258 = arith.index_cast %mul3A_1257 : i32 to index
      %get3A_1259 = tpu.vector_load %arg6[%get3A_1258] {strides = array<i32>} : memref<32768xf32, #tpu.memory_space<vmem>>, vector<16xf32>,
      %min3A_1260 = arith.minimumf %max3A_1250, %get3A_1259 : vector<16xf32>
      %max3A_1261 = arith.maximumf %max3A, %min3A_1260 : vector<16xf32>
      %max3A_1262 = arith.maximumf %max3A_1250, %get3A_1259 : vector<16xf32>
      %max3A_1263 = arith.maximumf %max3A_1251, %get3A_1259 : vector<16xf32>
      %mul3A_1264 = arith.constant 16 : i32
      %mul3A_1265 = arith.muli %scan3A_1238, %mul3A_1264 : i32
      %add3A_1266 = arith.constant 2 : i32
      %add3A_1267 = arith.addi %mul3A_1265, %add3A_1266 : i32
      %mul3A_1268 = arith.constant 16 : i32
      %mul3A_1269 = arith.muli %add3A_1267, %mul3A_1268 : i32
      %get3A_1270 = arith.index_cast %mul3A_1269 : i32 to index
      %get3A_1271 = tpu.vector_load %arg6[%get3A_1270] {strides = array<i32>} : memref<32768xf32, #tpu.memory_space<vmem>>, vector<16xf32>,
      %min3A_1272 = arith.minimumf %max3A_1262, %get3A_1271 : vector<16xf32>
      %max3A_1273 = arith.maximumf %max3A_1261, %min3A_1272 : vector<16xf32>
      %max3A_1274 = arith.maximumf %max3A_1262, %get3A_1271 : vector<16xf32>
      %max3A_1275 = arith.maximumf %max3A_1263, %get3A_1271 : vector<16xf32>
      %mul3A_1276 = arith.constant 16 : i32
      %mul3A_1277 = arith.muli %scan3A_1238, %mul3A_1276 : i32
      %add3A_1278 = arith.constant 3 : i32
      %add3A_1279 = arith.addi %mul3A_1277, %add3A_1278 : i32
      %mul3A_1280 = arith.constant 16 : i32
      %mul3A_1281 = arith.muli %add3A_1279, %mul3A_1280 : i32
      %get3A_1282 = arith.index_cast %mul3A_1281 : i32 to index
      %get3A_1283 = tpu.vector_load %arg6[%get3A_1282] {strides = array<i32>} : memref<32768xf32, #tpu.memory_space<vmem>>, vector<16xf32>,
      %min3A_1284 = arith.minimumf %max3A_1274, %get3A_1283 : vector<16xf32>
      %max3A_1285 = arith.maximumf %max3A_1273, %min3A_1284 : vector<16xf32>
      %max3A_1286 = arith.maximumf %max3A_1274, %get3A_1283 : vector<16xf32>
      %max3A_1287 = arith.maximumf %max3A_1275, %get3A_1283 : vector<16xf32>
      %mul3A_1288 = arith.constant 16 : i32
      %mul3A_1289 = arith.muli %scan3A_1238, %mul3A_1288 : i32
      %add3A_1290 = arith.constant 4 : i32
      %add3A_1291 = arith.addi %mul3A_1289, %add3A_1290 : i32
      %mul3A_1292 = arith.constant 16 : i32
      %mul3A_1293 = arith.muli %add3A_1291, %mul3A_1292 : i32
      %get3A_1294 = arith.index_cast %mul3A_1293 : i32 to index
      %get3A_1295 = tpu.vector_load %arg6[%get3A_1294] {strides = array<i32>} : memref<32768xf32, #tpu.memory_space<vmem>>, vector<16xf32>,
      %min3A_1296 = arith.minimumf %max3A_1286, %get3A_1295 : vector<16xf32>
      %max3A_1297 = arith.maximumf %max3A_1285, %min3A_1296 : vector<16xf32>
      %max3A_1298 = arith.maximumf %max3A_1286, %get3A_1295 : vector<16xf32>
      %max3A_1299 = arith.maximumf %max3A_1287, %get3A_1295 : vector<16xf32>
      %mul3A_1300 = arith.constant 16 : i32
      %mul3A_1301 = arith.muli %scan3A_1238, %mul3A_1300 : i32
      %add3A_1302 = arith.constant 5 : i32
      %add3A_1303 = arith.addi %mul3A_1301, %add3A_1302 : i32
      %mul3A_1304 = arith.constant 16 : i32
      %mul3A_1305 = arith.muli %add3A_1303, %mul3A_1304 : i32
      %get3A_1306 = arith.index_cast %mul3A_1305 : i32 to index
      %get3A_1307 = tpu.vector_load %arg6[%get3A_1306] {strides = array<i32>} : memref<32768xf32, #tpu.memory_space<vmem>>, vector<16xf32>,
      %min3A_1308 = arith.minimumf %max3A_1298, %get3A_1307 : vector<16xf32>
      %max3A_1309 = arith.maximumf %max3A_1297, %min3A_1308 : vector<16xf32>
      %max3A_1310 = arith.maximumf %max3A_1298, %get3A_1307 : vector<16xf32>
      %max3A_1311 = arith.maximumf %max3A_1299, %get3A_1307 : vector<16xf32>
      %mul3A_1312 = arith.constant 16 : i32
      %mul3A_1313 = arith.muli %scan3A_1238, %mul3A_1312 : i32
      %add3A_1314 = arith.constant 6 : i32
      %add3A_1315 = arith.addi %mul3A_1313, %add3A_1314 : i32
      %mul3A_1316 = arith.constant 16 : i32
      %mul3A_1317 = arith.muli %add3A_1315, %mul3A_1316 : i32
      %get3A_1318 = arith.index_cast %mul3A_1317 : i32 to index
      %get3A_1319 = tpu.vector_load %arg6[%get3A_1318] {strides = array<i32>} : memref<32768xf32, #tpu.memory_space<vmem>>, vector<16xf32>,
      %min3A_1320 = arith.minimumf %max3A_1310, %get3A_1319 : vector<16xf32>
      %max3A_1321 = arith.maximumf %max3A_1309, %min3A_1320 : vector<16xf32>
      %max3A_1322 = arith.maximumf %max3A_1310, %get3A_1319 : vector<16xf32>
      %max3A_1323 = arith.maximumf %max3A_1311, %get3A_1319 : vector<16xf32>
      %mul3A_1324 = arith.constant 16 : i32
      %mul3A_1325 = arith.muli %scan3A_1238, %mul3A_1324 : i32
      %add3A_1326 = arith.constant 7 : i32
      %add3A_1327 = arith.addi %mul3A_1325, %add3A_1326 : i32
      %mul3A_1328 = arith.constant 16 : i32
      %mul3A_1329 = arith.muli %add3A_1327, %mul3A_1328 : i32
      %get3A_1330 = arith.index_cast %mul3A_1329 : i32 to index
      %get3A_1331 = tpu.vector_load %arg6[%get3A_1330] {strides = array<i32>} : memref<32768xf32, #tpu.memory_space<vmem>>, vector<16xf32>,
      %min3A_1332 = arith.minimumf %max3A_1322, %get3A_1331 : vector<16xf32>
      %max3A_1333 = arith.maximumf %max3A_1321, %min3A_1332 : vector<16xf32>
      %max3A_1334 = arith.maximumf %max3A_1322, %get3A_1331 : vector<16xf32>
      %max3A_1335 = arith.maximumf %max3A_1323, %get3A_1331 : vector<16xf32>
      %mul3A_1336 = arith.constant 16 : i32
      %mul3A_1337 = arith.muli %scan3A_1238, %mul3A_1336 : i32
      %add3A_1338 = arith.constant 8 : i32
      %add3A_1339 = arith.addi %mul3A_1337, %add3A_1338 : i32
      %mul3A_1340 = arith.constant 16 : i32
      %mul3A_1341 = arith.muli %add3A_1339, %mul3A_1340 : i32
      %get3A_1342 = arith.index_cast %mul3A_1341 : i32 to index
      %get3A_1343 = tpu.vector_load %arg6[%get3A_1342] {strides = array<i32>} : memref<32768xf32, #tpu.memory_space<vmem>>, vector<16xf32>,
      %min3A_1344 = arith.minimumf %max3A_1334, %get3A_1343 : vector<16xf32>
      %max3A_1345 = arith.maximumf %max3A_1333, %min3A_1344 : vector<16xf32>
      %max3A_1346 = arith.maximumf %max3A_1334, %get3A_1343 : vector<16xf32>
      %max3A_1347 = arith.maximumf %max3A_1335, %get3A_1343 : vector<16xf32>
      %mul3A_1348 = arith.constant 16 : i32
      %mul3A_1349 = arith.muli %scan3A_1238, %mul3A_1348 : i32
      %add3A_1350 = arith.constant 9 : i32
      %add3A_1351 = arith.addi %mul3A_1349, %add3A_1350 : i32
      %mul3A_1352 = arith.constant 16 : i32
      %mul3A_1353 = arith.muli %add3A_1351, %mul3A_1352 : i32
      %get3A_1354 = arith.index_cast %mul3A_1353 : i32 to index
      %get3A_1355 = tpu.vector_load %arg6[%get3A_1354] {strides = array<i32>} : memref<32768xf32, #tpu.memory_space<vmem>>, vector<16xf32>,
      %min3A_1356 = arith.minimumf %max3A_1346, %get3A_1355 : vector<16xf32>
      %max3A_1357 = arith.maximumf %max3A_1345, %min3A_1356 : vector<16xf32>
      %max3A_1358 = arith.maximumf %max3A_1346, %get3A_1355 : vector<16xf32>
      %max3A_1359 = arith.maximumf %max3A_1347, %get3A_1355 : vector<16xf32>
      %mul3A_1360 = arith.constant 16 : i32
      %mul3A_1361 = arith.muli %scan3A_1238, %mul3A_1360 : i32
      %add3A_1362 = arith.constant 10 : i32
      %add3A_1363 = arith.addi %mul3A_1361, %add3A_1362 : i32
      %mul3A_1364 = arith.constant 16 : i32
      %mul3A_1365 = arith.muli %add3A_1363, %mul3A_1364 : i32
      %get3A_1366 = arith.index_cast %mul3A_1365 : i32 to index
      %get3A_1367 = tpu.vector_load %arg6[%get3A_1366] {strides = array<i32>} : memref<32768xf32, #tpu.memory_space<vmem>>, vector<16xf32>,
      %min3A_1368 = arith.minimumf %max3A_1358, %get3A_1367 : vector<16xf32>
      %max3A_1369 = arith.maximumf %max3A_1357, %min3A_1368 : vector<16xf32>
      %max3A_1370 = arith.maximumf %max3A_1358, %get3A_1367 : vector<16xf32>
      %max3A_1371 = arith.maximumf %max3A_1359, %get3A_1367 : vector<16xf32>
      %mul3A_1372 = arith.constant 16 : i32
      %mul3A_1373 = arith.muli %scan3A_1238, %mul3A_1372 : i32
      %add3A_1374 = arith.constant 11 : i32
      %add3A_1375 = arith.addi %mul3A_1373, %add3A_1374 : i32
      %mul3A_1376 = arith.constant 16 : i32
      %mul3A_1377 = arith.muli %add3A_1375, %mul3A_1376 : i32
      %get3A_1378 = arith.index_cast %mul3A_1377 : i32 to index
      %get3A_1379 = tpu.vector_load %arg6[%get3A_1378] {strides = array<i32>} : memref<32768xf32, #tpu.memory_space<vmem>>, vector<16xf32>,
      %min3A_1380 = arith.minimumf %max3A_1370, %get3A_1379 : vector<16xf32>
      %max3A_1381 = arith.maximumf %max3A_1369, %min3A_1380 : vector<16xf32>
      %max3A_1382 = arith.maximumf %max3A_1370, %get3A_1379 : vector<16xf32>
      %max3A_1383 = arith.maximumf %max3A_1371, %get3A_1379 : vector<16xf32>
      %mul3A_1384 = arith.constant 16 : i32
      %mul3A_1385 = arith.muli %scan3A_1238, %mul3A_1384 : i32
      %add3A_1386 = arith.constant 12 : i32
      %add3A_1387 = arith.addi %mul3A_1385, %add3A_1386 : i32
      %mul3A_1388 = arith.constant 16 : i32
      %mul3A_1389 = arith.muli %add3A_1387, %mul3A_1388 : i32
      %get3A_1390 = arith.index_cast %mul3A_1389 : i32 to index
      %get3A_1391 = tpu.vector_load %arg6[%get3A_1390] {strides = array<i32>} : memref<32768xf32, #tpu.memory_space<vmem>>, vector<16xf32>,
      %min3A_1392 = arith.minimumf %max3A_1382, %get3A_1391 : vector<16xf32>
      %max3A_1393 = arith.maximumf %max3A_1381, %min3A_1392 : vector<16xf32>
      %max3A_1394 = arith.maximumf %max3A_1382, %get3A_1391 : vector<16xf32>
      %max3A_1395 = arith.maximumf %max3A_1383, %get3A_1391 : vector<16xf32>
      %mul3A_1396 = arith.constant 16 : i32
      %mul3A_1397 = arith.muli %scan3A_1238, %mul3A_1396 : i32
      %add3A_1398 = arith.constant 13 : i32
      %add3A_1399 = arith.addi %mul3A_1397, %add3A_1398 : i32
      %mul3A_1400 = arith.constant 16 : i32
      %mul3A_1401 = arith.muli %add3A_1399, %mul3A_1400 : i32
      %get3A_1402 = arith.index_cast %mul3A_1401 : i32 to index
      %get3A_1403 = tpu.vector_load %arg6[%get3A_1402] {strides = array<i32>} : memref<32768xf32, #tpu.memory_space<vmem>>, vector<16xf32>,
      %min3A_1404 = arith.minimumf %max3A_1394, %get3A_1403 : vector<16xf32>
      %max3A_1405 = arith.maximumf %max3A_1393, %min3A_1404 : vector<16xf32>
      %max3A_1406 = arith.maximumf %max3A_1394, %get3A_1403 : vector<16xf32>
      %max3A_1407 = arith.maximumf %max3A_1395, %get3A_1403 : vector<16xf32>
      %mul3A_1408 = arith.constant 16 : i32
      %mul3A_1409 = arith.muli %scan3A_1238, %mul3A_1408 : i32
      %add3A_1410 = arith.constant 14 : i32
      %add3A_1411 = arith.addi %mul3A_1409, %add3A_1410 : i32
      %mul3A_1412 = arith.constant 16 : i32
      %mul3A_1413 = arith.muli %add3A_1411, %mul3A_1412 : i32
      %get3A_1414 = arith.index_cast %mul3A_1413 : i32 to index
      %get3A_1415 = tpu.vector_load %arg6[%get3A_1414] {strides = array<i32>} : memref<32768xf32, #tpu.memory_space<vmem>>, vector<16xf32>,
      %min3A_1416 = arith.minimumf %max3A_1406, %get3A_1415 : vector<16xf32>
      %max3A_1417 = arith.maximumf %max3A_1405, %min3A_1416 : vector<16xf32>
      %max3A_1418 = arith.maximumf %max3A_1406, %get3A_1415 : vector<16xf32>
      %max3A_1419 = arith.maximumf %max3A_1407, %get3A_1415 : vector<16xf32>
      %mul3A_1420 = arith.constant 16 : i32
      %mul3A_1421 = arith.muli %scan3A_1238, %mul3A_1420 : i32
      %add3A_1422 = arith.constant 15 : i32
      %add3A_1423 = arith.addi %mul3A_1421, %add3A_1422 : i32
      %mul3A_1424 = arith.constant 16 : i32
      %mul3A_1425 = arith.muli %add3A_1423, %mul3A_1424 : i32
      %get3A_1426 = arith.index_cast %mul3A_1425 : i32 to index
      %get3A_1427 = tpu.vector_load %arg6[%get3A_1426] {strides = array<i32>} : memref<32768xf32, #tpu.memory_space<vmem>>, vector<16xf32>,
      %min3A_1428 = arith.minimumf %max3A_1418, %get3A_1427 : vector<16xf32>
      %max3A_1429 = arith.maximumf %max3A_1417, %min3A_1428 : vector<16xf32>
      %max3A_1430 = arith.maximumf %max3A_1418, %get3A_1427 : vector<16xf32>
      %max3A_1431 = arith.maximumf %max3A_1419, %get3A_1427 : vector<16xf32>
      %mul3A_1432 = arith.constant 16 : i32
      %mul3A_1433 = arith.muli %scan3A_1238, %mul3A_1432 : i32
      %swap3A_1434 = arith.index_cast %mul3A_1433 : i32 to index
      %swap3A_1435 = tpu.vector_load %arg7[%swap3A_1434] {strides = array<i32>} : memref<2048xf32, #tpu.memory_space<vmem>>, vector<16xf32>,
      tpu.vector_store %arg7[%swap3A_1434], %max3A_1431 {strides = array<i32>} : memref<2048xf32, #tpu.memory_space<vmem>>, vector<16xf32>,
      scf.yield %max3A_1430, %max3A_1429 : vector<16xf32>, vector<16xf32>
    }
    %scan3A_18 = arith.constant 128 : i32
    %reduce_min3A = arith.constant true
    %reduce_min3A_19 = vector.broadcast %reduce_min3A : i1 to vector<16xi1>
    %reduce_min3A_20 = tpu.scan <min>, %scan3A_17#1 masked %reduce_min3A_19 : vector<16xf32>, vector<16xi1> -> vector<16xf32>
    %reduce_min3A_21 = vector.extract %reduce_min3A_20[15] : f32 from vector<16xf32>
    %broadcast_in_dim3A_22 = vector.broadcast %reduce_min3A_21 : f32 to vector<16xf32>
    %bitcast3A = vector.bitcast %broadcast_in_dim3A_22 : vector<16xf32> to vector<16xi32>
    %slice3A = vector.extract_strided_slice %bitcast3A {offsets = [0], sizes = [1], strides = [1]} : vector<16xi32> to vector<1xi32>
    %squeeze3A = vector.extract %slice3A[0] : i32 from vector<1xi32>
    %reduce_max3A = arith.constant true
    %reduce_max3A_23 = vector.broadcast %reduce_max3A : i1 to vector<16xi1>
    %reduce_max3A_24 = tpu.scan <max>, %scan3A_17#0 masked %reduce_max3A_23 : vector<16xf32>, vector<16xi1> -> vector<16xf32>
    %reduce_max3A_25 = vector.extract %reduce_max3A_24[15] : f32 from vector<16xf32>
    %broadcast_in_dim3A_26 = vector.broadcast %reduce_max3A_25 : f32 to vector<16xf32>
    %bitcast3A_27 = vector.bitcast %broadcast_in_dim3A_26 : vector<16xf32> to vector<16xi32>
    %slice3A_28 = vector.extract_strided_slice %bitcast3A_27 {offsets = [0], sizes = [1], strides = [1]} : vector<16xi32> to vector<1xi32>
    %squeeze3A_29 = vector.extract %slice3A_28[0] : i32 from vector<1xi32>
    %broadcast_in_dim3A_30 = arith.constant -1.000000e+00 : f32
    %broadcast_in_dim3A_31 = vector.broadcast %broadcast_in_dim3A_30 : f32 to vector<16xf32>
    %scan3A_32 = arith.constant 0 : i32
    %scan3A_33 = arith.constant 0 : i32
    %scan3A_34 = arith.constant 8 : i32
    %scan3A_35 = arith.addi %scan3A_33, %scan3A_34 : i32
    %scan3A_36 = arith.constant 1 : i32
    %scan3A_37 = scf.for %scan3A_1238 = %scan3A_33 to %scan3A_35 step %scan3A_36 iter_args(%scan3A_1239 = %scan3A_32) -> (i32)  : i32 {
      %mul3A_1240 = arith.constant 4 : i32
      %mul3A_1241 = arith.muli %scan3A_1238, %mul3A_1240 : i32
      %add3A_1242 = arith.constant 0 : i32
      %add3A_1243 = arith.addi %mul3A_1241, %add3A_1242 : i32
      %mul3A_1244 = arith.constant 16 : i32
      %mul3A_1245 = arith.muli %add3A_1243, %mul3A_1244 : i32
      %swap3A_1246 = arith.index_cast %mul3A_1245 : i32 to index
      %swap3A_1247 = tpu.vector_load %arg8[%swap3A_1246] {strides = array<i32>} : memref<512xf32, #tpu.memory_space<vmem>>, vector<16xf32>,
      tpu.vector_store %arg8[%swap3A_1246], %broadcast_in_dim3A_31 {strides = array<i32>} : memref<512xf32, #tpu.memory_space<vmem>>, vector<16xf32>,
      %mul3A_1248 = arith.constant 4 : i32
      %mul3A_1249 = arith.muli %scan3A_1238, %mul3A_1248 : i32
      %add3A_1250 = arith.constant 1 : i32
      %add3A_1251 = arith.addi %mul3A_1249, %add3A_1250 : i32
      %mul3A_1252 = arith.constant 16 : i32
      %mul3A_1253 = arith.muli %add3A_1251, %mul3A_1252 : i32
      %swap3A_1254 = arith.index_cast %mul3A_1253 : i32 to index
      %swap3A_1255 = tpu.vector_load %arg8[%swap3A_1254] {strides = array<i32>} : memref<512xf32, #tpu.memory_space<vmem>>, vector<16xf32>,
      tpu.vector_store %arg8[%swap3A_1254], %broadcast_in_dim3A_31 {strides = array<i32>} : memref<512xf32, #tpu.memory_space<vmem>>, vector<16xf32>,
      %mul3A_1256 = arith.constant 4 : i32
      %mul3A_1257 = arith.muli %scan3A_1238, %mul3A_1256 : i32
      %add3A_1258 = arith.constant 2 : i32
      %add3A_1259 = arith.addi %mul3A_1257, %add3A_1258 : i32
      %mul3A_1260 = arith.constant 16 : i32
      %mul3A_1261 = arith.muli %add3A_1259, %mul3A_1260 : i32
      %swap3A_1262 = arith.index_cast %mul3A_1261 : i32 to index
      %swap3A_1263 = tpu.vector_load %arg8[%swap3A_1262] {strides = array<i32>} : memref<512xf32, #tpu.memory_space<vmem>>, vector<16xf32>,
      tpu.vector_store %arg8[%swap3A_1262], %broadcast_in_dim3A_31 {strides = array<i32>} : memref<512xf32, #tpu.memory_space<vmem>>, vector<16xf32>,
      %mul3A_1264 = arith.constant 4 : i32
      %mul3A_1265 = arith.muli %scan3A_1238, %mul3A_1264 : i32
      %add3A_1266 = arith.constant 3 : i32
      %add3A_1267 = arith.addi %mul3A_1265, %add3A_1266 : i32
      %mul3A_1268 = arith.constant 16 : i32
      %mul3A_1269 = arith.muli %add3A_1267, %mul3A_1268 : i32
      %swap3A_1270 = arith.index_cast %mul3A_1269 : i32 to index
      %swap3A_1271 = tpu.vector_load %arg8[%swap3A_1270] {strides = array<i32>} : memref<512xf32, #tpu.memory_space<vmem>>, vector<16xf32>,
      tpu.vector_store %arg8[%swap3A_1270], %broadcast_in_dim3A_31 {strides = array<i32>} : memref<512xf32, #tpu.memory_space<vmem>>, vector<16xf32>,
      %scan3A_1272 = arith.constant 0 : i32
      scf.yield %scan3A_1272 : i32
    }
    %scan3A_38 = arith.constant 8 : i32
    %scan3A_39 = arith.constant 0 : i32
    %scan3A_40 = arith.constant 128 : i32
    %scan3A_41 = arith.addi %scan3A_39, %scan3A_40 : i32
    %scan3A_42 = arith.constant 1 : i32
    %scan3A_43 = scf.for %scan3A_1238 = %scan3A_39 to %scan3A_41 step %scan3A_42 iter_args(%scan3A_1239 = %broadcast_in_dim3A_3) -> (vector<16xi32>)  : i32 {
      %mul3A_1240 = arith.constant 16 : i32
      %mul3A_1241 = arith.muli %scan3A_1238, %mul3A_1240 : i32
      %get3A_1242 = arith.index_cast %mul3A_1241 : i32 to index
      %get3A_1243 = tpu.vector_load %arg7[%get3A_1242] {strides = array<i32>} : memref<2048xf32, #tpu.memory_space<vmem>>, vector<16xf32>,
      %ge3A = arith.cmpf oge, %get3A_1243, %broadcast_in_dim3A_22 : vector<16xf32>
      %all_reduce_population_count3A = tpu.all_reduce %ge3A {dim = 0 : i64, kind = #tpu.reduction_kind<sum>} : vector<16xi1> -> vector<16xi32>
      %slice3A_1244 = vector.extract_strided_slice %all_reduce_population_count3A {offsets = [0], sizes = [1], strides = [1]} : vector<16xi32> to vector<1xi32>
      %squeeze3A_1245 = vector.extract %slice3A_1244[0] : i32 from vector<1xi32>
      %gt3A = arith.constant 0 : i32
      %gt3A_1246 = arith.cmpi sgt, %squeeze3A_1245, %gt3A : i32
      %convert_element_type3A = arith.extui %gt3A_1246 : i1 to i32
      %cond3A = arith.constant 0 : i32
      %cond3A_1247 = arith.cmpi ne, %convert_element_type3A, %cond3A : i32
      %cond3A_1248 = scf.if %cond3A_1247 -> (vector<16xi32>) {
        %mul3A_1249 = arith.constant 16 : i32
        %mul3A_1250 = arith.muli %scan3A_1238, %mul3A_1249 : i32
        %add3A_1251 = arith.constant 0 : i32
        %add3A_1252 = arith.addi %mul3A_1250, %add3A_1251 : i32
        %mul3A_1253 = arith.constant 16 : i32
        %mul3A_1254 = arith.muli %add3A_1252, %mul3A_1253 : i32
        %get3A_1255 = arith.index_cast %mul3A_1254 : i32 to index
        %get3A_1256 = tpu.vector_load %arg6[%get3A_1255] {strides = array<i32>} : memref<32768xf32, #tpu.memory_space<vmem>>, vector<16xf32>,
        %ge3A_1257 = arith.cmpf oge, %get3A_1256, %broadcast_in_dim3A_22 : vector<16xf32>
        %min3A_1258 = arith.constant 31 : i32
        %min3A_1259 = vector.broadcast %min3A_1258 : i32 to vector<16xi32>
        %min3A_1260 = arith.minsi %scan3A_1239, %min3A_1259 : vector<16xi32>
        %mul3A_1261 = arith.constant 16 : i32
        %mul3A_1262 = vector.broadcast %mul3A_1261 : i32 to vector<16xi32>
        %mul3A_1263 = arith.muli %min3A_1260, %mul3A_1262 : vector<16xi32>
        %add3A_1264 = arith.addi %mul3A_1263, %iota3A : vector<16xi32>
        tpu.vector_store_idx %arg8[%add3A_1264], %get3A_1256 masked %ge3A_1257 : memref<512xf32, #tpu.memory_space<vmem>>[vector<16xi32>], vector<16xf32>, vector<16xi1>
        %mul3A_1265 = arith.constant 16 : i32
        %mul3A_1266 = arith.muli %add3A_1252, %mul3A_1265 : i32
        %add3A_1267 = vector.broadcast %mul3A_1266 : i32 to vector<16xi32>
        %add3A_1268 = arith.addi %add3A_1267, %iota3A : vector<16xi32>
        tpu.vector_store_idx %arg9[%add3A_1264], %add3A_1268 masked %ge3A_1257 : memref<512xi32, #tpu.memory_space<vmem>>[vector<16xi32>], vector<16xi32>, vector<16xi1>
        %jit3A = arith.constant 1 : i32
        %jit3A_1269 = arith.constant 0 : i32
        %broadcast_in_dim3A_1270 = vector.broadcast %jit3A : i32 to vector<16xi32>
        %broadcast_in_dim3A_1271 = vector.broadcast %jit3A_1269 : i32 to vector<16xi32>
        %select_n3A = arith.select %ge3A_1257, %broadcast_in_dim3A_1270, %broadcast_in_dim3A_1271 : vector<16xi1>, vector<16xi32>
        %add3A_1272 = arith.addi %scan3A_1239, %select_n3A : vector<16xi32>
        %mul3A_1273 = arith.constant 16 : i32
        %mul3A_1274 = arith.muli %scan3A_1238, %mul3A_1273 : i32
        %add3A_1275 = arith.constant 1 : i32
        %add3A_1276 = arith.addi %mul3A_1274, %add3A_1275 : i32
        %mul3A_1277 = arith.constant 16 : i32
        %mul3A_1278 = arith.muli %add3A_1276, %mul3A_1277 : i32
        %get3A_1279 = arith.index_cast %mul3A_1278 : i32 to index
        %get3A_1280 = tpu.vector_load %arg6[%get3A_1279] {strides = array<i32>} : memref<32768xf32, #tpu.memory_space<vmem>>, vector<16xf32>,
        %ge3A_1281 = arith.cmpf oge, %get3A_1280, %broadcast_in_dim3A_22 : vector<16xf32>
        %min3A_1282 = arith.constant 31 : i32
        %min3A_1283 = vector.broadcast %min3A_1282 : i32 to vector<16xi32>
        %min3A_1284 = arith.minsi %add3A_1272, %min3A_1283 : vector<16xi32>
        %mul3A_1285 = arith.constant 16 : i32
        %mul3A_1286 = vector.broadcast %mul3A_1285 : i32 to vector<16xi32>
        %mul3A_1287 = arith.muli %min3A_1284, %mul3A_1286 : vector<16xi32>
        %add3A_1288 = arith.addi %mul3A_1287, %iota3A : vector<16xi32>
        tpu.vector_store_idx %arg8[%add3A_1288], %get3A_1280 masked %ge3A_1281 : memref<512xf32, #tpu.memory_space<vmem>>[vector<16xi32>], vector<16xf32>, vector<16xi1>
        %mul3A_1289 = arith.constant 16 : i32
        %mul3A_1290 = arith.muli %add3A_1276, %mul3A_1289 : i32
        %add3A_1291 = vector.broadcast %mul3A_1290 : i32 to vector<16xi32>
        %add3A_1292 = arith.addi %add3A_1291, %iota3A : vector<16xi32>
        tpu.vector_store_idx %arg9[%add3A_1288], %add3A_1292 masked %ge3A_1281 : memref<512xi32, #tpu.memory_space<vmem>>[vector<16xi32>], vector<16xi32>, vector<16xi1>
        %jit3A_1293 = arith.constant 1 : i32
        %jit3A_1294 = arith.constant 0 : i32
        %broadcast_in_dim3A_1295 = vector.broadcast %jit3A_1293 : i32 to vector<16xi32>
        %broadcast_in_dim3A_1296 = vector.broadcast %jit3A_1294 : i32 to vector<16xi32>
        %select_n3A_1297 = arith.select %ge3A_1281, %broadcast_in_dim3A_1295, %broadcast_in_dim3A_1296 : vector<16xi1>, vector<16xi32>
        %add3A_1298 = arith.addi %add3A_1272, %select_n3A_1297 : vector<16xi32>
        %mul3A_1299 = arith.constant 16 : i32
        %mul3A_1300 = arith.muli %scan3A_1238, %mul3A_1299 : i32
        %add3A_1301 = arith.constant 2 : i32
        %add3A_1302 = arith.addi %mul3A_1300, %add3A_1301 : i32
        %mul3A_1303 = arith.constant 16 : i32
        %mul3A_1304 = arith.muli %add3A_1302, %mul3A_1303 : i32
        %get3A_1305 = arith.index_cast %mul3A_1304 : i32 to index
        %get3A_1306 = tpu.vector_load %arg6[%get3A_1305] {strides = array<i32>} : memref<32768xf32, #tpu.memory_space<vmem>>, vector<16xf32>,
        %ge3A_1307 = arith.cmpf oge, %get3A_1306, %broadcast_in_dim3A_22 : vector<16xf32>
        %min3A_1308 = arith.constant 31 : i32
        %min3A_1309 = vector.broadcast %min3A_1308 : i32 to vector<16xi32>
        %min3A_1310 = arith.minsi %add3A_1298, %min3A_1309 : vector<16xi32>
        %mul3A_1311 = arith.constant 16 : i32
        %mul3A_1312 = vector.broadcast %mul3A_1311 : i32 to vector<16xi32>
        %mul3A_1313 = arith.muli %min3A_1310, %mul3A_1312 : vector<16xi32>
        %add3A_1314 = arith.addi %mul3A_1313, %iota3A : vector<16xi32>
        tpu.vector_store_idx %arg8[%add3A_1314], %get3A_1306 masked %ge3A_1307 : memref<512xf32, #tpu.memory_space<vmem>>[vector<16xi32>], vector<16xf32>, vector<16xi1>
        %mul3A_1315 = arith.constant 16 : i32
        %mul3A_1316 = arith.muli %add3A_1302, %mul3A_1315 : i32
        %add3A_1317 = vector.broadcast %mul3A_1316 : i32 to vector<16xi32>
        %add3A_1318 = arith.addi %add3A_1317, %iota3A : vector<16xi32>
        tpu.vector_store_idx %arg9[%add3A_1314], %add3A_1318 masked %ge3A_1307 : memref<512xi32, #tpu.memory_space<vmem>>[vector<16xi32>], vector<16xi32>, vector<16xi1>
        %jit3A_1319 = arith.constant 1 : i32
        %jit3A_1320 = arith.constant 0 : i32
        %broadcast_in_dim3A_1321 = vector.broadcast %jit3A_1319 : i32 to vector<16xi32>
        %broadcast_in_dim3A_1322 = vector.broadcast %jit3A_1320 : i32 to vector<16xi32>
        %select_n3A_1323 = arith.select %ge3A_1307, %broadcast_in_dim3A_1321, %broadcast_in_dim3A_1322 : vector<16xi1>, vector<16xi32>
        %add3A_1324 = arith.addi %add3A_1298, %select_n3A_1323 : vector<16xi32>
        %mul3A_1325 = arith.constant 16 : i32
        %mul3A_1326 = arith.muli %scan3A_1238, %mul3A_1325 : i32
        %add3A_1327 = arith.constant 3 : i32
        %add3A_1328 = arith.addi %mul3A_1326, %add3A_1327 : i32
        %mul3A_1329 = arith.constant 16 : i32
        %mul3A_1330 = arith.muli %add3A_1328, %mul3A_1329 : i32
        %get3A_1331 = arith.index_cast %mul3A_1330 : i32 to index
        %get3A_1332 = tpu.vector_load %arg6[%get3A_1331] {strides = array<i32>} : memref<32768xf32, #tpu.memory_space<vmem>>, vector<16xf32>,
        %ge3A_1333 = arith.cmpf oge, %get3A_1332, %broadcast_in_dim3A_22 : vector<16xf32>
        %min3A_1334 = arith.constant 31 : i32
        %min3A_1335 = vector.broadcast %min3A_1334 : i32 to vector<16xi32>
        %min3A_1336 = arith.minsi %add3A_1324, %min3A_1335 : vector<16xi32>
        %mul3A_1337 = arith.constant 16 : i32
        %mul3A_1338 = vector.broadcast %mul3A_1337 : i32 to vector<16xi32>
        %mul3A_1339 = arith.muli %min3A_1336, %mul3A_1338 : vector<16xi32>
        %add3A_1340 = arith.addi %mul3A_1339, %iota3A : vector<16xi32>
        tpu.vector_store_idx %arg8[%add3A_1340], %get3A_1332 masked %ge3A_1333 : memref<512xf32, #tpu.memory_space<vmem>>[vector<16xi32>], vector<16xf32>, vector<16xi1>
        %mul3A_1341 = arith.constant 16 : i32
        %mul3A_1342 = arith.muli %add3A_1328, %mul3A_1341 : i32
        %add3A_1343 = vector.broadcast %mul3A_1342 : i32 to vector<16xi32>
        %add3A_1344 = arith.addi %add3A_1343, %iota3A : vector<16xi32>
        tpu.vector_store_idx %arg9[%add3A_1340], %add3A_1344 masked %ge3A_1333 : memref<512xi32, #tpu.memory_space<vmem>>[vector<16xi32>], vector<16xi32>, vector<16xi1>
        %jit3A_1345 = arith.constant 1 : i32
        %jit3A_1346 = arith.constant 0 : i32
        %broadcast_in_dim3A_1347 = vector.broadcast %jit3A_1345 : i32 to vector<16xi32>
        %broadcast_in_dim3A_1348 = vector.broadcast %jit3A_1346 : i32 to vector<16xi32>
        %select_n3A_1349 = arith.select %ge3A_1333, %broadcast_in_dim3A_1347, %broadcast_in_dim3A_1348 : vector<16xi1>, vector<16xi32>
        %add3A_1350 = arith.addi %add3A_1324, %select_n3A_1349 : vector<16xi32>
        %mul3A_1351 = arith.constant 16 : i32
        %mul3A_1352 = arith.muli %scan3A_1238, %mul3A_1351 : i32
        %add3A_1353 = arith.constant 4 : i32
        %add3A_1354 = arith.addi %mul3A_1352, %add3A_1353 : i32
        %mul3A_1355 = arith.constant 16 : i32
        %mul3A_1356 = arith.muli %add3A_1354, %mul3A_1355 : i32
        %get3A_1357 = arith.index_cast %mul3A_1356 : i32 to index
        %get3A_1358 = tpu.vector_load %arg6[%get3A_1357] {strides = array<i32>} : memref<32768xf32, #tpu.memory_space<vmem>>, vector<16xf32>,
        %ge3A_1359 = arith.cmpf oge, %get3A_1358, %broadcast_in_dim3A_22 : vector<16xf32>
        %min3A_1360 = arith.constant 31 : i32
        %min3A_1361 = vector.broadcast %min3A_1360 : i32 to vector<16xi32>
        %min3A_1362 = arith.minsi %add3A_1350, %min3A_1361 : vector<16xi32>
        %mul3A_1363 = arith.constant 16 : i32
        %mul3A_1364 = vector.broadcast %mul3A_1363 : i32 to vector<16xi32>
        %mul3A_1365 = arith.muli %min3A_1362, %mul3A_1364 : vector<16xi32>
        %add3A_1366 = arith.addi %mul3A_1365, %iota3A : vector<16xi32>
        tpu.vector_store_idx %arg8[%add3A_1366], %get3A_1358 masked %ge3A_1359 : memref<512xf32, #tpu.memory_space<vmem>>[vector<16xi32>], vector<16xf32>, vector<16xi1>
        %mul3A_1367 = arith.constant 16 : i32
        %mul3A_1368 = arith.muli %add3A_1354, %mul3A_1367 : i32
        %add3A_1369 = vector.broadcast %mul3A_1368 : i32 to vector<16xi32>
        %add3A_1370 = arith.addi %add3A_1369, %iota3A : vector<16xi32>
        tpu.vector_store_idx %arg9[%add3A_1366], %add3A_1370 masked %ge3A_1359 : memref<512xi32, #tpu.memory_space<vmem>>[vector<16xi32>], vector<16xi32>, vector<16xi1>
        %jit3A_1371 = arith.constant 1 : i32
        %jit3A_1372 = arith.constant 0 : i32
        %broadcast_in_dim3A_1373 = vector.broadcast %jit3A_1371 : i32 to vector<16xi32>
        %broadcast_in_dim3A_1374 = vector.broadcast %jit3A_1372 : i32 to vector<16xi32>
        %select_n3A_1375 = arith.select %ge3A_1359, %broadcast_in_dim3A_1373, %broadcast_in_dim3A_1374 : vector<16xi1>, vector<16xi32>
        %add3A_1376 = arith.addi %add3A_1350, %select_n3A_1375 : vector<16xi32>
        %mul3A_1377 = arith.constant 16 : i32
        %mul3A_1378 = arith.muli %scan3A_1238, %mul3A_1377 : i32
        %add3A_1379 = arith.constant 5 : i32
        %add3A_1380 = arith.addi %mul3A_1378, %add3A_1379 : i32
        %mul3A_1381 = arith.constant 16 : i32
        %mul3A_1382 = arith.muli %add3A_1380, %mul3A_1381 : i32
        %get3A_1383 = arith.index_cast %mul3A_1382 : i32 to index
        %get3A_1384 = tpu.vector_load %arg6[%get3A_1383] {strides = array<i32>} : memref<32768xf32, #tpu.memory_space<vmem>>, vector<16xf32>,
        %ge3A_1385 = arith.cmpf oge, %get3A_1384, %broadcast_in_dim3A_22 : vector<16xf32>
        %min3A_1386 = arith.constant 31 : i32
        %min3A_1387 = vector.broadcast %min3A_1386 : i32 to vector<16xi32>
        %min3A_1388 = arith.minsi %add3A_1376, %min3A_1387 : vector<16xi32>
        %mul3A_1389 = arith.constant 16 : i32
        %mul3A_1390 = vector.broadcast %mul3A_1389 : i32 to vector<16xi32>
        %mul3A_1391 = arith.muli %min3A_1388, %mul3A_1390 : vector<16xi32>
        %add3A_1392 = arith.addi %mul3A_1391, %iota3A : vector<16xi32>
        tpu.vector_store_idx %arg8[%add3A_1392], %get3A_1384 masked %ge3A_1385 : memref<512xf32, #tpu.memory_space<vmem>>[vector<16xi32>], vector<16xf32>, vector<16xi1>
        %mul3A_1393 = arith.constant 16 : i32
        %mul3A_1394 = arith.muli %add3A_1380, %mul3A_1393 : i32
        %add3A_1395 = vector.broadcast %mul3A_1394 : i32 to vector<16xi32>
        %add3A_1396 = arith.addi %add3A_1395, %iota3A : vector<16xi32>
        tpu.vector_store_idx %arg9[%add3A_1392], %add3A_1396 masked %ge3A_1385 : memref<512xi32, #tpu.memory_space<vmem>>[vector<16xi32>], vector<16xi32>, vector<16xi1>
        %jit3A_1397 = arith.constant 1 : i32
        %jit3A_1398 = arith.constant 0 : i32
        %broadcast_in_dim3A_1399 = vector.broadcast %jit3A_1397 : i32 to vector<16xi32>
        %broadcast_in_dim3A_1400 = vector.broadcast %jit3A_1398 : i32 to vector<16xi32>
        %select_n3A_1401 = arith.select %ge3A_1385, %broadcast_in_dim3A_1399, %broadcast_in_dim3A_1400 : vector<16xi1>, vector<16xi32>
        %add3A_1402 = arith.addi %add3A_1376, %select_n3A_1401 : vector<16xi32>
        %mul3A_1403 = arith.constant 16 : i32
        %mul3A_1404 = arith.muli %scan3A_1238, %mul3A_1403 : i32
        %add3A_1405 = arith.constant 6 : i32
        %add3A_1406 = arith.addi %mul3A_1404, %add3A_1405 : i32
        %mul3A_1407 = arith.constant 16 : i32
        %mul3A_1408 = arith.muli %add3A_1406, %mul3A_1407 : i32
        %get3A_1409 = arith.index_cast %mul3A_1408 : i32 to index
        %get3A_1410 = tpu.vector_load %arg6[%get3A_1409] {strides = array<i32>} : memref<32768xf32, #tpu.memory_space<vmem>>, vector<16xf32>,
        %ge3A_1411 = arith.cmpf oge, %get3A_1410, %broadcast_in_dim3A_22 : vector<16xf32>
        %min3A_1412 = arith.constant 31 : i32
        %min3A_1413 = vector.broadcast %min3A_1412 : i32 to vector<16xi32>
        %min3A_1414 = arith.minsi %add3A_1402, %min3A_1413 : vector<16xi32>
        %mul3A_1415 = arith.constant 16 : i32
        %mul3A_1416 = vector.broadcast %mul3A_1415 : i32 to vector<16xi32>
        %mul3A_1417 = arith.muli %min3A_1414, %mul3A_1416 : vector<16xi32>
        %add3A_1418 = arith.addi %mul3A_1417, %iota3A : vector<16xi32>
        tpu.vector_store_idx %arg8[%add3A_1418], %get3A_1410 masked %ge3A_1411 : memref<512xf32, #tpu.memory_space<vmem>>[vector<16xi32>], vector<16xf32>, vector<16xi1>
        %mul3A_1419 = arith.constant 16 : i32
        %mul3A_1420 = arith.muli %add3A_1406, %mul3A_1419 : i32
        %add3A_1421 = vector.broadcast %mul3A_1420 : i32 to vector<16xi32>
        %add3A_1422 = arith.addi %add3A_1421, %iota3A : vector<16xi32>
        tpu.vector_store_idx %arg9[%add3A_1418], %add3A_1422 masked %ge3A_1411 : memref<512xi32, #tpu.memory_space<vmem>>[vector<16xi32>], vector<16xi32>, vector<16xi1>
        %jit3A_1423 = arith.constant 1 : i32
        %jit3A_1424 = arith.constant 0 : i32
        %broadcast_in_dim3A_1425 = vector.broadcast %jit3A_1423 : i32 to vector<16xi32>
        %broadcast_in_dim3A_1426 = vector.broadcast %jit3A_1424 : i32 to vector<16xi32>
        %select_n3A_1427 = arith.select %ge3A_1411, %broadcast_in_dim3A_1425, %broadcast_in_dim3A_1426 : vector<16xi1>, vector<16xi32>
        %add3A_1428 = arith.addi %add3A_1402, %select_n3A_1427 : vector<16xi32>
        %mul3A_1429 = arith.constant 16 : i32
        %mul3A_1430 = arith.muli %scan3A_1238, %mul3A_1429 : i32
        %add3A_1431 = arith.constant 7 : i32
        %add3A_1432 = arith.addi %mul3A_1430, %add3A_1431 : i32
        %mul3A_1433 = arith.constant 16 : i32
        %mul3A_1434 = arith.muli %add3A_1432, %mul3A_1433 : i32
        %get3A_1435 = arith.index_cast %mul3A_1434 : i32 to index
        %get3A_1436 = tpu.vector_load %arg6[%get3A_1435] {strides = array<i32>} : memref<32768xf32, #tpu.memory_space<vmem>>, vector<16xf32>,
        %ge3A_1437 = arith.cmpf oge, %get3A_1436, %broadcast_in_dim3A_22 : vector<16xf32>
        %min3A_1438 = arith.constant 31 : i32
        %min3A_1439 = vector.broadcast %min3A_1438 : i32 to vector<16xi32>
        %min3A_1440 = arith.minsi %add3A_1428, %min3A_1439 : vector<16xi32>
        %mul3A_1441 = arith.constant 16 : i32
        %mul3A_1442 = vector.broadcast %mul3A_1441 : i32 to vector<16xi32>
        %mul3A_1443 = arith.muli %min3A_1440, %mul3A_1442 : vector<16xi32>
        %add3A_1444 = arith.addi %mul3A_1443, %iota3A : vector<16xi32>
        tpu.vector_store_idx %arg8[%add3A_1444], %get3A_1436 masked %ge3A_1437 : memref<512xf32, #tpu.memory_space<vmem>>[vector<16xi32>], vector<16xf32>, vector<16xi1>
        %mul3A_1445 = arith.constant 16 : i32
        %mul3A_1446 = arith.muli %add3A_1432, %mul3A_1445 : i32
        %add3A_1447 = vector.broadcast %mul3A_1446 : i32 to vector<16xi32>
        %add3A_1448 = arith.addi %add3A_1447, %iota3A : vector<16xi32>
        tpu.vector_store_idx %arg9[%add3A_1444], %add3A_1448 masked %ge3A_1437 : memref<512xi32, #tpu.memory_space<vmem>>[vector<16xi32>], vector<16xi32>, vector<16xi1>
        %jit3A_1449 = arith.constant 1 : i32
        %jit3A_1450 = arith.constant 0 : i32
        %broadcast_in_dim3A_1451 = vector.broadcast %jit3A_1449 : i32 to vector<16xi32>
        %broadcast_in_dim3A_1452 = vector.broadcast %jit3A_1450 : i32 to vector<16xi32>
        %select_n3A_1453 = arith.select %ge3A_1437, %broadcast_in_dim3A_1451, %broadcast_in_dim3A_1452 : vector<16xi1>, vector<16xi32>
        %add3A_1454 = arith.addi %add3A_1428, %select_n3A_1453 : vector<16xi32>
        %mul3A_1455 = arith.constant 16 : i32
        %mul3A_1456 = arith.muli %scan3A_1238, %mul3A_1455 : i32
        %add3A_1457 = arith.constant 8 : i32
        %add3A_1458 = arith.addi %mul3A_1456, %add3A_1457 : i32
        %mul3A_1459 = arith.constant 16 : i32
        %mul3A_1460 = arith.muli %add3A_1458, %mul3A_1459 : i32
        %get3A_1461 = arith.index_cast %mul3A_1460 : i32 to index
        %get3A_1462 = tpu.vector_load %arg6[%get3A_1461] {strides = array<i32>} : memref<32768xf32, #tpu.memory_space<vmem>>, vector<16xf32>,
        %ge3A_1463 = arith.cmpf oge, %get3A_1462, %broadcast_in_dim3A_22 : vector<16xf32>
        %min3A_1464 = arith.constant 31 : i32
        %min3A_1465 = vector.broadcast %min3A_1464 : i32 to vector<16xi32>
        %min3A_1466 = arith.minsi %add3A_1454, %min3A_1465 : vector<16xi32>
        %mul3A_1467 = arith.constant 16 : i32
        %mul3A_1468 = vector.broadcast %mul3A_1467 : i32 to vector<16xi32>
        %mul3A_1469 = arith.muli %min3A_1466, %mul3A_1468 : vector<16xi32>
        %add3A_1470 = arith.addi %mul3A_1469, %iota3A : vector<16xi32>
        tpu.vector_store_idx %arg8[%add3A_1470], %get3A_1462 masked %ge3A_1463 : memref<512xf32, #tpu.memory_space<vmem>>[vector<16xi32>], vector<16xf32>, vector<16xi1>
        %mul3A_1471 = arith.constant 16 : i32
        %mul3A_1472 = arith.muli %add3A_1458, %mul3A_1471 : i32
        %add3A_1473 = vector.broadcast %mul3A_1472 : i32 to vector<16xi32>
        %add3A_1474 = arith.addi %add3A_1473, %iota3A : vector<16xi32>
        tpu.vector_store_idx %arg9[%add3A_1470], %add3A_1474 masked %ge3A_1463 : memref<512xi32, #tpu.memory_space<vmem>>[vector<16xi32>], vector<16xi32>, vector<16xi1>
        %jit3A_1475 = arith.constant 1 : i32
        %jit3A_1476 = arith.constant 0 : i32
        %broadcast_in_dim3A_1477 = vector.broadcast %jit3A_1475 : i32 to vector<16xi32>
        %broadcast_in_dim3A_1478 = vector.broadcast %jit3A_1476 : i32 to vector<16xi32>
        %select_n3A_1479 = arith.select %ge3A_1463, %broadcast_in_dim3A_1477, %broadcast_in_dim3A_1478 : vector<16xi1>, vector<16xi32>
        %add3A_1480 = arith.addi %add3A_1454, %select_n3A_1479 : vector<16xi32>
        %mul3A_1481 = arith.constant 16 : i32
        %mul3A_1482 = arith.muli %scan3A_1238, %mul3A_1481 : i32
        %add3A_1483 = arith.constant 9 : i32
        %add3A_1484 = arith.addi %mul3A_1482, %add3A_1483 : i32
        %mul3A_1485 = arith.constant 16 : i32
        %mul3A_1486 = arith.muli %add3A_1484, %mul3A_1485 : i32
        %get3A_1487 = arith.index_cast %mul3A_1486 : i32 to index
        %get3A_1488 = tpu.vector_load %arg6[%get3A_1487] {strides = array<i32>} : memref<32768xf32, #tpu.memory_space<vmem>>, vector<16xf32>,
        %ge3A_1489 = arith.cmpf oge, %get3A_1488, %broadcast_in_dim3A_22 : vector<16xf32>
        %min3A_1490 = arith.constant 31 : i32
        %min3A_1491 = vector.broadcast %min3A_1490 : i32 to vector<16xi32>
        %min3A_1492 = arith.minsi %add3A_1480, %min3A_1491 : vector<16xi32>
        %mul3A_1493 = arith.constant 16 : i32
        %mul3A_1494 = vector.broadcast %mul3A_1493 : i32 to vector<16xi32>
        %mul3A_1495 = arith.muli %min3A_1492, %mul3A_1494 : vector<16xi32>
        %add3A_1496 = arith.addi %mul3A_1495, %iota3A : vector<16xi32>
        tpu.vector_store_idx %arg8[%add3A_1496], %get3A_1488 masked %ge3A_1489 : memref<512xf32, #tpu.memory_space<vmem>>[vector<16xi32>], vector<16xf32>, vector<16xi1>
        %mul3A_1497 = arith.constant 16 : i32
        %mul3A_1498 = arith.muli %add3A_1484, %mul3A_1497 : i32
        %add3A_1499 = vector.broadcast %mul3A_1498 : i32 to vector<16xi32>
        %add3A_1500 = arith.addi %add3A_1499, %iota3A : vector<16xi32>
        tpu.vector_store_idx %arg9[%add3A_1496], %add3A_1500 masked %ge3A_1489 : memref<512xi32, #tpu.memory_space<vmem>>[vector<16xi32>], vector<16xi32>, vector<16xi1>
        %jit3A_1501 = arith.constant 1 : i32
        %jit3A_1502 = arith.constant 0 : i32
        %broadcast_in_dim3A_1503 = vector.broadcast %jit3A_1501 : i32 to vector<16xi32>
        %broadcast_in_dim3A_1504 = vector.broadcast %jit3A_1502 : i32 to vector<16xi32>
        %select_n3A_1505 = arith.select %ge3A_1489, %broadcast_in_dim3A_1503, %broadcast_in_dim3A_1504 : vector<16xi1>, vector<16xi32>
        %add3A_1506 = arith.addi %add3A_1480, %select_n3A_1505 : vector<16xi32>
        %mul3A_1507 = arith.constant 16 : i32
        %mul3A_1508 = arith.muli %scan3A_1238, %mul3A_1507 : i32
        %add3A_1509 = arith.constant 10 : i32
        %add3A_1510 = arith.addi %mul3A_1508, %add3A_1509 : i32
        %mul3A_1511 = arith.constant 16 : i32
        %mul3A_1512 = arith.muli %add3A_1510, %mul3A_1511 : i32
        %get3A_1513 = arith.index_cast %mul3A_1512 : i32 to index
        %get3A_1514 = tpu.vector_load %arg6[%get3A_1513] {strides = array<i32>} : memref<32768xf32, #tpu.memory_space<vmem>>, vector<16xf32>,
        %ge3A_1515 = arith.cmpf oge, %get3A_1514, %broadcast_in_dim3A_22 : vector<16xf32>
        %min3A_1516 = arith.constant 31 : i32
        %min3A_1517 = vector.broadcast %min3A_1516 : i32 to vector<16xi32>
        %min3A_1518 = arith.minsi %add3A_1506, %min3A_1517 : vector<16xi32>
        %mul3A_1519 = arith.constant 16 : i32
        %mul3A_1520 = vector.broadcast %mul3A_1519 : i32 to vector<16xi32>
        %mul3A_1521 = arith.muli %min3A_1518, %mul3A_1520 : vector<16xi32>
        %add3A_1522 = arith.addi %mul3A_1521, %iota3A : vector<16xi32>
        tpu.vector_store_idx %arg8[%add3A_1522], %get3A_1514 masked %ge3A_1515 : memref<512xf32, #tpu.memory_space<vmem>>[vector<16xi32>], vector<16xf32>, vector<16xi1>
        %mul3A_1523 = arith.constant 16 : i32
        %mul3A_1524 = arith.muli %add3A_1510, %mul3A_1523 : i32
        %add3A_1525 = vector.broadcast %mul3A_1524 : i32 to vector<16xi32>
        %add3A_1526 = arith.addi %add3A_1525, %iota3A : vector<16xi32>
        tpu.vector_store_idx %arg9[%add3A_1522], %add3A_1526 masked %ge3A_1515 : memref<512xi32, #tpu.memory_space<vmem>>[vector<16xi32>], vector<16xi32>, vector<16xi1>
        %jit3A_1527 = arith.constant 1 : i32
        %jit3A_1528 = arith.constant 0 : i32
        %broadcast_in_dim3A_1529 = vector.broadcast %jit3A_1527 : i32 to vector<16xi32>
        %broadcast_in_dim3A_1530 = vector.broadcast %jit3A_1528 : i32 to vector<16xi32>
        %select_n3A_1531 = arith.select %ge3A_1515, %broadcast_in_dim3A_1529, %broadcast_in_dim3A_1530 : vector<16xi1>, vector<16xi32>
        %add3A_1532 = arith.addi %add3A_1506, %select_n3A_1531 : vector<16xi32>
        %mul3A_1533 = arith.constant 16 : i32
        %mul3A_1534 = arith.muli %scan3A_1238, %mul3A_1533 : i32
        %add3A_1535 = arith.constant 11 : i32
        %add3A_1536 = arith.addi %mul3A_1534, %add3A_1535 : i32
        %mul3A_1537 = arith.constant 16 : i32
        %mul3A_1538 = arith.muli %add3A_1536, %mul3A_1537 : i32
        %get3A_1539 = arith.index_cast %mul3A_1538 : i32 to index
        %get3A_1540 = tpu.vector_load %arg6[%get3A_1539] {strides = array<i32>} : memref<32768xf32, #tpu.memory_space<vmem>>, vector<16xf32>,
        %ge3A_1541 = arith.cmpf oge, %get3A_1540, %broadcast_in_dim3A_22 : vector<16xf32>
        %min3A_1542 = arith.constant 31 : i32
        %min3A_1543 = vector.broadcast %min3A_1542 : i32 to vector<16xi32>
        %min3A_1544 = arith.minsi %add3A_1532, %min3A_1543 : vector<16xi32>
        %mul3A_1545 = arith.constant 16 : i32
        %mul3A_1546 = vector.broadcast %mul3A_1545 : i32 to vector<16xi32>
        %mul3A_1547 = arith.muli %min3A_1544, %mul3A_1546 : vector<16xi32>
        %add3A_1548 = arith.addi %mul3A_1547, %iota3A : vector<16xi32>
        tpu.vector_store_idx %arg8[%add3A_1548], %get3A_1540 masked %ge3A_1541 : memref<512xf32, #tpu.memory_space<vmem>>[vector<16xi32>], vector<16xf32>, vector<16xi1>
        %mul3A_1549 = arith.constant 16 : i32
        %mul3A_1550 = arith.muli %add3A_1536, %mul3A_1549 : i32
        %add3A_1551 = vector.broadcast %mul3A_1550 : i32 to vector<16xi32>
        %add3A_1552 = arith.addi %add3A_1551, %iota3A : vector<16xi32>
        tpu.vector_store_idx %arg9[%add3A_1548], %add3A_1552 masked %ge3A_1541 : memref<512xi32, #tpu.memory_space<vmem>>[vector<16xi32>], vector<16xi32>, vector<16xi1>
        %jit3A_1553 = arith.constant 1 : i32
        %jit3A_1554 = arith.constant 0 : i32
        %broadcast_in_dim3A_1555 = vector.broadcast %jit3A_1553 : i32 to vector<16xi32>
        %broadcast_in_dim3A_1556 = vector.broadcast %jit3A_1554 : i32 to vector<16xi32>
        %select_n3A_1557 = arith.select %ge3A_1541, %broadcast_in_dim3A_1555, %broadcast_in_dim3A_1556 : vector<16xi1>, vector<16xi32>
        %add3A_1558 = arith.addi %add3A_1532, %select_n3A_1557 : vector<16xi32>
        %mul3A_1559 = arith.constant 16 : i32
        %mul3A_1560 = arith.muli %scan3A_1238, %mul3A_1559 : i32
        %add3A_1561 = arith.constant 12 : i32
        %add3A_1562 = arith.addi %mul3A_1560, %add3A_1561 : i32
        %mul3A_1563 = arith.constant 16 : i32
        %mul3A_1564 = arith.muli %add3A_1562, %mul3A_1563 : i32
        %get3A_1565 = arith.index_cast %mul3A_1564 : i32 to index
        %get3A_1566 = tpu.vector_load %arg6[%get3A_1565] {strides = array<i32>} : memref<32768xf32, #tpu.memory_space<vmem>>, vector<16xf32>,
        %ge3A_1567 = arith.cmpf oge, %get3A_1566, %broadcast_in_dim3A_22 : vector<16xf32>
        %min3A_1568 = arith.constant 31 : i32
        %min3A_1569 = vector.broadcast %min3A_1568 : i32 to vector<16xi32>
        %min3A_1570 = arith.minsi %add3A_1558, %min3A_1569 : vector<16xi32>
        %mul3A_1571 = arith.constant 16 : i32
        %mul3A_1572 = vector.broadcast %mul3A_1571 : i32 to vector<16xi32>
        %mul3A_1573 = arith.muli %min3A_1570, %mul3A_1572 : vector<16xi32>
        %add3A_1574 = arith.addi %mul3A_1573, %iota3A : vector<16xi32>
        tpu.vector_store_idx %arg8[%add3A_1574], %get3A_1566 masked %ge3A_1567 : memref<512xf32, #tpu.memory_space<vmem>>[vector<16xi32>], vector<16xf32>, vector<16xi1>
        %mul3A_1575 = arith.constant 16 : i32
        %mul3A_1576 = arith.muli %add3A_1562, %mul3A_1575 : i32
        %add3A_1577 = vector.broadcast %mul3A_1576 : i32 to vector<16xi32>
        %add3A_1578 = arith.addi %add3A_1577, %iota3A : vector<16xi32>
        tpu.vector_store_idx %arg9[%add3A_1574], %add3A_1578 masked %ge3A_1567 : memref<512xi32, #tpu.memory_space<vmem>>[vector<16xi32>], vector<16xi32>, vector<16xi1>
        %jit3A_1579 = arith.constant 1 : i32
        %jit3A_1580 = arith.constant 0 : i32
        %broadcast_in_dim3A_1581 = vector.broadcast %jit3A_1579 : i32 to vector<16xi32>
        %broadcast_in_dim3A_1582 = vector.broadcast %jit3A_1580 : i32 to vector<16xi32>
        %select_n3A_1583 = arith.select %ge3A_1567, %broadcast_in_dim3A_1581, %broadcast_in_dim3A_1582 : vector<16xi1>, vector<16xi32>
        %add3A_1584 = arith.addi %add3A_1558, %select_n3A_1583 : vector<16xi32>
        %mul3A_1585 = arith.constant 16 : i32
        %mul3A_1586 = arith.muli %scan3A_1238, %mul3A_1585 : i32
        %add3A_1587 = arith.constant 13 : i32
        %add3A_1588 = arith.addi %mul3A_1586, %add3A_1587 : i32
        %mul3A_1589 = arith.constant 16 : i32
        %mul3A_1590 = arith.muli %add3A_1588, %mul3A_1589 : i32
        %get3A_1591 = arith.index_cast %mul3A_1590 : i32 to index
        %get3A_1592 = tpu.vector_load %arg6[%get3A_1591] {strides = array<i32>} : memref<32768xf32, #tpu.memory_space<vmem>>, vector<16xf32>,
        %ge3A_1593 = arith.cmpf oge, %get3A_1592, %broadcast_in_dim3A_22 : vector<16xf32>
        %min3A_1594 = arith.constant 31 : i32
        %min3A_1595 = vector.broadcast %min3A_1594 : i32 to vector<16xi32>
        %min3A_1596 = arith.minsi %add3A_1584, %min3A_1595 : vector<16xi32>
        %mul3A_1597 = arith.constant 16 : i32
        %mul3A_1598 = vector.broadcast %mul3A_1597 : i32 to vector<16xi32>
        %mul3A_1599 = arith.muli %min3A_1596, %mul3A_1598 : vector<16xi32>
        %add3A_1600 = arith.addi %mul3A_1599, %iota3A : vector<16xi32>
        tpu.vector_store_idx %arg8[%add3A_1600], %get3A_1592 masked %ge3A_1593 : memref<512xf32, #tpu.memory_space<vmem>>[vector<16xi32>], vector<16xf32>, vector<16xi1>
        %mul3A_1601 = arith.constant 16 : i32
        %mul3A_1602 = arith.muli %add3A_1588, %mul3A_1601 : i32
        %add3A_1603 = vector.broadcast %mul3A_1602 : i32 to vector<16xi32>
        %add3A_1604 = arith.addi %add3A_1603, %iota3A : vector<16xi32>
        tpu.vector_store_idx %arg9[%add3A_1600], %add3A_1604 masked %ge3A_1593 : memref<512xi32, #tpu.memory_space<vmem>>[vector<16xi32>], vector<16xi32>, vector<16xi1>
        %jit3A_1605 = arith.constant 1 : i32
        %jit3A_1606 = arith.constant 0 : i32
        %broadcast_in_dim3A_1607 = vector.broadcast %jit3A_1605 : i32 to vector<16xi32>
        %broadcast_in_dim3A_1608 = vector.broadcast %jit3A_1606 : i32 to vector<16xi32>
        %select_n3A_1609 = arith.select %ge3A_1593, %broadcast_in_dim3A_1607, %broadcast_in_dim3A_1608 : vector<16xi1>, vector<16xi32>
        %add3A_1610 = arith.addi %add3A_1584, %select_n3A_1609 : vector<16xi32>
        %mul3A_1611 = arith.constant 16 : i32
        %mul3A_1612 = arith.muli %scan3A_1238, %mul3A_1611 : i32
        %add3A_1613 = arith.constant 14 : i32
        %add3A_1614 = arith.addi %mul3A_1612, %add3A_1613 : i32
        %mul3A_1615 = arith.constant 16 : i32
        %mul3A_1616 = arith.muli %add3A_1614, %mul3A_1615 : i32
        %get3A_1617 = arith.index_cast %mul3A_1616 : i32 to index
        %get3A_1618 = tpu.vector_load %arg6[%get3A_1617] {strides = array<i32>} : memref<32768xf32, #tpu.memory_space<vmem>>, vector<16xf32>,
        %ge3A_1619 = arith.cmpf oge, %get3A_1618, %broadcast_in_dim3A_22 : vector<16xf32>
        %min3A_1620 = arith.constant 31 : i32
        %min3A_1621 = vector.broadcast %min3A_1620 : i32 to vector<16xi32>
        %min3A_1622 = arith.minsi %add3A_1610, %min3A_1621 : vector<16xi32>
        %mul3A_1623 = arith.constant 16 : i32
        %mul3A_1624 = vector.broadcast %mul3A_1623 : i32 to vector<16xi32>
        %mul3A_1625 = arith.muli %min3A_1622, %mul3A_1624 : vector<16xi32>
        %add3A_1626 = arith.addi %mul3A_1625, %iota3A : vector<16xi32>
        tpu.vector_store_idx %arg8[%add3A_1626], %get3A_1618 masked %ge3A_1619 : memref<512xf32, #tpu.memory_space<vmem>>[vector<16xi32>], vector<16xf32>, vector<16xi1>
        %mul3A_1627 = arith.constant 16 : i32
        %mul3A_1628 = arith.muli %add3A_1614, %mul3A_1627 : i32
        %add3A_1629 = vector.broadcast %mul3A_1628 : i32 to vector<16xi32>
        %add3A_1630 = arith.addi %add3A_1629, %iota3A : vector<16xi32>
        tpu.vector_store_idx %arg9[%add3A_1626], %add3A_1630 masked %ge3A_1619 : memref<512xi32, #tpu.memory_space<vmem>>[vector<16xi32>], vector<16xi32>, vector<16xi1>
        %jit3A_1631 = arith.constant 1 : i32
        %jit3A_1632 = arith.constant 0 : i32
        %broadcast_in_dim3A_1633 = vector.broadcast %jit3A_1631 : i32 to vector<16xi32>
        %broadcast_in_dim3A_1634 = vector.broadcast %jit3A_1632 : i32 to vector<16xi32>
        %select_n3A_1635 = arith.select %ge3A_1619, %broadcast_in_dim3A_1633, %broadcast_in_dim3A_1634 : vector<16xi1>, vector<16xi32>
        %add3A_1636 = arith.addi %add3A_1610, %select_n3A_1635 : vector<16xi32>
        %mul3A_1637 = arith.constant 16 : i32
        %mul3A_1638 = arith.muli %scan3A_1238, %mul3A_1637 : i32
        %add3A_1639 = arith.constant 15 : i32
        %add3A_1640 = arith.addi %mul3A_1638, %add3A_1639 : i32
        %mul3A_1641 = arith.constant 16 : i32
        %mul3A_1642 = arith.muli %add3A_1640, %mul3A_1641 : i32
        %get3A_1643 = arith.index_cast %mul3A_1642 : i32 to index
        %get3A_1644 = tpu.vector_load %arg6[%get3A_1643] {strides = array<i32>} : memref<32768xf32, #tpu.memory_space<vmem>>, vector<16xf32>,
        %ge3A_1645 = arith.cmpf oge, %get3A_1644, %broadcast_in_dim3A_22 : vector<16xf32>
        %min3A_1646 = arith.constant 31 : i32
        %min3A_1647 = vector.broadcast %min3A_1646 : i32 to vector<16xi32>
        %min3A_1648 = arith.minsi %add3A_1636, %min3A_1647 : vector<16xi32>
        %mul3A_1649 = arith.constant 16 : i32
        %mul3A_1650 = vector.broadcast %mul3A_1649 : i32 to vector<16xi32>
        %mul3A_1651 = arith.muli %min3A_1648, %mul3A_1650 : vector<16xi32>
        %add3A_1652 = arith.addi %mul3A_1651, %iota3A : vector<16xi32>
        tpu.vector_store_idx %arg8[%add3A_1652], %get3A_1644 masked %ge3A_1645 : memref<512xf32, #tpu.memory_space<vmem>>[vector<16xi32>], vector<16xf32>, vector<16xi1>
        %mul3A_1653 = arith.constant 16 : i32
        %mul3A_1654 = arith.muli %add3A_1640, %mul3A_1653 : i32
        %add3A_1655 = vector.broadcast %mul3A_1654 : i32 to vector<16xi32>
        %add3A_1656 = arith.addi %add3A_1655, %iota3A : vector<16xi32>
        tpu.vector_store_idx %arg9[%add3A_1652], %add3A_1656 masked %ge3A_1645 : memref<512xi32, #tpu.memory_space<vmem>>[vector<16xi32>], vector<16xi32>, vector<16xi1>
        %jit3A_1657 = arith.constant 1 : i32
        %jit3A_1658 = arith.constant 0 : i32
        %broadcast_in_dim3A_1659 = vector.broadcast %jit3A_1657 : i32 to vector<16xi32>
        %broadcast_in_dim3A_1660 = vector.broadcast %jit3A_1658 : i32 to vector<16xi32>
        %select_n3A_1661 = arith.select %ge3A_1645, %broadcast_in_dim3A_1659, %broadcast_in_dim3A_1660 : vector<16xi1>, vector<16xi32>
        %add3A_1662 = arith.addi %add3A_1636, %select_n3A_1661 : vector<16xi32>
        scf.yield %add3A_1662 : vector<16xi32>
      } else {
        scf.yield %scan3A_1239 : vector<16xi32>
      }
      scf.yield %cond3A_1248 : vector<16xi32>
    }
    %scan3A_44 = arith.constant 128 : i32
    %scan3A_45 = arith.constant 0 : i32
    %scan3A_46 = arith.constant 31 : i32
    %scan3A_47 = arith.addi %scan3A_45, %scan3A_46 : i32
    %scan3A_48 = arith.constant 1 : i32
    %scan3A_49:2 = scf.for %scan3A_1238 = %scan3A_45 to %scan3A_47 step %scan3A_48 iter_args(%scan3A_1239 = %squeeze3A, %scan3A_1240 = %squeeze3A_29) -> (i32, i32)  : i32 {
      %sub3A_1241 = arith.subi %scan3A_1240, %scan3A_1239 : i32
      %add3A_1242 = arith.constant 1 : i32
      %add3A_1243 = arith.addi %sub3A_1241, %add3A_1242 : i32
      %shift_right_arithmetic3A = arith.constant 1 : i32
      %shift_right_arithmetic3A_1244 = arith.shrsi %add3A_1243, %shift_right_arithmetic3A : i32
      %add3A_1245 = arith.addi %scan3A_1239, %shift_right_arithmetic3A_1244 : i32
      %broadcast_in_dim3A_1246 = vector.broadcast %add3A_1245 : i32 to vector<16xi32>
      %bitcast3A_1247 = vector.bitcast %broadcast_in_dim3A_1246 : vector<16xi32> to vector<16xf32>
      %scan3A_1248 = arith.constant 0 : i32
      %scan3A_1249 = arith.constant 32 : i32
      %scan3A_1250 = arith.addi %scan3A_1248, %scan3A_1249 : i32
      %scan3A_1251 = arith.constant 1 : i32
      %scan3A_1252 = scf.for %scan3A_1261 = %scan3A_1248 to %scan3A_1250 step %scan3A_1251 iter_args(%scan3A_1262 = %broadcast_in_dim3A_3) -> (vector<16xi32>)  : i32 {
        %mul3A_1263 = arith.constant 16 : i32
        %mul3A_1264 = arith.muli %scan3A_1261, %mul3A_1263 : i32
        %get3A_1265 = arith.index_cast %mul3A_1264 : i32 to index
        %get3A_1266 = tpu.vector_load %arg8[%get3A_1265] {strides = array<i32>} : memref<512xf32, #tpu.memory_space<vmem>>, vector<16xf32>,
        %ge3A_1267 = arith.cmpf oge, %get3A_1266, %bitcast3A_1247 : vector<16xf32>
        %jit3A = arith.constant 1 : i32
        %jit3A_1268 = arith.constant 0 : i32
        %broadcast_in_dim3A_1269 = vector.broadcast %jit3A : i32 to vector<16xi32>
        %broadcast_in_dim3A_1270 = vector.broadcast %jit3A_1268 : i32 to vector<16xi32>
        %select_n3A_1271 = arith.select %ge3A_1267, %broadcast_in_dim3A_1269, %broadcast_in_dim3A_1270 : vector<16xi1>, vector<16xi32>
        %add3A_1272 = arith.addi %scan3A_1262, %select_n3A_1271 : vector<16xi32>
        scf.yield %add3A_1272 : vector<16xi32>
      }
      %scan3A_1253 = arith.constant 32 : i32
      %reduce_sum3A = arith.constant true
      %reduce_sum3A_1254 = vector.broadcast %reduce_sum3A : i1 to vector<16xi1>
      %reduce_sum3A_1255 = tpu.scan <sum>, %scan3A_1252 masked %reduce_sum3A_1254 : vector<16xi32>, vector<16xi1> -> vector<16xi32>
      %reduce_sum3A_1256 = vector.extract %reduce_sum3A_1255[15] : i32 from vector<16xi32>
      %ge3A = arith.constant 32 : i32
      %ge3A_1257 = arith.cmpi sge, %reduce_sum3A_1256, %ge3A : i32
      %select_n3A = arith.select %ge3A_1257, %add3A_1245, %scan3A_1239 : i32
      %sub3A_1258 = arith.constant 1 : i32
      %sub3A_1259 = arith.subi %add3A_1245, %sub3A_1258 : i32
      %select_n3A_1260 = arith.select %ge3A_1257, %scan3A_1240, %sub3A_1259 : i32
      scf.yield %select_n3A, %select_n3A_1260 : i32, i32
    }
    %scan3A_50 = arith.constant 31 : i32
    %broadcast_in_dim3A_51 = vector.broadcast %scan3A_49#0 : i32 to vector<16xi32>
    %bitcast3A_52 = vector.bitcast %broadcast_in_dim3A_51 : vector<16xi32> to vector<16xf32>
    %scan3A_53 = arith.constant 0 : i32
    %scan3A_54 = arith.constant 0 : i32
    %scan3A_55 = arith.constant 32 : i32
    %scan3A_56 = arith.addi %scan3A_54, %scan3A_55 : i32
    %scan3A_57 = arith.constant 1 : i32
    %scan3A_58 = scf.for %scan3A_1238 = %scan3A_54 to %scan3A_56 step %scan3A_57 iter_args(%scan3A_1239 = %scan3A_53) -> (i32)  : i32 {
      %mul3A_1240 = arith.constant 16 : i32
      %mul3A_1241 = arith.muli %scan3A_1238, %mul3A_1240 : i32
      %get3A_1242 = arith.index_cast %mul3A_1241 : i32 to index
      %get3A_1243 = tpu.vector_load %arg8[%get3A_1242] {strides = array<i32>} : memref<512xf32, #tpu.memory_space<vmem>>, vector<16xf32>,
      %mul3A_1244 = arith.constant 16 : i32
      %mul3A_1245 = arith.muli %scan3A_1238, %mul3A_1244 : i32
      %get3A_1246 = arith.index_cast %mul3A_1245 : i32 to index
      %get3A_1247 = tpu.vector_load %arg9[%get3A_1246] {strides = array<i32>} : memref<512xi32, #tpu.memory_space<vmem>>, vector<16xi32>,
      %gt3A = arith.cmpf ogt, %get3A_1243, %bitcast3A_52 : vector<16xf32>
      %min3A_1248 = arith.constant 32 : i32
      %min3A_1249 = arith.minsi %scan3A_1239, %min3A_1248 : i32
      %swap3A_1250 = arith.index_cast %min3A_1249 : i32 to index
      %swap3A_1251 = tpu.vector_load %arg10[%swap3A_1250] masked %gt3A {strides = array<i32>} : memref<48xf32, #tpu.memory_space<vmem>>, vector<16xf32>, vector<16xi1>
      tpu.vector_store %arg10[%swap3A_1250], %get3A_1243 masked %gt3A {strides = array<i32>} : memref<48xf32, #tpu.memory_space<vmem>>, vector<16xf32>, vector<16xi1>
      %swap3A_1252 = arith.index_cast %min3A_1249 : i32 to index
      %swap3A_1253 = tpu.vector_load %arg11[%swap3A_1252] masked %gt3A {strides = array<i32>} : memref<48xi32, #tpu.memory_space<vmem>>, vector<16xi32>, vector<16xi1>
      tpu.vector_store %arg11[%swap3A_1252], %get3A_1247 masked %gt3A {strides = array<i32>} : memref<48xi32, #tpu.memory_space<vmem>>, vector<16xi32>, vector<16xi1>
      %all_reduce_population_count3A = tpu.all_reduce %gt3A {dim = 0 : i64, kind = #tpu.reduction_kind<sum>} : vector<16xi1> -> vector<16xi32>
      %slice3A_1254 = vector.extract_strided_slice %all_reduce_population_count3A {offsets = [0], sizes = [1], strides = [1]} : vector<16xi32> to vector<1xi32>
      %squeeze3A_1255 = vector.extract %slice3A_1254[0] : i32 from vector<1xi32>
      %add3A_1256 = arith.addi %scan3A_1239, %squeeze3A_1255 : i32
      scf.yield %add3A_1256 : i32
    }
    %scan3A_59 = arith.constant 32 : i32
    %min3A = arith.constant 31 : i32
    %min3A_60 = arith.minsi %scan3A_58, %min3A : i32
    %swap3A = arith.constant 0 : index
    %swap3A_61 = tpu.vector_load %arg13[%swap3A] {strides = array<i32>} : memref<64xi32, #tpu.memory_space<vmem>>, vector<16xi32>,
    tpu.vector_store %arg13[%swap3A], %broadcast_in_dim3A_5 {strides = array<i32>} : memref<64xi32, #tpu.memory_space<vmem>>, vector<16xi32>,
    %swap3A_62 = arith.constant 16 : index
    %swap3A_63 = tpu.vector_load %arg13[%swap3A_62] {strides = array<i32>} : memref<64xi32, #tpu.memory_space<vmem>>, vector<16xi32>,
    tpu.vector_store %arg13[%swap3A_62], %broadcast_in_dim3A_5 {strides = array<i32>} : memref<64xi32, #tpu.memory_space<vmem>>, vector<16xi32>,
    %swap3A_64 = arith.constant 32 : index
    %swap3A_65 = tpu.vector_load %arg13[%swap3A_64] {strides = array<i32>} : memref<64xi32, #tpu.memory_space<vmem>>, vector<16xi32>,
    tpu.vector_store %arg13[%swap3A_64], %broadcast_in_dim3A_5 {strides = array<i32>} : memref<64xi32, #tpu.memory_space<vmem>>, vector<16xi32>,
    %swap3A_66 = arith.constant 48 : index
    %swap3A_67 = tpu.vector_load %arg13[%swap3A_66] {strides = array<i32>} : memref<64xi32, #tpu.memory_space<vmem>>, vector<16xi32>,
    tpu.vector_store %arg13[%swap3A_66], %broadcast_in_dim3A_5 {strides = array<i32>} : memref<64xi32, #tpu.memory_space<vmem>>, vector<16xi32>,
    %scan3A_68 = arith.constant 0 : i32
    %scan3A_69 = arith.constant 0 : i32
    %scan3A_70 = arith.constant 32 : i32
    %scan3A_71 = arith.addi %scan3A_69, %scan3A_70 : i32
    %scan3A_72 = arith.constant 1 : i32
    %scan3A_73 = scf.for %scan3A_1238 = %scan3A_69 to %scan3A_71 step %scan3A_72 iter_args(%scan3A_1239 = %scan3A_68) -> (i32)  : i32 {
      %mul3A_1240 = arith.constant 16 : i32
      %mul3A_1241 = arith.muli %scan3A_1238, %mul3A_1240 : i32
      %get3A_1242 = arith.index_cast %mul3A_1241 : i32 to index
      %get3A_1243 = tpu.vector_load %arg8[%get3A_1242] {strides = array<i32>} : memref<512xf32, #tpu.memory_space<vmem>>, vector<16xf32>,
      %mul3A_1244 = arith.constant 16 : i32
      %mul3A_1245 = arith.muli %scan3A_1238, %mul3A_1244 : i32
      %get3A_1246 = arith.index_cast %mul3A_1245 : i32 to index
      %get3A_1247 = tpu.vector_load %arg9[%get3A_1246] {strides = array<i32>} : memref<512xi32, #tpu.memory_space<vmem>>, vector<16xi32>,
      %eq3A_1248 = arith.cmpf oeq, %get3A_1243, %bitcast3A_52 : vector<16xf32>
      %min3A_1249 = arith.constant 48 : i32
      %min3A_1250 = arith.minsi %scan3A_1239, %min3A_1249 : i32
      %swap3A_1251 = arith.index_cast %min3A_1250 : i32 to index
      %swap3A_1252 = tpu.vector_load %arg13[%swap3A_1251] masked %eq3A_1248 {strides = array<i32>} : memref<64xi32, #tpu.memory_space<vmem>>, vector<16xi32>, vector<16xi1>
      tpu.vector_store %arg13[%swap3A_1251], %get3A_1247 masked %eq3A_1248 {strides = array<i32>} : memref<64xi32, #tpu.memory_space<vmem>>, vector<16xi32>, vector<16xi1>
      %all_reduce_population_count3A = tpu.all_reduce %eq3A_1248 {dim = 0 : i64, kind = #tpu.reduction_kind<sum>} : vector<16xi1> -> vector<16xi32>
      %slice3A_1253 = vector.extract_strided_slice %all_reduce_population_count3A {offsets = [0], sizes = [1], strides = [1]} : vector<16xi32> to vector<1xi32>
      %squeeze3A_1254 = vector.extract %slice3A_1253[0] : i32 from vector<1xi32>
      %add3A_1255 = arith.addi %scan3A_1239, %squeeze3A_1254 : i32
      scf.yield %add3A_1255 : i32
    }
    %scan3A_74 = arith.constant 32 : i32
    %sub3A = arith.constant 32 : i32
    %sub3A_75 = arith.subi %sub3A, %min3A_60 : i32
    %while3A = arith.constant 0 : i32
    %while3A_76 = arith.constant 0 : i32
    %while3A_77 = arith.subi %sub3A_75, %while3A : i32
    %while3A_78 = arith.addi %while3A, %while3A_77 : i32
    %while3A_79 = arith.constant 1 : i32
    %while3A_80 = arith.divsi %while3A_77, %while3A_79 : i32
    %while3A_81 = arith.muli %while3A_80, %while3A_79 : i32
    %while3A_82 = arith.addi %while3A, %while3A_81 : i32
    %while3A_83 = arith.constant 1 : i32
    %while3A_84 = scf.for %while3A_1238 = %while3A to %while3A_82 step %while3A_83 iter_args(%while3A_1239 = %while3A_76) -> (i32)  : i32 {
      %scan3A_1240 = arith.constant 0 : i32
      %scan3A_1241 = arith.constant 4 : i32
      %scan3A_1242 = arith.addi %scan3A_1240, %scan3A_1241 : i32
      %scan3A_1243 = arith.constant 1 : i32
      %scan3A_1244 = scf.for %scan3A_1268 = %scan3A_1240 to %scan3A_1242 step %scan3A_1243 iter_args(%scan3A_1269 = %broadcast_in_dim3A_5) -> (vector<16xi32>)  : i32 {
        %mul3A_1270 = arith.constant 16 : i32
        %mul3A_1271 = arith.muli %scan3A_1268, %mul3A_1270 : i32
        %get3A_1272 = arith.index_cast %mul3A_1271 : i32 to index
        %get3A_1273 = tpu.vector_load %arg13[%get3A_1272] {strides = array<i32>} : memref<64xi32, #tpu.memory_space<vmem>>, vector<16xi32>,
        %min3A_1274 = arith.minsi %scan3A_1269, %get3A_1273 : vector<16xi32>
        scf.yield %min3A_1274 : vector<16xi32>
      }
      %scan3A_1245 = arith.constant 4 : i32
      %reduce_min3A_1246 = arith.constant true
      %reduce_min3A_1247 = vector.broadcast %reduce_min3A_1246 : i1 to vector<16xi1>
      %reduce_min3A_1248 = arith.constant -2147483648 : i32
      %reduce_min3A_1249 = vector.broadcast %reduce_min3A_1248 : i32 to vector<16xi32>
      %reduce_min3A_1250 = arith.xori %scan3A_1244, %reduce_min3A_1249 : vector<16xi32>
      %reduce_min3A_1251 = tpu.scan <min>, %reduce_min3A_1250 masked %reduce_min3A_1247 : vector<16xi32>, vector<16xi1> -> vector<16xi32>
      %reduce_min3A_1252 = arith.xori %reduce_min3A_1251, %reduce_min3A_1249 : vector<16xi32>
      %reduce_min3A_1253 = vector.extract %reduce_min3A_1252[15] : i32 from vector<16xi32>
      %broadcast_in_dim3A_1254 = vector.broadcast %reduce_min3A_1253 : i32 to vector<16xi32>
      %scan3A_1255 = arith.constant 0 : i32
      %scan3A_1256 = arith.constant 0 : i32
      %scan3A_1257 = arith.constant 4 : i32
      %scan3A_1258 = arith.addi %scan3A_1256, %scan3A_1257 : i32
      %scan3A_1259 = arith.constant 1 : i32
      %scan3A_1260 = scf.for %scan3A_1268 = %scan3A_1256 to %scan3A_1258 step %scan3A_1259 iter_args(%scan3A_1269 = %scan3A_1255) -> (i32)  : i32 {
        %mul3A_1270 = arith.constant 16 : i32
        %mul3A_1271 = arith.muli %scan3A_1268, %mul3A_1270 : i32
        %get3A_1272 = arith.index_cast %mul3A_1271 : i32 to index
        %get3A_1273 = tpu.vector_load %arg13[%get3A_1272] {strides = array<i32>} : memref<64xi32, #tpu.memory_space<vmem>>, vector<16xi32>,
        %eq3A_1274 = arith.cmpi eq, %get3A_1273, %broadcast_in_dim3A_1254 : vector<16xi32>
        %select_n3A = arith.select %eq3A_1274, %broadcast_in_dim3A_5, %get3A_1273 : vector<16xi1>, vector<16xi32>
        %mul3A_1275 = arith.constant 16 : i32
        %mul3A_1276 = arith.muli %scan3A_1268, %mul3A_1275 : i32
        %swap3A_1277 = arith.index_cast %mul3A_1276 : i32 to index
        %swap3A_1278 = tpu.vector_load %arg13[%swap3A_1277] {strides = array<i32>} : memref<64xi32, #tpu.memory_space<vmem>>, vector<16xi32>,
        tpu.vector_store %arg13[%swap3A_1277], %select_n3A {strides = array<i32>} : memref<64xi32, #tpu.memory_space<vmem>>, vector<16xi32>,
        %scan3A_1279 = arith.constant 0 : i32
        scf.yield %scan3A_1279 : i32
      }
      %scan3A_1261 = arith.constant 4 : i32
      %add3A_1262 = arith.addi %min3A_60, %while3A_1238 : i32
      %broadcast_in_dim3A_1263 = vector.broadcast %add3A_1262 : i32 to vector<16xi32>
      %min3A_1264 = arith.constant 32767 : i32
      %min3A_1265 = vector.broadcast %min3A_1264 : i32 to vector<16xi32>
      %min3A_1266 = arith.minsi %broadcast_in_dim3A_1254, %min3A_1265 : vector<16xi32>
      tpu.vector_store_idx %arg11[%broadcast_in_dim3A_1263], %min3A_1266 masked %eq3A_7 : memref<48xi32, #tpu.memory_space<vmem>>[vector<16xi32>], vector<16xi32>, vector<16xi1>
      tpu.vector_store_idx %arg10[%broadcast_in_dim3A_1263], %bitcast3A_52 masked %eq3A_7 : memref<48xf32, #tpu.memory_space<vmem>>[vector<16xi32>], vector<16xf32>, vector<16xi1>
      %while3A_1267 = arith.constant 0 : i32
      scf.yield %while3A_1267 : i32
    }
    %while3A_85 = arith.constant 1 : i32
    %while3A_86 = scf.for %while3A_1238 = %while3A_82 to %while3A_78 step %while3A_85 iter_args(%while3A_1239 = %while3A_84) -> (i32)  : i32 {
      %scan3A_1240 = arith.constant 0 : i32
      %scan3A_1241 = arith.constant 4 : i32
      %scan3A_1242 = arith.addi %scan3A_1240, %scan3A_1241 : i32
      %scan3A_1243 = arith.constant 1 : i32
      %scan3A_1244 = scf.for %scan3A_1268 = %scan3A_1240 to %scan3A_1242 step %scan3A_1243 iter_args(%scan3A_1269 = %broadcast_in_dim3A_5) -> (vector<16xi32>)  : i32 {
        %mul3A_1270 = arith.constant 16 : i32
        %mul3A_1271 = arith.muli %scan3A_1268, %mul3A_1270 : i32
        %get3A_1272 = arith.index_cast %mul3A_1271 : i32 to index
        %get3A_1273 = tpu.vector_load %arg13[%get3A_1272] {strides = array<i32>} : memref<64xi32, #tpu.memory_space<vmem>>, vector<16xi32>,
        %min3A_1274 = arith.minsi %scan3A_1269, %get3A_1273 : vector<16xi32>
        scf.yield %min3A_1274 : vector<16xi32>
      }
      %scan3A_1245 = arith.constant 4 : i32
      %reduce_min3A_1246 = arith.constant true
      %reduce_min3A_1247 = vector.broadcast %reduce_min3A_1246 : i1 to vector<16xi1>
      %reduce_min3A_1248 = arith.constant -2147483648 : i32
      %reduce_min3A_1249 = vector.broadcast %reduce_min3A_1248 : i32 to vector<16xi32>
      %reduce_min3A_1250 = arith.xori %scan3A_1244, %reduce_min3A_1249 : vector<16xi32>
      %reduce_min3A_1251 = tpu.scan <min>, %reduce_min3A_1250 masked %reduce_min3A_1247 : vector<16xi32>, vector<16xi1> -> vector<16xi32>
      %reduce_min3A_1252 = arith.xori %reduce_min3A_1251, %reduce_min3A_1249 : vector<16xi32>
      %reduce_min3A_1253 = vector.extract %reduce_min3A_1252[15] : i32 from vector<16xi32>
      %broadcast_in_dim3A_1254 = vector.broadcast %reduce_min3A_1253 : i32 to vector<16xi32>
      %scan3A_1255 = arith.constant 0 : i32
      %scan3A_1256 = arith.constant 0 : i32
      %scan3A_1257 = arith.constant 4 : i32
      %scan3A_1258 = arith.addi %scan3A_1256, %scan3A_1257 : i32
      %scan3A_1259 = arith.constant 1 : i32
      %scan3A_1260 = scf.for %scan3A_1268 = %scan3A_1256 to %scan3A_1258 step %scan3A_1259 iter_args(%scan3A_1269 = %scan3A_1255) -> (i32)  : i32 {
        %mul3A_1270 = arith.constant 16 : i32
        %mul3A_1271 = arith.muli %scan3A_1268, %mul3A_1270 : i32
        %get3A_1272 = arith.index_cast %mul3A_1271 : i32 to index
        %get3A_1273 = tpu.vector_load %arg13[%get3A_1272] {strides = array<i32>} : memref<64xi32, #tpu.memory_space<vmem>>, vector<16xi32>,
        %eq3A_1274 = arith.cmpi eq, %get3A_1273, %broadcast_in_dim3A_1254 : vector<16xi32>
        %select_n3A = arith.select %eq3A_1274, %broadcast_in_dim3A_5, %get3A_1273 : vector<16xi1>, vector<16xi32>
        %mul3A_1275 = arith.constant 16 : i32
        %mul3A_1276 = arith.muli %scan3A_1268, %mul3A_1275 : i32
        %swap3A_1277 = arith.index_cast %mul3A_1276 : i32 to index
        %swap3A_1278 = tpu.vector_load %arg13[%swap3A_1277] {strides = array<i32>} : memref<64xi32, #tpu.memory_space<vmem>>, vector<16xi32>,
        tpu.vector_store %arg13[%swap3A_1277], %select_n3A {strides = array<i32>} : memref<64xi32, #tpu.memory_space<vmem>>, vector<16xi32>,
        %scan3A_1279 = arith.constant 0 : i32
        scf.yield %scan3A_1279 : i32
      }
      %scan3A_1261 = arith.constant 4 : i32
      %add3A_1262 = arith.addi %min3A_60, %while3A_1238 : i32
      %broadcast_in_dim3A_1263 = vector.broadcast %add3A_1262 : i32 to vector<16xi32>
      %min3A_1264 = arith.constant 32767 : i32
      %min3A_1265 = vector.broadcast %min3A_1264 : i32 to vector<16xi32>
      %min3A_1266 = arith.minsi %broadcast_in_dim3A_1254, %min3A_1265 : vector<16xi32>
      tpu.vector_store_idx %arg11[%broadcast_in_dim3A_1263], %min3A_1266 masked %eq3A_7 : memref<48xi32, #tpu.memory_space<vmem>>[vector<16xi32>], vector<16xi32>, vector<16xi1>
      tpu.vector_store_idx %arg10[%broadcast_in_dim3A_1263], %bitcast3A_52 masked %eq3A_7 : memref<48xf32, #tpu.memory_space<vmem>>[vector<16xi32>], vector<16xf32>, vector<16xi1>
      %while3A_1267 = arith.constant 0 : i32
      scf.yield %while3A_1267 : i32
    }
    %get3A = arith.constant 0 : index
    %get3A_87 = tpu.vector_load %arg11[%get3A] {strides = array<i32>} : memref<48xi32, #tpu.memory_space<vmem>>, vector<16xi32>,
    %swap3A_88 = arith.constant 0 : index
    %swap3A_89 = tpu.vector_load %arg12[%swap3A_88] {strides = array<i32>} : memref<32xi32, #tpu.memory_space<vmem>>, vector<16xi32>,
    tpu.vector_store %arg12[%swap3A_88], %get3A_87 {strides = array<i32>} : memref<32xi32, #tpu.memory_space<vmem>>, vector<16xi32>,
    %get3A_90 = arith.constant 0 : index
    %get3A_91 = tpu.vector_load %arg10[%get3A_90] {strides = array<i32>} : memref<48xf32, #tpu.memory_space<vmem>>, vector<16xf32>,
    %mul3A_92 = arith.constant 16 : i32
    %mul3A_93 = vector.broadcast %mul3A_92 : i32 to vector<16xi32>
    %mul3A_94 = arith.muli %iota3A, %mul3A_93 : vector<16xi32>
    %add3A_95 = arith.constant 0 : i32
    %add3A_96 = vector.broadcast %add3A_95 : i32 to vector<16xi32>
    %add3A_97 = arith.addi %mul3A_94, %add3A_96 : vector<16xi32>
    %add3A_98 = arith.constant 0 : i32
    %add3A_99 = vector.broadcast %add3A_98 : i32 to vector<16xi32>
    %add3A_100 = arith.addi %iota3A, %add3A_99 : vector<16xi32>
    %and3A = arith.constant 15 : i32
    %and3A_101 = vector.broadcast %and3A : i32 to vector<16xi32>
    %and3A_102 = arith.andi %add3A_100, %and3A_101 : vector<16xi32>
    %add3A_103 = arith.addi %add3A_97, %and3A_102 : vector<16xi32>
    tpu.vector_store_idx %arg14[%add3A_103], %get3A_91 : memref<512xf32, #tpu.memory_space<vmem>>[vector<16xi32>], vector<16xf32>,
    %mul3A_104 = arith.constant 16 : i32
    %mul3A_105 = vector.broadcast %mul3A_104 : i32 to vector<16xi32>
    %mul3A_106 = arith.muli %iota3A, %mul3A_105 : vector<16xi32>
    %add3A_107 = arith.constant 0 : i32
    %add3A_108 = vector.broadcast %add3A_107 : i32 to vector<16xi32>
    %add3A_109 = arith.addi %mul3A_106, %add3A_108 : vector<16xi32>
    %add3A_110 = arith.constant 1 : i32
    %add3A_111 = vector.broadcast %add3A_110 : i32 to vector<16xi32>
    %add3A_112 = arith.addi %iota3A, %add3A_111 : vector<16xi32>
    %and3A_113 = arith.constant 15 : i32
    %and3A_114 = vector.broadcast %and3A_113 : i32 to vector<16xi32>
    %and3A_115 = arith.andi %add3A_112, %and3A_114 : vector<16xi32>
    %add3A_116 = arith.addi %add3A_109, %and3A_115 : vector<16xi32>
    tpu.vector_store_idx %arg14[%add3A_116], %get3A_91 : memref<512xf32, #tpu.memory_space<vmem>>[vector<16xi32>], vector<16xf32>,
    %mul3A_117 = arith.constant 16 : i32
    %mul3A_118 = vector.broadcast %mul3A_117 : i32 to vector<16xi32>
    %mul3A_119 = arith.muli %iota3A, %mul3A_118 : vector<16xi32>
    %add3A_120 = arith.constant 0 : i32
    %add3A_121 = vector.broadcast %add3A_120 : i32 to vector<16xi32>
    %add3A_122 = arith.addi %mul3A_119, %add3A_121 : vector<16xi32>
    %add3A_123 = arith.constant 2 : i32
    %add3A_124 = vector.broadcast %add3A_123 : i32 to vector<16xi32>
    %add3A_125 = arith.addi %iota3A, %add3A_124 : vector<16xi32>
    %and3A_126 = arith.constant 15 : i32
    %and3A_127 = vector.broadcast %and3A_126 : i32 to vector<16xi32>
    %and3A_128 = arith.andi %add3A_125, %and3A_127 : vector<16xi32>
    %add3A_129 = arith.addi %add3A_122, %and3A_128 : vector<16xi32>
    tpu.vector_store_idx %arg14[%add3A_129], %get3A_91 : memref<512xf32, #tpu.memory_space<vmem>>[vector<16xi32>], vector<16xf32>,
    %mul3A_130 = arith.constant 16 : i32
    %mul3A_131 = vector.broadcast %mul3A_130 : i32 to vector<16xi32>
    %mul3A_132 = arith.muli %iota3A, %mul3A_131 : vector<16xi32>
    %add3A_133 = arith.constant 0 : i32
    %add3A_134 = vector.broadcast %add3A_133 : i32 to vector<16xi32>
    %add3A_135 = arith.addi %mul3A_132, %add3A_134 : vector<16xi32>
    %add3A_136 = arith.constant 3 : i32
    %add3A_137 = vector.broadcast %add3A_136 : i32 to vector<16xi32>
    %add3A_138 = arith.addi %iota3A, %add3A_137 : vector<16xi32>
    %and3A_139 = arith.constant 15 : i32
    %and3A_140 = vector.broadcast %and3A_139 : i32 to vector<16xi32>
    %and3A_141 = arith.andi %add3A_138, %and3A_140 : vector<16xi32>
    %add3A_142 = arith.addi %add3A_135, %and3A_141 : vector<16xi32>
    tpu.vector_store_idx %arg14[%add3A_142], %get3A_91 : memref<512xf32, #tpu.memory_space<vmem>>[vector<16xi32>], vector<16xf32>,
    %mul3A_143 = arith.constant 16 : i32
    %mul3A_144 = vector.broadcast %mul3A_143 : i32 to vector<16xi32>
    %mul3A_145 = arith.muli %iota3A, %mul3A_144 : vector<16xi32>
    %add3A_146 = arith.constant 0 : i32
    %add3A_147 = vector.broadcast %add3A_146 : i32 to vector<16xi32>
    %add3A_148 = arith.addi %mul3A_145, %add3A_147 : vector<16xi32>
    %add3A_149 = arith.constant 4 : i32
    %add3A_150 = vector.broadcast %add3A_149 : i32 to vector<16xi32>
    %add3A_151 = arith.addi %iota3A, %add3A_150 : vector<16xi32>
    %and3A_152 = arith.constant 15 : i32
    %and3A_153 = vector.broadcast %and3A_152 : i32 to vector<16xi32>
    %and3A_154 = arith.andi %add3A_151, %and3A_153 : vector<16xi32>
    %add3A_155 = arith.addi %add3A_148, %and3A_154 : vector<16xi32>
    tpu.vector_store_idx %arg14[%add3A_155], %get3A_91 : memref<512xf32, #tpu.memory_space<vmem>>[vector<16xi32>], vector<16xf32>,
    %mul3A_156 = arith.constant 16 : i32
    %mul3A_157 = vector.broadcast %mul3A_156 : i32 to vector<16xi32>
    %mul3A_158 = arith.muli %iota3A, %mul3A_157 : vector<16xi32>
    %add3A_159 = arith.constant 0 : i32
    %add3A_160 = vector.broadcast %add3A_159 : i32 to vector<16xi32>
    %add3A_161 = arith.addi %mul3A_158, %add3A_160 : vector<16xi32>
    %add3A_162 = arith.constant 5 : i32
    %add3A_163 = vector.broadcast %add3A_162 : i32 to vector<16xi32>
    %add3A_164 = arith.addi %iota3A, %add3A_163 : vector<16xi32>
    %and3A_165 = arith.constant 15 : i32
    %and3A_166 = vector.broadcast %and3A_165 : i32 to vector<16xi32>
    %and3A_167 = arith.andi %add3A_164, %and3A_166 : vector<16xi32>
    %add3A_168 = arith.addi %add3A_161, %and3A_167 : vector<16xi32>
    tpu.vector_store_idx %arg14[%add3A_168], %get3A_91 : memref<512xf32, #tpu.memory_space<vmem>>[vector<16xi32>], vector<16xf32>,
    %mul3A_169 = arith.constant 16 : i32
    %mul3A_170 = vector.broadcast %mul3A_169 : i32 to vector<16xi32>
    %mul3A_171 = arith.muli %iota3A, %mul3A_170 : vector<16xi32>
    %add3A_172 = arith.constant 0 : i32
    %add3A_173 = vector.broadcast %add3A_172 : i32 to vector<16xi32>
    %add3A_174 = arith.addi %mul3A_171, %add3A_173 : vector<16xi32>
    %add3A_175 = arith.constant 6 : i32
    %add3A_176 = vector.broadcast %add3A_175 : i32 to vector<16xi32>
    %add3A_177 = arith.addi %iota3A, %add3A_176 : vector<16xi32>
    %and3A_178 = arith.constant 15 : i32
    %and3A_179 = vector.broadcast %and3A_178 : i32 to vector<16xi32>
    %and3A_180 = arith.andi %add3A_177, %and3A_179 : vector<16xi32>
    %add3A_181 = arith.addi %add3A_174, %and3A_180 : vector<16xi32>
    tpu.vector_store_idx %arg14[%add3A_181], %get3A_91 : memref<512xf32, #tpu.memory_space<vmem>>[vector<16xi32>], vector<16xf32>,
    %mul3A_182 = arith.constant 16 : i32
    %mul3A_183 = vector.broadcast %mul3A_182 : i32 to vector<16xi32>
    %mul3A_184 = arith.muli %iota3A, %mul3A_183 : vector<16xi32>
    %add3A_185 = arith.constant 0 : i32
    %add3A_186 = vector.broadcast %add3A_185 : i32 to vector<16xi32>
    %add3A_187 = arith.addi %mul3A_184, %add3A_186 : vector<16xi32>
    %add3A_188 = arith.constant 7 : i32
    %add3A_189 = vector.broadcast %add3A_188 : i32 to vector<16xi32>
    %add3A_190 = arith.addi %iota3A, %add3A_189 : vector<16xi32>
    %and3A_191 = arith.constant 15 : i32
    %and3A_192 = vector.broadcast %and3A_191 : i32 to vector<16xi32>
    %and3A_193 = arith.andi %add3A_190, %and3A_192 : vector<16xi32>
    %add3A_194 = arith.addi %add3A_187, %and3A_193 : vector<16xi32>
    tpu.vector_store_idx %arg14[%add3A_194], %get3A_91 : memref<512xf32, #tpu.memory_space<vmem>>[vector<16xi32>], vector<16xf32>,
    %mul3A_195 = arith.constant 16 : i32
    %mul3A_196 = vector.broadcast %mul3A_195 : i32 to vector<16xi32>
    %mul3A_197 = arith.muli %iota3A, %mul3A_196 : vector<16xi32>
    %add3A_198 = arith.constant 0 : i32
    %add3A_199 = vector.broadcast %add3A_198 : i32 to vector<16xi32>
    %add3A_200 = arith.addi %mul3A_197, %add3A_199 : vector<16xi32>
    %add3A_201 = arith.constant 8 : i32
    %add3A_202 = vector.broadcast %add3A_201 : i32 to vector<16xi32>
    %add3A_203 = arith.addi %iota3A, %add3A_202 : vector<16xi32>
    %and3A_204 = arith.constant 15 : i32
    %and3A_205 = vector.broadcast %and3A_204 : i32 to vector<16xi32>
    %and3A_206 = arith.andi %add3A_203, %and3A_205 : vector<16xi32>
    %add3A_207 = arith.addi %add3A_200, %and3A_206 : vector<16xi32>
    tpu.vector_store_idx %arg14[%add3A_207], %get3A_91 : memref<512xf32, #tpu.memory_space<vmem>>[vector<16xi32>], vector<16xf32>,
    %mul3A_208 = arith.constant 16 : i32
    %mul3A_209 = vector.broadcast %mul3A_208 : i32 to vector<16xi32>
    %mul3A_210 = arith.muli %iota3A, %mul3A_209 : vector<16xi32>
    %add3A_211 = arith.constant 0 : i32
    %add3A_212 = vector.broadcast %add3A_211 : i32 to vector<16xi32>
    %add3A_213 = arith.addi %mul3A_210, %add3A_212 : vector<16xi32>
    %add3A_214 = arith.constant 9 : i32
    %add3A_215 = vector.broadcast %add3A_214 : i32 to vector<16xi32>
    %add3A_216 = arith.addi %iota3A, %add3A_215 : vector<16xi32>
    %and3A_217 = arith.constant 15 : i32
    %and3A_218 = vector.broadcast %and3A_217 : i32 to vector<16xi32>
    %and3A_219 = arith.andi %add3A_216, %and3A_218 : vector<16xi32>
    %add3A_220 = arith.addi %add3A_213, %and3A_219 : vector<16xi32>
    tpu.vector_store_idx %arg14[%add3A_220], %get3A_91 : memref<512xf32, #tpu.memory_space<vmem>>[vector<16xi32>], vector<16xf32>,
    %mul3A_221 = arith.constant 16 : i32
    %mul3A_222 = vector.broadcast %mul3A_221 : i32 to vector<16xi32>
    %mul3A_223 = arith.muli %iota3A, %mul3A_222 : vector<16xi32>
    %add3A_224 = arith.constant 0 : i32
    %add3A_225 = vector.broadcast %add3A_224 : i32 to vector<16xi32>
    %add3A_226 = arith.addi %mul3A_223, %add3A_225 : vector<16xi32>
    %add3A_227 = arith.constant 10 : i32
    %add3A_228 = vector.broadcast %add3A_227 : i32 to vector<16xi32>
    %add3A_229 = arith.addi %iota3A, %add3A_228 : vector<16xi32>
    %and3A_230 = arith.constant 15 : i32
    %and3A_231 = vector.broadcast %and3A_230 : i32 to vector<16xi32>
    %and3A_232 = arith.andi %add3A_229, %and3A_231 : vector<16xi32>
    %add3A_233 = arith.addi %add3A_226, %and3A_232 : vector<16xi32>
    tpu.vector_store_idx %arg14[%add3A_233], %get3A_91 : memref<512xf32, #tpu.memory_space<vmem>>[vector<16xi32>], vector<16xf32>,
    %mul3A_234 = arith.constant 16 : i32
    %mul3A_235 = vector.broadcast %mul3A_234 : i32 to vector<16xi32>
    %mul3A_236 = arith.muli %iota3A, %mul3A_235 : vector<16xi32>
    %add3A_237 = arith.constant 0 : i32
    %add3A_238 = vector.broadcast %add3A_237 : i32 to vector<16xi32>
    %add3A_239 = arith.addi %mul3A_236, %add3A_238 : vector<16xi32>
    %add3A_240 = arith.constant 11 : i32
    %add3A_241 = vector.broadcast %add3A_240 : i32 to vector<16xi32>
    %add3A_242 = arith.addi %iota3A, %add3A_241 : vector<16xi32>
    %and3A_243 = arith.constant 15 : i32
    %and3A_244 = vector.broadcast %and3A_243 : i32 to vector<16xi32>
    %and3A_245 = arith.andi %add3A_242, %and3A_244 : vector<16xi32>
    %add3A_246 = arith.addi %add3A_239, %and3A_245 : vector<16xi32>
    tpu.vector_store_idx %arg14[%add3A_246], %get3A_91 : memref<512xf32, #tpu.memory_space<vmem>>[vector<16xi32>], vector<16xf32>,
    %mul3A_247 = arith.constant 16 : i32
    %mul3A_248 = vector.broadcast %mul3A_247 : i32 to vector<16xi32>
    %mul3A_249 = arith.muli %iota3A, %mul3A_248 : vector<16xi32>
    %add3A_250 = arith.constant 0 : i32
    %add3A_251 = vector.broadcast %add3A_250 : i32 to vector<16xi32>
    %add3A_252 = arith.addi %mul3A_249, %add3A_251 : vector<16xi32>
    %add3A_253 = arith.constant 12 : i32
    %add3A_254 = vector.broadcast %add3A_253 : i32 to vector<16xi32>
    %add3A_255 = arith.addi %iota3A, %add3A_254 : vector<16xi32>
    %and3A_256 = arith.constant 15 : i32
    %and3A_257 = vector.broadcast %and3A_256 : i32 to vector<16xi32>
    %and3A_258 = arith.andi %add3A_255, %and3A_257 : vector<16xi32>
    %add3A_259 = arith.addi %add3A_252, %and3A_258 : vector<16xi32>
    tpu.vector_store_idx %arg14[%add3A_259], %get3A_91 : memref<512xf32, #tpu.memory_space<vmem>>[vector<16xi32>], vector<16xf32>,
    %mul3A_260 = arith.constant 16 : i32
    %mul3A_261 = vector.broadcast %mul3A_260 : i32 to vector<16xi32>
    %mul3A_262 = arith.muli %iota3A, %mul3A_261 : vector<16xi32>
    %add3A_263 = arith.constant 0 : i32
    %add3A_264 = vector.broadcast %add3A_263 : i32 to vector<16xi32>
    %add3A_265 = arith.addi %mul3A_262, %add3A_264 : vector<16xi32>
    %add3A_266 = arith.constant 13 : i32
    %add3A_267 = vector.broadcast %add3A_266 : i32 to vector<16xi32>
    %add3A_268 = arith.addi %iota3A, %add3A_267 : vector<16xi32>
    %and3A_269 = arith.constant 15 : i32
    %and3A_270 = vector.broadcast %and3A_269 : i32 to vector<16xi32>
    %and3A_271 = arith.andi %add3A_268, %and3A_270 : vector<16xi32>
    %add3A_272 = arith.addi %add3A_265, %and3A_271 : vector<16xi32>
    tpu.vector_store_idx %arg14[%add3A_272], %get3A_91 : memref<512xf32, #tpu.memory_space<vmem>>[vector<16xi32>], vector<16xf32>,
    %mul3A_273 = arith.constant 16 : i32
    %mul3A_274 = vector.broadcast %mul3A_273 : i32 to vector<16xi32>
    %mul3A_275 = arith.muli %iota3A, %mul3A_274 : vector<16xi32>
    %add3A_276 = arith.constant 0 : i32
    %add3A_277 = vector.broadcast %add3A_276 : i32 to vector<16xi32>
    %add3A_278 = arith.addi %mul3A_275, %add3A_277 : vector<16xi32>
    %add3A_279 = arith.constant 14 : i32
    %add3A_280 = vector.broadcast %add3A_279 : i32 to vector<16xi32>
    %add3A_281 = arith.addi %iota3A, %add3A_280 : vector<16xi32>
    %and3A_282 = arith.constant 15 : i32
    %and3A_283 = vector.broadcast %and3A_282 : i32 to vector<16xi32>
    %and3A_284 = arith.andi %add3A_281, %and3A_283 : vector<16xi32>
    %add3A_285 = arith.addi %add3A_278, %and3A_284 : vector<16xi32>
    tpu.vector_store_idx %arg14[%add3A_285], %get3A_91 : memref<512xf32, #tpu.memory_space<vmem>>[vector<16xi32>], vector<16xf32>,
    %mul3A_286 = arith.constant 16 : i32
    %mul3A_287 = vector.broadcast %mul3A_286 : i32 to vector<16xi32>
    %mul3A_288 = arith.muli %iota3A, %mul3A_287 : vector<16xi32>
    %add3A_289 = arith.constant 0 : i32
    %add3A_290 = vector.broadcast %add3A_289 : i32 to vector<16xi32>
    %add3A_291 = arith.addi %mul3A_288, %add3A_290 : vector<16xi32>
    %add3A_292 = arith.constant 15 : i32
    %add3A_293 = vector.broadcast %add3A_292 : i32 to vector<16xi32>
    %add3A_294 = arith.addi %iota3A, %add3A_293 : vector<16xi32>
    %and3A_295 = arith.constant 15 : i32
    %and3A_296 = vector.broadcast %and3A_295 : i32 to vector<16xi32>
    %and3A_297 = arith.andi %add3A_294, %and3A_296 : vector<16xi32>
    %add3A_298 = arith.addi %add3A_291, %and3A_297 : vector<16xi32>
    tpu.vector_store_idx %arg14[%add3A_298], %get3A_91 : memref<512xf32, #tpu.memory_space<vmem>>[vector<16xi32>], vector<16xf32>,
    %get3A_299 = arith.constant 16 : index
    %get3A_300 = tpu.vector_load %arg11[%get3A_299] {strides = array<i32>} : memref<48xi32, #tpu.memory_space<vmem>>, vector<16xi32>,
    %swap3A_301 = arith.constant 16 : index
    %swap3A_302 = tpu.vector_load %arg12[%swap3A_301] {strides = array<i32>} : memref<32xi32, #tpu.memory_space<vmem>>, vector<16xi32>,
    tpu.vector_store %arg12[%swap3A_301], %get3A_300 {strides = array<i32>} : memref<32xi32, #tpu.memory_space<vmem>>, vector<16xi32>,
    %get3A_303 = arith.constant 16 : index
    %get3A_304 = tpu.vector_load %arg10[%get3A_303] {strides = array<i32>} : memref<48xf32, #tpu.memory_space<vmem>>, vector<16xf32>,
    %mul3A_305 = arith.constant 16 : i32
    %mul3A_306 = vector.broadcast %mul3A_305 : i32 to vector<16xi32>
    %mul3A_307 = arith.muli %iota3A, %mul3A_306 : vector<16xi32>
    %add3A_308 = arith.constant 256 : i32
    %add3A_309 = vector.broadcast %add3A_308 : i32 to vector<16xi32>
    %add3A_310 = arith.addi %mul3A_307, %add3A_309 : vector<16xi32>
    %add3A_311 = arith.constant 0 : i32
    %add3A_312 = vector.broadcast %add3A_311 : i32 to vector<16xi32>
    %add3A_313 = arith.addi %iota3A, %add3A_312 : vector<16xi32>
    %and3A_314 = arith.constant 15 : i32
    %and3A_315 = vector.broadcast %and3A_314 : i32 to vector<16xi32>
    %and3A_316 = arith.andi %add3A_313, %and3A_315 : vector<16xi32>
    %add3A_317 = arith.addi %add3A_310, %and3A_316 : vector<16xi32>
    tpu.vector_store_idx %arg14[%add3A_317], %get3A_304 : memref<512xf32, #tpu.memory_space<vmem>>[vector<16xi32>], vector<16xf32>,
    %mul3A_318 = arith.constant 16 : i32
    %mul3A_319 = vector.broadcast %mul3A_318 : i32 to vector<16xi32>
    %mul3A_320 = arith.muli %iota3A, %mul3A_319 : vector<16xi32>
    %add3A_321 = arith.constant 256 : i32
    %add3A_322 = vector.broadcast %add3A_321 : i32 to vector<16xi32>
    %add3A_323 = arith.addi %mul3A_320, %add3A_322 : vector<16xi32>
    %add3A_324 = arith.constant 1 : i32
    %add3A_325 = vector.broadcast %add3A_324 : i32 to vector<16xi32>
    %add3A_326 = arith.addi %iota3A, %add3A_325 : vector<16xi32>
    %and3A_327 = arith.constant 15 : i32
    %and3A_328 = vector.broadcast %and3A_327 : i32 to vector<16xi32>
    %and3A_329 = arith.andi %add3A_326, %and3A_328 : vector<16xi32>
    %add3A_330 = arith.addi %add3A_323, %and3A_329 : vector<16xi32>
    tpu.vector_store_idx %arg14[%add3A_330], %get3A_304 : memref<512xf32, #tpu.memory_space<vmem>>[vector<16xi32>], vector<16xf32>,
    %mul3A_331 = arith.constant 16 : i32
    %mul3A_332 = vector.broadcast %mul3A_331 : i32 to vector<16xi32>
    %mul3A_333 = arith.muli %iota3A, %mul3A_332 : vector<16xi32>
    %add3A_334 = arith.constant 256 : i32
    %add3A_335 = vector.broadcast %add3A_334 : i32 to vector<16xi32>
    %add3A_336 = arith.addi %mul3A_333, %add3A_335 : vector<16xi32>
    %add3A_337 = arith.constant 2 : i32
    %add3A_338 = vector.broadcast %add3A_337 : i32 to vector<16xi32>
    %add3A_339 = arith.addi %iota3A, %add3A_338 : vector<16xi32>
    %and3A_340 = arith.constant 15 : i32
    %and3A_341 = vector.broadcast %and3A_340 : i32 to vector<16xi32>
    %and3A_342 = arith.andi %add3A_339, %and3A_341 : vector<16xi32>
    %add3A_343 = arith.addi %add3A_336, %and3A_342 : vector<16xi32>
    tpu.vector_store_idx %arg14[%add3A_343], %get3A_304 : memref<512xf32, #tpu.memory_space<vmem>>[vector<16xi32>], vector<16xf32>,
    %mul3A_344 = arith.constant 16 : i32
    %mul3A_345 = vector.broadcast %mul3A_344 : i32 to vector<16xi32>
    %mul3A_346 = arith.muli %iota3A, %mul3A_345 : vector<16xi32>
    %add3A_347 = arith.constant 256 : i32
    %add3A_348 = vector.broadcast %add3A_347 : i32 to vector<16xi32>
    %add3A_349 = arith.addi %mul3A_346, %add3A_348 : vector<16xi32>
    %add3A_350 = arith.constant 3 : i32
    %add3A_351 = vector.broadcast %add3A_350 : i32 to vector<16xi32>
    %add3A_352 = arith.addi %iota3A, %add3A_351 : vector<16xi32>
    %and3A_353 = arith.constant 15 : i32
    %and3A_354 = vector.broadcast %and3A_353 : i32 to vector<16xi32>
    %and3A_355 = arith.andi %add3A_352, %and3A_354 : vector<16xi32>
    %add3A_356 = arith.addi %add3A_349, %and3A_355 : vector<16xi32>
    tpu.vector_store_idx %arg14[%add3A_356], %get3A_304 : memref<512xf32, #tpu.memory_space<vmem>>[vector<16xi32>], vector<16xf32>,
    %mul3A_357 = arith.constant 16 : i32
    %mul3A_358 = vector.broadcast %mul3A_357 : i32 to vector<16xi32>
    %mul3A_359 = arith.muli %iota3A, %mul3A_358 : vector<16xi32>
    %add3A_360 = arith.constant 256 : i32
    %add3A_361 = vector.broadcast %add3A_360 : i32 to vector<16xi32>
    %add3A_362 = arith.addi %mul3A_359, %add3A_361 : vector<16xi32>
    %add3A_363 = arith.constant 4 : i32
    %add3A_364 = vector.broadcast %add3A_363 : i32 to vector<16xi32>
    %add3A_365 = arith.addi %iota3A, %add3A_364 : vector<16xi32>
    %and3A_366 = arith.constant 15 : i32
    %and3A_367 = vector.broadcast %and3A_366 : i32 to vector<16xi32>
    %and3A_368 = arith.andi %add3A_365, %and3A_367 : vector<16xi32>
    %add3A_369 = arith.addi %add3A_362, %and3A_368 : vector<16xi32>
    tpu.vector_store_idx %arg14[%add3A_369], %get3A_304 : memref<512xf32, #tpu.memory_space<vmem>>[vector<16xi32>], vector<16xf32>,
    %mul3A_370 = arith.constant 16 : i32
    %mul3A_371 = vector.broadcast %mul3A_370 : i32 to vector<16xi32>
    %mul3A_372 = arith.muli %iota3A, %mul3A_371 : vector<16xi32>
    %add3A_373 = arith.constant 256 : i32
    %add3A_374 = vector.broadcast %add3A_373 : i32 to vector<16xi32>
    %add3A_375 = arith.addi %mul3A_372, %add3A_374 : vector<16xi32>
    %add3A_376 = arith.constant 5 : i32
    %add3A_377 = vector.broadcast %add3A_376 : i32 to vector<16xi32>
    %add3A_378 = arith.addi %iota3A, %add3A_377 : vector<16xi32>
    %and3A_379 = arith.constant 15 : i32
    %and3A_380 = vector.broadcast %and3A_379 : i32 to vector<16xi32>
    %and3A_381 = arith.andi %add3A_378, %and3A_380 : vector<16xi32>
    %add3A_382 = arith.addi %add3A_375, %and3A_381 : vector<16xi32>
    tpu.vector_store_idx %arg14[%add3A_382], %get3A_304 : memref<512xf32, #tpu.memory_space<vmem>>[vector<16xi32>], vector<16xf32>,
    %mul3A_383 = arith.constant 16 : i32
    %mul3A_384 = vector.broadcast %mul3A_383 : i32 to vector<16xi32>
    %mul3A_385 = arith.muli %iota3A, %mul3A_384 : vector<16xi32>
    %add3A_386 = arith.constant 256 : i32
    %add3A_387 = vector.broadcast %add3A_386 : i32 to vector<16xi32>
    %add3A_388 = arith.addi %mul3A_385, %add3A_387 : vector<16xi32>
    %add3A_389 = arith.constant 6 : i32
    %add3A_390 = vector.broadcast %add3A_389 : i32 to vector<16xi32>
    %add3A_391 = arith.addi %iota3A, %add3A_390 : vector<16xi32>
    %and3A_392 = arith.constant 15 : i32
    %and3A_393 = vector.broadcast %and3A_392 : i32 to vector<16xi32>
    %and3A_394 = arith.andi %add3A_391, %and3A_393 : vector<16xi32>
    %add3A_395 = arith.addi %add3A_388, %and3A_394 : vector<16xi32>
    tpu.vector_store_idx %arg14[%add3A_395], %get3A_304 : memref<512xf32, #tpu.memory_space<vmem>>[vector<16xi32>], vector<16xf32>,
    %mul3A_396 = arith.constant 16 : i32
    %mul3A_397 = vector.broadcast %mul3A_396 : i32 to vector<16xi32>
    %mul3A_398 = arith.muli %iota3A, %mul3A_397 : vector<16xi32>
    %add3A_399 = arith.constant 256 : i32
    %add3A_400 = vector.broadcast %add3A_399 : i32 to vector<16xi32>
    %add3A_401 = arith.addi %mul3A_398, %add3A_400 : vector<16xi32>
    %add3A_402 = arith.constant 7 : i32
    %add3A_403 = vector.broadcast %add3A_402 : i32 to vector<16xi32>
    %add3A_404 = arith.addi %iota3A, %add3A_403 : vector<16xi32>
    %and3A_405 = arith.constant 15 : i32
    %and3A_406 = vector.broadcast %and3A_405 : i32 to vector<16xi32>
    %and3A_407 = arith.andi %add3A_404, %and3A_406 : vector<16xi32>
    %add3A_408 = arith.addi %add3A_401, %and3A_407 : vector<16xi32>
    tpu.vector_store_idx %arg14[%add3A_408], %get3A_304 : memref<512xf32, #tpu.memory_space<vmem>>[vector<16xi32>], vector<16xf32>,
    %mul3A_409 = arith.constant 16 : i32
    %mul3A_410 = vector.broadcast %mul3A_409 : i32 to vector<16xi32>
    %mul3A_411 = arith.muli %iota3A, %mul3A_410 : vector<16xi32>
    %add3A_412 = arith.constant 256 : i32
    %add3A_413 = vector.broadcast %add3A_412 : i32 to vector<16xi32>
    %add3A_414 = arith.addi %mul3A_411, %add3A_413 : vector<16xi32>
    %add3A_415 = arith.constant 8 : i32
    %add3A_416 = vector.broadcast %add3A_415 : i32 to vector<16xi32>
    %add3A_417 = arith.addi %iota3A, %add3A_416 : vector<16xi32>
    %and3A_418 = arith.constant 15 : i32
    %and3A_419 = vector.broadcast %and3A_418 : i32 to vector<16xi32>
    %and3A_420 = arith.andi %add3A_417, %and3A_419 : vector<16xi32>
    %add3A_421 = arith.addi %add3A_414, %and3A_420 : vector<16xi32>
    tpu.vector_store_idx %arg14[%add3A_421], %get3A_304 : memref<512xf32, #tpu.memory_space<vmem>>[vector<16xi32>], vector<16xf32>,
    %mul3A_422 = arith.constant 16 : i32
    %mul3A_423 = vector.broadcast %mul3A_422 : i32 to vector<16xi32>
    %mul3A_424 = arith.muli %iota3A, %mul3A_423 : vector<16xi32>
    %add3A_425 = arith.constant 256 : i32
    %add3A_426 = vector.broadcast %add3A_425 : i32 to vector<16xi32>
    %add3A_427 = arith.addi %mul3A_424, %add3A_426 : vector<16xi32>
    %add3A_428 = arith.constant 9 : i32
    %add3A_429 = vector.broadcast %add3A_428 : i32 to vector<16xi32>
    %add3A_430 = arith.addi %iota3A, %add3A_429 : vector<16xi32>
    %and3A_431 = arith.constant 15 : i32
    %and3A_432 = vector.broadcast %and3A_431 : i32 to vector<16xi32>
    %and3A_433 = arith.andi %add3A_430, %and3A_432 : vector<16xi32>
    %add3A_434 = arith.addi %add3A_427, %and3A_433 : vector<16xi32>
    tpu.vector_store_idx %arg14[%add3A_434], %get3A_304 : memref<512xf32, #tpu.memory_space<vmem>>[vector<16xi32>], vector<16xf32>,
    %mul3A_435 = arith.constant 16 : i32
    %mul3A_436 = vector.broadcast %mul3A_435 : i32 to vector<16xi32>
    %mul3A_437 = arith.muli %iota3A, %mul3A_436 : vector<16xi32>
    %add3A_438 = arith.constant 256 : i32
    %add3A_439 = vector.broadcast %add3A_438 : i32 to vector<16xi32>
    %add3A_440 = arith.addi %mul3A_437, %add3A_439 : vector<16xi32>
    %add3A_441 = arith.constant 10 : i32
    %add3A_442 = vector.broadcast %add3A_441 : i32 to vector<16xi32>
    %add3A_443 = arith.addi %iota3A, %add3A_442 : vector<16xi32>
    %and3A_444 = arith.constant 15 : i32
    %and3A_445 = vector.broadcast %and3A_444 : i32 to vector<16xi32>
    %and3A_446 = arith.andi %add3A_443, %and3A_445 : vector<16xi32>
    %add3A_447 = arith.addi %add3A_440, %and3A_446 : vector<16xi32>
    tpu.vector_store_idx %arg14[%add3A_447], %get3A_304 : memref<512xf32, #tpu.memory_space<vmem>>[vector<16xi32>], vector<16xf32>,
    %mul3A_448 = arith.constant 16 : i32
    %mul3A_449 = vector.broadcast %mul3A_448 : i32 to vector<16xi32>
    %mul3A_450 = arith.muli %iota3A, %mul3A_449 : vector<16xi32>
    %add3A_451 = arith.constant 256 : i32
    %add3A_452 = vector.broadcast %add3A_451 : i32 to vector<16xi32>
    %add3A_453 = arith.addi %mul3A_450, %add3A_452 : vector<16xi32>
    %add3A_454 = arith.constant 11 : i32
    %add3A_455 = vector.broadcast %add3A_454 : i32 to vector<16xi32>
    %add3A_456 = arith.addi %iota3A, %add3A_455 : vector<16xi32>
    %and3A_457 = arith.constant 15 : i32
    %and3A_458 = vector.broadcast %and3A_457 : i32 to vector<16xi32>
    %and3A_459 = arith.andi %add3A_456, %and3A_458 : vector<16xi32>
    %add3A_460 = arith.addi %add3A_453, %and3A_459 : vector<16xi32>
    tpu.vector_store_idx %arg14[%add3A_460], %get3A_304 : memref<512xf32, #tpu.memory_space<vmem>>[vector<16xi32>], vector<16xf32>,
    %mul3A_461 = arith.constant 16 : i32
    %mul3A_462 = vector.broadcast %mul3A_461 : i32 to vector<16xi32>
    %mul3A_463 = arith.muli %iota3A, %mul3A_462 : vector<16xi32>
    %add3A_464 = arith.constant 256 : i32
    %add3A_465 = vector.broadcast %add3A_464 : i32 to vector<16xi32>
    %add3A_466 = arith.addi %mul3A_463, %add3A_465 : vector<16xi32>
    %add3A_467 = arith.constant 12 : i32
    %add3A_468 = vector.broadcast %add3A_467 : i32 to vector<16xi32>
    %add3A_469 = arith.addi %iota3A, %add3A_468 : vector<16xi32>
    %and3A_470 = arith.constant 15 : i32
    %and3A_471 = vector.broadcast %and3A_470 : i32 to vector<16xi32>
    %and3A_472 = arith.andi %add3A_469, %and3A_471 : vector<16xi32>
    %add3A_473 = arith.addi %add3A_466, %and3A_472 : vector<16xi32>
    tpu.vector_store_idx %arg14[%add3A_473], %get3A_304 : memref<512xf32, #tpu.memory_space<vmem>>[vector<16xi32>], vector<16xf32>,
    %mul3A_474 = arith.constant 16 : i32
    %mul3A_475 = vector.broadcast %mul3A_474 : i32 to vector<16xi32>
    %mul3A_476 = arith.muli %iota3A, %mul3A_475 : vector<16xi32>
    %add3A_477 = arith.constant 256 : i32
    %add3A_478 = vector.broadcast %add3A_477 : i32 to vector<16xi32>
    %add3A_479 = arith.addi %mul3A_476, %add3A_478 : vector<16xi32>
    %add3A_480 = arith.constant 13 : i32
    %add3A_481 = vector.broadcast %add3A_480 : i32 to vector<16xi32>
    %add3A_482 = arith.addi %iota3A, %add3A_481 : vector<16xi32>
    %and3A_483 = arith.constant 15 : i32
    %and3A_484 = vector.broadcast %and3A_483 : i32 to vector<16xi32>
    %and3A_485 = arith.andi %add3A_482, %and3A_484 : vector<16xi32>
    %add3A_486 = arith.addi %add3A_479, %and3A_485 : vector<16xi32>
    tpu.vector_store_idx %arg14[%add3A_486], %get3A_304 : memref<512xf32, #tpu.memory_space<vmem>>[vector<16xi32>], vector<16xf32>,
    %mul3A_487 = arith.constant 16 : i32
    %mul3A_488 = vector.broadcast %mul3A_487 : i32 to vector<16xi32>
    %mul3A_489 = arith.muli %iota3A, %mul3A_488 : vector<16xi32>
    %add3A_490 = arith.constant 256 : i32
    %add3A_491 = vector.broadcast %add3A_490 : i32 to vector<16xi32>
    %add3A_492 = arith.addi %mul3A_489, %add3A_491 : vector<16xi32>
    %add3A_493 = arith.constant 14 : i32
    %add3A_494 = vector.broadcast %add3A_493 : i32 to vector<16xi32>
    %add3A_495 = arith.addi %iota3A, %add3A_494 : vector<16xi32>
    %and3A_496 = arith.constant 15 : i32
    %and3A_497 = vector.broadcast %and3A_496 : i32 to vector<16xi32>
    %and3A_498 = arith.andi %add3A_495, %and3A_497 : vector<16xi32>
    %add3A_499 = arith.addi %add3A_492, %and3A_498 : vector<16xi32>
    tpu.vector_store_idx %arg14[%add3A_499], %get3A_304 : memref<512xf32, #tpu.memory_space<vmem>>[vector<16xi32>], vector<16xf32>,
    %mul3A_500 = arith.constant 16 : i32
    %mul3A_501 = vector.broadcast %mul3A_500 : i32 to vector<16xi32>
    %mul3A_502 = arith.muli %iota3A, %mul3A_501 : vector<16xi32>
    %add3A_503 = arith.constant 256 : i32
    %add3A_504 = vector.broadcast %add3A_503 : i32 to vector<16xi32>
    %add3A_505 = arith.addi %mul3A_502, %add3A_504 : vector<16xi32>
    %add3A_506 = arith.constant 15 : i32
    %add3A_507 = vector.broadcast %add3A_506 : i32 to vector<16xi32>
    %add3A_508 = arith.addi %iota3A, %add3A_507 : vector<16xi32>
    %and3A_509 = arith.constant 15 : i32
    %and3A_510 = vector.broadcast %and3A_509 : i32 to vector<16xi32>
    %and3A_511 = arith.andi %add3A_508, %and3A_510 : vector<16xi32>
    %add3A_512 = arith.addi %add3A_505, %and3A_511 : vector<16xi32>
    tpu.vector_store_idx %arg14[%add3A_512], %get3A_304 : memref<512xf32, #tpu.memory_space<vmem>>[vector<16xi32>], vector<16xf32>,
    %dma_start3A = arith.constant 0 : i32
    %dma_start3A_513 = arith.constant 0 : i32
    %dma_start3A_514 = tpu.memref_slice %arg3[%dma_start3A, %dma_start3A_513] : memref<32768x1024xf32, #tpu.memory_space<hbm>> -> memref<32768x1024xf32, #tpu.memory_space<hbm>>
    tpu.enqueue_indirect_dma source(%dma_start3A_514 : memref<32768x1024xf32, #tpu.memory_space<hbm>>) target(%arg15 : memref<32x1024xf32, #tpu.memory_space<vmem>>) offsets(%arg12 : memref<32xi32, #tpu.memory_space<vmem>>) semaphore(%arg18 : memref<!tpu.dma_semaphore, #tpu.memory_space<semaphore_mem>>)
    %dma_wait3A = arith.constant 0 : i32
    %dma_wait3A_515 = arith.constant 0 : i32
    %dma_wait3A_516 = tpu.memref_slice %arg3[%dma_wait3A, %dma_wait3A_515] : memref<32768x1024xf32, #tpu.memory_space<hbm>> -> memref<32768x1024xf32, #tpu.memory_space<hbm>>
    tpu.wait_indirect_dma semaphore(%arg18 : memref<!tpu.dma_semaphore, #tpu.memory_space<semaphore_mem>>) src(%dma_wait3A_516 : memref<32768x1024xf32, #tpu.memory_space<hbm>>) dst(%arg15 : memref<32x1024xf32, #tpu.memory_space<vmem>>)
    %scan3A_517 = arith.constant 0 : i32
    %scan3A_518 = arith.constant 0 : i32
    %scan3A_519 = arith.constant 64 : i32
    %scan3A_520 = arith.addi %scan3A_518, %scan3A_519 : i32
    %scan3A_521 = arith.constant 1 : i32
    %scan3A_522 = scf.for %scan3A_1238 = %scan3A_518 to %scan3A_520 step %scan3A_521 iter_args(%scan3A_1239 = %scan3A_517) -> (i32)  : i32 {
      %mul3A_1240 = arith.constant 16 : i32
      %mul3A_1241 = arith.muli %scan3A_1238, %mul3A_1240 : i32
      %get3A_1242 = arith.index_cast %mul3A_1241 : i32 to index
      %get3A_1243 = tpu.vector_load %arg17[%get3A_1242] {strides = array<i32>} : memref<1024xf32, #tpu.memory_space<vmem>>, vector<16xf32>,
      %mul3A_1244 = arith.constant 16 : i32
      %mul3A_1245 = arith.muli %scan3A_1238, %mul3A_1244 : i32
      %swap3A_1246 = arith.index_cast %mul3A_1245 : i32 to index
      %swap3A_1247 = tpu.vector_load %arg16[%swap3A_1246] {strides = array<i32>} : memref<1024xf32, #tpu.memory_space<vmem>>, vector<16xf32>,
      tpu.vector_store %arg16[%swap3A_1246], %get3A_1243 {strides = array<i32>} : memref<1024xf32, #tpu.memory_space<vmem>>, vector<16xf32>,
      %scan3A_1248 = arith.constant 0 : i32
      scf.yield %scan3A_1248 : i32
    }
    %scan3A_523 = arith.constant 64 : i32
    %get3A_524 = arith.constant 0 : index
    %get3A_525 = tpu.vector_load %arg14[%get3A_524] {strides = array<i32>} : memref<512xf32, #tpu.memory_space<vmem>>, vector<16xf32>,
    %get3A_526 = arith.constant 16 : index
    %get3A_527 = tpu.vector_load %arg14[%get3A_526] {strides = array<i32>} : memref<512xf32, #tpu.memory_space<vmem>>, vector<16xf32>,
    %get3A_528 = arith.constant 32 : index
    %get3A_529 = tpu.vector_load %arg14[%get3A_528] {strides = array<i32>} : memref<512xf32, #tpu.memory_space<vmem>>, vector<16xf32>,
    %get3A_530 = arith.constant 48 : index
    %get3A_531 = tpu.vector_load %arg14[%get3A_530] {strides = array<i32>} : memref<512xf32, #tpu.memory_space<vmem>>, vector<16xf32>,
    %get3A_532 = arith.constant 64 : index
    %get3A_533 = tpu.vector_load %arg14[%get3A_532] {strides = array<i32>} : memref<512xf32, #tpu.memory_space<vmem>>, vector<16xf32>,
    %get3A_534 = arith.constant 80 : index
    %get3A_535 = tpu.vector_load %arg14[%get3A_534] {strides = array<i32>} : memref<512xf32, #tpu.memory_space<vmem>>, vector<16xf32>,
    %get3A_536 = arith.constant 96 : index
    %get3A_537 = tpu.vector_load %arg14[%get3A_536] {strides = array<i32>} : memref<512xf32, #tpu.memory_space<vmem>>, vector<16xf32>,
    %get3A_538 = arith.constant 112 : index
    %get3A_539 = tpu.vector_load %arg14[%get3A_538] {strides = array<i32>} : memref<512xf32, #tpu.memory_space<vmem>>, vector<16xf32>,
    %scan3A_540 = arith.constant 0 : i32
    %scan3A_541 = arith.constant 0 : i32
    %scan3A_542 = arith.constant 64 : i32
    %scan3A_543 = arith.addi %scan3A_541, %scan3A_542 : i32
    %scan3A_544 = arith.constant 1 : i32
    %scan3A_545 = scf.for %scan3A_1238 = %scan3A_541 to %scan3A_543 step %scan3A_544 iter_args(%scan3A_1239 = %scan3A_540) -> (i32)  : i32 {
      %mul3A_1240 = arith.constant 16 : i32
      %mul3A_1241 = arith.muli %scan3A_1238, %mul3A_1240 : i32
      %get3A_1242 = arith.index_cast %mul3A_1241 : i32 to index
      %get3A_1243 = tpu.vector_load %arg16[%get3A_1242] {strides = array<i32>} : memref<1024xf32, #tpu.memory_space<vmem>>, vector<16xf32>,
      %mul3A_1244 = arith.constant 16 : i32
      %mul3A_1245 = arith.muli %scan3A_1238, %mul3A_1244 : i32
      %get3A_1246 = arith.constant 0 : i32
      %get3A_1247 = arith.index_cast %get3A_1246 : i32 to index
      %get3A_1248 = arith.index_cast %mul3A_1245 : i32 to index
      %get3A_1249 = tpu.vector_load %arg15[%get3A_1247, %get3A_1248] {strides = array<i32>} : memref<32x1024xf32, #tpu.memory_space<vmem>>, vector<16xf32>,
      %mul3A_1250 = arith.mulf %get3A_525, %get3A_1249 : vector<16xf32>
      %add3A_1251 = arith.addf %get3A_1243, %mul3A_1250 : vector<16xf32>
      %mul3A_1252 = arith.constant 16 : i32
      %mul3A_1253 = arith.muli %scan3A_1238, %mul3A_1252 : i32
      %get3A_1254 = arith.constant 1 : i32
      %get3A_1255 = arith.index_cast %get3A_1254 : i32 to index
      %get3A_1256 = arith.index_cast %mul3A_1253 : i32 to index
      %get3A_1257 = tpu.vector_load %arg15[%get3A_1255, %get3A_1256] {strides = array<i32>} : memref<32x1024xf32, #tpu.memory_space<vmem>>, vector<16xf32>,
      %mul3A_1258 = arith.mulf %get3A_527, %get3A_1257 : vector<16xf32>
      %add3A_1259 = arith.addf %add3A_1251, %mul3A_1258 : vector<16xf32>
      %mul3A_1260 = arith.constant 16 : i32
      %mul3A_1261 = arith.muli %scan3A_1238, %mul3A_1260 : i32
      %get3A_1262 = arith.constant 2 : i32
      %get3A_1263 = arith.index_cast %get3A_1262 : i32 to index
      %get3A_1264 = arith.index_cast %mul3A_1261 : i32 to index
      %get3A_1265 = tpu.vector_load %arg15[%get3A_1263, %get3A_1264] {strides = array<i32>} : memref<32x1024xf32, #tpu.memory_space<vmem>>, vector<16xf32>,
      %mul3A_1266 = arith.mulf %get3A_529, %get3A_1265 : vector<16xf32>
      %add3A_1267 = arith.addf %add3A_1259, %mul3A_1266 : vector<16xf32>
      %mul3A_1268 = arith.constant 16 : i32
      %mul3A_1269 = arith.muli %scan3A_1238, %mul3A_1268 : i32
      %get3A_1270 = arith.constant 3 : i32
      %get3A_1271 = arith.index_cast %get3A_1270 : i32 to index
      %get3A_1272 = arith.index_cast %mul3A_1269 : i32 to index
      %get3A_1273 = tpu.vector_load %arg15[%get3A_1271, %get3A_1272] {strides = array<i32>} : memref<32x1024xf32, #tpu.memory_space<vmem>>, vector<16xf32>,
      %mul3A_1274 = arith.mulf %get3A_531, %get3A_1273 : vector<16xf32>
      %add3A_1275 = arith.addf %add3A_1267, %mul3A_1274 : vector<16xf32>
      %mul3A_1276 = arith.constant 16 : i32
      %mul3A_1277 = arith.muli %scan3A_1238, %mul3A_1276 : i32
      %get3A_1278 = arith.constant 4 : i32
      %get3A_1279 = arith.index_cast %get3A_1278 : i32 to index
      %get3A_1280 = arith.index_cast %mul3A_1277 : i32 to index
      %get3A_1281 = tpu.vector_load %arg15[%get3A_1279, %get3A_1280] {strides = array<i32>} : memref<32x1024xf32, #tpu.memory_space<vmem>>, vector<16xf32>,
      %mul3A_1282 = arith.mulf %get3A_533, %get3A_1281 : vector<16xf32>
      %add3A_1283 = arith.addf %add3A_1275, %mul3A_1282 : vector<16xf32>
      %mul3A_1284 = arith.constant 16 : i32
      %mul3A_1285 = arith.muli %scan3A_1238, %mul3A_1284 : i32
      %get3A_1286 = arith.constant 5 : i32
      %get3A_1287 = arith.index_cast %get3A_1286 : i32 to index
      %get3A_1288 = arith.index_cast %mul3A_1285 : i32 to index
      %get3A_1289 = tpu.vector_load %arg15[%get3A_1287, %get3A_1288] {strides = array<i32>} : memref<32x1024xf32, #tpu.memory_space<vmem>>, vector<16xf32>,
      %mul3A_1290 = arith.mulf %get3A_535, %get3A_1289 : vector<16xf32>
      %add3A_1291 = arith.addf %add3A_1283, %mul3A_1290 : vector<16xf32>
      %mul3A_1292 = arith.constant 16 : i32
      %mul3A_1293 = arith.muli %scan3A_1238, %mul3A_1292 : i32
      %get3A_1294 = arith.constant 6 : i32
      %get3A_1295 = arith.index_cast %get3A_1294 : i32 to index
      %get3A_1296 = arith.index_cast %mul3A_1293 : i32 to index
      %get3A_1297 = tpu.vector_load %arg15[%get3A_1295, %get3A_1296] {strides = array<i32>} : memref<32x1024xf32, #tpu.memory_space<vmem>>, vector<16xf32>,
      %mul3A_1298 = arith.mulf %get3A_537, %get3A_1297 : vector<16xf32>
      %add3A_1299 = arith.addf %add3A_1291, %mul3A_1298 : vector<16xf32>
      %mul3A_1300 = arith.constant 16 : i32
      %mul3A_1301 = arith.muli %scan3A_1238, %mul3A_1300 : i32
      %get3A_1302 = arith.constant 7 : i32
      %get3A_1303 = arith.index_cast %get3A_1302 : i32 to index
      %get3A_1304 = arith.index_cast %mul3A_1301 : i32 to index
      %get3A_1305 = tpu.vector_load %arg15[%get3A_1303, %get3A_1304] {strides = array<i32>} : memref<32x1024xf32, #tpu.memory_space<vmem>>, vector<16xf32>,
      %mul3A_1306 = arith.mulf %get3A_539, %get3A_1305 : vector<16xf32>
      %add3A_1307 = arith.addf %add3A_1299, %mul3A_1306 : vector<16xf32>
      %mul3A_1308 = arith.constant 16 : i32
      %mul3A_1309 = arith.muli %scan3A_1238, %mul3A_1308 : i32
      %swap3A_1310 = arith.index_cast %mul3A_1309 : i32 to index
      %swap3A_1311 = tpu.vector_load %arg16[%swap3A_1310] {strides = array<i32>} : memref<1024xf32, #tpu.memory_space<vmem>>, vector<16xf32>,
      tpu.vector_store %arg16[%swap3A_1310], %add3A_1307 {strides = array<i32>} : memref<1024xf32, #tpu.memory_space<vmem>>, vector<16xf32>,
      %scan3A_1312 = arith.constant 0 : i32
      scf.yield %scan3A_1312 : i32
    }
    %scan3A_546 = arith.constant 64 : i32
    %get3A_547 = arith.constant 128 : index
    %get3A_548 = tpu.vector_load %arg14[%get3A_547] {strides = array<i32>} : memref<512xf32, #tpu.memory_space<vmem>>, vector<16xf32>,
    %get3A_549 = arith.constant 144 : index
    %get3A_550 = tpu.vector_load %arg14[%get3A_549] {strides = array<i32>} : memref<512xf32, #tpu.memory_space<vmem>>, vector<16xf32>,
    %get3A_551 = arith.constant 160 : index
    %get3A_552 = tpu.vector_load %arg14[%get3A_551] {strides = array<i32>} : memref<512xf32, #tpu.memory_space<vmem>>, vector<16xf32>,
    %get3A_553 = arith.constant 176 : index
    %get3A_554 = tpu.vector_load %arg14[%get3A_553] {strides = array<i32>} : memref<512xf32, #tpu.memory_space<vmem>>, vector<16xf32>,
    %get3A_555 = arith.constant 192 : index
    %get3A_556 = tpu.vector_load %arg14[%get3A_555] {strides = array<i32>} : memref<512xf32, #tpu.memory_space<vmem>>, vector<16xf32>,
    %get3A_557 = arith.constant 208 : index
    %get3A_558 = tpu.vector_load %arg14[%get3A_557] {strides = array<i32>} : memref<512xf32, #tpu.memory_space<vmem>>, vector<16xf32>,
    %get3A_559 = arith.constant 224 : index
    %get3A_560 = tpu.vector_load %arg14[%get3A_559] {strides = array<i32>} : memref<512xf32, #tpu.memory_space<vmem>>, vector<16xf32>,
    %get3A_561 = arith.constant 240 : index
    %get3A_562 = tpu.vector_load %arg14[%get3A_561] {strides = array<i32>} : memref<512xf32, #tpu.memory_space<vmem>>, vector<16xf32>,
    %scan3A_563 = arith.constant 0 : i32
    %scan3A_564 = arith.constant 0 : i32
    %scan3A_565 = arith.constant 64 : i32
    %scan3A_566 = arith.addi %scan3A_564, %scan3A_565 : i32
    %scan3A_567 = arith.constant 1 : i32
    %scan3A_568 = scf.for %scan3A_1238 = %scan3A_564 to %scan3A_566 step %scan3A_567 iter_args(%scan3A_1239 = %scan3A_563) -> (i32)  : i32 {
      %mul3A_1240 = arith.constant 16 : i32
      %mul3A_1241 = arith.muli %scan3A_1238, %mul3A_1240 : i32
      %get3A_1242 = arith.index_cast %mul3A_1241 : i32 to index
      %get3A_1243 = tpu.vector_load %arg16[%get3A_1242] {strides = array<i32>} : memref<1024xf32, #tpu.memory_space<vmem>>, vector<16xf32>,
      %mul3A_1244 = arith.constant 16 : i32
      %mul3A_1245 = arith.muli %scan3A_1238, %mul3A_1244 : i32
      %get3A_1246 = arith.constant 8 : i32
      %get3A_1247 = arith.index_cast %get3A_1246 : i32 to index
      %get3A_1248 = arith.index_cast %mul3A_1245 : i32 to index
      %get3A_1249 = tpu.vector_load %arg15[%get3A_1247, %get3A_1248] {strides = array<i32>} : memref<32x1024xf32, #tpu.memory_space<vmem>>, vector<16xf32>,
      %mul3A_1250 = arith.mulf %get3A_548, %get3A_1249 : vector<16xf32>
      %add3A_1251 = arith.addf %get3A_1243, %mul3A_1250 : vector<16xf32>
      %mul3A_1252 = arith.constant 16 : i32
      %mul3A_1253 = arith.muli %scan3A_1238, %mul3A_1252 : i32
      %get3A_1254 = arith.constant 9 : i32
      %get3A_1255 = arith.index_cast %get3A_1254 : i32 to index
      %get3A_1256 = arith.index_cast %mul3A_1253 : i32 to index
      %get3A_1257 = tpu.vector_load %arg15[%get3A_1255, %get3A_1256] {strides = array<i32>} : memref<32x1024xf32, #tpu.memory_space<vmem>>, vector<16xf32>,
      %mul3A_1258 = arith.mulf %get3A_550, %get3A_1257 : vector<16xf32>
      %add3A_1259 = arith.addf %add3A_1251, %mul3A_1258 : vector<16xf32>
      %mul3A_1260 = arith.constant 16 : i32
      %mul3A_1261 = arith.muli %scan3A_1238, %mul3A_1260 : i32
      %get3A_1262 = arith.constant 10 : i32
      %get3A_1263 = arith.index_cast %get3A_1262 : i32 to index
      %get3A_1264 = arith.index_cast %mul3A_1261 : i32 to index
      %get3A_1265 = tpu.vector_load %arg15[%get3A_1263, %get3A_1264] {strides = array<i32>} : memref<32x1024xf32, #tpu.memory_space<vmem>>, vector<16xf32>,
      %mul3A_1266 = arith.mulf %get3A_552, %get3A_1265 : vector<16xf32>
      %add3A_1267 = arith.addf %add3A_1259, %mul3A_1266 : vector<16xf32>
      %mul3A_1268 = arith.constant 16 : i32
      %mul3A_1269 = arith.muli %scan3A_1238, %mul3A_1268 : i32
      %get3A_1270 = arith.constant 11 : i32
      %get3A_1271 = arith.index_cast %get3A_1270 : i32 to index
      %get3A_1272 = arith.index_cast %mul3A_1269 : i32 to index
      %get3A_1273 = tpu.vector_load %arg15[%get3A_1271, %get3A_1272] {strides = array<i32>} : memref<32x1024xf32, #tpu.memory_space<vmem>>, vector<16xf32>,
      %mul3A_1274 = arith.mulf %get3A_554, %get3A_1273 : vector<16xf32>
      %add3A_1275 = arith.addf %add3A_1267, %mul3A_1274 : vector<16xf32>
      %mul3A_1276 = arith.constant 16 : i32
      %mul3A_1277 = arith.muli %scan3A_1238, %mul3A_1276 : i32
      %get3A_1278 = arith.constant 12 : i32
      %get3A_1279 = arith.index_cast %get3A_1278 : i32 to index
      %get3A_1280 = arith.index_cast %mul3A_1277 : i32 to index
      %get3A_1281 = tpu.vector_load %arg15[%get3A_1279, %get3A_1280] {strides = array<i32>} : memref<32x1024xf32, #tpu.memory_space<vmem>>, vector<16xf32>,
      %mul3A_1282 = arith.mulf %get3A_556, %get3A_1281 : vector<16xf32>
      %add3A_1283 = arith.addf %add3A_1275, %mul3A_1282 : vector<16xf32>
      %mul3A_1284 = arith.constant 16 : i32
      %mul3A_1285 = arith.muli %scan3A_1238, %mul3A_1284 : i32
      %get3A_1286 = arith.constant 13 : i32
      %get3A_1287 = arith.index_cast %get3A_1286 : i32 to index
      %get3A_1288 = arith.index_cast %mul3A_1285 : i32 to index
      %get3A_1289 = tpu.vector_load %arg15[%get3A_1287, %get3A_1288] {strides = array<i32>} : memref<32x1024xf32, #tpu.memory_space<vmem>>, vector<16xf32>,
      %mul3A_1290 = arith.mulf %get3A_558, %get3A_1289 : vector<16xf32>
      %add3A_1291 = arith.addf %add3A_1283, %mul3A_1290 : vector<16xf32>
      %mul3A_1292 = arith.constant 16 : i32
      %mul3A_1293 = arith.muli %scan3A_1238, %mul3A_1292 : i32
      %get3A_1294 = arith.constant 14 : i32
      %get3A_1295 = arith.index_cast %get3A_1294 : i32 to index
      %get3A_1296 = arith.index_cast %mul3A_1293 : i32 to index
      %get3A_1297 = tpu.vector_load %arg15[%get3A_1295, %get3A_1296] {strides = array<i32>} : memref<32x1024xf32, #tpu.memory_space<vmem>>, vector<16xf32>,
      %mul3A_1298 = arith.mulf %get3A_560, %get3A_1297 : vector<16xf32>
      %add3A_1299 = arith.addf %add3A_1291, %mul3A_1298 : vector<16xf32>
      %mul3A_1300 = arith.constant 16 : i32
      %mul3A_1301 = arith.muli %scan3A_1238, %mul3A_1300 : i32
      %get3A_1302 = arith.constant 15 : i32
      %get3A_1303 = arith.index_cast %get3A_1302 : i32 to index
      %get3A_1304 = arith.index_cast %mul3A_1301 : i32 to index
      %get3A_1305 = tpu.vector_load %arg15[%get3A_1303, %get3A_1304] {strides = array<i32>} : memref<32x1024xf32, #tpu.memory_space<vmem>>, vector<16xf32>,
      %mul3A_1306 = arith.mulf %get3A_562, %get3A_1305 : vector<16xf32>
      %add3A_1307 = arith.addf %add3A_1299, %mul3A_1306 : vector<16xf32>
      %mul3A_1308 = arith.constant 16 : i32
      %mul3A_1309 = arith.muli %scan3A_1238, %mul3A_1308 : i32
      %swap3A_1310 = arith.index_cast %mul3A_1309 : i32 to index
      %swap3A_1311 = tpu.vector_load %arg16[%swap3A_1310] {strides = array<i32>} : memref<1024xf32, #tpu.memory_space<vmem>>, vector<16xf32>,
      tpu.vector_store %arg16[%swap3A_1310], %add3A_1307 {strides = array<i32>} : memref<1024xf32, #tpu.memory_space<vmem>>, vector<16xf32>,
      %scan3A_1312 = arith.constant 0 : i32
      scf.yield %scan3A_1312 : i32
    }
    %scan3A_569 = arith.constant 64 : i32
    %get3A_570 = arith.constant 256 : index
    %get3A_571 = tpu.vector_load %arg14[%get3A_570] {strides = array<i32>} : memref<512xf32, #tpu.memory_space<vmem>>, vector<16xf32>,
    %get3A_572 = arith.constant 272 : index
    %get3A_573 = tpu.vector_load %arg14[%get3A_572] {strides = array<i32>} : memref<512xf32, #tpu.memory_space<vmem>>, vector<16xf32>,
    %get3A_574 = arith.constant 288 : index
    %get3A_575 = tpu.vector_load %arg14[%get3A_574] {strides = array<i32>} : memref<512xf32, #tpu.memory_space<vmem>>, vector<16xf32>,
    %get3A_576 = arith.constant 304 : index
    %get3A_577 = tpu.vector_load %arg14[%get3A_576] {strides = array<i32>} : memref<512xf32, #tpu.memory_space<vmem>>, vector<16xf32>,
    %get3A_578 = arith.constant 320 : index
    %get3A_579 = tpu.vector_load %arg14[%get3A_578] {strides = array<i32>} : memref<512xf32, #tpu.memory_space<vmem>>, vector<16xf32>,
    %get3A_580 = arith.constant 336 : index
    %get3A_581 = tpu.vector_load %arg14[%get3A_580] {strides = array<i32>} : memref<512xf32, #tpu.memory_space<vmem>>, vector<16xf32>,
    %get3A_582 = arith.constant 352 : index
    %get3A_583 = tpu.vector_load %arg14[%get3A_582] {strides = array<i32>} : memref<512xf32, #tpu.memory_space<vmem>>, vector<16xf32>,
    %get3A_584 = arith.constant 368 : index
    %get3A_585 = tpu.vector_load %arg14[%get3A_584] {strides = array<i32>} : memref<512xf32, #tpu.memory_space<vmem>>, vector<16xf32>,
    %scan3A_586 = arith.constant 0 : i32
    %scan3A_587 = arith.constant 0 : i32
    %scan3A_588 = arith.constant 64 : i32
    %scan3A_589 = arith.addi %scan3A_587, %scan3A_588 : i32
    %scan3A_590 = arith.constant 1 : i32
    %scan3A_591 = scf.for %scan3A_1238 = %scan3A_587 to %scan3A_589 step %scan3A_590 iter_args(%scan3A_1239 = %scan3A_586) -> (i32)  : i32 {
      %mul3A_1240 = arith.constant 16 : i32
      %mul3A_1241 = arith.muli %scan3A_1238, %mul3A_1240 : i32
      %get3A_1242 = arith.index_cast %mul3A_1241 : i32 to index
      %get3A_1243 = tpu.vector_load %arg16[%get3A_1242] {strides = array<i32>} : memref<1024xf32, #tpu.memory_space<vmem>>, vector<16xf32>,
      %mul3A_1244 = arith.constant 16 : i32
      %mul3A_1245 = arith.muli %scan3A_1238, %mul3A_1244 : i32
      %get3A_1246 = arith.constant 16 : i32
      %get3A_1247 = arith.index_cast %get3A_1246 : i32 to index
      %get3A_1248 = arith.index_cast %mul3A_1245 : i32 to index
      %get3A_1249 = tpu.vector_load %arg15[%get3A_1247, %get3A_1248] {strides = array<i32>} : memref<32x1024xf32, #tpu.memory_space<vmem>>, vector<16xf32>,
      %mul3A_1250 = arith.mulf %get3A_571, %get3A_1249 : vector<16xf32>
      %add3A_1251 = arith.addf %get3A_1243, %mul3A_1250 : vector<16xf32>
      %mul3A_1252 = arith.constant 16 : i32
      %mul3A_1253 = arith.muli %scan3A_1238, %mul3A_1252 : i32
      %get3A_1254 = arith.constant 17 : i32
      %get3A_1255 = arith.index_cast %get3A_1254 : i32 to index
      %get3A_1256 = arith.index_cast %mul3A_1253 : i32 to index
      %get3A_1257 = tpu.vector_load %arg15[%get3A_1255, %get3A_1256] {strides = array<i32>} : memref<32x1024xf32, #tpu.memory_space<vmem>>, vector<16xf32>,
      %mul3A_1258 = arith.mulf %get3A_573, %get3A_1257 : vector<16xf32>
      %add3A_1259 = arith.addf %add3A_1251, %mul3A_1258 : vector<16xf32>
      %mul3A_1260 = arith.constant 16 : i32
      %mul3A_1261 = arith.muli %scan3A_1238, %mul3A_1260 : i32
      %get3A_1262 = arith.constant 18 : i32
      %get3A_1263 = arith.index_cast %get3A_1262 : i32 to index
      %get3A_1264 = arith.index_cast %mul3A_1261 : i32 to index
      %get3A_1265 = tpu.vector_load %arg15[%get3A_1263, %get3A_1264] {strides = array<i32>} : memref<32x1024xf32, #tpu.memory_space<vmem>>, vector<16xf32>,
      %mul3A_1266 = arith.mulf %get3A_575, %get3A_1265 : vector<16xf32>
      %add3A_1267 = arith.addf %add3A_1259, %mul3A_1266 : vector<16xf32>
      %mul3A_1268 = arith.constant 16 : i32
      %mul3A_1269 = arith.muli %scan3A_1238, %mul3A_1268 : i32
      %get3A_1270 = arith.constant 19 : i32
      %get3A_1271 = arith.index_cast %get3A_1270 : i32 to index
      %get3A_1272 = arith.index_cast %mul3A_1269 : i32 to index
      %get3A_1273 = tpu.vector_load %arg15[%get3A_1271, %get3A_1272] {strides = array<i32>} : memref<32x1024xf32, #tpu.memory_space<vmem>>, vector<16xf32>,
      %mul3A_1274 = arith.mulf %get3A_577, %get3A_1273 : vector<16xf32>
      %add3A_1275 = arith.addf %add3A_1267, %mul3A_1274 : vector<16xf32>
      %mul3A_1276 = arith.constant 16 : i32
      %mul3A_1277 = arith.muli %scan3A_1238, %mul3A_1276 : i32
      %get3A_1278 = arith.constant 20 : i32
      %get3A_1279 = arith.index_cast %get3A_1278 : i32 to index
      %get3A_1280 = arith.index_cast %mul3A_1277 : i32 to index
      %get3A_1281 = tpu.vector_load %arg15[%get3A_1279, %get3A_1280] {strides = array<i32>} : memref<32x1024xf32, #tpu.memory_space<vmem>>, vector<16xf32>,
      %mul3A_1282 = arith.mulf %get3A_579, %get3A_1281 : vector<16xf32>
      %add3A_1283 = arith.addf %add3A_1275, %mul3A_1282 : vector<16xf32>
      %mul3A_1284 = arith.constant 16 : i32
      %mul3A_1285 = arith.muli %scan3A_1238, %mul3A_1284 : i32
      %get3A_1286 = arith.constant 21 : i32
      %get3A_1287 = arith.index_cast %get3A_1286 : i32 to index
      %get3A_1288 = arith.index_cast %mul3A_1285 : i32 to index
      %get3A_1289 = tpu.vector_load %arg15[%get3A_1287, %get3A_1288] {strides = array<i32>} : memref<32x1024xf32, #tpu.memory_space<vmem>>, vector<16xf32>,
      %mul3A_1290 = arith.mulf %get3A_581, %get3A_1289 : vector<16xf32>
      %add3A_1291 = arith.addf %add3A_1283, %mul3A_1290 : vector<16xf32>
      %mul3A_1292 = arith.constant 16 : i32
      %mul3A_1293 = arith.muli %scan3A_1238, %mul3A_1292 : i32
      %get3A_1294 = arith.constant 22 : i32
      %get3A_1295 = arith.index_cast %get3A_1294 : i32 to index
      %get3A_1296 = arith.index_cast %mul3A_1293 : i32 to index
      %get3A_1297 = tpu.vector_load %arg15[%get3A_1295, %get3A_1296] {strides = array<i32>} : memref<32x1024xf32, #tpu.memory_space<vmem>>, vector<16xf32>,
      %mul3A_1298 = arith.mulf %get3A_583, %get3A_1297 : vector<16xf32>
      %add3A_1299 = arith.addf %add3A_1291, %mul3A_1298 : vector<16xf32>
      %mul3A_1300 = arith.constant 16 : i32
      %mul3A_1301 = arith.muli %scan3A_1238, %mul3A_1300 : i32
      %get3A_1302 = arith.constant 23 : i32
      %get3A_1303 = arith.index_cast %get3A_1302 : i32 to index
      %get3A_1304 = arith.index_cast %mul3A_1301 : i32 to index
      %get3A_1305 = tpu.vector_load %arg15[%get3A_1303, %get3A_1304] {strides = array<i32>} : memref<32x1024xf32, #tpu.memory_space<vmem>>, vector<16xf32>,
      %mul3A_1306 = arith.mulf %get3A_585, %get3A_1305 : vector<16xf32>
      %add3A_1307 = arith.addf %add3A_1299, %mul3A_1306 : vector<16xf32>
      %mul3A_1308 = arith.constant 16 : i32
      %mul3A_1309 = arith.muli %scan3A_1238, %mul3A_1308 : i32
      %swap3A_1310 = arith.index_cast %mul3A_1309 : i32 to index
      %swap3A_1311 = tpu.vector_load %arg16[%swap3A_1310] {strides = array<i32>} : memref<1024xf32, #tpu.memory_space<vmem>>, vector<16xf32>,
      tpu.vector_store %arg16[%swap3A_1310], %add3A_1307 {strides = array<i32>} : memref<1024xf32, #tpu.memory_space<vmem>>, vector<16xf32>,
      %scan3A_1312 = arith.constant 0 : i32
      scf.yield %scan3A_1312 : i32
    }
    %scan3A_592 = arith.constant 64 : i32
    %get3A_593 = arith.constant 384 : index
    %get3A_594 = tpu.vector_load %arg14[%get3A_593] {strides = array<i32>} : memref<512xf32, #tpu.memory_space<vmem>>, vector<16xf32>,
    %get3A_595 = arith.constant 400 : index
    %get3A_596 = tpu.vector_load %arg14[%get3A_595] {strides = array<i32>} : memref<512xf32, #tpu.memory_space<vmem>>, vector<16xf32>,
    %get3A_597 = arith.constant 416 : index
    %get3A_598 = tpu.vector_load %arg14[%get3A_597] {strides = array<i32>} : memref<512xf32, #tpu.memory_space<vmem>>, vector<16xf32>,
    %get3A_599 = arith.constant 432 : index
    %get3A_600 = tpu.vector_load %arg14[%get3A_599] {strides = array<i32>} : memref<512xf32, #tpu.memory_space<vmem>>, vector<16xf32>,
    %get3A_601 = arith.constant 448 : index
    %get3A_602 = tpu.vector_load %arg14[%get3A_601] {strides = array<i32>} : memref<512xf32, #tpu.memory_space<vmem>>, vector<16xf32>,
    %get3A_603 = arith.constant 464 : index
    %get3A_604 = tpu.vector_load %arg14[%get3A_603] {strides = array<i32>} : memref<512xf32, #tpu.memory_space<vmem>>, vector<16xf32>,
    %get3A_605 = arith.constant 480 : index
    %get3A_606 = tpu.vector_load %arg14[%get3A_605] {strides = array<i32>} : memref<512xf32, #tpu.memory_space<vmem>>, vector<16xf32>,
    %get3A_607 = arith.constant 496 : index
    %get3A_608 = tpu.vector_load %arg14[%get3A_607] {strides = array<i32>} : memref<512xf32, #tpu.memory_space<vmem>>, vector<16xf32>,
    %scan3A_609 = arith.constant 0 : i32
    %scan3A_610 = arith.constant 0 : i32
    %scan3A_611 = arith.constant 64 : i32
    %scan3A_612 = arith.addi %scan3A_610, %scan3A_611 : i32
    %scan3A_613 = arith.constant 1 : i32
    %scan3A_614 = scf.for %scan3A_1238 = %scan3A_610 to %scan3A_612 step %scan3A_613 iter_args(%scan3A_1239 = %scan3A_609) -> (i32)  : i32 {
      %mul3A_1240 = arith.constant 16 : i32
      %mul3A_1241 = arith.muli %scan3A_1238, %mul3A_1240 : i32
      %get3A_1242 = arith.index_cast %mul3A_1241 : i32 to index
      %get3A_1243 = tpu.vector_load %arg16[%get3A_1242] {strides = array<i32>} : memref<1024xf32, #tpu.memory_space<vmem>>, vector<16xf32>,
      %mul3A_1244 = arith.constant 16 : i32
      %mul3A_1245 = arith.muli %scan3A_1238, %mul3A_1244 : i32
      %get3A_1246 = arith.constant 24 : i32
      %get3A_1247 = arith.index_cast %get3A_1246 : i32 to index
      %get3A_1248 = arith.index_cast %mul3A_1245 : i32 to index
      %get3A_1249 = tpu.vector_load %arg15[%get3A_1247, %get3A_1248] {strides = array<i32>} : memref<32x1024xf32, #tpu.memory_space<vmem>>, vector<16xf32>,
      %mul3A_1250 = arith.mulf %get3A_594, %get3A_1249 : vector<16xf32>
      %add3A_1251 = arith.addf %get3A_1243, %mul3A_1250 : vector<16xf32>
      %mul3A_1252 = arith.constant 16 : i32
      %mul3A_1253 = arith.muli %scan3A_1238, %mul3A_1252 : i32
      %get3A_1254 = arith.constant 25 : i32
      %get3A_1255 = arith.index_cast %get3A_1254 : i32 to index
      %get3A_1256 = arith.index_cast %mul3A_1253 : i32 to index
      %get3A_1257 = tpu.vector_load %arg15[%get3A_1255, %get3A_1256] {strides = array<i32>} : memref<32x1024xf32, #tpu.memory_space<vmem>>, vector<16xf32>,
      %mul3A_1258 = arith.mulf %get3A_596, %get3A_1257 : vector<16xf32>
      %add3A_1259 = arith.addf %add3A_1251, %mul3A_1258 : vector<16xf32>
      %mul3A_1260 = arith.constant 16 : i32
      %mul3A_1261 = arith.muli %scan3A_1238, %mul3A_1260 : i32
      %get3A_1262 = arith.constant 26 : i32
      %get3A_1263 = arith.index_cast %get3A_1262 : i32 to index
      %get3A_1264 = arith.index_cast %mul3A_1261 : i32 to index
      %get3A_1265 = tpu.vector_load %arg15[%get3A_1263, %get3A_1264] {strides = array<i32>} : memref<32x1024xf32, #tpu.memory_space<vmem>>, vector<16xf32>,
      %mul3A_1266 = arith.mulf %get3A_598, %get3A_1265 : vector<16xf32>
      %add3A_1267 = arith.addf %add3A_1259, %mul3A_1266 : vector<16xf32>
      %mul3A_1268 = arith.constant 16 : i32
      %mul3A_1269 = arith.muli %scan3A_1238, %mul3A_1268 : i32
      %get3A_1270 = arith.constant 27 : i32
      %get3A_1271 = arith.index_cast %get3A_1270 : i32 to index
      %get3A_1272 = arith.index_cast %mul3A_1269 : i32 to index
      %get3A_1273 = tpu.vector_load %arg15[%get3A_1271, %get3A_1272] {strides = array<i32>} : memref<32x1024xf32, #tpu.memory_space<vmem>>, vector<16xf32>,
      %mul3A_1274 = arith.mulf %get3A_600, %get3A_1273 : vector<16xf32>
      %add3A_1275 = arith.addf %add3A_1267, %mul3A_1274 : vector<16xf32>
      %mul3A_1276 = arith.constant 16 : i32
      %mul3A_1277 = arith.muli %scan3A_1238, %mul3A_1276 : i32
      %get3A_1278 = arith.constant 28 : i32
      %get3A_1279 = arith.index_cast %get3A_1278 : i32 to index
      %get3A_1280 = arith.index_cast %mul3A_1277 : i32 to index
      %get3A_1281 = tpu.vector_load %arg15[%get3A_1279, %get3A_1280] {strides = array<i32>} : memref<32x1024xf32, #tpu.memory_space<vmem>>, vector<16xf32>,
      %mul3A_1282 = arith.mulf %get3A_602, %get3A_1281 : vector<16xf32>
      %add3A_1283 = arith.addf %add3A_1275, %mul3A_1282 : vector<16xf32>
      %mul3A_1284 = arith.constant 16 : i32
      %mul3A_1285 = arith.muli %scan3A_1238, %mul3A_1284 : i32
      %get3A_1286 = arith.constant 29 : i32
      %get3A_1287 = arith.index_cast %get3A_1286 : i32 to index
      %get3A_1288 = arith.index_cast %mul3A_1285 : i32 to index
      %get3A_1289 = tpu.vector_load %arg15[%get3A_1287, %get3A_1288] {strides = array<i32>} : memref<32x1024xf32, #tpu.memory_space<vmem>>, vector<16xf32>,
      %mul3A_1290 = arith.mulf %get3A_604, %get3A_1289 : vector<16xf32>
      %add3A_1291 = arith.addf %add3A_1283, %mul3A_1290 : vector<16xf32>
      %mul3A_1292 = arith.constant 16 : i32
      %mul3A_1293 = arith.muli %scan3A_1238, %mul3A_1292 : i32
      %get3A_1294 = arith.constant 30 : i32
      %get3A_1295 = arith.index_cast %get3A_1294 : i32 to index
      %get3A_1296 = arith.index_cast %mul3A_1293 : i32 to index
      %get3A_1297 = tpu.vector_load %arg15[%get3A_1295, %get3A_1296] {strides = array<i32>} : memref<32x1024xf32, #tpu.memory_space<vmem>>, vector<16xf32>,
      %mul3A_1298 = arith.mulf %get3A_606, %get3A_1297 : vector<16xf32>
      %add3A_1299 = arith.addf %add3A_1291, %mul3A_1298 : vector<16xf32>
      %mul3A_1300 = arith.constant 16 : i32
      %mul3A_1301 = arith.muli %scan3A_1238, %mul3A_1300 : i32
      %get3A_1302 = arith.constant 31 : i32
      %get3A_1303 = arith.index_cast %get3A_1302 : i32 to index
      %get3A_1304 = arith.index_cast %mul3A_1301 : i32 to index
      %get3A_1305 = tpu.vector_load %arg15[%get3A_1303, %get3A_1304] {strides = array<i32>} : memref<32x1024xf32, #tpu.memory_space<vmem>>, vector<16xf32>,
      %mul3A_1306 = arith.mulf %get3A_608, %get3A_1305 : vector<16xf32>
      %add3A_1307 = arith.addf %add3A_1299, %mul3A_1306 : vector<16xf32>
      %mul3A_1308 = arith.constant 16 : i32
      %mul3A_1309 = arith.muli %scan3A_1238, %mul3A_1308 : i32
      %swap3A_1310 = arith.index_cast %mul3A_1309 : i32 to index
      %swap3A_1311 = tpu.vector_load %arg16[%swap3A_1310] {strides = array<i32>} : memref<1024xf32, #tpu.memory_space<vmem>>, vector<16xf32>,
      tpu.vector_store %arg16[%swap3A_1310], %add3A_1307 {strides = array<i32>} : memref<1024xf32, #tpu.memory_space<vmem>>, vector<16xf32>,
      %scan3A_1312 = arith.constant 0 : i32
      scf.yield %scan3A_1312 : i32
    }
    %scan3A_615 = arith.constant 64 : i32
    "tpu.region"() ({
      %run_scoped3A = tpu.sem_alloc : memref<!tpu.dma_semaphore, #tpu.memory_space<semaphore_mem>>
      %dma_start3A_1238 = arith.constant 0 : i32
      %dma_start3A_1239 = tpu.memref_slice %arg5[%add3A_11, %dma_start3A_1238] : memref<64x1024xf32, #tpu.memory_space<hbm>> -> memref<1x1024xf32, #tpu.memory_space<hbm>>
      %dma_start3A_1240 = tpu.memref_squeeze %dma_start3A_1239 : memref<1x1024xf32, #tpu.memory_space<hbm>> -> memref<1024xf32, #tpu.memory_space<hbm>>
      %dma_start3A_1241 = arith.constant 0 : i32
      %dma_start3A_1242 = tpu.memref_slice %arg5[%add3A_11, %dma_start3A_1241] : memref<64x1024xf32, #tpu.memory_space<hbm>> -> memref<1x1024xf32, #tpu.memory_space<hbm>>
      %dma_start3A_1243 = tpu.memref_squeeze %dma_start3A_1242 : memref<1x1024xf32, #tpu.memory_space<hbm>> -> memref<1024xf32, #tpu.memory_space<hbm>>
      tpu.enqueue_dma source(%arg16 : memref<1024xf32, #tpu.memory_space<vmem>>) target(%dma_start3A_1243 : memref<1024xf32, #tpu.memory_space<hbm>>) target_semaphore(%run_scoped3A : memref<!tpu.dma_semaphore, #tpu.memory_space<semaphore_mem>>)
      %dma_wait3A_1244 = arith.constant 0 : i32
      %dma_wait3A_1245 = tpu.memref_slice %arg5[%add3A_11, %dma_wait3A_1244] : memref<64x1024xf32, #tpu.memory_space<hbm>> -> memref<1x1024xf32, #tpu.memory_space<hbm>>
      %dma_wait3A_1246 = tpu.memref_squeeze %dma_wait3A_1245 : memref<1x1024xf32, #tpu.memory_space<hbm>> -> memref<1024xf32, #tpu.memory_space<hbm>>
      %dma_wait3A_1247 = arith.constant 0 : i32
      %dma_wait3A_1248 = tpu.memref_slice %arg5[%add3A_11, %dma_wait3A_1247] : memref<64x1024xf32, #tpu.memory_space<hbm>> -> memref<1x1024xf32, #tpu.memory_space<hbm>>
      %dma_wait3A_1249 = tpu.memref_squeeze %dma_wait3A_1248 : memref<1x1024xf32, #tpu.memory_space<hbm>> -> memref<1024xf32, #tpu.memory_space<hbm>>
      tpu.wait_dma2 semaphore(%run_scoped3A : memref<!tpu.dma_semaphore, #tpu.memory_space<semaphore_mem>>) src(%arg16 : memref<1024xf32, #tpu.memory_space<vmem>>) dst(%dma_wait3A_1249 : memref<1024xf32, #tpu.memory_space<hbm>>)
      tpu.yield
    }) : () -> ()
    %mul3A_616 = arith.constant 2 : i32
    %mul3A_617 = arith.muli %add3A, %mul3A_616 : i32
    %add3A_618 = arith.constant 1 : i32
    %add3A_619 = arith.addi %mul3A_617, %add3A_618 : i32
    "tpu.region"() ({
      %run_scoped3A = tpu.sem_alloc : memref<!tpu.dma_semaphore, #tpu.memory_space<semaphore_mem>>
      %dma_start3A_1238 = arith.constant 0 : i32
      %dma_start3A_1239 = tpu.memref_slice %arg2[%add3A_619, %dma_start3A_1238] : memref<64x32768xf32, #tpu.memory_space<hbm>> -> memref<1x32768xf32, #tpu.memory_space<hbm>>
      %dma_start3A_1240 = tpu.memref_squeeze %dma_start3A_1239 : memref<1x32768xf32, #tpu.memory_space<hbm>> -> memref<32768xf32, #tpu.memory_space<hbm>>
      %dma_start3A_1241 = arith.constant 0 : i32
      %dma_start3A_1242 = tpu.memref_slice %arg2[%add3A_619, %dma_start3A_1241] : memref<64x32768xf32, #tpu.memory_space<hbm>> -> memref<1x32768xf32, #tpu.memory_space<hbm>>
      %dma_start3A_1243 = tpu.memref_squeeze %dma_start3A_1242 : memref<1x32768xf32, #tpu.memory_space<hbm>> -> memref<32768xf32, #tpu.memory_space<hbm>>
      tpu.enqueue_dma source(%dma_start3A_1243 : memref<32768xf32, #tpu.memory_space<hbm>>) target(%arg6 : memref<32768xf32, #tpu.memory_space<vmem>>) target_semaphore(%run_scoped3A : memref<!tpu.dma_semaphore, #tpu.memory_space<semaphore_mem>>)
      %dma_wait3A_1244 = arith.constant 0 : i32
      %dma_wait3A_1245 = tpu.memref_slice %arg2[%add3A_619, %dma_wait3A_1244] : memref<64x32768xf32, #tpu.memory_space<hbm>> -> memref<1x32768xf32, #tpu.memory_space<hbm>>
      %dma_wait3A_1246 = tpu.memref_squeeze %dma_wait3A_1245 : memref<1x32768xf32, #tpu.memory_space<hbm>> -> memref<32768xf32, #tpu.memory_space<hbm>>
      %dma_wait3A_1247 = arith.constant 0 : i32
      %dma_wait3A_1248 = tpu.memref_slice %arg2[%add3A_619, %dma_wait3A_1247] : memref<64x32768xf32, #tpu.memory_space<hbm>> -> memref<1x32768xf32, #tpu.memory_space<hbm>>
      %dma_wait3A_1249 = tpu.memref_squeeze %dma_wait3A_1248 : memref<1x32768xf32, #tpu.memory_space<hbm>> -> memref<32768xf32, #tpu.memory_space<hbm>>
      tpu.wait_dma2 semaphore(%run_scoped3A : memref<!tpu.dma_semaphore, #tpu.memory_space<semaphore_mem>>) src(%dma_wait3A_1249 : memref<32768xf32, #tpu.memory_space<hbm>>) dst(%arg6 : memref<32768xf32, #tpu.memory_space<vmem>>)
      tpu.yield
    }) : () -> ()
    %broadcast_in_dim3A_620 = arith.constant -1.000000e+00 : f32
    %broadcast_in_dim3A_621 = vector.broadcast %broadcast_in_dim3A_620 : f32 to vector<16xf32>
    %scan3A_622 = arith.constant 0 : i32
    %scan3A_623 = arith.constant 128 : i32
    %scan3A_624 = arith.addi %scan3A_622, %scan3A_623 : i32
    %scan3A_625 = arith.constant 1 : i32
    %scan3A_626:2 = scf.for %scan3A_1238 = %scan3A_622 to %scan3A_624 step %scan3A_625 iter_args(%scan3A_1239 = %broadcast_in_dim3A_621, %scan3A_1240 = %broadcast_in_dim3A_621) -> (vector<16xf32>, vector<16xf32>)  : i32 {
      %mul3A_1241 = arith.constant 16 : i32
      %mul3A_1242 = arith.muli %scan3A_1238, %mul3A_1241 : i32
      %add3A_1243 = arith.constant 0 : i32
      %add3A_1244 = arith.addi %mul3A_1242, %add3A_1243 : i32
      %mul3A_1245 = arith.constant 16 : i32
      %mul3A_1246 = arith.muli %add3A_1244, %mul3A_1245 : i32
      %get3A_1247 = arith.index_cast %mul3A_1246 : i32 to index
      %get3A_1248 = tpu.vector_load %arg6[%get3A_1247] {strides = array<i32>} : memref<32768xf32, #tpu.memory_space<vmem>>, vector<16xf32>,
      %min3A_1249 = arith.minimumf %scan3A_1239, %get3A_1248 : vector<16xf32>
      %max3A = arith.maximumf %scan3A_1240, %min3A_1249 : vector<16xf32>
      %max3A_1250 = arith.maximumf %scan3A_1239, %get3A_1248 : vector<16xf32>
      %max3A_1251 = arith.maximumf %broadcast_in_dim3A_621, %get3A_1248 : vector<16xf32>
      %mul3A_1252 = arith.constant 16 : i32
      %mul3A_1253 = arith.muli %scan3A_1238, %mul3A_1252 : i32
      %add3A_1254 = arith.constant 1 : i32
      %add3A_1255 = arith.addi %mul3A_1253, %add3A_1254 : i32
      %mul3A_1256 = arith.constant 16 : i32
      %mul3A_1257 = arith.muli %add3A_1255, %mul3A_1256 : i32
      %get3A_1258 = arith.index_cast %mul3A_1257 : i32 to index
      %get3A_1259 = tpu.vector_load %arg6[%get3A_1258] {strides = array<i32>} : memref<32768xf32, #tpu.memory_space<vmem>>, vector<16xf32>,
      %min3A_1260 = arith.minimumf %max3A_1250, %get3A_1259 : vector<16xf32>
      %max3A_1261 = arith.maximumf %max3A, %min3A_1260 : vector<16xf32>
      %max3A_1262 = arith.maximumf %max3A_1250, %get3A_1259 : vector<16xf32>
      %max3A_1263 = arith.maximumf %max3A_1251, %get3A_1259 : vector<16xf32>
      %mul3A_1264 = arith.constant 16 : i32
      %mul3A_1265 = arith.muli %scan3A_1238, %mul3A_1264 : i32
      %add3A_1266 = arith.constant 2 : i32
      %add3A_1267 = arith.addi %mul3A_1265, %add3A_1266 : i32
      %mul3A_1268 = arith.constant 16 : i32
      %mul3A_1269 = arith.muli %add3A_1267, %mul3A_1268 : i32
      %get3A_1270 = arith.index_cast %mul3A_1269 : i32 to index
      %get3A_1271 = tpu.vector_load %arg6[%get3A_1270] {strides = array<i32>} : memref<32768xf32, #tpu.memory_space<vmem>>, vector<16xf32>,
      %min3A_1272 = arith.minimumf %max3A_1262, %get3A_1271 : vector<16xf32>
      %max3A_1273 = arith.maximumf %max3A_1261, %min3A_1272 : vector<16xf32>
      %max3A_1274 = arith.maximumf %max3A_1262, %get3A_1271 : vector<16xf32>
      %max3A_1275 = arith.maximumf %max3A_1263, %get3A_1271 : vector<16xf32>
      %mul3A_1276 = arith.constant 16 : i32
      %mul3A_1277 = arith.muli %scan3A_1238, %mul3A_1276 : i32
      %add3A_1278 = arith.constant 3 : i32
      %add3A_1279 = arith.addi %mul3A_1277, %add3A_1278 : i32
      %mul3A_1280 = arith.constant 16 : i32
      %mul3A_1281 = arith.muli %add3A_1279, %mul3A_1280 : i32
      %get3A_1282 = arith.index_cast %mul3A_1281 : i32 to index
      %get3A_1283 = tpu.vector_load %arg6[%get3A_1282] {strides = array<i32>} : memref<32768xf32, #tpu.memory_space<vmem>>, vector<16xf32>,
      %min3A_1284 = arith.minimumf %max3A_1274, %get3A_1283 : vector<16xf32>
      %max3A_1285 = arith.maximumf %max3A_1273, %min3A_1284 : vector<16xf32>
      %max3A_1286 = arith.maximumf %max3A_1274, %get3A_1283 : vector<16xf32>
      %max3A_1287 = arith.maximumf %max3A_1275, %get3A_1283 : vector<16xf32>
      %mul3A_1288 = arith.constant 16 : i32
      %mul3A_1289 = arith.muli %scan3A_1238, %mul3A_1288 : i32
      %add3A_1290 = arith.constant 4 : i32
      %add3A_1291 = arith.addi %mul3A_1289, %add3A_1290 : i32
      %mul3A_1292 = arith.constant 16 : i32
      %mul3A_1293 = arith.muli %add3A_1291, %mul3A_1292 : i32
      %get3A_1294 = arith.index_cast %mul3A_1293 : i32 to index
      %get3A_1295 = tpu.vector_load %arg6[%get3A_1294] {strides = array<i32>} : memref<32768xf32, #tpu.memory_space<vmem>>, vector<16xf32>,
      %min3A_1296 = arith.minimumf %max3A_1286, %get3A_1295 : vector<16xf32>
      %max3A_1297 = arith.maximumf %max3A_1285, %min3A_1296 : vector<16xf32>
      %max3A_1298 = arith.maximumf %max3A_1286, %get3A_1295 : vector<16xf32>
      %max3A_1299 = arith.maximumf %max3A_1287, %get3A_1295 : vector<16xf32>
      %mul3A_1300 = arith.constant 16 : i32
      %mul3A_1301 = arith.muli %scan3A_1238, %mul3A_1300 : i32
      %add3A_1302 = arith.constant 5 : i32
      %add3A_1303 = arith.addi %mul3A_1301, %add3A_1302 : i32
      %mul3A_1304 = arith.constant 16 : i32
      %mul3A_1305 = arith.muli %add3A_1303, %mul3A_1304 : i32
      %get3A_1306 = arith.index_cast %mul3A_1305 : i32 to index
      %get3A_1307 = tpu.vector_load %arg6[%get3A_1306] {strides = array<i32>} : memref<32768xf32, #tpu.memory_space<vmem>>, vector<16xf32>,
      %min3A_1308 = arith.minimumf %max3A_1298, %get3A_1307 : vector<16xf32>
      %max3A_1309 = arith.maximumf %max3A_1297, %min3A_1308 : vector<16xf32>
      %max3A_1310 = arith.maximumf %max3A_1298, %get3A_1307 : vector<16xf32>
      %max3A_1311 = arith.maximumf %max3A_1299, %get3A_1307 : vector<16xf32>
      %mul3A_1312 = arith.constant 16 : i32
      %mul3A_1313 = arith.muli %scan3A_1238, %mul3A_1312 : i32
      %add3A_1314 = arith.constant 6 : i32
      %add3A_1315 = arith.addi %mul3A_1313, %add3A_1314 : i32
      %mul3A_1316 = arith.constant 16 : i32
      %mul3A_1317 = arith.muli %add3A_1315, %mul3A_1316 : i32
      %get3A_1318 = arith.index_cast %mul3A_1317 : i32 to index
      %get3A_1319 = tpu.vector_load %arg6[%get3A_1318] {strides = array<i32>} : memref<32768xf32, #tpu.memory_space<vmem>>, vector<16xf32>,
      %min3A_1320 = arith.minimumf %max3A_1310, %get3A_1319 : vector<16xf32>
      %max3A_1321 = arith.maximumf %max3A_1309, %min3A_1320 : vector<16xf32>
      %max3A_1322 = arith.maximumf %max3A_1310, %get3A_1319 : vector<16xf32>
      %max3A_1323 = arith.maximumf %max3A_1311, %get3A_1319 : vector<16xf32>
      %mul3A_1324 = arith.constant 16 : i32
      %mul3A_1325 = arith.muli %scan3A_1238, %mul3A_1324 : i32
      %add3A_1326 = arith.constant 7 : i32
      %add3A_1327 = arith.addi %mul3A_1325, %add3A_1326 : i32
      %mul3A_1328 = arith.constant 16 : i32
      %mul3A_1329 = arith.muli %add3A_1327, %mul3A_1328 : i32
      %get3A_1330 = arith.index_cast %mul3A_1329 : i32 to index
      %get3A_1331 = tpu.vector_load %arg6[%get3A_1330] {strides = array<i32>} : memref<32768xf32, #tpu.memory_space<vmem>>, vector<16xf32>,
      %min3A_1332 = arith.minimumf %max3A_1322, %get3A_1331 : vector<16xf32>
      %max3A_1333 = arith.maximumf %max3A_1321, %min3A_1332 : vector<16xf32>
      %max3A_1334 = arith.maximumf %max3A_1322, %get3A_1331 : vector<16xf32>
      %max3A_1335 = arith.maximumf %max3A_1323, %get3A_1331 : vector<16xf32>
      %mul3A_1336 = arith.constant 16 : i32
      %mul3A_1337 = arith.muli %scan3A_1238, %mul3A_1336 : i32
      %add3A_1338 = arith.constant 8 : i32
      %add3A_1339 = arith.addi %mul3A_1337, %add3A_1338 : i32
      %mul3A_1340 = arith.constant 16 : i32
      %mul3A_1341 = arith.muli %add3A_1339, %mul3A_1340 : i32
      %get3A_1342 = arith.index_cast %mul3A_1341 : i32 to index
      %get3A_1343 = tpu.vector_load %arg6[%get3A_1342] {strides = array<i32>} : memref<32768xf32, #tpu.memory_space<vmem>>, vector<16xf32>,
      %min3A_1344 = arith.minimumf %max3A_1334, %get3A_1343 : vector<16xf32>
      %max3A_1345 = arith.maximumf %max3A_1333, %min3A_1344 : vector<16xf32>
      %max3A_1346 = arith.maximumf %max3A_1334, %get3A_1343 : vector<16xf32>
      %max3A_1347 = arith.maximumf %max3A_1335, %get3A_1343 : vector<16xf32>
      %mul3A_1348 = arith.constant 16 : i32
      %mul3A_1349 = arith.muli %scan3A_1238, %mul3A_1348 : i32
      %add3A_1350 = arith.constant 9 : i32
      %add3A_1351 = arith.addi %mul3A_1349, %add3A_1350 : i32
      %mul3A_1352 = arith.constant 16 : i32
      %mul3A_1353 = arith.muli %add3A_1351, %mul3A_1352 : i32
      %get3A_1354 = arith.index_cast %mul3A_1353 : i32 to index
      %get3A_1355 = tpu.vector_load %arg6[%get3A_1354] {strides = array<i32>} : memref<32768xf32, #tpu.memory_space<vmem>>, vector<16xf32>,
      %min3A_1356 = arith.minimumf %max3A_1346, %get3A_1355 : vector<16xf32>
      %max3A_1357 = arith.maximumf %max3A_1345, %min3A_1356 : vector<16xf32>
      %max3A_1358 = arith.maximumf %max3A_1346, %get3A_1355 : vector<16xf32>
      %max3A_1359 = arith.maximumf %max3A_1347, %get3A_1355 : vector<16xf32>
      %mul3A_1360 = arith.constant 16 : i32
      %mul3A_1361 = arith.muli %scan3A_1238, %mul3A_1360 : i32
      %add3A_1362 = arith.constant 10 : i32
      %add3A_1363 = arith.addi %mul3A_1361, %add3A_1362 : i32
      %mul3A_1364 = arith.constant 16 : i32
      %mul3A_1365 = arith.muli %add3A_1363, %mul3A_1364 : i32
      %get3A_1366 = arith.index_cast %mul3A_1365 : i32 to index
      %get3A_1367 = tpu.vector_load %arg6[%get3A_1366] {strides = array<i32>} : memref<32768xf32, #tpu.memory_space<vmem>>, vector<16xf32>,
      %min3A_1368 = arith.minimumf %max3A_1358, %get3A_1367 : vector<16xf32>
      %max3A_1369 = arith.maximumf %max3A_1357, %min3A_1368 : vector<16xf32>
      %max3A_1370 = arith.maximumf %max3A_1358, %get3A_1367 : vector<16xf32>
      %max3A_1371 = arith.maximumf %max3A_1359, %get3A_1367 : vector<16xf32>
      %mul3A_1372 = arith.constant 16 : i32
      %mul3A_1373 = arith.muli %scan3A_1238, %mul3A_1372 : i32
      %add3A_1374 = arith.constant 11 : i32
      %add3A_1375 = arith.addi %mul3A_1373, %add3A_1374 : i32
      %mul3A_1376 = arith.constant 16 : i32
      %mul3A_1377 = arith.muli %add3A_1375, %mul3A_1376 : i32
      %get3A_1378 = arith.index_cast %mul3A_1377 : i32 to index
      %get3A_1379 = tpu.vector_load %arg6[%get3A_1378] {strides = array<i32>} : memref<32768xf32, #tpu.memory_space<vmem>>, vector<16xf32>,
      %min3A_1380 = arith.minimumf %max3A_1370, %get3A_1379 : vector<16xf32>
      %max3A_1381 = arith.maximumf %max3A_1369, %min3A_1380 : vector<16xf32>
      %max3A_1382 = arith.maximumf %max3A_1370, %get3A_1379 : vector<16xf32>
      %max3A_1383 = arith.maximumf %max3A_1371, %get3A_1379 : vector<16xf32>
      %mul3A_1384 = arith.constant 16 : i32
      %mul3A_1385 = arith.muli %scan3A_1238, %mul3A_1384 : i32
      %add3A_1386 = arith.constant 12 : i32
      %add3A_1387 = arith.addi %mul3A_1385, %add3A_1386 : i32
      %mul3A_1388 = arith.constant 16 : i32
      %mul3A_1389 = arith.muli %add3A_1387, %mul3A_1388 : i32
      %get3A_1390 = arith.index_cast %mul3A_1389 : i32 to index
      %get3A_1391 = tpu.vector_load %arg6[%get3A_1390] {strides = array<i32>} : memref<32768xf32, #tpu.memory_space<vmem>>, vector<16xf32>,
      %min3A_1392 = arith.minimumf %max3A_1382, %get3A_1391 : vector<16xf32>
      %max3A_1393 = arith.maximumf %max3A_1381, %min3A_1392 : vector<16xf32>
      %max3A_1394 = arith.maximumf %max3A_1382, %get3A_1391 : vector<16xf32>
      %max3A_1395 = arith.maximumf %max3A_1383, %get3A_1391 : vector<16xf32>
      %mul3A_1396 = arith.constant 16 : i32
      %mul3A_1397 = arith.muli %scan3A_1238, %mul3A_1396 : i32
      %add3A_1398 = arith.constant 13 : i32
      %add3A_1399 = arith.addi %mul3A_1397, %add3A_1398 : i32
      %mul3A_1400 = arith.constant 16 : i32
      %mul3A_1401 = arith.muli %add3A_1399, %mul3A_1400 : i32
      %get3A_1402 = arith.index_cast %mul3A_1401 : i32 to index
      %get3A_1403 = tpu.vector_load %arg6[%get3A_1402] {strides = array<i32>} : memref<32768xf32, #tpu.memory_space<vmem>>, vector<16xf32>,
      %min3A_1404 = arith.minimumf %max3A_1394, %get3A_1403 : vector<16xf32>
      %max3A_1405 = arith.maximumf %max3A_1393, %min3A_1404 : vector<16xf32>
      %max3A_1406 = arith.maximumf %max3A_1394, %get3A_1403 : vector<16xf32>
      %max3A_1407 = arith.maximumf %max3A_1395, %get3A_1403 : vector<16xf32>
      %mul3A_1408 = arith.constant 16 : i32
      %mul3A_1409 = arith.muli %scan3A_1238, %mul3A_1408 : i32
      %add3A_1410 = arith.constant 14 : i32
      %add3A_1411 = arith.addi %mul3A_1409, %add3A_1410 : i32
      %mul3A_1412 = arith.constant 16 : i32
      %mul3A_1413 = arith.muli %add3A_1411, %mul3A_1412 : i32
      %get3A_1414 = arith.index_cast %mul3A_1413 : i32 to index
      %get3A_1415 = tpu.vector_load %arg6[%get3A_1414] {strides = array<i32>} : memref<32768xf32, #tpu.memory_space<vmem>>, vector<16xf32>,
      %min3A_1416 = arith.minimumf %max3A_1406, %get3A_1415 : vector<16xf32>
      %max3A_1417 = arith.maximumf %max3A_1405, %min3A_1416 : vector<16xf32>
      %max3A_1418 = arith.maximumf %max3A_1406, %get3A_1415 : vector<16xf32>
      %max3A_1419 = arith.maximumf %max3A_1407, %get3A_1415 : vector<16xf32>
      %mul3A_1420 = arith.constant 16 : i32
      %mul3A_1421 = arith.muli %scan3A_1238, %mul3A_1420 : i32
      %add3A_1422 = arith.constant 15 : i32
      %add3A_1423 = arith.addi %mul3A_1421, %add3A_1422 : i32
      %mul3A_1424 = arith.constant 16 : i32
      %mul3A_1425 = arith.muli %add3A_1423, %mul3A_1424 : i32
      %get3A_1426 = arith.index_cast %mul3A_1425 : i32 to index
      %get3A_1427 = tpu.vector_load %arg6[%get3A_1426] {strides = array<i32>} : memref<32768xf32, #tpu.memory_space<vmem>>, vector<16xf32>,
      %min3A_1428 = arith.minimumf %max3A_1418, %get3A_1427 : vector<16xf32>
      %max3A_1429 = arith.maximumf %max3A_1417, %min3A_1428 : vector<16xf32>
      %max3A_1430 = arith.maximumf %max3A_1418, %get3A_1427 : vector<16xf32>
      %max3A_1431 = arith.maximumf %max3A_1419, %get3A_1427 : vector<16xf32>
      %mul3A_1432 = arith.constant 16 : i32
      %mul3A_1433 = arith.muli %scan3A_1238, %mul3A_1432 : i32
      %swap3A_1434 = arith.index_cast %mul3A_1433 : i32 to index
      %swap3A_1435 = tpu.vector_load %arg7[%swap3A_1434] {strides = array<i32>} : memref<2048xf32, #tpu.memory_space<vmem>>, vector<16xf32>,
      tpu.vector_store %arg7[%swap3A_1434], %max3A_1431 {strides = array<i32>} : memref<2048xf32, #tpu.memory_space<vmem>>, vector<16xf32>,
      scf.yield %max3A_1430, %max3A_1429 : vector<16xf32>, vector<16xf32>
    }
    %scan3A_627 = arith.constant 128 : i32
    %reduce_min3A_628 = arith.constant true
    %reduce_min3A_629 = vector.broadcast %reduce_min3A_628 : i1 to vector<16xi1>
    %reduce_min3A_630 = tpu.scan <min>, %scan3A_626#1 masked %reduce_min3A_629 : vector<16xf32>, vector<16xi1> -> vector<16xf32>
    %reduce_min3A_631 = vector.extract %reduce_min3A_630[15] : f32 from vector<16xf32>
    %broadcast_in_dim3A_632 = vector.broadcast %reduce_min3A_631 : f32 to vector<16xf32>
    %bitcast3A_633 = vector.bitcast %broadcast_in_dim3A_632 : vector<16xf32> to vector<16xi32>
    %slice3A_634 = vector.extract_strided_slice %bitcast3A_633 {offsets = [0], sizes = [1], strides = [1]} : vector<16xi32> to vector<1xi32>
    %squeeze3A_635 = vector.extract %slice3A_634[0] : i32 from vector<1xi32>
    %reduce_max3A_636 = arith.constant true
    %reduce_max3A_637 = vector.broadcast %reduce_max3A_636 : i1 to vector<16xi1>
    %reduce_max3A_638 = tpu.scan <max>, %scan3A_626#0 masked %reduce_max3A_637 : vector<16xf32>, vector<16xi1> -> vector<16xf32>
    %reduce_max3A_639 = vector.extract %reduce_max3A_638[15] : f32 from vector<16xf32>
    %broadcast_in_dim3A_640 = vector.broadcast %reduce_max3A_639 : f32 to vector<16xf32>
    %bitcast3A_641 = vector.bitcast %broadcast_in_dim3A_640 : vector<16xf32> to vector<16xi32>
    %slice3A_642 = vector.extract_strided_slice %bitcast3A_641 {offsets = [0], sizes = [1], strides = [1]} : vector<16xi32> to vector<1xi32>
    %squeeze3A_643 = vector.extract %slice3A_642[0] : i32 from vector<1xi32>
    %broadcast_in_dim3A_644 = arith.constant -1.000000e+00 : f32
    %broadcast_in_dim3A_645 = vector.broadcast %broadcast_in_dim3A_644 : f32 to vector<16xf32>
    %scan3A_646 = arith.constant 0 : i32
    %scan3A_647 = arith.constant 0 : i32
    %scan3A_648 = arith.constant 8 : i32
    %scan3A_649 = arith.addi %scan3A_647, %scan3A_648 : i32
    %scan3A_650 = arith.constant 1 : i32
    %scan3A_651 = scf.for %scan3A_1238 = %scan3A_647 to %scan3A_649 step %scan3A_650 iter_args(%scan3A_1239 = %scan3A_646) -> (i32)  : i32 {
      %mul3A_1240 = arith.constant 4 : i32
      %mul3A_1241 = arith.muli %scan3A_1238, %mul3A_1240 : i32
      %add3A_1242 = arith.constant 0 : i32
      %add3A_1243 = arith.addi %mul3A_1241, %add3A_1242 : i32
      %mul3A_1244 = arith.constant 16 : i32
      %mul3A_1245 = arith.muli %add3A_1243, %mul3A_1244 : i32
      %swap3A_1246 = arith.index_cast %mul3A_1245 : i32 to index
      %swap3A_1247 = tpu.vector_load %arg8[%swap3A_1246] {strides = array<i32>} : memref<512xf32, #tpu.memory_space<vmem>>, vector<16xf32>,
      tpu.vector_store %arg8[%swap3A_1246], %broadcast_in_dim3A_645 {strides = array<i32>} : memref<512xf32, #tpu.memory_space<vmem>>, vector<16xf32>,
      %mul3A_1248 = arith.constant 4 : i32
      %mul3A_1249 = arith.muli %scan3A_1238, %mul3A_1248 : i32
      %add3A_1250 = arith.constant 1 : i32
      %add3A_1251 = arith.addi %mul3A_1249, %add3A_1250 : i32
      %mul3A_1252 = arith.constant 16 : i32
      %mul3A_1253 = arith.muli %add3A_1251, %mul3A_1252 : i32
      %swap3A_1254 = arith.index_cast %mul3A_1253 : i32 to index
      %swap3A_1255 = tpu.vector_load %arg8[%swap3A_1254] {strides = array<i32>} : memref<512xf32, #tpu.memory_space<vmem>>, vector<16xf32>,
      tpu.vector_store %arg8[%swap3A_1254], %broadcast_in_dim3A_645 {strides = array<i32>} : memref<512xf32, #tpu.memory_space<vmem>>, vector<16xf32>,
      %mul3A_1256 = arith.constant 4 : i32
      %mul3A_1257 = arith.muli %scan3A_1238, %mul3A_1256 : i32
      %add3A_1258 = arith.constant 2 : i32
      %add3A_1259 = arith.addi %mul3A_1257, %add3A_1258 : i32
      %mul3A_1260 = arith.constant 16 : i32
      %mul3A_1261 = arith.muli %add3A_1259, %mul3A_1260 : i32
      %swap3A_1262 = arith.index_cast %mul3A_1261 : i32 to index
      %swap3A_1263 = tpu.vector_load %arg8[%swap3A_1262] {strides = array<i32>} : memref<512xf32, #tpu.memory_space<vmem>>, vector<16xf32>,
      tpu.vector_store %arg8[%swap3A_1262], %broadcast_in_dim3A_645 {strides = array<i32>} : memref<512xf32, #tpu.memory_space<vmem>>, vector<16xf32>,
      %mul3A_1264 = arith.constant 4 : i32
      %mul3A_1265 = arith.muli %scan3A_1238, %mul3A_1264 : i32
      %add3A_1266 = arith.constant 3 : i32
      %add3A_1267 = arith.addi %mul3A_1265, %add3A_1266 : i32
      %mul3A_1268 = arith.constant 16 : i32
      %mul3A_1269 = arith.muli %add3A_1267, %mul3A_1268 : i32
      %swap3A_1270 = arith.index_cast %mul3A_1269 : i32 to index
      %swap3A_1271 = tpu.vector_load %arg8[%swap3A_1270] {strides = array<i32>} : memref<512xf32, #tpu.memory_space<vmem>>, vector<16xf32>,
      tpu.vector_store %arg8[%swap3A_1270], %broadcast_in_dim3A_645 {strides = array<i32>} : memref<512xf32, #tpu.memory_space<vmem>>, vector<16xf32>,
      %scan3A_1272 = arith.constant 0 : i32
      scf.yield %scan3A_1272 : i32
    }
    %scan3A_652 = arith.constant 8 : i32
    %scan3A_653 = arith.constant 0 : i32
    %scan3A_654 = arith.constant 128 : i32
    %scan3A_655 = arith.addi %scan3A_653, %scan3A_654 : i32
    %scan3A_656 = arith.constant 1 : i32
    %scan3A_657 = scf.for %scan3A_1238 = %scan3A_653 to %scan3A_655 step %scan3A_656 iter_args(%scan3A_1239 = %broadcast_in_dim3A_3) -> (vector<16xi32>)  : i32 {
      %mul3A_1240 = arith.constant 16 : i32
      %mul3A_1241 = arith.muli %scan3A_1238, %mul3A_1240 : i32
      %get3A_1242 = arith.index_cast %mul3A_1241 : i32 to index
      %get3A_1243 = tpu.vector_load %arg7[%get3A_1242] {strides = array<i32>} : memref<2048xf32, #tpu.memory_space<vmem>>, vector<16xf32>,
      %ge3A = arith.cmpf oge, %get3A_1243, %broadcast_in_dim3A_632 : vector<16xf32>
      %all_reduce_population_count3A = tpu.all_reduce %ge3A {dim = 0 : i64, kind = #tpu.reduction_kind<sum>} : vector<16xi1> -> vector<16xi32>
      %slice3A_1244 = vector.extract_strided_slice %all_reduce_population_count3A {offsets = [0], sizes = [1], strides = [1]} : vector<16xi32> to vector<1xi32>
      %squeeze3A_1245 = vector.extract %slice3A_1244[0] : i32 from vector<1xi32>
      %gt3A = arith.constant 0 : i32
      %gt3A_1246 = arith.cmpi sgt, %squeeze3A_1245, %gt3A : i32
      %convert_element_type3A = arith.extui %gt3A_1246 : i1 to i32
      %cond3A = arith.constant 0 : i32
      %cond3A_1247 = arith.cmpi ne, %convert_element_type3A, %cond3A : i32
      %cond3A_1248 = scf.if %cond3A_1247 -> (vector<16xi32>) {
        %mul3A_1249 = arith.constant 16 : i32
        %mul3A_1250 = arith.muli %scan3A_1238, %mul3A_1249 : i32
        %add3A_1251 = arith.constant 0 : i32
        %add3A_1252 = arith.addi %mul3A_1250, %add3A_1251 : i32
        %mul3A_1253 = arith.constant 16 : i32
        %mul3A_1254 = arith.muli %add3A_1252, %mul3A_1253 : i32
        %get3A_1255 = arith.index_cast %mul3A_1254 : i32 to index
        %get3A_1256 = tpu.vector_load %arg6[%get3A_1255] {strides = array<i32>} : memref<32768xf32, #tpu.memory_space<vmem>>, vector<16xf32>,
        %ge3A_1257 = arith.cmpf oge, %get3A_1256, %broadcast_in_dim3A_632 : vector<16xf32>
        %min3A_1258 = arith.constant 31 : i32
        %min3A_1259 = vector.broadcast %min3A_1258 : i32 to vector<16xi32>
        %min3A_1260 = arith.minsi %scan3A_1239, %min3A_1259 : vector<16xi32>
        %mul3A_1261 = arith.constant 16 : i32
        %mul3A_1262 = vector.broadcast %mul3A_1261 : i32 to vector<16xi32>
        %mul3A_1263 = arith.muli %min3A_1260, %mul3A_1262 : vector<16xi32>
        %add3A_1264 = arith.addi %mul3A_1263, %iota3A : vector<16xi32>
        tpu.vector_store_idx %arg8[%add3A_1264], %get3A_1256 masked %ge3A_1257 : memref<512xf32, #tpu.memory_space<vmem>>[vector<16xi32>], vector<16xf32>, vector<16xi1>
        %mul3A_1265 = arith.constant 16 : i32
        %mul3A_1266 = arith.muli %add3A_1252, %mul3A_1265 : i32
        %add3A_1267 = vector.broadcast %mul3A_1266 : i32 to vector<16xi32>
        %add3A_1268 = arith.addi %add3A_1267, %iota3A : vector<16xi32>
        tpu.vector_store_idx %arg9[%add3A_1264], %add3A_1268 masked %ge3A_1257 : memref<512xi32, #tpu.memory_space<vmem>>[vector<16xi32>], vector<16xi32>, vector<16xi1>
        %jit3A = arith.constant 1 : i32
        %jit3A_1269 = arith.constant 0 : i32
        %broadcast_in_dim3A_1270 = vector.broadcast %jit3A : i32 to vector<16xi32>
        %broadcast_in_dim3A_1271 = vector.broadcast %jit3A_1269 : i32 to vector<16xi32>
        %select_n3A = arith.select %ge3A_1257, %broadcast_in_dim3A_1270, %broadcast_in_dim3A_1271 : vector<16xi1>, vector<16xi32>
        %add3A_1272 = arith.addi %scan3A_1239, %select_n3A : vector<16xi32>
        %mul3A_1273 = arith.constant 16 : i32
        %mul3A_1274 = arith.muli %scan3A_1238, %mul3A_1273 : i32
        %add3A_1275 = arith.constant 1 : i32
        %add3A_1276 = arith.addi %mul3A_1274, %add3A_1275 : i32
        %mul3A_1277 = arith.constant 16 : i32
        %mul3A_1278 = arith.muli %add3A_1276, %mul3A_1277 : i32
        %get3A_1279 = arith.index_cast %mul3A_1278 : i32 to index
        %get3A_1280 = tpu.vector_load %arg6[%get3A_1279] {strides = array<i32>} : memref<32768xf32, #tpu.memory_space<vmem>>, vector<16xf32>,
        %ge3A_1281 = arith.cmpf oge, %get3A_1280, %broadcast_in_dim3A_632 : vector<16xf32>
        %min3A_1282 = arith.constant 31 : i32
        %min3A_1283 = vector.broadcast %min3A_1282 : i32 to vector<16xi32>
        %min3A_1284 = arith.minsi %add3A_1272, %min3A_1283 : vector<16xi32>
        %mul3A_1285 = arith.constant 16 : i32
        %mul3A_1286 = vector.broadcast %mul3A_1285 : i32 to vector<16xi32>
        %mul3A_1287 = arith.muli %min3A_1284, %mul3A_1286 : vector<16xi32>
        %add3A_1288 = arith.addi %mul3A_1287, %iota3A : vector<16xi32>
        tpu.vector_store_idx %arg8[%add3A_1288], %get3A_1280 masked %ge3A_1281 : memref<512xf32, #tpu.memory_space<vmem>>[vector<16xi32>], vector<16xf32>, vector<16xi1>
        %mul3A_1289 = arith.constant 16 : i32
        %mul3A_1290 = arith.muli %add3A_1276, %mul3A_1289 : i32
        %add3A_1291 = vector.broadcast %mul3A_1290 : i32 to vector<16xi32>
        %add3A_1292 = arith.addi %add3A_1291, %iota3A : vector<16xi32>
        tpu.vector_store_idx %arg9[%add3A_1288], %add3A_1292 masked %ge3A_1281 : memref<512xi32, #tpu.memory_space<vmem>>[vector<16xi32>], vector<16xi32>, vector<16xi1>
        %jit3A_1293 = arith.constant 1 : i32
        %jit3A_1294 = arith.constant 0 : i32
        %broadcast_in_dim3A_1295 = vector.broadcast %jit3A_1293 : i32 to vector<16xi32>
        %broadcast_in_dim3A_1296 = vector.broadcast %jit3A_1294 : i32 to vector<16xi32>
        %select_n3A_1297 = arith.select %ge3A_1281, %broadcast_in_dim3A_1295, %broadcast_in_dim3A_1296 : vector<16xi1>, vector<16xi32>
        %add3A_1298 = arith.addi %add3A_1272, %select_n3A_1297 : vector<16xi32>
        %mul3A_1299 = arith.constant 16 : i32
        %mul3A_1300 = arith.muli %scan3A_1238, %mul3A_1299 : i32
        %add3A_1301 = arith.constant 2 : i32
        %add3A_1302 = arith.addi %mul3A_1300, %add3A_1301 : i32
        %mul3A_1303 = arith.constant 16 : i32
        %mul3A_1304 = arith.muli %add3A_1302, %mul3A_1303 : i32
        %get3A_1305 = arith.index_cast %mul3A_1304 : i32 to index
        %get3A_1306 = tpu.vector_load %arg6[%get3A_1305] {strides = array<i32>} : memref<32768xf32, #tpu.memory_space<vmem>>, vector<16xf32>,
        %ge3A_1307 = arith.cmpf oge, %get3A_1306, %broadcast_in_dim3A_632 : vector<16xf32>
        %min3A_1308 = arith.constant 31 : i32
        %min3A_1309 = vector.broadcast %min3A_1308 : i32 to vector<16xi32>
        %min3A_1310 = arith.minsi %add3A_1298, %min3A_1309 : vector<16xi32>
        %mul3A_1311 = arith.constant 16 : i32
        %mul3A_1312 = vector.broadcast %mul3A_1311 : i32 to vector<16xi32>
        %mul3A_1313 = arith.muli %min3A_1310, %mul3A_1312 : vector<16xi32>
        %add3A_1314 = arith.addi %mul3A_1313, %iota3A : vector<16xi32>
        tpu.vector_store_idx %arg8[%add3A_1314], %get3A_1306 masked %ge3A_1307 : memref<512xf32, #tpu.memory_space<vmem>>[vector<16xi32>], vector<16xf32>, vector<16xi1>
        %mul3A_1315 = arith.constant 16 : i32
        %mul3A_1316 = arith.muli %add3A_1302, %mul3A_1315 : i32
        %add3A_1317 = vector.broadcast %mul3A_1316 : i32 to vector<16xi32>
        %add3A_1318 = arith.addi %add3A_1317, %iota3A : vector<16xi32>
        tpu.vector_store_idx %arg9[%add3A_1314], %add3A_1318 masked %ge3A_1307 : memref<512xi32, #tpu.memory_space<vmem>>[vector<16xi32>], vector<16xi32>, vector<16xi1>
        %jit3A_1319 = arith.constant 1 : i32
        %jit3A_1320 = arith.constant 0 : i32
        %broadcast_in_dim3A_1321 = vector.broadcast %jit3A_1319 : i32 to vector<16xi32>
        %broadcast_in_dim3A_1322 = vector.broadcast %jit3A_1320 : i32 to vector<16xi32>
        %select_n3A_1323 = arith.select %ge3A_1307, %broadcast_in_dim3A_1321, %broadcast_in_dim3A_1322 : vector<16xi1>, vector<16xi32>
        %add3A_1324 = arith.addi %add3A_1298, %select_n3A_1323 : vector<16xi32>
        %mul3A_1325 = arith.constant 16 : i32
        %mul3A_1326 = arith.muli %scan3A_1238, %mul3A_1325 : i32
        %add3A_1327 = arith.constant 3 : i32
        %add3A_1328 = arith.addi %mul3A_1326, %add3A_1327 : i32
        %mul3A_1329 = arith.constant 16 : i32
        %mul3A_1330 = arith.muli %add3A_1328, %mul3A_1329 : i32
        %get3A_1331 = arith.index_cast %mul3A_1330 : i32 to index
        %get3A_1332 = tpu.vector_load %arg6[%get3A_1331] {strides = array<i32>} : memref<32768xf32, #tpu.memory_space<vmem>>, vector<16xf32>,
        %ge3A_1333 = arith.cmpf oge, %get3A_1332, %broadcast_in_dim3A_632 : vector<16xf32>
        %min3A_1334 = arith.constant 31 : i32
        %min3A_1335 = vector.broadcast %min3A_1334 : i32 to vector<16xi32>
        %min3A_1336 = arith.minsi %add3A_1324, %min3A_1335 : vector<16xi32>
        %mul3A_1337 = arith.constant 16 : i32
        %mul3A_1338 = vector.broadcast %mul3A_1337 : i32 to vector<16xi32>
        %mul3A_1339 = arith.muli %min3A_1336, %mul3A_1338 : vector<16xi32>
        %add3A_1340 = arith.addi %mul3A_1339, %iota3A : vector<16xi32>
        tpu.vector_store_idx %arg8[%add3A_1340], %get3A_1332 masked %ge3A_1333 : memref<512xf32, #tpu.memory_space<vmem>>[vector<16xi32>], vector<16xf32>, vector<16xi1>
        %mul3A_1341 = arith.constant 16 : i32
        %mul3A_1342 = arith.muli %add3A_1328, %mul3A_1341 : i32
        %add3A_1343 = vector.broadcast %mul3A_1342 : i32 to vector<16xi32>
        %add3A_1344 = arith.addi %add3A_1343, %iota3A : vector<16xi32>
        tpu.vector_store_idx %arg9[%add3A_1340], %add3A_1344 masked %ge3A_1333 : memref<512xi32, #tpu.memory_space<vmem>>[vector<16xi32>], vector<16xi32>, vector<16xi1>
        %jit3A_1345 = arith.constant 1 : i32
        %jit3A_1346 = arith.constant 0 : i32
        %broadcast_in_dim3A_1347 = vector.broadcast %jit3A_1345 : i32 to vector<16xi32>
        %broadcast_in_dim3A_1348 = vector.broadcast %jit3A_1346 : i32 to vector<16xi32>
        %select_n3A_1349 = arith.select %ge3A_1333, %broadcast_in_dim3A_1347, %broadcast_in_dim3A_1348 : vector<16xi1>, vector<16xi32>
        %add3A_1350 = arith.addi %add3A_1324, %select_n3A_1349 : vector<16xi32>
        %mul3A_1351 = arith.constant 16 : i32
        %mul3A_1352 = arith.muli %scan3A_1238, %mul3A_1351 : i32
        %add3A_1353 = arith.constant 4 : i32
        %add3A_1354 = arith.addi %mul3A_1352, %add3A_1353 : i32
        %mul3A_1355 = arith.constant 16 : i32
        %mul3A_1356 = arith.muli %add3A_1354, %mul3A_1355 : i32
        %get3A_1357 = arith.index_cast %mul3A_1356 : i32 to index
        %get3A_1358 = tpu.vector_load %arg6[%get3A_1357] {strides = array<i32>} : memref<32768xf32, #tpu.memory_space<vmem>>, vector<16xf32>,
        %ge3A_1359 = arith.cmpf oge, %get3A_1358, %broadcast_in_dim3A_632 : vector<16xf32>
        %min3A_1360 = arith.constant 31 : i32
        %min3A_1361 = vector.broadcast %min3A_1360 : i32 to vector<16xi32>
        %min3A_1362 = arith.minsi %add3A_1350, %min3A_1361 : vector<16xi32>
        %mul3A_1363 = arith.constant 16 : i32
        %mul3A_1364 = vector.broadcast %mul3A_1363 : i32 to vector<16xi32>
        %mul3A_1365 = arith.muli %min3A_1362, %mul3A_1364 : vector<16xi32>
        %add3A_1366 = arith.addi %mul3A_1365, %iota3A : vector<16xi32>
        tpu.vector_store_idx %arg8[%add3A_1366], %get3A_1358 masked %ge3A_1359 : memref<512xf32, #tpu.memory_space<vmem>>[vector<16xi32>], vector<16xf32>, vector<16xi1>
        %mul3A_1367 = arith.constant 16 : i32
        %mul3A_1368 = arith.muli %add3A_1354, %mul3A_1367 : i32
        %add3A_1369 = vector.broadcast %mul3A_1368 : i32 to vector<16xi32>
        %add3A_1370 = arith.addi %add3A_1369, %iota3A : vector<16xi32>
        tpu.vector_store_idx %arg9[%add3A_1366], %add3A_1370 masked %ge3A_1359 : memref<512xi32, #tpu.memory_space<vmem>>[vector<16xi32>], vector<16xi32>, vector<16xi1>
        %jit3A_1371 = arith.constant 1 : i32
        %jit3A_1372 = arith.constant 0 : i32
        %broadcast_in_dim3A_1373 = vector.broadcast %jit3A_1371 : i32 to vector<16xi32>
        %broadcast_in_dim3A_1374 = vector.broadcast %jit3A_1372 : i32 to vector<16xi32>
        %select_n3A_1375 = arith.select %ge3A_1359, %broadcast_in_dim3A_1373, %broadcast_in_dim3A_1374 : vector<16xi1>, vector<16xi32>
        %add3A_1376 = arith.addi %add3A_1350, %select_n3A_1375 : vector<16xi32>
        %mul3A_1377 = arith.constant 16 : i32
        %mul3A_1378 = arith.muli %scan3A_1238, %mul3A_1377 : i32
        %add3A_1379 = arith.constant 5 : i32
        %add3A_1380 = arith.addi %mul3A_1378, %add3A_1379 : i32
        %mul3A_1381 = arith.constant 16 : i32
        %mul3A_1382 = arith.muli %add3A_1380, %mul3A_1381 : i32
        %get3A_1383 = arith.index_cast %mul3A_1382 : i32 to index
        %get3A_1384 = tpu.vector_load %arg6[%get3A_1383] {strides = array<i32>} : memref<32768xf32, #tpu.memory_space<vmem>>, vector<16xf32>,
        %ge3A_1385 = arith.cmpf oge, %get3A_1384, %broadcast_in_dim3A_632 : vector<16xf32>
        %min3A_1386 = arith.constant 31 : i32
        %min3A_1387 = vector.broadcast %min3A_1386 : i32 to vector<16xi32>
        %min3A_1388 = arith.minsi %add3A_1376, %min3A_1387 : vector<16xi32>
        %mul3A_1389 = arith.constant 16 : i32
        %mul3A_1390 = vector.broadcast %mul3A_1389 : i32 to vector<16xi32>
        %mul3A_1391 = arith.muli %min3A_1388, %mul3A_1390 : vector<16xi32>
        %add3A_1392 = arith.addi %mul3A_1391, %iota3A : vector<16xi32>
        tpu.vector_store_idx %arg8[%add3A_1392], %get3A_1384 masked %ge3A_1385 : memref<512xf32, #tpu.memory_space<vmem>>[vector<16xi32>], vector<16xf32>, vector<16xi1>
        %mul3A_1393 = arith.constant 16 : i32
        %mul3A_1394 = arith.muli %add3A_1380, %mul3A_1393 : i32
        %add3A_1395 = vector.broadcast %mul3A_1394 : i32 to vector<16xi32>
        %add3A_1396 = arith.addi %add3A_1395, %iota3A : vector<16xi32>
        tpu.vector_store_idx %arg9[%add3A_1392], %add3A_1396 masked %ge3A_1385 : memref<512xi32, #tpu.memory_space<vmem>>[vector<16xi32>], vector<16xi32>, vector<16xi1>
        %jit3A_1397 = arith.constant 1 : i32
        %jit3A_1398 = arith.constant 0 : i32
        %broadcast_in_dim3A_1399 = vector.broadcast %jit3A_1397 : i32 to vector<16xi32>
        %broadcast_in_dim3A_1400 = vector.broadcast %jit3A_1398 : i32 to vector<16xi32>
        %select_n3A_1401 = arith.select %ge3A_1385, %broadcast_in_dim3A_1399, %broadcast_in_dim3A_1400 : vector<16xi1>, vector<16xi32>
        %add3A_1402 = arith.addi %add3A_1376, %select_n3A_1401 : vector<16xi32>
        %mul3A_1403 = arith.constant 16 : i32
        %mul3A_1404 = arith.muli %scan3A_1238, %mul3A_1403 : i32
        %add3A_1405 = arith.constant 6 : i32
        %add3A_1406 = arith.addi %mul3A_1404, %add3A_1405 : i32
        %mul3A_1407 = arith.constant 16 : i32
        %mul3A_1408 = arith.muli %add3A_1406, %mul3A_1407 : i32
        %get3A_1409 = arith.index_cast %mul3A_1408 : i32 to index
        %get3A_1410 = tpu.vector_load %arg6[%get3A_1409] {strides = array<i32>} : memref<32768xf32, #tpu.memory_space<vmem>>, vector<16xf32>,
        %ge3A_1411 = arith.cmpf oge, %get3A_1410, %broadcast_in_dim3A_632 : vector<16xf32>
        %min3A_1412 = arith.constant 31 : i32
        %min3A_1413 = vector.broadcast %min3A_1412 : i32 to vector<16xi32>
        %min3A_1414 = arith.minsi %add3A_1402, %min3A_1413 : vector<16xi32>
        %mul3A_1415 = arith.constant 16 : i32
        %mul3A_1416 = vector.broadcast %mul3A_1415 : i32 to vector<16xi32>
        %mul3A_1417 = arith.muli %min3A_1414, %mul3A_1416 : vector<16xi32>
        %add3A_1418 = arith.addi %mul3A_1417, %iota3A : vector<16xi32>
        tpu.vector_store_idx %arg8[%add3A_1418], %get3A_1410 masked %ge3A_1411 : memref<512xf32, #tpu.memory_space<vmem>>[vector<16xi32>], vector<16xf32>, vector<16xi1>
        %mul3A_1419 = arith.constant 16 : i32
        %mul3A_1420 = arith.muli %add3A_1406, %mul3A_1419 : i32
        %add3A_1421 = vector.broadcast %mul3A_1420 : i32 to vector<16xi32>
        %add3A_1422 = arith.addi %add3A_1421, %iota3A : vector<16xi32>
        tpu.vector_store_idx %arg9[%add3A_1418], %add3A_1422 masked %ge3A_1411 : memref<512xi32, #tpu.memory_space<vmem>>[vector<16xi32>], vector<16xi32>, vector<16xi1>
        %jit3A_1423 = arith.constant 1 : i32
        %jit3A_1424 = arith.constant 0 : i32
        %broadcast_in_dim3A_1425 = vector.broadcast %jit3A_1423 : i32 to vector<16xi32>
        %broadcast_in_dim3A_1426 = vector.broadcast %jit3A_1424 : i32 to vector<16xi32>
        %select_n3A_1427 = arith.select %ge3A_1411, %broadcast_in_dim3A_1425, %broadcast_in_dim3A_1426 : vector<16xi1>, vector<16xi32>
        %add3A_1428 = arith.addi %add3A_1402, %select_n3A_1427 : vector<16xi32>
        %mul3A_1429 = arith.constant 16 : i32
        %mul3A_1430 = arith.muli %scan3A_1238, %mul3A_1429 : i32
        %add3A_1431 = arith.constant 7 : i32
        %add3A_1432 = arith.addi %mul3A_1430, %add3A_1431 : i32
        %mul3A_1433 = arith.constant 16 : i32
        %mul3A_1434 = arith.muli %add3A_1432, %mul3A_1433 : i32
        %get3A_1435 = arith.index_cast %mul3A_1434 : i32 to index
        %get3A_1436 = tpu.vector_load %arg6[%get3A_1435] {strides = array<i32>} : memref<32768xf32, #tpu.memory_space<vmem>>, vector<16xf32>,
        %ge3A_1437 = arith.cmpf oge, %get3A_1436, %broadcast_in_dim3A_632 : vector<16xf32>
        %min3A_1438 = arith.constant 31 : i32
        %min3A_1439 = vector.broadcast %min3A_1438 : i32 to vector<16xi32>
        %min3A_1440 = arith.minsi %add3A_1428, %min3A_1439 : vector<16xi32>
        %mul3A_1441 = arith.constant 16 : i32
        %mul3A_1442 = vector.broadcast %mul3A_1441 : i32 to vector<16xi32>
        %mul3A_1443 = arith.muli %min3A_1440, %mul3A_1442 : vector<16xi32>
        %add3A_1444 = arith.addi %mul3A_1443, %iota3A : vector<16xi32>
        tpu.vector_store_idx %arg8[%add3A_1444], %get3A_1436 masked %ge3A_1437 : memref<512xf32, #tpu.memory_space<vmem>>[vector<16xi32>], vector<16xf32>, vector<16xi1>
        %mul3A_1445 = arith.constant 16 : i32
        %mul3A_1446 = arith.muli %add3A_1432, %mul3A_1445 : i32
        %add3A_1447 = vector.broadcast %mul3A_1446 : i32 to vector<16xi32>
        %add3A_1448 = arith.addi %add3A_1447, %iota3A : vector<16xi32>
        tpu.vector_store_idx %arg9[%add3A_1444], %add3A_1448 masked %ge3A_1437 : memref<512xi32, #tpu.memory_space<vmem>>[vector<16xi32>], vector<16xi32>, vector<16xi1>
        %jit3A_1449 = arith.constant 1 : i32
        %jit3A_1450 = arith.constant 0 : i32
        %broadcast_in_dim3A_1451 = vector.broadcast %jit3A_1449 : i32 to vector<16xi32>
        %broadcast_in_dim3A_1452 = vector.broadcast %jit3A_1450 : i32 to vector<16xi32>
        %select_n3A_1453 = arith.select %ge3A_1437, %broadcast_in_dim3A_1451, %broadcast_in_dim3A_1452 : vector<16xi1>, vector<16xi32>
        %add3A_1454 = arith.addi %add3A_1428, %select_n3A_1453 : vector<16xi32>
        %mul3A_1455 = arith.constant 16 : i32
        %mul3A_1456 = arith.muli %scan3A_1238, %mul3A_1455 : i32
        %add3A_1457 = arith.constant 8 : i32
        %add3A_1458 = arith.addi %mul3A_1456, %add3A_1457 : i32
        %mul3A_1459 = arith.constant 16 : i32
        %mul3A_1460 = arith.muli %add3A_1458, %mul3A_1459 : i32
        %get3A_1461 = arith.index_cast %mul3A_1460 : i32 to index
        %get3A_1462 = tpu.vector_load %arg6[%get3A_1461] {strides = array<i32>} : memref<32768xf32, #tpu.memory_space<vmem>>, vector<16xf32>,
        %ge3A_1463 = arith.cmpf oge, %get3A_1462, %broadcast_in_dim3A_632 : vector<16xf32>
        %min3A_1464 = arith.constant 31 : i32
        %min3A_1465 = vector.broadcast %min3A_1464 : i32 to vector<16xi32>
        %min3A_1466 = arith.minsi %add3A_1454, %min3A_1465 : vector<16xi32>
        %mul3A_1467 = arith.constant 16 : i32
        %mul3A_1468 = vector.broadcast %mul3A_1467 : i32 to vector<16xi32>
        %mul3A_1469 = arith.muli %min3A_1466, %mul3A_1468 : vector<16xi32>
        %add3A_1470 = arith.addi %mul3A_1469, %iota3A : vector<16xi32>
        tpu.vector_store_idx %arg8[%add3A_1470], %get3A_1462 masked %ge3A_1463 : memref<512xf32, #tpu.memory_space<vmem>>[vector<16xi32>], vector<16xf32>, vector<16xi1>
        %mul3A_1471 = arith.constant 16 : i32
        %mul3A_1472 = arith.muli %add3A_1458, %mul3A_1471 : i32
        %add3A_1473 = vector.broadcast %mul3A_1472 : i32 to vector<16xi32>
        %add3A_1474 = arith.addi %add3A_1473, %iota3A : vector<16xi32>
        tpu.vector_store_idx %arg9[%add3A_1470], %add3A_1474 masked %ge3A_1463 : memref<512xi32, #tpu.memory_space<vmem>>[vector<16xi32>], vector<16xi32>, vector<16xi1>
        %jit3A_1475 = arith.constant 1 : i32
        %jit3A_1476 = arith.constant 0 : i32
        %broadcast_in_dim3A_1477 = vector.broadcast %jit3A_1475 : i32 to vector<16xi32>
        %broadcast_in_dim3A_1478 = vector.broadcast %jit3A_1476 : i32 to vector<16xi32>
        %select_n3A_1479 = arith.select %ge3A_1463, %broadcast_in_dim3A_1477, %broadcast_in_dim3A_1478 : vector<16xi1>, vector<16xi32>
        %add3A_1480 = arith.addi %add3A_1454, %select_n3A_1479 : vector<16xi32>
        %mul3A_1481 = arith.constant 16 : i32
        %mul3A_1482 = arith.muli %scan3A_1238, %mul3A_1481 : i32
        %add3A_1483 = arith.constant 9 : i32
        %add3A_1484 = arith.addi %mul3A_1482, %add3A_1483 : i32
        %mul3A_1485 = arith.constant 16 : i32
        %mul3A_1486 = arith.muli %add3A_1484, %mul3A_1485 : i32
        %get3A_1487 = arith.index_cast %mul3A_1486 : i32 to index
        %get3A_1488 = tpu.vector_load %arg6[%get3A_1487] {strides = array<i32>} : memref<32768xf32, #tpu.memory_space<vmem>>, vector<16xf32>,
        %ge3A_1489 = arith.cmpf oge, %get3A_1488, %broadcast_in_dim3A_632 : vector<16xf32>
        %min3A_1490 = arith.constant 31 : i32
        %min3A_1491 = vector.broadcast %min3A_1490 : i32 to vector<16xi32>
        %min3A_1492 = arith.minsi %add3A_1480, %min3A_1491 : vector<16xi32>
        %mul3A_1493 = arith.constant 16 : i32
        %mul3A_1494 = vector.broadcast %mul3A_1493 : i32 to vector<16xi32>
        %mul3A_1495 = arith.muli %min3A_1492, %mul3A_1494 : vector<16xi32>
        %add3A_1496 = arith.addi %mul3A_1495, %iota3A : vector<16xi32>
        tpu.vector_store_idx %arg8[%add3A_1496], %get3A_1488 masked %ge3A_1489 : memref<512xf32, #tpu.memory_space<vmem>>[vector<16xi32>], vector<16xf32>, vector<16xi1>
        %mul3A_1497 = arith.constant 16 : i32
        %mul3A_1498 = arith.muli %add3A_1484, %mul3A_1497 : i32
        %add3A_1499 = vector.broadcast %mul3A_1498 : i32 to vector<16xi32>
        %add3A_1500 = arith.addi %add3A_1499, %iota3A : vector<16xi32>
        tpu.vector_store_idx %arg9[%add3A_1496], %add3A_1500 masked %ge3A_1489 : memref<512xi32, #tpu.memory_space<vmem>>[vector<16xi32>], vector<16xi32>, vector<16xi1>
        %jit3A_1501 = arith.constant 1 : i32
        %jit3A_1502 = arith.constant 0 : i32
        %broadcast_in_dim3A_1503 = vector.broadcast %jit3A_1501 : i32 to vector<16xi32>
        %broadcast_in_dim3A_1504 = vector.broadcast %jit3A_1502 : i32 to vector<16xi32>
        %select_n3A_1505 = arith.select %ge3A_1489, %broadcast_in_dim3A_1503, %broadcast_in_dim3A_1504 : vector<16xi1>, vector<16xi32>
        %add3A_1506 = arith.addi %add3A_1480, %select_n3A_1505 : vector<16xi32>
        %mul3A_1507 = arith.constant 16 : i32
        %mul3A_1508 = arith.muli %scan3A_1238, %mul3A_1507 : i32
        %add3A_1509 = arith.constant 10 : i32
        %add3A_1510 = arith.addi %mul3A_1508, %add3A_1509 : i32
        %mul3A_1511 = arith.constant 16 : i32
        %mul3A_1512 = arith.muli %add3A_1510, %mul3A_1511 : i32
        %get3A_1513 = arith.index_cast %mul3A_1512 : i32 to index
        %get3A_1514 = tpu.vector_load %arg6[%get3A_1513] {strides = array<i32>} : memref<32768xf32, #tpu.memory_space<vmem>>, vector<16xf32>,
        %ge3A_1515 = arith.cmpf oge, %get3A_1514, %broadcast_in_dim3A_632 : vector<16xf32>
        %min3A_1516 = arith.constant 31 : i32
        %min3A_1517 = vector.broadcast %min3A_1516 : i32 to vector<16xi32>
        %min3A_1518 = arith.minsi %add3A_1506, %min3A_1517 : vector<16xi32>
        %mul3A_1519 = arith.constant 16 : i32
        %mul3A_1520 = vector.broadcast %mul3A_1519 : i32 to vector<16xi32>
        %mul3A_1521 = arith.muli %min3A_1518, %mul3A_1520 : vector<16xi32>
        %add3A_1522 = arith.addi %mul3A_1521, %iota3A : vector<16xi32>
        tpu.vector_store_idx %arg8[%add3A_1522], %get3A_1514 masked %ge3A_1515 : memref<512xf32, #tpu.memory_space<vmem>>[vector<16xi32>], vector<16xf32>, vector<16xi1>
        %mul3A_1523 = arith.constant 16 : i32
        %mul3A_1524 = arith.muli %add3A_1510, %mul3A_1523 : i32
        %add3A_1525 = vector.broadcast %mul3A_1524 : i32 to vector<16xi32>
        %add3A_1526 = arith.addi %add3A_1525, %iota3A : vector<16xi32>
        tpu.vector_store_idx %arg9[%add3A_1522], %add3A_1526 masked %ge3A_1515 : memref<512xi32, #tpu.memory_space<vmem>>[vector<16xi32>], vector<16xi32>, vector<16xi1>
        %jit3A_1527 = arith.constant 1 : i32
        %jit3A_1528 = arith.constant 0 : i32
        %broadcast_in_dim3A_1529 = vector.broadcast %jit3A_1527 : i32 to vector<16xi32>
        %broadcast_in_dim3A_1530 = vector.broadcast %jit3A_1528 : i32 to vector<16xi32>
        %select_n3A_1531 = arith.select %ge3A_1515, %broadcast_in_dim3A_1529, %broadcast_in_dim3A_1530 : vector<16xi1>, vector<16xi32>
        %add3A_1532 = arith.addi %add3A_1506, %select_n3A_1531 : vector<16xi32>
        %mul3A_1533 = arith.constant 16 : i32
        %mul3A_1534 = arith.muli %scan3A_1238, %mul3A_1533 : i32
        %add3A_1535 = arith.constant 11 : i32
        %add3A_1536 = arith.addi %mul3A_1534, %add3A_1535 : i32
        %mul3A_1537 = arith.constant 16 : i32
        %mul3A_1538 = arith.muli %add3A_1536, %mul3A_1537 : i32
        %get3A_1539 = arith.index_cast %mul3A_1538 : i32 to index
        %get3A_1540 = tpu.vector_load %arg6[%get3A_1539] {strides = array<i32>} : memref<32768xf32, #tpu.memory_space<vmem>>, vector<16xf32>,
        %ge3A_1541 = arith.cmpf oge, %get3A_1540, %broadcast_in_dim3A_632 : vector<16xf32>
        %min3A_1542 = arith.constant 31 : i32
        %min3A_1543 = vector.broadcast %min3A_1542 : i32 to vector<16xi32>
        %min3A_1544 = arith.minsi %add3A_1532, %min3A_1543 : vector<16xi32>
        %mul3A_1545 = arith.constant 16 : i32
        %mul3A_1546 = vector.broadcast %mul3A_1545 : i32 to vector<16xi32>
        %mul3A_1547 = arith.muli %min3A_1544, %mul3A_1546 : vector<16xi32>
        %add3A_1548 = arith.addi %mul3A_1547, %iota3A : vector<16xi32>
        tpu.vector_store_idx %arg8[%add3A_1548], %get3A_1540 masked %ge3A_1541 : memref<512xf32, #tpu.memory_space<vmem>>[vector<16xi32>], vector<16xf32>, vector<16xi1>
        %mul3A_1549 = arith.constant 16 : i32
        %mul3A_1550 = arith.muli %add3A_1536, %mul3A_1549 : i32
        %add3A_1551 = vector.broadcast %mul3A_1550 : i32 to vector<16xi32>
        %add3A_1552 = arith.addi %add3A_1551, %iota3A : vector<16xi32>
        tpu.vector_store_idx %arg9[%add3A_1548], %add3A_1552 masked %ge3A_1541 : memref<512xi32, #tpu.memory_space<vmem>>[vector<16xi32>], vector<16xi32>, vector<16xi1>
        %jit3A_1553 = arith.constant 1 : i32
        %jit3A_1554 = arith.constant 0 : i32
        %broadcast_in_dim3A_1555 = vector.broadcast %jit3A_1553 : i32 to vector<16xi32>
        %broadcast_in_dim3A_1556 = vector.broadcast %jit3A_1554 : i32 to vector<16xi32>
        %select_n3A_1557 = arith.select %ge3A_1541, %broadcast_in_dim3A_1555, %broadcast_in_dim3A_1556 : vector<16xi1>, vector<16xi32>
        %add3A_1558 = arith.addi %add3A_1532, %select_n3A_1557 : vector<16xi32>
        %mul3A_1559 = arith.constant 16 : i32
        %mul3A_1560 = arith.muli %scan3A_1238, %mul3A_1559 : i32
        %add3A_1561 = arith.constant 12 : i32
        %add3A_1562 = arith.addi %mul3A_1560, %add3A_1561 : i32
        %mul3A_1563 = arith.constant 16 : i32
        %mul3A_1564 = arith.muli %add3A_1562, %mul3A_1563 : i32
        %get3A_1565 = arith.index_cast %mul3A_1564 : i32 to index
        %get3A_1566 = tpu.vector_load %arg6[%get3A_1565] {strides = array<i32>} : memref<32768xf32, #tpu.memory_space<vmem>>, vector<16xf32>,
        %ge3A_1567 = arith.cmpf oge, %get3A_1566, %broadcast_in_dim3A_632 : vector<16xf32>
        %min3A_1568 = arith.constant 31 : i32
        %min3A_1569 = vector.broadcast %min3A_1568 : i32 to vector<16xi32>
        %min3A_1570 = arith.minsi %add3A_1558, %min3A_1569 : vector<16xi32>
        %mul3A_1571 = arith.constant 16 : i32
        %mul3A_1572 = vector.broadcast %mul3A_1571 : i32 to vector<16xi32>
        %mul3A_1573 = arith.muli %min3A_1570, %mul3A_1572 : vector<16xi32>
        %add3A_1574 = arith.addi %mul3A_1573, %iota3A : vector<16xi32>
        tpu.vector_store_idx %arg8[%add3A_1574], %get3A_1566 masked %ge3A_1567 : memref<512xf32, #tpu.memory_space<vmem>>[vector<16xi32>], vector<16xf32>, vector<16xi1>
        %mul3A_1575 = arith.constant 16 : i32
        %mul3A_1576 = arith.muli %add3A_1562, %mul3A_1575 : i32
        %add3A_1577 = vector.broadcast %mul3A_1576 : i32 to vector<16xi32>
        %add3A_1578 = arith.addi %add3A_1577, %iota3A : vector<16xi32>
        tpu.vector_store_idx %arg9[%add3A_1574], %add3A_1578 masked %ge3A_1567 : memref<512xi32, #tpu.memory_space<vmem>>[vector<16xi32>], vector<16xi32>, vector<16xi1>
        %jit3A_1579 = arith.constant 1 : i32
        %jit3A_1580 = arith.constant 0 : i32
        %broadcast_in_dim3A_1581 = vector.broadcast %jit3A_1579 : i32 to vector<16xi32>
        %broadcast_in_dim3A_1582 = vector.broadcast %jit3A_1580 : i32 to vector<16xi32>
        %select_n3A_1583 = arith.select %ge3A_1567, %broadcast_in_dim3A_1581, %broadcast_in_dim3A_1582 : vector<16xi1>, vector<16xi32>
        %add3A_1584 = arith.addi %add3A_1558, %select_n3A_1583 : vector<16xi32>
        %mul3A_1585 = arith.constant 16 : i32
        %mul3A_1586 = arith.muli %scan3A_1238, %mul3A_1585 : i32
        %add3A_1587 = arith.constant 13 : i32
        %add3A_1588 = arith.addi %mul3A_1586, %add3A_1587 : i32
        %mul3A_1589 = arith.constant 16 : i32
        %mul3A_1590 = arith.muli %add3A_1588, %mul3A_1589 : i32
        %get3A_1591 = arith.index_cast %mul3A_1590 : i32 to index
        %get3A_1592 = tpu.vector_load %arg6[%get3A_1591] {strides = array<i32>} : memref<32768xf32, #tpu.memory_space<vmem>>, vector<16xf32>,
        %ge3A_1593 = arith.cmpf oge, %get3A_1592, %broadcast_in_dim3A_632 : vector<16xf32>
        %min3A_1594 = arith.constant 31 : i32
        %min3A_1595 = vector.broadcast %min3A_1594 : i32 to vector<16xi32>
        %min3A_1596 = arith.minsi %add3A_1584, %min3A_1595 : vector<16xi32>
        %mul3A_1597 = arith.constant 16 : i32
        %mul3A_1598 = vector.broadcast %mul3A_1597 : i32 to vector<16xi32>
        %mul3A_1599 = arith.muli %min3A_1596, %mul3A_1598 : vector<16xi32>
        %add3A_1600 = arith.addi %mul3A_1599, %iota3A : vector<16xi32>
        tpu.vector_store_idx %arg8[%add3A_1600], %get3A_1592 masked %ge3A_1593 : memref<512xf32, #tpu.memory_space<vmem>>[vector<16xi32>], vector<16xf32>, vector<16xi1>
        %mul3A_1601 = arith.constant 16 : i32
        %mul3A_1602 = arith.muli %add3A_1588, %mul3A_1601 : i32
        %add3A_1603 = vector.broadcast %mul3A_1602 : i32 to vector<16xi32>
        %add3A_1604 = arith.addi %add3A_1603, %iota3A : vector<16xi32>
        tpu.vector_store_idx %arg9[%add3A_1600], %add3A_1604 masked %ge3A_1593 : memref<512xi32, #tpu.memory_space<vmem>>[vector<16xi32>], vector<16xi32>, vector<16xi1>
        %jit3A_1605 = arith.constant 1 : i32
        %jit3A_1606 = arith.constant 0 : i32
        %broadcast_in_dim3A_1607 = vector.broadcast %jit3A_1605 : i32 to vector<16xi32>
        %broadcast_in_dim3A_1608 = vector.broadcast %jit3A_1606 : i32 to vector<16xi32>
        %select_n3A_1609 = arith.select %ge3A_1593, %broadcast_in_dim3A_1607, %broadcast_in_dim3A_1608 : vector<16xi1>, vector<16xi32>
        %add3A_1610 = arith.addi %add3A_1584, %select_n3A_1609 : vector<16xi32>
        %mul3A_1611 = arith.constant 16 : i32
        %mul3A_1612 = arith.muli %scan3A_1238, %mul3A_1611 : i32
        %add3A_1613 = arith.constant 14 : i32
        %add3A_1614 = arith.addi %mul3A_1612, %add3A_1613 : i32
        %mul3A_1615 = arith.constant 16 : i32
        %mul3A_1616 = arith.muli %add3A_1614, %mul3A_1615 : i32
        %get3A_1617 = arith.index_cast %mul3A_1616 : i32 to index
        %get3A_1618 = tpu.vector_load %arg6[%get3A_1617] {strides = array<i32>} : memref<32768xf32, #tpu.memory_space<vmem>>, vector<16xf32>,
        %ge3A_1619 = arith.cmpf oge, %get3A_1618, %broadcast_in_dim3A_632 : vector<16xf32>
        %min3A_1620 = arith.constant 31 : i32
        %min3A_1621 = vector.broadcast %min3A_1620 : i32 to vector<16xi32>
        %min3A_1622 = arith.minsi %add3A_1610, %min3A_1621 : vector<16xi32>
        %mul3A_1623 = arith.constant 16 : i32
        %mul3A_1624 = vector.broadcast %mul3A_1623 : i32 to vector<16xi32>
        %mul3A_1625 = arith.muli %min3A_1622, %mul3A_1624 : vector<16xi32>
        %add3A_1626 = arith.addi %mul3A_1625, %iota3A : vector<16xi32>
        tpu.vector_store_idx %arg8[%add3A_1626], %get3A_1618 masked %ge3A_1619 : memref<512xf32, #tpu.memory_space<vmem>>[vector<16xi32>], vector<16xf32>, vector<16xi1>
        %mul3A_1627 = arith.constant 16 : i32
        %mul3A_1628 = arith.muli %add3A_1614, %mul3A_1627 : i32
        %add3A_1629 = vector.broadcast %mul3A_1628 : i32 to vector<16xi32>
        %add3A_1630 = arith.addi %add3A_1629, %iota3A : vector<16xi32>
        tpu.vector_store_idx %arg9[%add3A_1626], %add3A_1630 masked %ge3A_1619 : memref<512xi32, #tpu.memory_space<vmem>>[vector<16xi32>], vector<16xi32>, vector<16xi1>
        %jit3A_1631 = arith.constant 1 : i32
        %jit3A_1632 = arith.constant 0 : i32
        %broadcast_in_dim3A_1633 = vector.broadcast %jit3A_1631 : i32 to vector<16xi32>
        %broadcast_in_dim3A_1634 = vector.broadcast %jit3A_1632 : i32 to vector<16xi32>
        %select_n3A_1635 = arith.select %ge3A_1619, %broadcast_in_dim3A_1633, %broadcast_in_dim3A_1634 : vector<16xi1>, vector<16xi32>
        %add3A_1636 = arith.addi %add3A_1610, %select_n3A_1635 : vector<16xi32>
        %mul3A_1637 = arith.constant 16 : i32
        %mul3A_1638 = arith.muli %scan3A_1238, %mul3A_1637 : i32
        %add3A_1639 = arith.constant 15 : i32
        %add3A_1640 = arith.addi %mul3A_1638, %add3A_1639 : i32
        %mul3A_1641 = arith.constant 16 : i32
        %mul3A_1642 = arith.muli %add3A_1640, %mul3A_1641 : i32
        %get3A_1643 = arith.index_cast %mul3A_1642 : i32 to index
        %get3A_1644 = tpu.vector_load %arg6[%get3A_1643] {strides = array<i32>} : memref<32768xf32, #tpu.memory_space<vmem>>, vector<16xf32>,
        %ge3A_1645 = arith.cmpf oge, %get3A_1644, %broadcast_in_dim3A_632 : vector<16xf32>
        %min3A_1646 = arith.constant 31 : i32
        %min3A_1647 = vector.broadcast %min3A_1646 : i32 to vector<16xi32>
        %min3A_1648 = arith.minsi %add3A_1636, %min3A_1647 : vector<16xi32>
        %mul3A_1649 = arith.constant 16 : i32
        %mul3A_1650 = vector.broadcast %mul3A_1649 : i32 to vector<16xi32>
        %mul3A_1651 = arith.muli %min3A_1648, %mul3A_1650 : vector<16xi32>
        %add3A_1652 = arith.addi %mul3A_1651, %iota3A : vector<16xi32>
        tpu.vector_store_idx %arg8[%add3A_1652], %get3A_1644 masked %ge3A_1645 : memref<512xf32, #tpu.memory_space<vmem>>[vector<16xi32>], vector<16xf32>, vector<16xi1>
        %mul3A_1653 = arith.constant 16 : i32
        %mul3A_1654 = arith.muli %add3A_1640, %mul3A_1653 : i32
        %add3A_1655 = vector.broadcast %mul3A_1654 : i32 to vector<16xi32>
        %add3A_1656 = arith.addi %add3A_1655, %iota3A : vector<16xi32>
        tpu.vector_store_idx %arg9[%add3A_1652], %add3A_1656 masked %ge3A_1645 : memref<512xi32, #tpu.memory_space<vmem>>[vector<16xi32>], vector<16xi32>, vector<16xi1>
        %jit3A_1657 = arith.constant 1 : i32
        %jit3A_1658 = arith.constant 0 : i32
        %broadcast_in_dim3A_1659 = vector.broadcast %jit3A_1657 : i32 to vector<16xi32>
        %broadcast_in_dim3A_1660 = vector.broadcast %jit3A_1658 : i32 to vector<16xi32>
        %select_n3A_1661 = arith.select %ge3A_1645, %broadcast_in_dim3A_1659, %broadcast_in_dim3A_1660 : vector<16xi1>, vector<16xi32>
        %add3A_1662 = arith.addi %add3A_1636, %select_n3A_1661 : vector<16xi32>
        scf.yield %add3A_1662 : vector<16xi32>
      } else {
        scf.yield %scan3A_1239 : vector<16xi32>
      }
      scf.yield %cond3A_1248 : vector<16xi32>
    }
    %scan3A_658 = arith.constant 128 : i32
    %scan3A_659 = arith.constant 0 : i32
    %scan3A_660 = arith.constant 31 : i32
    %scan3A_661 = arith.addi %scan3A_659, %scan3A_660 : i32
    %scan3A_662 = arith.constant 1 : i32
    %scan3A_663:2 = scf.for %scan3A_1238 = %scan3A_659 to %scan3A_661 step %scan3A_662 iter_args(%scan3A_1239 = %squeeze3A_635, %scan3A_1240 = %squeeze3A_643) -> (i32, i32)  : i32 {
      %sub3A_1241 = arith.subi %scan3A_1240, %scan3A_1239 : i32
      %add3A_1242 = arith.constant 1 : i32
      %add3A_1243 = arith.addi %sub3A_1241, %add3A_1242 : i32
      %shift_right_arithmetic3A = arith.constant 1 : i32
      %shift_right_arithmetic3A_1244 = arith.shrsi %add3A_1243, %shift_right_arithmetic3A : i32
      %add3A_1245 = arith.addi %scan3A_1239, %shift_right_arithmetic3A_1244 : i32
      %broadcast_in_dim3A_1246 = vector.broadcast %add3A_1245 : i32 to vector<16xi32>
      %bitcast3A_1247 = vector.bitcast %broadcast_in_dim3A_1246 : vector<16xi32> to vector<16xf32>
      %scan3A_1248 = arith.constant 0 : i32
      %scan3A_1249 = arith.constant 32 : i32
      %scan3A_1250 = arith.addi %scan3A_1248, %scan3A_1249 : i32
      %scan3A_1251 = arith.constant 1 : i32
      %scan3A_1252 = scf.for %scan3A_1261 = %scan3A_1248 to %scan3A_1250 step %scan3A_1251 iter_args(%scan3A_1262 = %broadcast_in_dim3A_3) -> (vector<16xi32>)  : i32 {
        %mul3A_1263 = arith.constant 16 : i32
        %mul3A_1264 = arith.muli %scan3A_1261, %mul3A_1263 : i32
        %get3A_1265 = arith.index_cast %mul3A_1264 : i32 to index
        %get3A_1266 = tpu.vector_load %arg8[%get3A_1265] {strides = array<i32>} : memref<512xf32, #tpu.memory_space<vmem>>, vector<16xf32>,
        %ge3A_1267 = arith.cmpf oge, %get3A_1266, %bitcast3A_1247 : vector<16xf32>
        %jit3A = arith.constant 1 : i32
        %jit3A_1268 = arith.constant 0 : i32
        %broadcast_in_dim3A_1269 = vector.broadcast %jit3A : i32 to vector<16xi32>
        %broadcast_in_dim3A_1270 = vector.broadcast %jit3A_1268 : i32 to vector<16xi32>
        %select_n3A_1271 = arith.select %ge3A_1267, %broadcast_in_dim3A_1269, %broadcast_in_dim3A_1270 : vector<16xi1>, vector<16xi32>
        %add3A_1272 = arith.addi %scan3A_1262, %select_n3A_1271 : vector<16xi32>
        scf.yield %add3A_1272 : vector<16xi32>
      }
      %scan3A_1253 = arith.constant 32 : i32
      %reduce_sum3A = arith.constant true
      %reduce_sum3A_1254 = vector.broadcast %reduce_sum3A : i1 to vector<16xi1>
      %reduce_sum3A_1255 = tpu.scan <sum>, %scan3A_1252 masked %reduce_sum3A_1254 : vector<16xi32>, vector<16xi1> -> vector<16xi32>
      %reduce_sum3A_1256 = vector.extract %reduce_sum3A_1255[15] : i32 from vector<16xi32>
      %ge3A = arith.constant 32 : i32
      %ge3A_1257 = arith.cmpi sge, %reduce_sum3A_1256, %ge3A : i32
      %select_n3A = arith.select %ge3A_1257, %add3A_1245, %scan3A_1239 : i32
      %sub3A_1258 = arith.constant 1 : i32
      %sub3A_1259 = arith.subi %add3A_1245, %sub3A_1258 : i32
      %select_n3A_1260 = arith.select %ge3A_1257, %scan3A_1240, %sub3A_1259 : i32
      scf.yield %select_n3A, %select_n3A_1260 : i32, i32
    }
    %scan3A_664 = arith.constant 31 : i32
    %broadcast_in_dim3A_665 = vector.broadcast %scan3A_663#0 : i32 to vector<16xi32>
    %bitcast3A_666 = vector.bitcast %broadcast_in_dim3A_665 : vector<16xi32> to vector<16xf32>
    %scan3A_667 = arith.constant 0 : i32
    %scan3A_668 = arith.constant 0 : i32
    %scan3A_669 = arith.constant 32 : i32
    %scan3A_670 = arith.addi %scan3A_668, %scan3A_669 : i32
    %scan3A_671 = arith.constant 1 : i32
    %scan3A_672 = scf.for %scan3A_1238 = %scan3A_668 to %scan3A_670 step %scan3A_671 iter_args(%scan3A_1239 = %scan3A_667) -> (i32)  : i32 {
      %mul3A_1240 = arith.constant 16 : i32
      %mul3A_1241 = arith.muli %scan3A_1238, %mul3A_1240 : i32
      %get3A_1242 = arith.index_cast %mul3A_1241 : i32 to index
      %get3A_1243 = tpu.vector_load %arg8[%get3A_1242] {strides = array<i32>} : memref<512xf32, #tpu.memory_space<vmem>>, vector<16xf32>,
      %mul3A_1244 = arith.constant 16 : i32
      %mul3A_1245 = arith.muli %scan3A_1238, %mul3A_1244 : i32
      %get3A_1246 = arith.index_cast %mul3A_1245 : i32 to index
      %get3A_1247 = tpu.vector_load %arg9[%get3A_1246] {strides = array<i32>} : memref<512xi32, #tpu.memory_space<vmem>>, vector<16xi32>,
      %gt3A = arith.cmpf ogt, %get3A_1243, %bitcast3A_666 : vector<16xf32>
      %min3A_1248 = arith.constant 32 : i32
      %min3A_1249 = arith.minsi %scan3A_1239, %min3A_1248 : i32
      %swap3A_1250 = arith.index_cast %min3A_1249 : i32 to index
      %swap3A_1251 = tpu.vector_load %arg10[%swap3A_1250] masked %gt3A {strides = array<i32>} : memref<48xf32, #tpu.memory_space<vmem>>, vector<16xf32>, vector<16xi1>
      tpu.vector_store %arg10[%swap3A_1250], %get3A_1243 masked %gt3A {strides = array<i32>} : memref<48xf32, #tpu.memory_space<vmem>>, vector<16xf32>, vector<16xi1>
      %swap3A_1252 = arith.index_cast %min3A_1249 : i32 to index
      %swap3A_1253 = tpu.vector_load %arg11[%swap3A_1252] masked %gt3A {strides = array<i32>} : memref<48xi32, #tpu.memory_space<vmem>>, vector<16xi32>, vector<16xi1>
      tpu.vector_store %arg11[%swap3A_1252], %get3A_1247 masked %gt3A {strides = array<i32>} : memref<48xi32, #tpu.memory_space<vmem>>, vector<16xi32>, vector<16xi1>
      %all_reduce_population_count3A = tpu.all_reduce %gt3A {dim = 0 : i64, kind = #tpu.reduction_kind<sum>} : vector<16xi1> -> vector<16xi32>
      %slice3A_1254 = vector.extract_strided_slice %all_reduce_population_count3A {offsets = [0], sizes = [1], strides = [1]} : vector<16xi32> to vector<1xi32>
      %squeeze3A_1255 = vector.extract %slice3A_1254[0] : i32 from vector<1xi32>
      %add3A_1256 = arith.addi %scan3A_1239, %squeeze3A_1255 : i32
      scf.yield %add3A_1256 : i32
    }
    %scan3A_673 = arith.constant 32 : i32
    %min3A_674 = arith.constant 31 : i32
    %min3A_675 = arith.minsi %scan3A_672, %min3A_674 : i32
    %swap3A_676 = arith.constant 0 : index
    %swap3A_677 = tpu.vector_load %arg13[%swap3A_676] {strides = array<i32>} : memref<64xi32, #tpu.memory_space<vmem>>, vector<16xi32>,
    tpu.vector_store %arg13[%swap3A_676], %broadcast_in_dim3A_5 {strides = array<i32>} : memref<64xi32, #tpu.memory_space<vmem>>, vector<16xi32>,
    %swap3A_678 = arith.constant 16 : index
    %swap3A_679 = tpu.vector_load %arg13[%swap3A_678] {strides = array<i32>} : memref<64xi32, #tpu.memory_space<vmem>>, vector<16xi32>,
    tpu.vector_store %arg13[%swap3A_678], %broadcast_in_dim3A_5 {strides = array<i32>} : memref<64xi32, #tpu.memory_space<vmem>>, vector<16xi32>,
    %swap3A_680 = arith.constant 32 : index
    %swap3A_681 = tpu.vector_load %arg13[%swap3A_680] {strides = array<i32>} : memref<64xi32, #tpu.memory_space<vmem>>, vector<16xi32>,
    tpu.vector_store %arg13[%swap3A_680], %broadcast_in_dim3A_5 {strides = array<i32>} : memref<64xi32, #tpu.memory_space<vmem>>, vector<16xi32>,
    %swap3A_682 = arith.constant 48 : index
    %swap3A_683 = tpu.vector_load %arg13[%swap3A_682] {strides = array<i32>} : memref<64xi32, #tpu.memory_space<vmem>>, vector<16xi32>,
    tpu.vector_store %arg13[%swap3A_682], %broadcast_in_dim3A_5 {strides = array<i32>} : memref<64xi32, #tpu.memory_space<vmem>>, vector<16xi32>,
    %scan3A_684 = arith.constant 0 : i32
    %scan3A_685 = arith.constant 0 : i32
    %scan3A_686 = arith.constant 32 : i32
    %scan3A_687 = arith.addi %scan3A_685, %scan3A_686 : i32
    %scan3A_688 = arith.constant 1 : i32
    %scan3A_689 = scf.for %scan3A_1238 = %scan3A_685 to %scan3A_687 step %scan3A_688 iter_args(%scan3A_1239 = %scan3A_684) -> (i32)  : i32 {
      %mul3A_1240 = arith.constant 16 : i32
      %mul3A_1241 = arith.muli %scan3A_1238, %mul3A_1240 : i32
      %get3A_1242 = arith.index_cast %mul3A_1241 : i32 to index
      %get3A_1243 = tpu.vector_load %arg8[%get3A_1242] {strides = array<i32>} : memref<512xf32, #tpu.memory_space<vmem>>, vector<16xf32>,
      %mul3A_1244 = arith.constant 16 : i32
      %mul3A_1245 = arith.muli %scan3A_1238, %mul3A_1244 : i32
      %get3A_1246 = arith.index_cast %mul3A_1245 : i32 to index
      %get3A_1247 = tpu.vector_load %arg9[%get3A_1246] {strides = array<i32>} : memref<512xi32, #tpu.memory_space<vmem>>, vector<16xi32>,
      %eq3A_1248 = arith.cmpf oeq, %get3A_1243, %bitcast3A_666 : vector<16xf32>
      %min3A_1249 = arith.constant 48 : i32
      %min3A_1250 = arith.minsi %scan3A_1239, %min3A_1249 : i32
      %swap3A_1251 = arith.index_cast %min3A_1250 : i32 to index
      %swap3A_1252 = tpu.vector_load %arg13[%swap3A_1251] masked %eq3A_1248 {strides = array<i32>} : memref<64xi32, #tpu.memory_space<vmem>>, vector<16xi32>, vector<16xi1>
      tpu.vector_store %arg13[%swap3A_1251], %get3A_1247 masked %eq3A_1248 {strides = array<i32>} : memref<64xi32, #tpu.memory_space<vmem>>, vector<16xi32>, vector<16xi1>
      %all_reduce_population_count3A = tpu.all_reduce %eq3A_1248 {dim = 0 : i64, kind = #tpu.reduction_kind<sum>} : vector<16xi1> -> vector<16xi32>
      %slice3A_1253 = vector.extract_strided_slice %all_reduce_population_count3A {offsets = [0], sizes = [1], strides = [1]} : vector<16xi32> to vector<1xi32>
      %squeeze3A_1254 = vector.extract %slice3A_1253[0] : i32 from vector<1xi32>
      %add3A_1255 = arith.addi %scan3A_1239, %squeeze3A_1254 : i32
      scf.yield %add3A_1255 : i32
    }
    %scan3A_690 = arith.constant 32 : i32
    %sub3A_691 = arith.constant 32 : i32
    %sub3A_692 = arith.subi %sub3A_691, %min3A_675 : i32
    %while3A_693 = arith.constant 0 : i32
    %while3A_694 = arith.constant 0 : i32
    %while3A_695 = arith.subi %sub3A_692, %while3A_693 : i32
    %while3A_696 = arith.addi %while3A_693, %while3A_695 : i32
    %while3A_697 = arith.constant 1 : i32
    %while3A_698 = arith.divsi %while3A_695, %while3A_697 : i32
    %while3A_699 = arith.muli %while3A_698, %while3A_697 : i32
    %while3A_700 = arith.addi %while3A_693, %while3A_699 : i32
    %while3A_701 = arith.constant 1 : i32
    %while3A_702 = scf.for %while3A_1238 = %while3A_693 to %while3A_700 step %while3A_701 iter_args(%while3A_1239 = %while3A_694) -> (i32)  : i32 {
      %scan3A_1240 = arith.constant 0 : i32
      %scan3A_1241 = arith.constant 4 : i32
      %scan3A_1242 = arith.addi %scan3A_1240, %scan3A_1241 : i32
      %scan3A_1243 = arith.constant 1 : i32
      %scan3A_1244 = scf.for %scan3A_1268 = %scan3A_1240 to %scan3A_1242 step %scan3A_1243 iter_args(%scan3A_1269 = %broadcast_in_dim3A_5) -> (vector<16xi32>)  : i32 {
        %mul3A_1270 = arith.constant 16 : i32
        %mul3A_1271 = arith.muli %scan3A_1268, %mul3A_1270 : i32
        %get3A_1272 = arith.index_cast %mul3A_1271 : i32 to index
        %get3A_1273 = tpu.vector_load %arg13[%get3A_1272] {strides = array<i32>} : memref<64xi32, #tpu.memory_space<vmem>>, vector<16xi32>,
        %min3A_1274 = arith.minsi %scan3A_1269, %get3A_1273 : vector<16xi32>
        scf.yield %min3A_1274 : vector<16xi32>
      }
      %scan3A_1245 = arith.constant 4 : i32
      %reduce_min3A_1246 = arith.constant true
      %reduce_min3A_1247 = vector.broadcast %reduce_min3A_1246 : i1 to vector<16xi1>
      %reduce_min3A_1248 = arith.constant -2147483648 : i32
      %reduce_min3A_1249 = vector.broadcast %reduce_min3A_1248 : i32 to vector<16xi32>
      %reduce_min3A_1250 = arith.xori %scan3A_1244, %reduce_min3A_1249 : vector<16xi32>
      %reduce_min3A_1251 = tpu.scan <min>, %reduce_min3A_1250 masked %reduce_min3A_1247 : vector<16xi32>, vector<16xi1> -> vector<16xi32>
      %reduce_min3A_1252 = arith.xori %reduce_min3A_1251, %reduce_min3A_1249 : vector<16xi32>
      %reduce_min3A_1253 = vector.extract %reduce_min3A_1252[15] : i32 from vector<16xi32>
      %broadcast_in_dim3A_1254 = vector.broadcast %reduce_min3A_1253 : i32 to vector<16xi32>
      %scan3A_1255 = arith.constant 0 : i32
      %scan3A_1256 = arith.constant 0 : i32
      %scan3A_1257 = arith.constant 4 : i32
      %scan3A_1258 = arith.addi %scan3A_1256, %scan3A_1257 : i32
      %scan3A_1259 = arith.constant 1 : i32
      %scan3A_1260 = scf.for %scan3A_1268 = %scan3A_1256 to %scan3A_1258 step %scan3A_1259 iter_args(%scan3A_1269 = %scan3A_1255) -> (i32)  : i32 {
        %mul3A_1270 = arith.constant 16 : i32
        %mul3A_1271 = arith.muli %scan3A_1268, %mul3A_1270 : i32
        %get3A_1272 = arith.index_cast %mul3A_1271 : i32 to index
        %get3A_1273 = tpu.vector_load %arg13[%get3A_1272] {strides = array<i32>} : memref<64xi32, #tpu.memory_space<vmem>>, vector<16xi32>,
        %eq3A_1274 = arith.cmpi eq, %get3A_1273, %broadcast_in_dim3A_1254 : vector<16xi32>
        %select_n3A = arith.select %eq3A_1274, %broadcast_in_dim3A_5, %get3A_1273 : vector<16xi1>, vector<16xi32>
        %mul3A_1275 = arith.constant 16 : i32
        %mul3A_1276 = arith.muli %scan3A_1268, %mul3A_1275 : i32
        %swap3A_1277 = arith.index_cast %mul3A_1276 : i32 to index
        %swap3A_1278 = tpu.vector_load %arg13[%swap3A_1277] {strides = array<i32>} : memref<64xi32, #tpu.memory_space<vmem>>, vector<16xi32>,
        tpu.vector_store %arg13[%swap3A_1277], %select_n3A {strides = array<i32>} : memref<64xi32, #tpu.memory_space<vmem>>, vector<16xi32>,
        %scan3A_1279 = arith.constant 0 : i32
        scf.yield %scan3A_1279 : i32
      }
      %scan3A_1261 = arith.constant 4 : i32
      %add3A_1262 = arith.addi %min3A_675, %while3A_1238 : i32
      %broadcast_in_dim3A_1263 = vector.broadcast %add3A_1262 : i32 to vector<16xi32>
      %min3A_1264 = arith.constant 32767 : i32
      %min3A_1265 = vector.broadcast %min3A_1264 : i32 to vector<16xi32>
      %min3A_1266 = arith.minsi %broadcast_in_dim3A_1254, %min3A_1265 : vector<16xi32>
      tpu.vector_store_idx %arg11[%broadcast_in_dim3A_1263], %min3A_1266 masked %eq3A_7 : memref<48xi32, #tpu.memory_space<vmem>>[vector<16xi32>], vector<16xi32>, vector<16xi1>
      tpu.vector_store_idx %arg10[%broadcast_in_dim3A_1263], %bitcast3A_666 masked %eq3A_7 : memref<48xf32, #tpu.memory_space<vmem>>[vector<16xi32>], vector<16xf32>, vector<16xi1>
      %while3A_1267 = arith.constant 0 : i32
      scf.yield %while3A_1267 : i32
    }
    %while3A_703 = arith.constant 1 : i32
    %while3A_704 = scf.for %while3A_1238 = %while3A_700 to %while3A_696 step %while3A_703 iter_args(%while3A_1239 = %while3A_702) -> (i32)  : i32 {
      %scan3A_1240 = arith.constant 0 : i32
      %scan3A_1241 = arith.constant 4 : i32
      %scan3A_1242 = arith.addi %scan3A_1240, %scan3A_1241 : i32
      %scan3A_1243 = arith.constant 1 : i32
      %scan3A_1244 = scf.for %scan3A_1268 = %scan3A_1240 to %scan3A_1242 step %scan3A_1243 iter_args(%scan3A_1269 = %broadcast_in_dim3A_5) -> (vector<16xi32>)  : i32 {
        %mul3A_1270 = arith.constant 16 : i32
        %mul3A_1271 = arith.muli %scan3A_1268, %mul3A_1270 : i32
        %get3A_1272 = arith.index_cast %mul3A_1271 : i32 to index
        %get3A_1273 = tpu.vector_load %arg13[%get3A_1272] {strides = array<i32>} : memref<64xi32, #tpu.memory_space<vmem>>, vector<16xi32>,
        %min3A_1274 = arith.minsi %scan3A_1269, %get3A_1273 : vector<16xi32>
        scf.yield %min3A_1274 : vector<16xi32>
      }
      %scan3A_1245 = arith.constant 4 : i32
      %reduce_min3A_1246 = arith.constant true
      %reduce_min3A_1247 = vector.broadcast %reduce_min3A_1246 : i1 to vector<16xi1>
      %reduce_min3A_1248 = arith.constant -2147483648 : i32
      %reduce_min3A_1249 = vector.broadcast %reduce_min3A_1248 : i32 to vector<16xi32>
      %reduce_min3A_1250 = arith.xori %scan3A_1244, %reduce_min3A_1249 : vector<16xi32>
      %reduce_min3A_1251 = tpu.scan <min>, %reduce_min3A_1250 masked %reduce_min3A_1247 : vector<16xi32>, vector<16xi1> -> vector<16xi32>
      %reduce_min3A_1252 = arith.xori %reduce_min3A_1251, %reduce_min3A_1249 : vector<16xi32>
      %reduce_min3A_1253 = vector.extract %reduce_min3A_1252[15] : i32 from vector<16xi32>
      %broadcast_in_dim3A_1254 = vector.broadcast %reduce_min3A_1253 : i32 to vector<16xi32>
      %scan3A_1255 = arith.constant 0 : i32
      %scan3A_1256 = arith.constant 0 : i32
      %scan3A_1257 = arith.constant 4 : i32
      %scan3A_1258 = arith.addi %scan3A_1256, %scan3A_1257 : i32
      %scan3A_1259 = arith.constant 1 : i32
      %scan3A_1260 = scf.for %scan3A_1268 = %scan3A_1256 to %scan3A_1258 step %scan3A_1259 iter_args(%scan3A_1269 = %scan3A_1255) -> (i32)  : i32 {
        %mul3A_1270 = arith.constant 16 : i32
        %mul3A_1271 = arith.muli %scan3A_1268, %mul3A_1270 : i32
        %get3A_1272 = arith.index_cast %mul3A_1271 : i32 to index
        %get3A_1273 = tpu.vector_load %arg13[%get3A_1272] {strides = array<i32>} : memref<64xi32, #tpu.memory_space<vmem>>, vector<16xi32>,
        %eq3A_1274 = arith.cmpi eq, %get3A_1273, %broadcast_in_dim3A_1254 : vector<16xi32>
        %select_n3A = arith.select %eq3A_1274, %broadcast_in_dim3A_5, %get3A_1273 : vector<16xi1>, vector<16xi32>
        %mul3A_1275 = arith.constant 16 : i32
        %mul3A_1276 = arith.muli %scan3A_1268, %mul3A_1275 : i32
        %swap3A_1277 = arith.index_cast %mul3A_1276 : i32 to index
        %swap3A_1278 = tpu.vector_load %arg13[%swap3A_1277] {strides = array<i32>} : memref<64xi32, #tpu.memory_space<vmem>>, vector<16xi32>,
        tpu.vector_store %arg13[%swap3A_1277], %select_n3A {strides = array<i32>} : memref<64xi32, #tpu.memory_space<vmem>>, vector<16xi32>,
        %scan3A_1279 = arith.constant 0 : i32
        scf.yield %scan3A_1279 : i32
      }
      %scan3A_1261 = arith.constant 4 : i32
      %add3A_1262 = arith.addi %min3A_675, %while3A_1238 : i32
      %broadcast_in_dim3A_1263 = vector.broadcast %add3A_1262 : i32 to vector<16xi32>
      %min3A_1264 = arith.constant 32767 : i32
      %min3A_1265 = vector.broadcast %min3A_1264 : i32 to vector<16xi32>
      %min3A_1266 = arith.minsi %broadcast_in_dim3A_1254, %min3A_1265 : vector<16xi32>
      tpu.vector_store_idx %arg11[%broadcast_in_dim3A_1263], %min3A_1266 masked %eq3A_7 : memref<48xi32, #tpu.memory_space<vmem>>[vector<16xi32>], vector<16xi32>, vector<16xi1>
      tpu.vector_store_idx %arg10[%broadcast_in_dim3A_1263], %bitcast3A_666 masked %eq3A_7 : memref<48xf32, #tpu.memory_space<vmem>>[vector<16xi32>], vector<16xf32>, vector<16xi1>
      %while3A_1267 = arith.constant 0 : i32
      scf.yield %while3A_1267 : i32
    }
    %get3A_705 = arith.constant 0 : index
    %get3A_706 = tpu.vector_load %arg11[%get3A_705] {strides = array<i32>} : memref<48xi32, #tpu.memory_space<vmem>>, vector<16xi32>,
    %swap3A_707 = arith.constant 0 : index
    %swap3A_708 = tpu.vector_load %arg12[%swap3A_707] {strides = array<i32>} : memref<32xi32, #tpu.memory_space<vmem>>, vector<16xi32>,
    tpu.vector_store %arg12[%swap3A_707], %get3A_706 {strides = array<i32>} : memref<32xi32, #tpu.memory_space<vmem>>, vector<16xi32>,
    %get3A_709 = arith.constant 0 : index
    %get3A_710 = tpu.vector_load %arg10[%get3A_709] {strides = array<i32>} : memref<48xf32, #tpu.memory_space<vmem>>, vector<16xf32>,
    %mul3A_711 = arith.constant 16 : i32
    %mul3A_712 = vector.broadcast %mul3A_711 : i32 to vector<16xi32>
    %mul3A_713 = arith.muli %iota3A, %mul3A_712 : vector<16xi32>
    %add3A_714 = arith.constant 0 : i32
    %add3A_715 = vector.broadcast %add3A_714 : i32 to vector<16xi32>
    %add3A_716 = arith.addi %mul3A_713, %add3A_715 : vector<16xi32>
    %add3A_717 = arith.constant 0 : i32
    %add3A_718 = vector.broadcast %add3A_717 : i32 to vector<16xi32>
    %add3A_719 = arith.addi %iota3A, %add3A_718 : vector<16xi32>
    %and3A_720 = arith.constant 15 : i32
    %and3A_721 = vector.broadcast %and3A_720 : i32 to vector<16xi32>
    %and3A_722 = arith.andi %add3A_719, %and3A_721 : vector<16xi32>
    %add3A_723 = arith.addi %add3A_716, %and3A_722 : vector<16xi32>
    tpu.vector_store_idx %arg14[%add3A_723], %get3A_710 : memref<512xf32, #tpu.memory_space<vmem>>[vector<16xi32>], vector<16xf32>,
    %mul3A_724 = arith.constant 16 : i32
    %mul3A_725 = vector.broadcast %mul3A_724 : i32 to vector<16xi32>
    %mul3A_726 = arith.muli %iota3A, %mul3A_725 : vector<16xi32>
    %add3A_727 = arith.constant 0 : i32
    %add3A_728 = vector.broadcast %add3A_727 : i32 to vector<16xi32>
    %add3A_729 = arith.addi %mul3A_726, %add3A_728 : vector<16xi32>
    %add3A_730 = arith.constant 1 : i32
    %add3A_731 = vector.broadcast %add3A_730 : i32 to vector<16xi32>
    %add3A_732 = arith.addi %iota3A, %add3A_731 : vector<16xi32>
    %and3A_733 = arith.constant 15 : i32
    %and3A_734 = vector.broadcast %and3A_733 : i32 to vector<16xi32>
    %and3A_735 = arith.andi %add3A_732, %and3A_734 : vector<16xi32>
    %add3A_736 = arith.addi %add3A_729, %and3A_735 : vector<16xi32>
    tpu.vector_store_idx %arg14[%add3A_736], %get3A_710 : memref<512xf32, #tpu.memory_space<vmem>>[vector<16xi32>], vector<16xf32>,
    %mul3A_737 = arith.constant 16 : i32
    %mul3A_738 = vector.broadcast %mul3A_737 : i32 to vector<16xi32>
    %mul3A_739 = arith.muli %iota3A, %mul3A_738 : vector<16xi32>
    %add3A_740 = arith.constant 0 : i32
    %add3A_741 = vector.broadcast %add3A_740 : i32 to vector<16xi32>
    %add3A_742 = arith.addi %mul3A_739, %add3A_741 : vector<16xi32>
    %add3A_743 = arith.constant 2 : i32
    %add3A_744 = vector.broadcast %add3A_743 : i32 to vector<16xi32>
    %add3A_745 = arith.addi %iota3A, %add3A_744 : vector<16xi32>
    %and3A_746 = arith.constant 15 : i32
    %and3A_747 = vector.broadcast %and3A_746 : i32 to vector<16xi32>
    %and3A_748 = arith.andi %add3A_745, %and3A_747 : vector<16xi32>
    %add3A_749 = arith.addi %add3A_742, %and3A_748 : vector<16xi32>
    tpu.vector_store_idx %arg14[%add3A_749], %get3A_710 : memref<512xf32, #tpu.memory_space<vmem>>[vector<16xi32>], vector<16xf32>,
    %mul3A_750 = arith.constant 16 : i32
    %mul3A_751 = vector.broadcast %mul3A_750 : i32 to vector<16xi32>
    %mul3A_752 = arith.muli %iota3A, %mul3A_751 : vector<16xi32>
    %add3A_753 = arith.constant 0 : i32
    %add3A_754 = vector.broadcast %add3A_753 : i32 to vector<16xi32>
    %add3A_755 = arith.addi %mul3A_752, %add3A_754 : vector<16xi32>
    %add3A_756 = arith.constant 3 : i32
    %add3A_757 = vector.broadcast %add3A_756 : i32 to vector<16xi32>
    %add3A_758 = arith.addi %iota3A, %add3A_757 : vector<16xi32>
    %and3A_759 = arith.constant 15 : i32
    %and3A_760 = vector.broadcast %and3A_759 : i32 to vector<16xi32>
    %and3A_761 = arith.andi %add3A_758, %and3A_760 : vector<16xi32>
    %add3A_762 = arith.addi %add3A_755, %and3A_761 : vector<16xi32>
    tpu.vector_store_idx %arg14[%add3A_762], %get3A_710 : memref<512xf32, #tpu.memory_space<vmem>>[vector<16xi32>], vector<16xf32>,
    %mul3A_763 = arith.constant 16 : i32
    %mul3A_764 = vector.broadcast %mul3A_763 : i32 to vector<16xi32>
    %mul3A_765 = arith.muli %iota3A, %mul3A_764 : vector<16xi32>
    %add3A_766 = arith.constant 0 : i32
    %add3A_767 = vector.broadcast %add3A_766 : i32 to vector<16xi32>
    %add3A_768 = arith.addi %mul3A_765, %add3A_767 : vector<16xi32>
    %add3A_769 = arith.constant 4 : i32
    %add3A_770 = vector.broadcast %add3A_769 : i32 to vector<16xi32>
    %add3A_771 = arith.addi %iota3A, %add3A_770 : vector<16xi32>
    %and3A_772 = arith.constant 15 : i32
    %and3A_773 = vector.broadcast %and3A_772 : i32 to vector<16xi32>
    %and3A_774 = arith.andi %add3A_771, %and3A_773 : vector<16xi32>
    %add3A_775 = arith.addi %add3A_768, %and3A_774 : vector<16xi32>
    tpu.vector_store_idx %arg14[%add3A_775], %get3A_710 : memref<512xf32, #tpu.memory_space<vmem>>[vector<16xi32>], vector<16xf32>,
    %mul3A_776 = arith.constant 16 : i32
    %mul3A_777 = vector.broadcast %mul3A_776 : i32 to vector<16xi32>
    %mul3A_778 = arith.muli %iota3A, %mul3A_777 : vector<16xi32>
    %add3A_779 = arith.constant 0 : i32
    %add3A_780 = vector.broadcast %add3A_779 : i32 to vector<16xi32>
    %add3A_781 = arith.addi %mul3A_778, %add3A_780 : vector<16xi32>
    %add3A_782 = arith.constant 5 : i32
    %add3A_783 = vector.broadcast %add3A_782 : i32 to vector<16xi32>
    %add3A_784 = arith.addi %iota3A, %add3A_783 : vector<16xi32>
    %and3A_785 = arith.constant 15 : i32
    %and3A_786 = vector.broadcast %and3A_785 : i32 to vector<16xi32>
    %and3A_787 = arith.andi %add3A_784, %and3A_786 : vector<16xi32>
    %add3A_788 = arith.addi %add3A_781, %and3A_787 : vector<16xi32>
    tpu.vector_store_idx %arg14[%add3A_788], %get3A_710 : memref<512xf32, #tpu.memory_space<vmem>>[vector<16xi32>], vector<16xf32>,
    %mul3A_789 = arith.constant 16 : i32
    %mul3A_790 = vector.broadcast %mul3A_789 : i32 to vector<16xi32>
    %mul3A_791 = arith.muli %iota3A, %mul3A_790 : vector<16xi32>
    %add3A_792 = arith.constant 0 : i32
    %add3A_793 = vector.broadcast %add3A_792 : i32 to vector<16xi32>
    %add3A_794 = arith.addi %mul3A_791, %add3A_793 : vector<16xi32>
    %add3A_795 = arith.constant 6 : i32
    %add3A_796 = vector.broadcast %add3A_795 : i32 to vector<16xi32>
    %add3A_797 = arith.addi %iota3A, %add3A_796 : vector<16xi32>
    %and3A_798 = arith.constant 15 : i32
    %and3A_799 = vector.broadcast %and3A_798 : i32 to vector<16xi32>
    %and3A_800 = arith.andi %add3A_797, %and3A_799 : vector<16xi32>
    %add3A_801 = arith.addi %add3A_794, %and3A_800 : vector<16xi32>
    tpu.vector_store_idx %arg14[%add3A_801], %get3A_710 : memref<512xf32, #tpu.memory_space<vmem>>[vector<16xi32>], vector<16xf32>,
    %mul3A_802 = arith.constant 16 : i32
    %mul3A_803 = vector.broadcast %mul3A_802 : i32 to vector<16xi32>
    %mul3A_804 = arith.muli %iota3A, %mul3A_803 : vector<16xi32>
    %add3A_805 = arith.constant 0 : i32
    %add3A_806 = vector.broadcast %add3A_805 : i32 to vector<16xi32>
    %add3A_807 = arith.addi %mul3A_804, %add3A_806 : vector<16xi32>
    %add3A_808 = arith.constant 7 : i32
    %add3A_809 = vector.broadcast %add3A_808 : i32 to vector<16xi32>
    %add3A_810 = arith.addi %iota3A, %add3A_809 : vector<16xi32>
    %and3A_811 = arith.constant 15 : i32
    %and3A_812 = vector.broadcast %and3A_811 : i32 to vector<16xi32>
    %and3A_813 = arith.andi %add3A_810, %and3A_812 : vector<16xi32>
    %add3A_814 = arith.addi %add3A_807, %and3A_813 : vector<16xi32>
    tpu.vector_store_idx %arg14[%add3A_814], %get3A_710 : memref<512xf32, #tpu.memory_space<vmem>>[vector<16xi32>], vector<16xf32>,
    %mul3A_815 = arith.constant 16 : i32
    %mul3A_816 = vector.broadcast %mul3A_815 : i32 to vector<16xi32>
    %mul3A_817 = arith.muli %iota3A, %mul3A_816 : vector<16xi32>
    %add3A_818 = arith.constant 0 : i32
    %add3A_819 = vector.broadcast %add3A_818 : i32 to vector<16xi32>
    %add3A_820 = arith.addi %mul3A_817, %add3A_819 : vector<16xi32>
    %add3A_821 = arith.constant 8 : i32
    %add3A_822 = vector.broadcast %add3A_821 : i32 to vector<16xi32>
    %add3A_823 = arith.addi %iota3A, %add3A_822 : vector<16xi32>
    %and3A_824 = arith.constant 15 : i32
    %and3A_825 = vector.broadcast %and3A_824 : i32 to vector<16xi32>
    %and3A_826 = arith.andi %add3A_823, %and3A_825 : vector<16xi32>
    %add3A_827 = arith.addi %add3A_820, %and3A_826 : vector<16xi32>
    tpu.vector_store_idx %arg14[%add3A_827], %get3A_710 : memref<512xf32, #tpu.memory_space<vmem>>[vector<16xi32>], vector<16xf32>,
    %mul3A_828 = arith.constant 16 : i32
    %mul3A_829 = vector.broadcast %mul3A_828 : i32 to vector<16xi32>
    %mul3A_830 = arith.muli %iota3A, %mul3A_829 : vector<16xi32>
    %add3A_831 = arith.constant 0 : i32
    %add3A_832 = vector.broadcast %add3A_831 : i32 to vector<16xi32>
    %add3A_833 = arith.addi %mul3A_830, %add3A_832 : vector<16xi32>
    %add3A_834 = arith.constant 9 : i32
    %add3A_835 = vector.broadcast %add3A_834 : i32 to vector<16xi32>
    %add3A_836 = arith.addi %iota3A, %add3A_835 : vector<16xi32>
    %and3A_837 = arith.constant 15 : i32
    %and3A_838 = vector.broadcast %and3A_837 : i32 to vector<16xi32>
    %and3A_839 = arith.andi %add3A_836, %and3A_838 : vector<16xi32>
    %add3A_840 = arith.addi %add3A_833, %and3A_839 : vector<16xi32>
    tpu.vector_store_idx %arg14[%add3A_840], %get3A_710 : memref<512xf32, #tpu.memory_space<vmem>>[vector<16xi32>], vector<16xf32>,
    %mul3A_841 = arith.constant 16 : i32
    %mul3A_842 = vector.broadcast %mul3A_841 : i32 to vector<16xi32>
    %mul3A_843 = arith.muli %iota3A, %mul3A_842 : vector<16xi32>
    %add3A_844 = arith.constant 0 : i32
    %add3A_845 = vector.broadcast %add3A_844 : i32 to vector<16xi32>
    %add3A_846 = arith.addi %mul3A_843, %add3A_845 : vector<16xi32>
    %add3A_847 = arith.constant 10 : i32
    %add3A_848 = vector.broadcast %add3A_847 : i32 to vector<16xi32>
    %add3A_849 = arith.addi %iota3A, %add3A_848 : vector<16xi32>
    %and3A_850 = arith.constant 15 : i32
    %and3A_851 = vector.broadcast %and3A_850 : i32 to vector<16xi32>
    %and3A_852 = arith.andi %add3A_849, %and3A_851 : vector<16xi32>
    %add3A_853 = arith.addi %add3A_846, %and3A_852 : vector<16xi32>
    tpu.vector_store_idx %arg14[%add3A_853], %get3A_710 : memref<512xf32, #tpu.memory_space<vmem>>[vector<16xi32>], vector<16xf32>,
    %mul3A_854 = arith.constant 16 : i32
    %mul3A_855 = vector.broadcast %mul3A_854 : i32 to vector<16xi32>
    %mul3A_856 = arith.muli %iota3A, %mul3A_855 : vector<16xi32>
    %add3A_857 = arith.constant 0 : i32
    %add3A_858 = vector.broadcast %add3A_857 : i32 to vector<16xi32>
    %add3A_859 = arith.addi %mul3A_856, %add3A_858 : vector<16xi32>
    %add3A_860 = arith.constant 11 : i32
    %add3A_861 = vector.broadcast %add3A_860 : i32 to vector<16xi32>
    %add3A_862 = arith.addi %iota3A, %add3A_861 : vector<16xi32>
    %and3A_863 = arith.constant 15 : i32
    %and3A_864 = vector.broadcast %and3A_863 : i32 to vector<16xi32>
    %and3A_865 = arith.andi %add3A_862, %and3A_864 : vector<16xi32>
    %add3A_866 = arith.addi %add3A_859, %and3A_865 : vector<16xi32>
    tpu.vector_store_idx %arg14[%add3A_866], %get3A_710 : memref<512xf32, #tpu.memory_space<vmem>>[vector<16xi32>], vector<16xf32>,
    %mul3A_867 = arith.constant 16 : i32
    %mul3A_868 = vector.broadcast %mul3A_867 : i32 to vector<16xi32>
    %mul3A_869 = arith.muli %iota3A, %mul3A_868 : vector<16xi32>
    %add3A_870 = arith.constant 0 : i32
    %add3A_871 = vector.broadcast %add3A_870 : i32 to vector<16xi32>
    %add3A_872 = arith.addi %mul3A_869, %add3A_871 : vector<16xi32>
    %add3A_873 = arith.constant 12 : i32
    %add3A_874 = vector.broadcast %add3A_873 : i32 to vector<16xi32>
    %add3A_875 = arith.addi %iota3A, %add3A_874 : vector<16xi32>
    %and3A_876 = arith.constant 15 : i32
    %and3A_877 = vector.broadcast %and3A_876 : i32 to vector<16xi32>
    %and3A_878 = arith.andi %add3A_875, %and3A_877 : vector<16xi32>
    %add3A_879 = arith.addi %add3A_872, %and3A_878 : vector<16xi32>
    tpu.vector_store_idx %arg14[%add3A_879], %get3A_710 : memref<512xf32, #tpu.memory_space<vmem>>[vector<16xi32>], vector<16xf32>,
    %mul3A_880 = arith.constant 16 : i32
    %mul3A_881 = vector.broadcast %mul3A_880 : i32 to vector<16xi32>
    %mul3A_882 = arith.muli %iota3A, %mul3A_881 : vector<16xi32>
    %add3A_883 = arith.constant 0 : i32
    %add3A_884 = vector.broadcast %add3A_883 : i32 to vector<16xi32>
    %add3A_885 = arith.addi %mul3A_882, %add3A_884 : vector<16xi32>
    %add3A_886 = arith.constant 13 : i32
    %add3A_887 = vector.broadcast %add3A_886 : i32 to vector<16xi32>
    %add3A_888 = arith.addi %iota3A, %add3A_887 : vector<16xi32>
    %and3A_889 = arith.constant 15 : i32
    %and3A_890 = vector.broadcast %and3A_889 : i32 to vector<16xi32>
    %and3A_891 = arith.andi %add3A_888, %and3A_890 : vector<16xi32>
    %add3A_892 = arith.addi %add3A_885, %and3A_891 : vector<16xi32>
    tpu.vector_store_idx %arg14[%add3A_892], %get3A_710 : memref<512xf32, #tpu.memory_space<vmem>>[vector<16xi32>], vector<16xf32>,
    %mul3A_893 = arith.constant 16 : i32
    %mul3A_894 = vector.broadcast %mul3A_893 : i32 to vector<16xi32>
    %mul3A_895 = arith.muli %iota3A, %mul3A_894 : vector<16xi32>
    %add3A_896 = arith.constant 0 : i32
    %add3A_897 = vector.broadcast %add3A_896 : i32 to vector<16xi32>
    %add3A_898 = arith.addi %mul3A_895, %add3A_897 : vector<16xi32>
    %add3A_899 = arith.constant 14 : i32
    %add3A_900 = vector.broadcast %add3A_899 : i32 to vector<16xi32>
    %add3A_901 = arith.addi %iota3A, %add3A_900 : vector<16xi32>
    %and3A_902 = arith.constant 15 : i32
    %and3A_903 = vector.broadcast %and3A_902 : i32 to vector<16xi32>
    %and3A_904 = arith.andi %add3A_901, %and3A_903 : vector<16xi32>
    %add3A_905 = arith.addi %add3A_898, %and3A_904 : vector<16xi32>
    tpu.vector_store_idx %arg14[%add3A_905], %get3A_710 : memref<512xf32, #tpu.memory_space<vmem>>[vector<16xi32>], vector<16xf32>,
    %mul3A_906 = arith.constant 16 : i32
    %mul3A_907 = vector.broadcast %mul3A_906 : i32 to vector<16xi32>
    %mul3A_908 = arith.muli %iota3A, %mul3A_907 : vector<16xi32>
    %add3A_909 = arith.constant 0 : i32
    %add3A_910 = vector.broadcast %add3A_909 : i32 to vector<16xi32>
    %add3A_911 = arith.addi %mul3A_908, %add3A_910 : vector<16xi32>
    %add3A_912 = arith.constant 15 : i32
    %add3A_913 = vector.broadcast %add3A_912 : i32 to vector<16xi32>
    %add3A_914 = arith.addi %iota3A, %add3A_913 : vector<16xi32>
    %and3A_915 = arith.constant 15 : i32
    %and3A_916 = vector.broadcast %and3A_915 : i32 to vector<16xi32>
    %and3A_917 = arith.andi %add3A_914, %and3A_916 : vector<16xi32>
    %add3A_918 = arith.addi %add3A_911, %and3A_917 : vector<16xi32>
    tpu.vector_store_idx %arg14[%add3A_918], %get3A_710 : memref<512xf32, #tpu.memory_space<vmem>>[vector<16xi32>], vector<16xf32>,
    %get3A_919 = arith.constant 16 : index
    %get3A_920 = tpu.vector_load %arg11[%get3A_919] {strides = array<i32>} : memref<48xi32, #tpu.memory_space<vmem>>, vector<16xi32>,
    %swap3A_921 = arith.constant 16 : index
    %swap3A_922 = tpu.vector_load %arg12[%swap3A_921] {strides = array<i32>} : memref<32xi32, #tpu.memory_space<vmem>>, vector<16xi32>,
    tpu.vector_store %arg12[%swap3A_921], %get3A_920 {strides = array<i32>} : memref<32xi32, #tpu.memory_space<vmem>>, vector<16xi32>,
    %get3A_923 = arith.constant 16 : index
    %get3A_924 = tpu.vector_load %arg10[%get3A_923] {strides = array<i32>} : memref<48xf32, #tpu.memory_space<vmem>>, vector<16xf32>,
    %mul3A_925 = arith.constant 16 : i32
    %mul3A_926 = vector.broadcast %mul3A_925 : i32 to vector<16xi32>
    %mul3A_927 = arith.muli %iota3A, %mul3A_926 : vector<16xi32>
    %add3A_928 = arith.constant 256 : i32
    %add3A_929 = vector.broadcast %add3A_928 : i32 to vector<16xi32>
    %add3A_930 = arith.addi %mul3A_927, %add3A_929 : vector<16xi32>
    %add3A_931 = arith.constant 0 : i32
    %add3A_932 = vector.broadcast %add3A_931 : i32 to vector<16xi32>
    %add3A_933 = arith.addi %iota3A, %add3A_932 : vector<16xi32>
    %and3A_934 = arith.constant 15 : i32
    %and3A_935 = vector.broadcast %and3A_934 : i32 to vector<16xi32>
    %and3A_936 = arith.andi %add3A_933, %and3A_935 : vector<16xi32>
    %add3A_937 = arith.addi %add3A_930, %and3A_936 : vector<16xi32>
    tpu.vector_store_idx %arg14[%add3A_937], %get3A_924 : memref<512xf32, #tpu.memory_space<vmem>>[vector<16xi32>], vector<16xf32>,
    %mul3A_938 = arith.constant 16 : i32
    %mul3A_939 = vector.broadcast %mul3A_938 : i32 to vector<16xi32>
    %mul3A_940 = arith.muli %iota3A, %mul3A_939 : vector<16xi32>
    %add3A_941 = arith.constant 256 : i32
    %add3A_942 = vector.broadcast %add3A_941 : i32 to vector<16xi32>
    %add3A_943 = arith.addi %mul3A_940, %add3A_942 : vector<16xi32>
    %add3A_944 = arith.constant 1 : i32
    %add3A_945 = vector.broadcast %add3A_944 : i32 to vector<16xi32>
    %add3A_946 = arith.addi %iota3A, %add3A_945 : vector<16xi32>
    %and3A_947 = arith.constant 15 : i32
    %and3A_948 = vector.broadcast %and3A_947 : i32 to vector<16xi32>
    %and3A_949 = arith.andi %add3A_946, %and3A_948 : vector<16xi32>
    %add3A_950 = arith.addi %add3A_943, %and3A_949 : vector<16xi32>
    tpu.vector_store_idx %arg14[%add3A_950], %get3A_924 : memref<512xf32, #tpu.memory_space<vmem>>[vector<16xi32>], vector<16xf32>,
    %mul3A_951 = arith.constant 16 : i32
    %mul3A_952 = vector.broadcast %mul3A_951 : i32 to vector<16xi32>
    %mul3A_953 = arith.muli %iota3A, %mul3A_952 : vector<16xi32>
    %add3A_954 = arith.constant 256 : i32
    %add3A_955 = vector.broadcast %add3A_954 : i32 to vector<16xi32>
    %add3A_956 = arith.addi %mul3A_953, %add3A_955 : vector<16xi32>
    %add3A_957 = arith.constant 2 : i32
    %add3A_958 = vector.broadcast %add3A_957 : i32 to vector<16xi32>
    %add3A_959 = arith.addi %iota3A, %add3A_958 : vector<16xi32>
    %and3A_960 = arith.constant 15 : i32
    %and3A_961 = vector.broadcast %and3A_960 : i32 to vector<16xi32>
    %and3A_962 = arith.andi %add3A_959, %and3A_961 : vector<16xi32>
    %add3A_963 = arith.addi %add3A_956, %and3A_962 : vector<16xi32>
    tpu.vector_store_idx %arg14[%add3A_963], %get3A_924 : memref<512xf32, #tpu.memory_space<vmem>>[vector<16xi32>], vector<16xf32>,
    %mul3A_964 = arith.constant 16 : i32
    %mul3A_965 = vector.broadcast %mul3A_964 : i32 to vector<16xi32>
    %mul3A_966 = arith.muli %iota3A, %mul3A_965 : vector<16xi32>
    %add3A_967 = arith.constant 256 : i32
    %add3A_968 = vector.broadcast %add3A_967 : i32 to vector<16xi32>
    %add3A_969 = arith.addi %mul3A_966, %add3A_968 : vector<16xi32>
    %add3A_970 = arith.constant 3 : i32
    %add3A_971 = vector.broadcast %add3A_970 : i32 to vector<16xi32>
    %add3A_972 = arith.addi %iota3A, %add3A_971 : vector<16xi32>
    %and3A_973 = arith.constant 15 : i32
    %and3A_974 = vector.broadcast %and3A_973 : i32 to vector<16xi32>
    %and3A_975 = arith.andi %add3A_972, %and3A_974 : vector<16xi32>
    %add3A_976 = arith.addi %add3A_969, %and3A_975 : vector<16xi32>
    tpu.vector_store_idx %arg14[%add3A_976], %get3A_924 : memref<512xf32, #tpu.memory_space<vmem>>[vector<16xi32>], vector<16xf32>,
    %mul3A_977 = arith.constant 16 : i32
    %mul3A_978 = vector.broadcast %mul3A_977 : i32 to vector<16xi32>
    %mul3A_979 = arith.muli %iota3A, %mul3A_978 : vector<16xi32>
    %add3A_980 = arith.constant 256 : i32
    %add3A_981 = vector.broadcast %add3A_980 : i32 to vector<16xi32>
    %add3A_982 = arith.addi %mul3A_979, %add3A_981 : vector<16xi32>
    %add3A_983 = arith.constant 4 : i32
    %add3A_984 = vector.broadcast %add3A_983 : i32 to vector<16xi32>
    %add3A_985 = arith.addi %iota3A, %add3A_984 : vector<16xi32>
    %and3A_986 = arith.constant 15 : i32
    %and3A_987 = vector.broadcast %and3A_986 : i32 to vector<16xi32>
    %and3A_988 = arith.andi %add3A_985, %and3A_987 : vector<16xi32>
    %add3A_989 = arith.addi %add3A_982, %and3A_988 : vector<16xi32>
    tpu.vector_store_idx %arg14[%add3A_989], %get3A_924 : memref<512xf32, #tpu.memory_space<vmem>>[vector<16xi32>], vector<16xf32>,
    %mul3A_990 = arith.constant 16 : i32
    %mul3A_991 = vector.broadcast %mul3A_990 : i32 to vector<16xi32>
    %mul3A_992 = arith.muli %iota3A, %mul3A_991 : vector<16xi32>
    %add3A_993 = arith.constant 256 : i32
    %add3A_994 = vector.broadcast %add3A_993 : i32 to vector<16xi32>
    %add3A_995 = arith.addi %mul3A_992, %add3A_994 : vector<16xi32>
    %add3A_996 = arith.constant 5 : i32
    %add3A_997 = vector.broadcast %add3A_996 : i32 to vector<16xi32>
    %add3A_998 = arith.addi %iota3A, %add3A_997 : vector<16xi32>
    %and3A_999 = arith.constant 15 : i32
    %and3A_1000 = vector.broadcast %and3A_999 : i32 to vector<16xi32>
    %and3A_1001 = arith.andi %add3A_998, %and3A_1000 : vector<16xi32>
    %add3A_1002 = arith.addi %add3A_995, %and3A_1001 : vector<16xi32>
    tpu.vector_store_idx %arg14[%add3A_1002], %get3A_924 : memref<512xf32, #tpu.memory_space<vmem>>[vector<16xi32>], vector<16xf32>,
    %mul3A_1003 = arith.constant 16 : i32
    %mul3A_1004 = vector.broadcast %mul3A_1003 : i32 to vector<16xi32>
    %mul3A_1005 = arith.muli %iota3A, %mul3A_1004 : vector<16xi32>
    %add3A_1006 = arith.constant 256 : i32
    %add3A_1007 = vector.broadcast %add3A_1006 : i32 to vector<16xi32>
    %add3A_1008 = arith.addi %mul3A_1005, %add3A_1007 : vector<16xi32>
    %add3A_1009 = arith.constant 6 : i32
    %add3A_1010 = vector.broadcast %add3A_1009 : i32 to vector<16xi32>
    %add3A_1011 = arith.addi %iota3A, %add3A_1010 : vector<16xi32>
    %and3A_1012 = arith.constant 15 : i32
    %and3A_1013 = vector.broadcast %and3A_1012 : i32 to vector<16xi32>
    %and3A_1014 = arith.andi %add3A_1011, %and3A_1013 : vector<16xi32>
    %add3A_1015 = arith.addi %add3A_1008, %and3A_1014 : vector<16xi32>
    tpu.vector_store_idx %arg14[%add3A_1015], %get3A_924 : memref<512xf32, #tpu.memory_space<vmem>>[vector<16xi32>], vector<16xf32>,
    %mul3A_1016 = arith.constant 16 : i32
    %mul3A_1017 = vector.broadcast %mul3A_1016 : i32 to vector<16xi32>
    %mul3A_1018 = arith.muli %iota3A, %mul3A_1017 : vector<16xi32>
    %add3A_1019 = arith.constant 256 : i32
    %add3A_1020 = vector.broadcast %add3A_1019 : i32 to vector<16xi32>
    %add3A_1021 = arith.addi %mul3A_1018, %add3A_1020 : vector<16xi32>
    %add3A_1022 = arith.constant 7 : i32
    %add3A_1023 = vector.broadcast %add3A_1022 : i32 to vector<16xi32>
    %add3A_1024 = arith.addi %iota3A, %add3A_1023 : vector<16xi32>
    %and3A_1025 = arith.constant 15 : i32
    %and3A_1026 = vector.broadcast %and3A_1025 : i32 to vector<16xi32>
    %and3A_1027 = arith.andi %add3A_1024, %and3A_1026 : vector<16xi32>
    %add3A_1028 = arith.addi %add3A_1021, %and3A_1027 : vector<16xi32>
    tpu.vector_store_idx %arg14[%add3A_1028], %get3A_924 : memref<512xf32, #tpu.memory_space<vmem>>[vector<16xi32>], vector<16xf32>,
    %mul3A_1029 = arith.constant 16 : i32
    %mul3A_1030 = vector.broadcast %mul3A_1029 : i32 to vector<16xi32>
    %mul3A_1031 = arith.muli %iota3A, %mul3A_1030 : vector<16xi32>
    %add3A_1032 = arith.constant 256 : i32
    %add3A_1033 = vector.broadcast %add3A_1032 : i32 to vector<16xi32>
    %add3A_1034 = arith.addi %mul3A_1031, %add3A_1033 : vector<16xi32>
    %add3A_1035 = arith.constant 8 : i32
    %add3A_1036 = vector.broadcast %add3A_1035 : i32 to vector<16xi32>
    %add3A_1037 = arith.addi %iota3A, %add3A_1036 : vector<16xi32>
    %and3A_1038 = arith.constant 15 : i32
    %and3A_1039 = vector.broadcast %and3A_1038 : i32 to vector<16xi32>
    %and3A_1040 = arith.andi %add3A_1037, %and3A_1039 : vector<16xi32>
    %add3A_1041 = arith.addi %add3A_1034, %and3A_1040 : vector<16xi32>
    tpu.vector_store_idx %arg14[%add3A_1041], %get3A_924 : memref<512xf32, #tpu.memory_space<vmem>>[vector<16xi32>], vector<16xf32>,
    %mul3A_1042 = arith.constant 16 : i32
    %mul3A_1043 = vector.broadcast %mul3A_1042 : i32 to vector<16xi32>
    %mul3A_1044 = arith.muli %iota3A, %mul3A_1043 : vector<16xi32>
    %add3A_1045 = arith.constant 256 : i32
    %add3A_1046 = vector.broadcast %add3A_1045 : i32 to vector<16xi32>
    %add3A_1047 = arith.addi %mul3A_1044, %add3A_1046 : vector<16xi32>
    %add3A_1048 = arith.constant 9 : i32
    %add3A_1049 = vector.broadcast %add3A_1048 : i32 to vector<16xi32>
    %add3A_1050 = arith.addi %iota3A, %add3A_1049 : vector<16xi32>
    %and3A_1051 = arith.constant 15 : i32
    %and3A_1052 = vector.broadcast %and3A_1051 : i32 to vector<16xi32>
    %and3A_1053 = arith.andi %add3A_1050, %and3A_1052 : vector<16xi32>
    %add3A_1054 = arith.addi %add3A_1047, %and3A_1053 : vector<16xi32>
    tpu.vector_store_idx %arg14[%add3A_1054], %get3A_924 : memref<512xf32, #tpu.memory_space<vmem>>[vector<16xi32>], vector<16xf32>,
    %mul3A_1055 = arith.constant 16 : i32
    %mul3A_1056 = vector.broadcast %mul3A_1055 : i32 to vector<16xi32>
    %mul3A_1057 = arith.muli %iota3A, %mul3A_1056 : vector<16xi32>
    %add3A_1058 = arith.constant 256 : i32
    %add3A_1059 = vector.broadcast %add3A_1058 : i32 to vector<16xi32>
    %add3A_1060 = arith.addi %mul3A_1057, %add3A_1059 : vector<16xi32>
    %add3A_1061 = arith.constant 10 : i32
    %add3A_1062 = vector.broadcast %add3A_1061 : i32 to vector<16xi32>
    %add3A_1063 = arith.addi %iota3A, %add3A_1062 : vector<16xi32>
    %and3A_1064 = arith.constant 15 : i32
    %and3A_1065 = vector.broadcast %and3A_1064 : i32 to vector<16xi32>
    %and3A_1066 = arith.andi %add3A_1063, %and3A_1065 : vector<16xi32>
    %add3A_1067 = arith.addi %add3A_1060, %and3A_1066 : vector<16xi32>
    tpu.vector_store_idx %arg14[%add3A_1067], %get3A_924 : memref<512xf32, #tpu.memory_space<vmem>>[vector<16xi32>], vector<16xf32>,
    %mul3A_1068 = arith.constant 16 : i32
    %mul3A_1069 = vector.broadcast %mul3A_1068 : i32 to vector<16xi32>
    %mul3A_1070 = arith.muli %iota3A, %mul3A_1069 : vector<16xi32>
    %add3A_1071 = arith.constant 256 : i32
    %add3A_1072 = vector.broadcast %add3A_1071 : i32 to vector<16xi32>
    %add3A_1073 = arith.addi %mul3A_1070, %add3A_1072 : vector<16xi32>
    %add3A_1074 = arith.constant 11 : i32
    %add3A_1075 = vector.broadcast %add3A_1074 : i32 to vector<16xi32>
    %add3A_1076 = arith.addi %iota3A, %add3A_1075 : vector<16xi32>
    %and3A_1077 = arith.constant 15 : i32
    %and3A_1078 = vector.broadcast %and3A_1077 : i32 to vector<16xi32>
    %and3A_1079 = arith.andi %add3A_1076, %and3A_1078 : vector<16xi32>
    %add3A_1080 = arith.addi %add3A_1073, %and3A_1079 : vector<16xi32>
    tpu.vector_store_idx %arg14[%add3A_1080], %get3A_924 : memref<512xf32, #tpu.memory_space<vmem>>[vector<16xi32>], vector<16xf32>,
    %mul3A_1081 = arith.constant 16 : i32
    %mul3A_1082 = vector.broadcast %mul3A_1081 : i32 to vector<16xi32>
    %mul3A_1083 = arith.muli %iota3A, %mul3A_1082 : vector<16xi32>
    %add3A_1084 = arith.constant 256 : i32
    %add3A_1085 = vector.broadcast %add3A_1084 : i32 to vector<16xi32>
    %add3A_1086 = arith.addi %mul3A_1083, %add3A_1085 : vector<16xi32>
    %add3A_1087 = arith.constant 12 : i32
    %add3A_1088 = vector.broadcast %add3A_1087 : i32 to vector<16xi32>
    %add3A_1089 = arith.addi %iota3A, %add3A_1088 : vector<16xi32>
    %and3A_1090 = arith.constant 15 : i32
    %and3A_1091 = vector.broadcast %and3A_1090 : i32 to vector<16xi32>
    %and3A_1092 = arith.andi %add3A_1089, %and3A_1091 : vector<16xi32>
    %add3A_1093 = arith.addi %add3A_1086, %and3A_1092 : vector<16xi32>
    tpu.vector_store_idx %arg14[%add3A_1093], %get3A_924 : memref<512xf32, #tpu.memory_space<vmem>>[vector<16xi32>], vector<16xf32>,
    %mul3A_1094 = arith.constant 16 : i32
    %mul3A_1095 = vector.broadcast %mul3A_1094 : i32 to vector<16xi32>
    %mul3A_1096 = arith.muli %iota3A, %mul3A_1095 : vector<16xi32>
    %add3A_1097 = arith.constant 256 : i32
    %add3A_1098 = vector.broadcast %add3A_1097 : i32 to vector<16xi32>
    %add3A_1099 = arith.addi %mul3A_1096, %add3A_1098 : vector<16xi32>
    %add3A_1100 = arith.constant 13 : i32
    %add3A_1101 = vector.broadcast %add3A_1100 : i32 to vector<16xi32>
    %add3A_1102 = arith.addi %iota3A, %add3A_1101 : vector<16xi32>
    %and3A_1103 = arith.constant 15 : i32
    %and3A_1104 = vector.broadcast %and3A_1103 : i32 to vector<16xi32>
    %and3A_1105 = arith.andi %add3A_1102, %and3A_1104 : vector<16xi32>
    %add3A_1106 = arith.addi %add3A_1099, %and3A_1105 : vector<16xi32>
    tpu.vector_store_idx %arg14[%add3A_1106], %get3A_924 : memref<512xf32, #tpu.memory_space<vmem>>[vector<16xi32>], vector<16xf32>,
    %mul3A_1107 = arith.constant 16 : i32
    %mul3A_1108 = vector.broadcast %mul3A_1107 : i32 to vector<16xi32>
    %mul3A_1109 = arith.muli %iota3A, %mul3A_1108 : vector<16xi32>
    %add3A_1110 = arith.constant 256 : i32
    %add3A_1111 = vector.broadcast %add3A_1110 : i32 to vector<16xi32>
    %add3A_1112 = arith.addi %mul3A_1109, %add3A_1111 : vector<16xi32>
    %add3A_1113 = arith.constant 14 : i32
    %add3A_1114 = vector.broadcast %add3A_1113 : i32 to vector<16xi32>
    %add3A_1115 = arith.addi %iota3A, %add3A_1114 : vector<16xi32>
    %and3A_1116 = arith.constant 15 : i32
    %and3A_1117 = vector.broadcast %and3A_1116 : i32 to vector<16xi32>
    %and3A_1118 = arith.andi %add3A_1115, %and3A_1117 : vector<16xi32>
    %add3A_1119 = arith.addi %add3A_1112, %and3A_1118 : vector<16xi32>
    tpu.vector_store_idx %arg14[%add3A_1119], %get3A_924 : memref<512xf32, #tpu.memory_space<vmem>>[vector<16xi32>], vector<16xf32>,
    %mul3A_1120 = arith.constant 16 : i32
    %mul3A_1121 = vector.broadcast %mul3A_1120 : i32 to vector<16xi32>
    %mul3A_1122 = arith.muli %iota3A, %mul3A_1121 : vector<16xi32>
    %add3A_1123 = arith.constant 256 : i32
    %add3A_1124 = vector.broadcast %add3A_1123 : i32 to vector<16xi32>
    %add3A_1125 = arith.addi %mul3A_1122, %add3A_1124 : vector<16xi32>
    %add3A_1126 = arith.constant 15 : i32
    %add3A_1127 = vector.broadcast %add3A_1126 : i32 to vector<16xi32>
    %add3A_1128 = arith.addi %iota3A, %add3A_1127 : vector<16xi32>
    %and3A_1129 = arith.constant 15 : i32
    %and3A_1130 = vector.broadcast %and3A_1129 : i32 to vector<16xi32>
    %and3A_1131 = arith.andi %add3A_1128, %and3A_1130 : vector<16xi32>
    %add3A_1132 = arith.addi %add3A_1125, %and3A_1131 : vector<16xi32>
    tpu.vector_store_idx %arg14[%add3A_1132], %get3A_924 : memref<512xf32, #tpu.memory_space<vmem>>[vector<16xi32>], vector<16xf32>,
    %dma_start3A_1133 = arith.constant 0 : i32
    %dma_start3A_1134 = arith.constant 0 : i32
    %dma_start3A_1135 = tpu.memref_slice %arg3[%dma_start3A_1133, %dma_start3A_1134] : memref<32768x1024xf32, #tpu.memory_space<hbm>> -> memref<32768x1024xf32, #tpu.memory_space<hbm>>
    tpu.enqueue_indirect_dma source(%dma_start3A_1135 : memref<32768x1024xf32, #tpu.memory_space<hbm>>) target(%arg15 : memref<32x1024xf32, #tpu.memory_space<vmem>>) offsets(%arg12 : memref<32xi32, #tpu.memory_space<vmem>>) semaphore(%arg18 : memref<!tpu.dma_semaphore, #tpu.memory_space<semaphore_mem>>)
    %dma_wait3A_1136 = arith.constant 0 : i32
    %dma_wait3A_1137 = arith.constant 0 : i32
    %dma_wait3A_1138 = tpu.memref_slice %arg3[%dma_wait3A_1136, %dma_wait3A_1137] : memref<32768x1024xf32, #tpu.memory_space<hbm>> -> memref<32768x1024xf32, #tpu.memory_space<hbm>>
    tpu.wait_indirect_dma semaphore(%arg18 : memref<!tpu.dma_semaphore, #tpu.memory_space<semaphore_mem>>) src(%dma_wait3A_1138 : memref<32768x1024xf32, #tpu.memory_space<hbm>>) dst(%arg15 : memref<32x1024xf32, #tpu.memory_space<vmem>>)
    %scan3A_1139 = arith.constant 0 : i32
    %scan3A_1140 = arith.constant 0 : i32
    %scan3A_1141 = arith.constant 64 : i32
    %scan3A_1142 = arith.addi %scan3A_1140, %scan3A_1141 : i32
    %scan3A_1143 = arith.constant 1 : i32
    %scan3A_1144 = scf.for %scan3A_1238 = %scan3A_1140 to %scan3A_1142 step %scan3A_1143 iter_args(%scan3A_1239 = %scan3A_1139) -> (i32)  : i32 {
      %mul3A_1240 = arith.constant 16 : i32
      %mul3A_1241 = arith.muli %scan3A_1238, %mul3A_1240 : i32
      %get3A_1242 = arith.index_cast %mul3A_1241 : i32 to index
      %get3A_1243 = tpu.vector_load %arg17[%get3A_1242] {strides = array<i32>} : memref<1024xf32, #tpu.memory_space<vmem>>, vector<16xf32>,
      %mul3A_1244 = arith.constant 16 : i32
      %mul3A_1245 = arith.muli %scan3A_1238, %mul3A_1244 : i32
      %swap3A_1246 = arith.index_cast %mul3A_1245 : i32 to index
      %swap3A_1247 = tpu.vector_load %arg16[%swap3A_1246] {strides = array<i32>} : memref<1024xf32, #tpu.memory_space<vmem>>, vector<16xf32>,
      tpu.vector_store %arg16[%swap3A_1246], %get3A_1243 {strides = array<i32>} : memref<1024xf32, #tpu.memory_space<vmem>>, vector<16xf32>,
      %scan3A_1248 = arith.constant 0 : i32
      scf.yield %scan3A_1248 : i32
    }
    %scan3A_1145 = arith.constant 64 : i32
    %get3A_1146 = arith.constant 0 : index
    %get3A_1147 = tpu.vector_load %arg14[%get3A_1146] {strides = array<i32>} : memref<512xf32, #tpu.memory_space<vmem>>, vector<16xf32>,
    %get3A_1148 = arith.constant 16 : index
    %get3A_1149 = tpu.vector_load %arg14[%get3A_1148] {strides = array<i32>} : memref<512xf32, #tpu.memory_space<vmem>>, vector<16xf32>,
    %get3A_1150 = arith.constant 32 : index
    %get3A_1151 = tpu.vector_load %arg14[%get3A_1150] {strides = array<i32>} : memref<512xf32, #tpu.memory_space<vmem>>, vector<16xf32>,
    %get3A_1152 = arith.constant 48 : index
    %get3A_1153 = tpu.vector_load %arg14[%get3A_1152] {strides = array<i32>} : memref<512xf32, #tpu.memory_space<vmem>>, vector<16xf32>,
    %get3A_1154 = arith.constant 64 : index
    %get3A_1155 = tpu.vector_load %arg14[%get3A_1154] {strides = array<i32>} : memref<512xf32, #tpu.memory_space<vmem>>, vector<16xf32>,
    %get3A_1156 = arith.constant 80 : index
    %get3A_1157 = tpu.vector_load %arg14[%get3A_1156] {strides = array<i32>} : memref<512xf32, #tpu.memory_space<vmem>>, vector<16xf32>,
    %get3A_1158 = arith.constant 96 : index
    %get3A_1159 = tpu.vector_load %arg14[%get3A_1158] {strides = array<i32>} : memref<512xf32, #tpu.memory_space<vmem>>, vector<16xf32>,
    %get3A_1160 = arith.constant 112 : index
    %get3A_1161 = tpu.vector_load %arg14[%get3A_1160] {strides = array<i32>} : memref<512xf32, #tpu.memory_space<vmem>>, vector<16xf32>,
    %scan3A_1162 = arith.constant 0 : i32
    %scan3A_1163 = arith.constant 0 : i32
    %scan3A_1164 = arith.constant 64 : i32
    %scan3A_1165 = arith.addi %scan3A_1163, %scan3A_1164 : i32
    %scan3A_1166 = arith.constant 1 : i32
    %scan3A_1167 = scf.for %scan3A_1238 = %scan3A_1163 to %scan3A_1165 step %scan3A_1166 iter_args(%scan3A_1239 = %scan3A_1162) -> (i32)  : i32 {
      %mul3A_1240 = arith.constant 16 : i32
      %mul3A_1241 = arith.muli %scan3A_1238, %mul3A_1240 : i32
      %get3A_1242 = arith.index_cast %mul3A_1241 : i32 to index
      %get3A_1243 = tpu.vector_load %arg16[%get3A_1242] {strides = array<i32>} : memref<1024xf32, #tpu.memory_space<vmem>>, vector<16xf32>,
      %mul3A_1244 = arith.constant 16 : i32
      %mul3A_1245 = arith.muli %scan3A_1238, %mul3A_1244 : i32
      %get3A_1246 = arith.constant 0 : i32
      %get3A_1247 = arith.index_cast %get3A_1246 : i32 to index
      %get3A_1248 = arith.index_cast %mul3A_1245 : i32 to index
      %get3A_1249 = tpu.vector_load %arg15[%get3A_1247, %get3A_1248] {strides = array<i32>} : memref<32x1024xf32, #tpu.memory_space<vmem>>, vector<16xf32>,
      %mul3A_1250 = arith.mulf %get3A_1147, %get3A_1249 : vector<16xf32>
      %add3A_1251 = arith.addf %get3A_1243, %mul3A_1250 : vector<16xf32>
      %mul3A_1252 = arith.constant 16 : i32
      %mul3A_1253 = arith.muli %scan3A_1238, %mul3A_1252 : i32
      %get3A_1254 = arith.constant 1 : i32
      %get3A_1255 = arith.index_cast %get3A_1254 : i32 to index
      %get3A_1256 = arith.index_cast %mul3A_1253 : i32 to index
      %get3A_1257 = tpu.vector_load %arg15[%get3A_1255, %get3A_1256] {strides = array<i32>} : memref<32x1024xf32, #tpu.memory_space<vmem>>, vector<16xf32>,
      %mul3A_1258 = arith.mulf %get3A_1149, %get3A_1257 : vector<16xf32>
      %add3A_1259 = arith.addf %add3A_1251, %mul3A_1258 : vector<16xf32>
      %mul3A_1260 = arith.constant 16 : i32
      %mul3A_1261 = arith.muli %scan3A_1238, %mul3A_1260 : i32
      %get3A_1262 = arith.constant 2 : i32
      %get3A_1263 = arith.index_cast %get3A_1262 : i32 to index
      %get3A_1264 = arith.index_cast %mul3A_1261 : i32 to index
      %get3A_1265 = tpu.vector_load %arg15[%get3A_1263, %get3A_1264] {strides = array<i32>} : memref<32x1024xf32, #tpu.memory_space<vmem>>, vector<16xf32>,
      %mul3A_1266 = arith.mulf %get3A_1151, %get3A_1265 : vector<16xf32>
      %add3A_1267 = arith.addf %add3A_1259, %mul3A_1266 : vector<16xf32>
      %mul3A_1268 = arith.constant 16 : i32
      %mul3A_1269 = arith.muli %scan3A_1238, %mul3A_1268 : i32
      %get3A_1270 = arith.constant 3 : i32
      %get3A_1271 = arith.index_cast %get3A_1270 : i32 to index
      %get3A_1272 = arith.index_cast %mul3A_1269 : i32 to index
      %get3A_1273 = tpu.vector_load %arg15[%get3A_1271, %get3A_1272] {strides = array<i32>} : memref<32x1024xf32, #tpu.memory_space<vmem>>, vector<16xf32>,
      %mul3A_1274 = arith.mulf %get3A_1153, %get3A_1273 : vector<16xf32>
      %add3A_1275 = arith.addf %add3A_1267, %mul3A_1274 : vector<16xf32>
      %mul3A_1276 = arith.constant 16 : i32
      %mul3A_1277 = arith.muli %scan3A_1238, %mul3A_1276 : i32
      %get3A_1278 = arith.constant 4 : i32
      %get3A_1279 = arith.index_cast %get3A_1278 : i32 to index
      %get3A_1280 = arith.index_cast %mul3A_1277 : i32 to index
      %get3A_1281 = tpu.vector_load %arg15[%get3A_1279, %get3A_1280] {strides = array<i32>} : memref<32x1024xf32, #tpu.memory_space<vmem>>, vector<16xf32>,
      %mul3A_1282 = arith.mulf %get3A_1155, %get3A_1281 : vector<16xf32>
      %add3A_1283 = arith.addf %add3A_1275, %mul3A_1282 : vector<16xf32>
      %mul3A_1284 = arith.constant 16 : i32
      %mul3A_1285 = arith.muli %scan3A_1238, %mul3A_1284 : i32
      %get3A_1286 = arith.constant 5 : i32
      %get3A_1287 = arith.index_cast %get3A_1286 : i32 to index
      %get3A_1288 = arith.index_cast %mul3A_1285 : i32 to index
      %get3A_1289 = tpu.vector_load %arg15[%get3A_1287, %get3A_1288] {strides = array<i32>} : memref<32x1024xf32, #tpu.memory_space<vmem>>, vector<16xf32>,
      %mul3A_1290 = arith.mulf %get3A_1157, %get3A_1289 : vector<16xf32>
      %add3A_1291 = arith.addf %add3A_1283, %mul3A_1290 : vector<16xf32>
      %mul3A_1292 = arith.constant 16 : i32
      %mul3A_1293 = arith.muli %scan3A_1238, %mul3A_1292 : i32
      %get3A_1294 = arith.constant 6 : i32
      %get3A_1295 = arith.index_cast %get3A_1294 : i32 to index
      %get3A_1296 = arith.index_cast %mul3A_1293 : i32 to index
      %get3A_1297 = tpu.vector_load %arg15[%get3A_1295, %get3A_1296] {strides = array<i32>} : memref<32x1024xf32, #tpu.memory_space<vmem>>, vector<16xf32>,
      %mul3A_1298 = arith.mulf %get3A_1159, %get3A_1297 : vector<16xf32>
      %add3A_1299 = arith.addf %add3A_1291, %mul3A_1298 : vector<16xf32>
      %mul3A_1300 = arith.constant 16 : i32
      %mul3A_1301 = arith.muli %scan3A_1238, %mul3A_1300 : i32
      %get3A_1302 = arith.constant 7 : i32
      %get3A_1303 = arith.index_cast %get3A_1302 : i32 to index
      %get3A_1304 = arith.index_cast %mul3A_1301 : i32 to index
      %get3A_1305 = tpu.vector_load %arg15[%get3A_1303, %get3A_1304] {strides = array<i32>} : memref<32x1024xf32, #tpu.memory_space<vmem>>, vector<16xf32>,
      %mul3A_1306 = arith.mulf %get3A_1161, %get3A_1305 : vector<16xf32>
      %add3A_1307 = arith.addf %add3A_1299, %mul3A_1306 : vector<16xf32>
      %mul3A_1308 = arith.constant 16 : i32
      %mul3A_1309 = arith.muli %scan3A_1238, %mul3A_1308 : i32
      %swap3A_1310 = arith.index_cast %mul3A_1309 : i32 to index
      %swap3A_1311 = tpu.vector_load %arg16[%swap3A_1310] {strides = array<i32>} : memref<1024xf32, #tpu.memory_space<vmem>>, vector<16xf32>,
      tpu.vector_store %arg16[%swap3A_1310], %add3A_1307 {strides = array<i32>} : memref<1024xf32, #tpu.memory_space<vmem>>, vector<16xf32>,
      %scan3A_1312 = arith.constant 0 : i32
      scf.yield %scan3A_1312 : i32
    }
    %scan3A_1168 = arith.constant 64 : i32
    %get3A_1169 = arith.constant 128 : index
    %get3A_1170 = tpu.vector_load %arg14[%get3A_1169] {strides = array<i32>} : memref<512xf32, #tpu.memory_space<vmem>>, vector<16xf32>,
    %get3A_1171 = arith.constant 144 : index
    %get3A_1172 = tpu.vector_load %arg14[%get3A_1171] {strides = array<i32>} : memref<512xf32, #tpu.memory_space<vmem>>, vector<16xf32>,
    %get3A_1173 = arith.constant 160 : index
    %get3A_1174 = tpu.vector_load %arg14[%get3A_1173] {strides = array<i32>} : memref<512xf32, #tpu.memory_space<vmem>>, vector<16xf32>,
    %get3A_1175 = arith.constant 176 : index
    %get3A_1176 = tpu.vector_load %arg14[%get3A_1175] {strides = array<i32>} : memref<512xf32, #tpu.memory_space<vmem>>, vector<16xf32>,
    %get3A_1177 = arith.constant 192 : index
    %get3A_1178 = tpu.vector_load %arg14[%get3A_1177] {strides = array<i32>} : memref<512xf32, #tpu.memory_space<vmem>>, vector<16xf32>,
    %get3A_1179 = arith.constant 208 : index
    %get3A_1180 = tpu.vector_load %arg14[%get3A_1179] {strides = array<i32>} : memref<512xf32, #tpu.memory_space<vmem>>, vector<16xf32>,
    %get3A_1181 = arith.constant 224 : index
    %get3A_1182 = tpu.vector_load %arg14[%get3A_1181] {strides = array<i32>} : memref<512xf32, #tpu.memory_space<vmem>>, vector<16xf32>,
    %get3A_1183 = arith.constant 240 : index
    %get3A_1184 = tpu.vector_load %arg14[%get3A_1183] {strides = array<i32>} : memref<512xf32, #tpu.memory_space<vmem>>, vector<16xf32>,
    %scan3A_1185 = arith.constant 0 : i32
    %scan3A_1186 = arith.constant 0 : i32
    %scan3A_1187 = arith.constant 64 : i32
    %scan3A_1188 = arith.addi %scan3A_1186, %scan3A_1187 : i32
    %scan3A_1189 = arith.constant 1 : i32
    %scan3A_1190 = scf.for %scan3A_1238 = %scan3A_1186 to %scan3A_1188 step %scan3A_1189 iter_args(%scan3A_1239 = %scan3A_1185) -> (i32)  : i32 {
      %mul3A_1240 = arith.constant 16 : i32
      %mul3A_1241 = arith.muli %scan3A_1238, %mul3A_1240 : i32
      %get3A_1242 = arith.index_cast %mul3A_1241 : i32 to index
      %get3A_1243 = tpu.vector_load %arg16[%get3A_1242] {strides = array<i32>} : memref<1024xf32, #tpu.memory_space<vmem>>, vector<16xf32>,
      %mul3A_1244 = arith.constant 16 : i32
      %mul3A_1245 = arith.muli %scan3A_1238, %mul3A_1244 : i32
      %get3A_1246 = arith.constant 8 : i32
      %get3A_1247 = arith.index_cast %get3A_1246 : i32 to index
      %get3A_1248 = arith.index_cast %mul3A_1245 : i32 to index
      %get3A_1249 = tpu.vector_load %arg15[%get3A_1247, %get3A_1248] {strides = array<i32>} : memref<32x1024xf32, #tpu.memory_space<vmem>>, vector<16xf32>,
      %mul3A_1250 = arith.mulf %get3A_1170, %get3A_1249 : vector<16xf32>
      %add3A_1251 = arith.addf %get3A_1243, %mul3A_1250 : vector<16xf32>
      %mul3A_1252 = arith.constant 16 : i32
      %mul3A_1253 = arith.muli %scan3A_1238, %mul3A_1252 : i32
      %get3A_1254 = arith.constant 9 : i32
      %get3A_1255 = arith.index_cast %get3A_1254 : i32 to index
      %get3A_1256 = arith.index_cast %mul3A_1253 : i32 to index
      %get3A_1257 = tpu.vector_load %arg15[%get3A_1255, %get3A_1256] {strides = array<i32>} : memref<32x1024xf32, #tpu.memory_space<vmem>>, vector<16xf32>,
      %mul3A_1258 = arith.mulf %get3A_1172, %get3A_1257 : vector<16xf32>
      %add3A_1259 = arith.addf %add3A_1251, %mul3A_1258 : vector<16xf32>
      %mul3A_1260 = arith.constant 16 : i32
      %mul3A_1261 = arith.muli %scan3A_1238, %mul3A_1260 : i32
      %get3A_1262 = arith.constant 10 : i32
      %get3A_1263 = arith.index_cast %get3A_1262 : i32 to index
      %get3A_1264 = arith.index_cast %mul3A_1261 : i32 to index
      %get3A_1265 = tpu.vector_load %arg15[%get3A_1263, %get3A_1264] {strides = array<i32>} : memref<32x1024xf32, #tpu.memory_space<vmem>>, vector<16xf32>,
      %mul3A_1266 = arith.mulf %get3A_1174, %get3A_1265 : vector<16xf32>
      %add3A_1267 = arith.addf %add3A_1259, %mul3A_1266 : vector<16xf32>
      %mul3A_1268 = arith.constant 16 : i32
      %mul3A_1269 = arith.muli %scan3A_1238, %mul3A_1268 : i32
      %get3A_1270 = arith.constant 11 : i32
      %get3A_1271 = arith.index_cast %get3A_1270 : i32 to index
      %get3A_1272 = arith.index_cast %mul3A_1269 : i32 to index
      %get3A_1273 = tpu.vector_load %arg15[%get3A_1271, %get3A_1272] {strides = array<i32>} : memref<32x1024xf32, #tpu.memory_space<vmem>>, vector<16xf32>,
      %mul3A_1274 = arith.mulf %get3A_1176, %get3A_1273 : vector<16xf32>
      %add3A_1275 = arith.addf %add3A_1267, %mul3A_1274 : vector<16xf32>
      %mul3A_1276 = arith.constant 16 : i32
      %mul3A_1277 = arith.muli %scan3A_1238, %mul3A_1276 : i32
      %get3A_1278 = arith.constant 12 : i32
      %get3A_1279 = arith.index_cast %get3A_1278 : i32 to index
      %get3A_1280 = arith.index_cast %mul3A_1277 : i32 to index
      %get3A_1281 = tpu.vector_load %arg15[%get3A_1279, %get3A_1280] {strides = array<i32>} : memref<32x1024xf32, #tpu.memory_space<vmem>>, vector<16xf32>,
      %mul3A_1282 = arith.mulf %get3A_1178, %get3A_1281 : vector<16xf32>
      %add3A_1283 = arith.addf %add3A_1275, %mul3A_1282 : vector<16xf32>
      %mul3A_1284 = arith.constant 16 : i32
      %mul3A_1285 = arith.muli %scan3A_1238, %mul3A_1284 : i32
      %get3A_1286 = arith.constant 13 : i32
      %get3A_1287 = arith.index_cast %get3A_1286 : i32 to index
      %get3A_1288 = arith.index_cast %mul3A_1285 : i32 to index
      %get3A_1289 = tpu.vector_load %arg15[%get3A_1287, %get3A_1288] {strides = array<i32>} : memref<32x1024xf32, #tpu.memory_space<vmem>>, vector<16xf32>,
      %mul3A_1290 = arith.mulf %get3A_1180, %get3A_1289 : vector<16xf32>
      %add3A_1291 = arith.addf %add3A_1283, %mul3A_1290 : vector<16xf32>
      %mul3A_1292 = arith.constant 16 : i32
      %mul3A_1293 = arith.muli %scan3A_1238, %mul3A_1292 : i32
      %get3A_1294 = arith.constant 14 : i32
      %get3A_1295 = arith.index_cast %get3A_1294 : i32 to index
      %get3A_1296 = arith.index_cast %mul3A_1293 : i32 to index
      %get3A_1297 = tpu.vector_load %arg15[%get3A_1295, %get3A_1296] {strides = array<i32>} : memref<32x1024xf32, #tpu.memory_space<vmem>>, vector<16xf32>,
      %mul3A_1298 = arith.mulf %get3A_1182, %get3A_1297 : vector<16xf32>
      %add3A_1299 = arith.addf %add3A_1291, %mul3A_1298 : vector<16xf32>
      %mul3A_1300 = arith.constant 16 : i32
      %mul3A_1301 = arith.muli %scan3A_1238, %mul3A_1300 : i32
      %get3A_1302 = arith.constant 15 : i32
      %get3A_1303 = arith.index_cast %get3A_1302 : i32 to index
      %get3A_1304 = arith.index_cast %mul3A_1301 : i32 to index
      %get3A_1305 = tpu.vector_load %arg15[%get3A_1303, %get3A_1304] {strides = array<i32>} : memref<32x1024xf32, #tpu.memory_space<vmem>>, vector<16xf32>,
      %mul3A_1306 = arith.mulf %get3A_1184, %get3A_1305 : vector<16xf32>
      %add3A_1307 = arith.addf %add3A_1299, %mul3A_1306 : vector<16xf32>
      %mul3A_1308 = arith.constant 16 : i32
      %mul3A_1309 = arith.muli %scan3A_1238, %mul3A_1308 : i32
      %swap3A_1310 = arith.index_cast %mul3A_1309 : i32 to index
      %swap3A_1311 = tpu.vector_load %arg16[%swap3A_1310] {strides = array<i32>} : memref<1024xf32, #tpu.memory_space<vmem>>, vector<16xf32>,
      tpu.vector_store %arg16[%swap3A_1310], %add3A_1307 {strides = array<i32>} : memref<1024xf32, #tpu.memory_space<vmem>>, vector<16xf32>,
      %scan3A_1312 = arith.constant 0 : i32
      scf.yield %scan3A_1312 : i32
    }
    %scan3A_1191 = arith.constant 64 : i32
    %get3A_1192 = arith.constant 256 : index
    %get3A_1193 = tpu.vector_load %arg14[%get3A_1192] {strides = array<i32>} : memref<512xf32, #tpu.memory_space<vmem>>, vector<16xf32>,
    %get3A_1194 = arith.constant 272 : index
    %get3A_1195 = tpu.vector_load %arg14[%get3A_1194] {strides = array<i32>} : memref<512xf32, #tpu.memory_space<vmem>>, vector<16xf32>,
    %get3A_1196 = arith.constant 288 : index
    %get3A_1197 = tpu.vector_load %arg14[%get3A_1196] {strides = array<i32>} : memref<512xf32, #tpu.memory_space<vmem>>, vector<16xf32>,
    %get3A_1198 = arith.constant 304 : index
    %get3A_1199 = tpu.vector_load %arg14[%get3A_1198] {strides = array<i32>} : memref<512xf32, #tpu.memory_space<vmem>>, vector<16xf32>,
    %get3A_1200 = arith.constant 320 : index
    %get3A_1201 = tpu.vector_load %arg14[%get3A_1200] {strides = array<i32>} : memref<512xf32, #tpu.memory_space<vmem>>, vector<16xf32>,
    %get3A_1202 = arith.constant 336 : index
    %get3A_1203 = tpu.vector_load %arg14[%get3A_1202] {strides = array<i32>} : memref<512xf32, #tpu.memory_space<vmem>>, vector<16xf32>,
    %get3A_1204 = arith.constant 352 : index
    %get3A_1205 = tpu.vector_load %arg14[%get3A_1204] {strides = array<i32>} : memref<512xf32, #tpu.memory_space<vmem>>, vector<16xf32>,
    %get3A_1206 = arith.constant 368 : index
    %get3A_1207 = tpu.vector_load %arg14[%get3A_1206] {strides = array<i32>} : memref<512xf32, #tpu.memory_space<vmem>>, vector<16xf32>,
    %scan3A_1208 = arith.constant 0 : i32
    %scan3A_1209 = arith.constant 0 : i32
    %scan3A_1210 = arith.constant 64 : i32
    %scan3A_1211 = arith.addi %scan3A_1209, %scan3A_1210 : i32
    %scan3A_1212 = arith.constant 1 : i32
    %scan3A_1213 = scf.for %scan3A_1238 = %scan3A_1209 to %scan3A_1211 step %scan3A_1212 iter_args(%scan3A_1239 = %scan3A_1208) -> (i32)  : i32 {
      %mul3A_1240 = arith.constant 16 : i32
      %mul3A_1241 = arith.muli %scan3A_1238, %mul3A_1240 : i32
      %get3A_1242 = arith.index_cast %mul3A_1241 : i32 to index
      %get3A_1243 = tpu.vector_load %arg16[%get3A_1242] {strides = array<i32>} : memref<1024xf32, #tpu.memory_space<vmem>>, vector<16xf32>,
      %mul3A_1244 = arith.constant 16 : i32
      %mul3A_1245 = arith.muli %scan3A_1238, %mul3A_1244 : i32
      %get3A_1246 = arith.constant 16 : i32
      %get3A_1247 = arith.index_cast %get3A_1246 : i32 to index
      %get3A_1248 = arith.index_cast %mul3A_1245 : i32 to index
      %get3A_1249 = tpu.vector_load %arg15[%get3A_1247, %get3A_1248] {strides = array<i32>} : memref<32x1024xf32, #tpu.memory_space<vmem>>, vector<16xf32>,
      %mul3A_1250 = arith.mulf %get3A_1193, %get3A_1249 : vector<16xf32>
      %add3A_1251 = arith.addf %get3A_1243, %mul3A_1250 : vector<16xf32>
      %mul3A_1252 = arith.constant 16 : i32
      %mul3A_1253 = arith.muli %scan3A_1238, %mul3A_1252 : i32
      %get3A_1254 = arith.constant 17 : i32
      %get3A_1255 = arith.index_cast %get3A_1254 : i32 to index
      %get3A_1256 = arith.index_cast %mul3A_1253 : i32 to index
      %get3A_1257 = tpu.vector_load %arg15[%get3A_1255, %get3A_1256] {strides = array<i32>} : memref<32x1024xf32, #tpu.memory_space<vmem>>, vector<16xf32>,
      %mul3A_1258 = arith.mulf %get3A_1195, %get3A_1257 : vector<16xf32>
      %add3A_1259 = arith.addf %add3A_1251, %mul3A_1258 : vector<16xf32>
      %mul3A_1260 = arith.constant 16 : i32
      %mul3A_1261 = arith.muli %scan3A_1238, %mul3A_1260 : i32
      %get3A_1262 = arith.constant 18 : i32
      %get3A_1263 = arith.index_cast %get3A_1262 : i32 to index
      %get3A_1264 = arith.index_cast %mul3A_1261 : i32 to index
      %get3A_1265 = tpu.vector_load %arg15[%get3A_1263, %get3A_1264] {strides = array<i32>} : memref<32x1024xf32, #tpu.memory_space<vmem>>, vector<16xf32>,
      %mul3A_1266 = arith.mulf %get3A_1197, %get3A_1265 : vector<16xf32>
      %add3A_1267 = arith.addf %add3A_1259, %mul3A_1266 : vector<16xf32>
      %mul3A_1268 = arith.constant 16 : i32
      %mul3A_1269 = arith.muli %scan3A_1238, %mul3A_1268 : i32
      %get3A_1270 = arith.constant 19 : i32
      %get3A_1271 = arith.index_cast %get3A_1270 : i32 to index
      %get3A_1272 = arith.index_cast %mul3A_1269 : i32 to index
      %get3A_1273 = tpu.vector_load %arg15[%get3A_1271, %get3A_1272] {strides = array<i32>} : memref<32x1024xf32, #tpu.memory_space<vmem>>, vector<16xf32>,
      %mul3A_1274 = arith.mulf %get3A_1199, %get3A_1273 : vector<16xf32>
      %add3A_1275 = arith.addf %add3A_1267, %mul3A_1274 : vector<16xf32>
      %mul3A_1276 = arith.constant 16 : i32
      %mul3A_1277 = arith.muli %scan3A_1238, %mul3A_1276 : i32
      %get3A_1278 = arith.constant 20 : i32
      %get3A_1279 = arith.index_cast %get3A_1278 : i32 to index
      %get3A_1280 = arith.index_cast %mul3A_1277 : i32 to index
      %get3A_1281 = tpu.vector_load %arg15[%get3A_1279, %get3A_1280] {strides = array<i32>} : memref<32x1024xf32, #tpu.memory_space<vmem>>, vector<16xf32>,
      %mul3A_1282 = arith.mulf %get3A_1201, %get3A_1281 : vector<16xf32>
      %add3A_1283 = arith.addf %add3A_1275, %mul3A_1282 : vector<16xf32>
      %mul3A_1284 = arith.constant 16 : i32
      %mul3A_1285 = arith.muli %scan3A_1238, %mul3A_1284 : i32
      %get3A_1286 = arith.constant 21 : i32
      %get3A_1287 = arith.index_cast %get3A_1286 : i32 to index
      %get3A_1288 = arith.index_cast %mul3A_1285 : i32 to index
      %get3A_1289 = tpu.vector_load %arg15[%get3A_1287, %get3A_1288] {strides = array<i32>} : memref<32x1024xf32, #tpu.memory_space<vmem>>, vector<16xf32>,
      %mul3A_1290 = arith.mulf %get3A_1203, %get3A_1289 : vector<16xf32>
      %add3A_1291 = arith.addf %add3A_1283, %mul3A_1290 : vector<16xf32>
      %mul3A_1292 = arith.constant 16 : i32
      %mul3A_1293 = arith.muli %scan3A_1238, %mul3A_1292 : i32
      %get3A_1294 = arith.constant 22 : i32
      %get3A_1295 = arith.index_cast %get3A_1294 : i32 to index
      %get3A_1296 = arith.index_cast %mul3A_1293 : i32 to index
      %get3A_1297 = tpu.vector_load %arg15[%get3A_1295, %get3A_1296] {strides = array<i32>} : memref<32x1024xf32, #tpu.memory_space<vmem>>, vector<16xf32>,
      %mul3A_1298 = arith.mulf %get3A_1205, %get3A_1297 : vector<16xf32>
      %add3A_1299 = arith.addf %add3A_1291, %mul3A_1298 : vector<16xf32>
      %mul3A_1300 = arith.constant 16 : i32
      %mul3A_1301 = arith.muli %scan3A_1238, %mul3A_1300 : i32
      %get3A_1302 = arith.constant 23 : i32
      %get3A_1303 = arith.index_cast %get3A_1302 : i32 to index
      %get3A_1304 = arith.index_cast %mul3A_1301 : i32 to index
      %get3A_1305 = tpu.vector_load %arg15[%get3A_1303, %get3A_1304] {strides = array<i32>} : memref<32x1024xf32, #tpu.memory_space<vmem>>, vector<16xf32>,
      %mul3A_1306 = arith.mulf %get3A_1207, %get3A_1305 : vector<16xf32>
      %add3A_1307 = arith.addf %add3A_1299, %mul3A_1306 : vector<16xf32>
      %mul3A_1308 = arith.constant 16 : i32
      %mul3A_1309 = arith.muli %scan3A_1238, %mul3A_1308 : i32
      %swap3A_1310 = arith.index_cast %mul3A_1309 : i32 to index
      %swap3A_1311 = tpu.vector_load %arg16[%swap3A_1310] {strides = array<i32>} : memref<1024xf32, #tpu.memory_space<vmem>>, vector<16xf32>,
      tpu.vector_store %arg16[%swap3A_1310], %add3A_1307 {strides = array<i32>} : memref<1024xf32, #tpu.memory_space<vmem>>, vector<16xf32>,
      %scan3A_1312 = arith.constant 0 : i32
      scf.yield %scan3A_1312 : i32
    }
    %scan3A_1214 = arith.constant 64 : i32
    %get3A_1215 = arith.constant 384 : index
    %get3A_1216 = tpu.vector_load %arg14[%get3A_1215] {strides = array<i32>} : memref<512xf32, #tpu.memory_space<vmem>>, vector<16xf32>,
    %get3A_1217 = arith.constant 400 : index
    %get3A_1218 = tpu.vector_load %arg14[%get3A_1217] {strides = array<i32>} : memref<512xf32, #tpu.memory_space<vmem>>, vector<16xf32>,
    %get3A_1219 = arith.constant 416 : index
    %get3A_1220 = tpu.vector_load %arg14[%get3A_1219] {strides = array<i32>} : memref<512xf32, #tpu.memory_space<vmem>>, vector<16xf32>,
    %get3A_1221 = arith.constant 432 : index
    %get3A_1222 = tpu.vector_load %arg14[%get3A_1221] {strides = array<i32>} : memref<512xf32, #tpu.memory_space<vmem>>, vector<16xf32>,
    %get3A_1223 = arith.constant 448 : index
    %get3A_1224 = tpu.vector_load %arg14[%get3A_1223] {strides = array<i32>} : memref<512xf32, #tpu.memory_space<vmem>>, vector<16xf32>,
    %get3A_1225 = arith.constant 464 : index
    %get3A_1226 = tpu.vector_load %arg14[%get3A_1225] {strides = array<i32>} : memref<512xf32, #tpu.memory_space<vmem>>, vector<16xf32>,
    %get3A_1227 = arith.constant 480 : index
    %get3A_1228 = tpu.vector_load %arg14[%get3A_1227] {strides = array<i32>} : memref<512xf32, #tpu.memory_space<vmem>>, vector<16xf32>,
    %get3A_1229 = arith.constant 496 : index
    %get3A_1230 = tpu.vector_load %arg14[%get3A_1229] {strides = array<i32>} : memref<512xf32, #tpu.memory_space<vmem>>, vector<16xf32>,
    %scan3A_1231 = arith.constant 0 : i32
    %scan3A_1232 = arith.constant 0 : i32
    %scan3A_1233 = arith.constant 64 : i32
    %scan3A_1234 = arith.addi %scan3A_1232, %scan3A_1233 : i32
    %scan3A_1235 = arith.constant 1 : i32
    %scan3A_1236 = scf.for %scan3A_1238 = %scan3A_1232 to %scan3A_1234 step %scan3A_1235 iter_args(%scan3A_1239 = %scan3A_1231) -> (i32)  : i32 {
      %mul3A_1240 = arith.constant 16 : i32
      %mul3A_1241 = arith.muli %scan3A_1238, %mul3A_1240 : i32
      %get3A_1242 = arith.index_cast %mul3A_1241 : i32 to index
      %get3A_1243 = tpu.vector_load %arg16[%get3A_1242] {strides = array<i32>} : memref<1024xf32, #tpu.memory_space<vmem>>, vector<16xf32>,
      %mul3A_1244 = arith.constant 16 : i32
      %mul3A_1245 = arith.muli %scan3A_1238, %mul3A_1244 : i32
      %get3A_1246 = arith.constant 24 : i32
      %get3A_1247 = arith.index_cast %get3A_1246 : i32 to index
      %get3A_1248 = arith.index_cast %mul3A_1245 : i32 to index
      %get3A_1249 = tpu.vector_load %arg15[%get3A_1247, %get3A_1248] {strides = array<i32>} : memref<32x1024xf32, #tpu.memory_space<vmem>>, vector<16xf32>,
      %mul3A_1250 = arith.mulf %get3A_1216, %get3A_1249 : vector<16xf32>
      %add3A_1251 = arith.addf %get3A_1243, %mul3A_1250 : vector<16xf32>
      %mul3A_1252 = arith.constant 16 : i32
      %mul3A_1253 = arith.muli %scan3A_1238, %mul3A_1252 : i32
      %get3A_1254 = arith.constant 25 : i32
      %get3A_1255 = arith.index_cast %get3A_1254 : i32 to index
      %get3A_1256 = arith.index_cast %mul3A_1253 : i32 to index
      %get3A_1257 = tpu.vector_load %arg15[%get3A_1255, %get3A_1256] {strides = array<i32>} : memref<32x1024xf32, #tpu.memory_space<vmem>>, vector<16xf32>,
      %mul3A_1258 = arith.mulf %get3A_1218, %get3A_1257 : vector<16xf32>
      %add3A_1259 = arith.addf %add3A_1251, %mul3A_1258 : vector<16xf32>
      %mul3A_1260 = arith.constant 16 : i32
      %mul3A_1261 = arith.muli %scan3A_1238, %mul3A_1260 : i32
      %get3A_1262 = arith.constant 26 : i32
      %get3A_1263 = arith.index_cast %get3A_1262 : i32 to index
      %get3A_1264 = arith.index_cast %mul3A_1261 : i32 to index
      %get3A_1265 = tpu.vector_load %arg15[%get3A_1263, %get3A_1264] {strides = array<i32>} : memref<32x1024xf32, #tpu.memory_space<vmem>>, vector<16xf32>,
      %mul3A_1266 = arith.mulf %get3A_1220, %get3A_1265 : vector<16xf32>
      %add3A_1267 = arith.addf %add3A_1259, %mul3A_1266 : vector<16xf32>
      %mul3A_1268 = arith.constant 16 : i32
      %mul3A_1269 = arith.muli %scan3A_1238, %mul3A_1268 : i32
      %get3A_1270 = arith.constant 27 : i32
      %get3A_1271 = arith.index_cast %get3A_1270 : i32 to index
      %get3A_1272 = arith.index_cast %mul3A_1269 : i32 to index
      %get3A_1273 = tpu.vector_load %arg15[%get3A_1271, %get3A_1272] {strides = array<i32>} : memref<32x1024xf32, #tpu.memory_space<vmem>>, vector<16xf32>,
      %mul3A_1274 = arith.mulf %get3A_1222, %get3A_1273 : vector<16xf32>
      %add3A_1275 = arith.addf %add3A_1267, %mul3A_1274 : vector<16xf32>
      %mul3A_1276 = arith.constant 16 : i32
      %mul3A_1277 = arith.muli %scan3A_1238, %mul3A_1276 : i32
      %get3A_1278 = arith.constant 28 : i32
      %get3A_1279 = arith.index_cast %get3A_1278 : i32 to index
      %get3A_1280 = arith.index_cast %mul3A_1277 : i32 to index
      %get3A_1281 = tpu.vector_load %arg15[%get3A_1279, %get3A_1280] {strides = array<i32>} : memref<32x1024xf32, #tpu.memory_space<vmem>>, vector<16xf32>,
      %mul3A_1282 = arith.mulf %get3A_1224, %get3A_1281 : vector<16xf32>
      %add3A_1283 = arith.addf %add3A_1275, %mul3A_1282 : vector<16xf32>
      %mul3A_1284 = arith.constant 16 : i32
      %mul3A_1285 = arith.muli %scan3A_1238, %mul3A_1284 : i32
      %get3A_1286 = arith.constant 29 : i32
      %get3A_1287 = arith.index_cast %get3A_1286 : i32 to index
      %get3A_1288 = arith.index_cast %mul3A_1285 : i32 to index
      %get3A_1289 = tpu.vector_load %arg15[%get3A_1287, %get3A_1288] {strides = array<i32>} : memref<32x1024xf32, #tpu.memory_space<vmem>>, vector<16xf32>,
      %mul3A_1290 = arith.mulf %get3A_1226, %get3A_1289 : vector<16xf32>
      %add3A_1291 = arith.addf %add3A_1283, %mul3A_1290 : vector<16xf32>
      %mul3A_1292 = arith.constant 16 : i32
      %mul3A_1293 = arith.muli %scan3A_1238, %mul3A_1292 : i32
      %get3A_1294 = arith.constant 30 : i32
      %get3A_1295 = arith.index_cast %get3A_1294 : i32 to index
      %get3A_1296 = arith.index_cast %mul3A_1293 : i32 to index
      %get3A_1297 = tpu.vector_load %arg15[%get3A_1295, %get3A_1296] {strides = array<i32>} : memref<32x1024xf32, #tpu.memory_space<vmem>>, vector<16xf32>,
      %mul3A_1298 = arith.mulf %get3A_1228, %get3A_1297 : vector<16xf32>
      %add3A_1299 = arith.addf %add3A_1291, %mul3A_1298 : vector<16xf32>
      %mul3A_1300 = arith.constant 16 : i32
      %mul3A_1301 = arith.muli %scan3A_1238, %mul3A_1300 : i32
      %get3A_1302 = arith.constant 31 : i32
      %get3A_1303 = arith.index_cast %get3A_1302 : i32 to index
      %get3A_1304 = arith.index_cast %mul3A_1301 : i32 to index
      %get3A_1305 = tpu.vector_load %arg15[%get3A_1303, %get3A_1304] {strides = array<i32>} : memref<32x1024xf32, #tpu.memory_space<vmem>>, vector<16xf32>,
      %mul3A_1306 = arith.mulf %get3A_1230, %get3A_1305 : vector<16xf32>
      %add3A_1307 = arith.addf %add3A_1299, %mul3A_1306 : vector<16xf32>
      %mul3A_1308 = arith.constant 16 : i32
      %mul3A_1309 = arith.muli %scan3A_1238, %mul3A_1308 : i32
      %swap3A_1310 = arith.index_cast %mul3A_1309 : i32 to index
      %swap3A_1311 = tpu.vector_load %arg16[%swap3A_1310] {strides = array<i32>} : memref<1024xf32, #tpu.memory_space<vmem>>, vector<16xf32>,
      tpu.vector_store %arg16[%swap3A_1310], %add3A_1307 {strides = array<i32>} : memref<1024xf32, #tpu.memory_space<vmem>>, vector<16xf32>,
      %scan3A_1312 = arith.constant 0 : i32
      scf.yield %scan3A_1312 : i32
    }
    %scan3A_1237 = arith.constant 64 : i32
    "tpu.region"() ({
      %run_scoped3A = tpu.sem_alloc : memref<!tpu.dma_semaphore, #tpu.memory_space<semaphore_mem>>
      %dma_start3A_1238 = arith.constant 0 : i32
      %dma_start3A_1239 = tpu.memref_slice %arg5[%add3A_619, %dma_start3A_1238] : memref<64x1024xf32, #tpu.memory_space<hbm>> -> memref<1x1024xf32, #tpu.memory_space<hbm>>
      %dma_start3A_1240 = tpu.memref_squeeze %dma_start3A_1239 : memref<1x1024xf32, #tpu.memory_space<hbm>> -> memref<1024xf32, #tpu.memory_space<hbm>>
      %dma_start3A_1241 = arith.constant 0 : i32
      %dma_start3A_1242 = tpu.memref_slice %arg5[%add3A_619, %dma_start3A_1241] : memref<64x1024xf32, #tpu.memory_space<hbm>> -> memref<1x1024xf32, #tpu.memory_space<hbm>>
      %dma_start3A_1243 = tpu.memref_squeeze %dma_start3A_1242 : memref<1x1024xf32, #tpu.memory_space<hbm>> -> memref<1024xf32, #tpu.memory_space<hbm>>
      tpu.enqueue_dma source(%arg16 : memref<1024xf32, #tpu.memory_space<vmem>>) target(%dma_start3A_1243 : memref<1024xf32, #tpu.memory_space<hbm>>) target_semaphore(%run_scoped3A : memref<!tpu.dma_semaphore, #tpu.memory_space<semaphore_mem>>)
      %dma_wait3A_1244 = arith.constant 0 : i32
      %dma_wait3A_1245 = tpu.memref_slice %arg5[%add3A_619, %dma_wait3A_1244] : memref<64x1024xf32, #tpu.memory_space<hbm>> -> memref<1x1024xf32, #tpu.memory_space<hbm>>
      %dma_wait3A_1246 = tpu.memref_squeeze %dma_wait3A_1245 : memref<1x1024xf32, #tpu.memory_space<hbm>> -> memref<1024xf32, #tpu.memory_space<hbm>>
      %dma_wait3A_1247 = arith.constant 0 : i32
      %dma_wait3A_1248 = tpu.memref_slice %arg5[%add3A_619, %dma_wait3A_1247] : memref<64x1024xf32, #tpu.memory_space<hbm>> -> memref<1x1024xf32, #tpu.memory_space<hbm>>
      %dma_wait3A_1249 = tpu.memref_squeeze %dma_wait3A_1248 : memref<1x1024xf32, #tpu.memory_space<hbm>> -> memref<1024xf32, #tpu.memory_space<hbm>>
      tpu.wait_dma2 semaphore(%run_scoped3A : memref<!tpu.dma_semaphore, #tpu.memory_space<semaphore_mem>>) src(%arg16 : memref<1024xf32, #tpu.memory_space<vmem>>) dst(%dma_wait3A_1249 : memref<1024xf32, #tpu.memory_space<hbm>>)
      tpu.yield
    }) : () -> ()
    return
  }
}

module attributes {stable_mosaic.version = 14 : i64} {
  func.func @_enc_body(%arg0: i32, %arg1: memref<64x1024xf32, #tpu.memory_space<vmem>>, %arg2: memref<2048x1024xf32, #tpu.memory_space<vmem>>, %arg3: memref<1x2048xf32, #tpu.memory_space<vmem>>, %arg4: memref<1x1024xf32, #tpu.memory_space<vmem>>, %arg5: memref<64x2048xf32, #tpu.memory_space<vmem>>) attributes {dimension_semantics = [#tpu.dimension_semantics<arbitrary>], iteration_bounds = array<i64: 16>, scalar_prefetch = 0 : i64, scratch_operands = 0 : i64, tpu.core_type = #tpu.core_type<tc>, window_params = [{pipeline_mode = #tpu.pipeline_mode<synchronous>, transform_indices = @transform_0, window_bounds = array<i64: 64, 1024>}, {transform_indices = @transform_1, window_bounds = array<i64: 2048, 1024>}, {transform_indices = @transform_2, window_bounds = array<i64: 1, 2048>}, {pipeline_mode = #tpu.pipeline_mode<synchronous>, transform_indices = @transform_3, window_bounds = array<i64: 1, 1024>}, {transform_indices = @transform_4, window_bounds = array<i64: 64, 2048>}]} {
    %get3A = arith.constant 0 : index
    %get3A_0 = arith.constant 0 : index
    %get3A_1 = vector.load %arg1[%get3A, %get3A_0] : memref<64x1024xf32, #tpu.memory_space<vmem>>, vector<64x1024xf32>
    %get3A_2 = arith.constant 0 : index
    %get3A_3 = arith.constant 0 : index
    %get3A_4 = vector.load %arg4[%get3A_2, %get3A_3] : memref<1x1024xf32, #tpu.memory_space<vmem>>, vector<1x1024xf32>
    %sub3A = vector.broadcast %get3A_4 : vector<1x1024xf32> to vector<64x1024xf32>
    %sub3A_5 = arith.subf %get3A_1, %sub3A : vector<64x1024xf32>
    %get3A_6 = arith.constant 0 : index
    %get3A_7 = arith.constant 0 : index
    %get3A_8 = vector.load %arg2[%get3A_6, %get3A_7] : memref<2048x1024xf32, #tpu.memory_space<vmem>>, vector<2048x1024xf32>
    %dot_general3A = arith.constant dense<0.000000e+00> : vector<64x2048xf32>
    %dot_general3A_9 = tpu.matmul %sub3A_5, %get3A_8, %dot_general3A {dimension_numbers = #tpu.dot_dimension_numbers<[1], [1], [0], [0], [0, 0, 1, 0], [], []>, transpose_lhs_hint = false} : vector<64x1024xf32>, vector<2048x1024xf32>, vector<64x2048xf32> -> vector<64x2048xf32>
    %get3A_10 = arith.constant 0 : index
    %get3A_11 = arith.constant 0 : index
    %get3A_12 = vector.load %arg3[%get3A_10, %get3A_11] : memref<1x2048xf32, #tpu.memory_space<vmem>>, vector<1x2048xf32>
    %add3A = vector.broadcast %get3A_12 : vector<1x2048xf32> to vector<64x2048xf32>
    %add3A_13 = arith.addf %dot_general3A_9, %add3A : vector<64x2048xf32>
    %max3A = arith.constant 0.000000e+00 : f32
    %max3A_14 = vector.broadcast %max3A : f32 to vector<64x2048xf32>
    %max3A_15 = arith.maximumf %add3A_13, %max3A_14 : vector<64x2048xf32>
    %swap3A = arith.constant 0 : index
    %swap3A_16 = arith.constant 0 : index
    %swap3A_17 = vector.load %arg5[%swap3A, %swap3A_16] : memref<64x2048xf32, #tpu.memory_space<vmem>>, vector<64x2048xf32>
    tpu.vector_store %arg5[%swap3A, %swap3A_16], %max3A_15 {strides = array<i32>} : memref<64x2048xf32, #tpu.memory_space<vmem>>, vector<64x2048xf32>,
    return
  }
  func.func @transform_0(%arg0: i32) -> (i32, i32) {
    %c0_i32 = arith.constant 0 : i32
    %c0_i32_0 = arith.constant 0 : i32
    %c0_i32_1 = arith.constant 0 : i32
    return %c0_i32, %c0_i32_0 : i32, i32
  }
  func.func @transform_1(%arg0: i32) -> (i32, i32) {
    %c0_i32 = arith.constant 0 : i32
    %c0_i32_0 = arith.constant 0 : i32
    return %arg0, %c0_i32 : i32, i32
  }
  func.func @transform_2(%arg0: i32) -> (i32, i32) {
    %c0_i32 = arith.constant 0 : i32
    %c0_i32_0 = arith.constant 0 : i32
    return %c0_i32, %arg0 : i32, i32
  }
  func.func @transform_3(%arg0: i32) -> (i32, i32) {
    %c0_i32 = arith.constant 0 : i32
    %c0_i32_0 = arith.constant 0 : i32
    %c0_i32_1 = arith.constant 0 : i32
    return %c0_i32, %c0_i32_0 : i32, i32
  }
  func.func @transform_4(%arg0: i32) -> (i32, i32) {
    %c0_i32 = arith.constant 0 : i32
    %c0_i32_0 = arith.constant 0 : i32
    return %c0_i32, %arg0 : i32, i32
  }
}

</mosaic_0001>

<sc_bundles>
// kernel: kernel.4.cloned.1.call-start
scs
__scs_entry_jumppad:
0x0: {  	(pc) =	sbr.rel $0x88, $3  }
0x1: {  	(tag) =	ssettag $0x0;
	lr =	simm.s32 $0x1  }
0x2: {  	[smem:$0x3F9C] =	sst lr;
	_ =	strace $0xD0000000  }
0x3: {  	_ = 	snop  }
0x4: {  	_ = 	snop  }
0x5: {  	_ = 	snop  }
0x6: {  	_ = 	snop  }
0x7: {  	_ = 	snop  }
__scs_overlays_trampoline_lowered:
0x8: {  	[smem:$0x3FAB] =	sst s0  }
0x9: {  	[smem:$0x3FAC] =	sst s1  }
0xa: {  	[smem:$0x3FAD] =	sst s2  }
0xb: {  	[smem:$0x3FAE] =	sst s3  }
0xc: {  	[smem:$0x3FAF] =	sst s4  }
0xd: {  	[smem:$0x3FB0] =	sst s5  }
0xe: {  	[smem:$0x3FB1] =	sst s6  }
0xf: {  	[smem:$0x3FB2] =	sst s7  }
0x10: {  	[smem:$0x3FB3] =	sst s8  }
0x11: {  	[smem:$0x3FB4] =	sst s9;
	s0 =	simm.s32 @!p0 $0x0  }
0x12: {  	s1 =	sld [smem:$0x3F9A];
	s0 =	simm.s32 @p0 $0x1  }
0x13: {  	[smem:$0x3FB5] =	sst s0;
	s0 =	simm.s32 @!p1 $0x0  }
0x14: {  	s2 =	sld [smem:$0x3F99];
	s0 =	simm.s32 @p1 $0x1  }
0x15: {  	[smem:$0x3FB6] =	sst s0;
	s0 =	simm.s32 @!p2 $0x0  }
0x16: {  	s3 =	sld [smem:$0x3FDB];
	s0 =	simm.s32 @p2 $0x1  }
0x17: {  	s4 =	simm.s32 $0x1BF5;
	[smem:$0x3FB8] =	sst s0  }
0x18: {  	s0 =	sld [smem:$0x3F9B];
	_ =	swait.ge [sflag:s4], $0x0  }
0x19: {  	s7 =	sld [smem:$0x3F9C]  }
0x1a: {  	s8 =	sadd.s32 $0xFFFFE003, lr  }
0x1b: {  	s9 =	sadd.s32 $0xFFFFFEF7, lr;
	s5 =	simm.s32 $0xFFFFFFFF;
	p2 =	slt.u32 s8, $0xFFFFF086  }
0x1c: {  	p1 =	slt.u32 s9, $0xF7A;
	s5 =	simm.s32 @!p2 $0x0  }
0x1d: {  	s5 =	simm.s32 @p1 $0x1;
	p0 =	seq.s32 s7, s2  }
0x1e: {  	s7 =	smul.u32 @!p0 $0xF7A, s2;
	p2 =	seq.s32 @!p0 s5, $0x0  }
0x1f: {  	s9 =	smul.u32 $0xF7A, s1;
	s8 =	simm.s32 @!p0 $0x1BF5;
	p2 =	por !p2, p0  }
0x20: {  	[sflag:s8] =	ssyncset.s32 @!p0 $0xFFFFF086;
	s6 =	sadd.s32 @!p0 s3, s7;
	s7 =	simm.s32 @!p0 $0x108  }
0x21: {  	s3 =	sadd.s32 s3, s9;
	s6 =	sadd.s32 @!p0 $0x88, s6;
	s7 =	simm.s32 @p2 $0x1082  }
0x22: {  	[simem:s7], [sflag:s8] =	dma.local @!p0 [hbm:s6], $0xF7A  }
0x23: {  	s9 =	sor.u32 $0xD0000000, s2;
	s6 =	simm.s32 $0x108;
	_ =	swait.ge @!p0 [sflag:s8], $0x0  }
0x24: {  	s3 =	sadd.s32 $0x88, s3;
	s6 =	simm.s32 @!p1 $0x1082;
	[sflag:s4] =	ssyncset.s32 $0xFFFFF086  }
0x25: {  	[simem:s6], [sflag:s4] =	dma.local [hbm:s3], $0xF7A  }
0x26: {  	[smem:$0x3F9C] =	sst s1;
	(tag) =	ssettag s2;
	_ =	strace s9  }
0x27: {  	s1 =	sld [smem:$0x3FAC]  }
0x28: {  	s2 =	sld [smem:$0x3FAD]  }
0x29: {  	s4 =	sld [smem:$0x3FAF]  }
0x2a: {  	p0 =	seq.s32 s5, $0x0;
	s5 =	sld [smem:$0x3FB0]  }
0x2b: {  	s6 =	sld [smem:$0x3FB1]  }
0x2c: {  	s7 =	sld [smem:$0x3FB2]  }
0x2d: {  	s3 =	simm.s32 $0x108;
	s8 =	sld [smem:$0x3FB3]  }
0x2e: {  	s3 =	simm.s32 @!p0 $0x1082;
	s9 =	sld [smem:$0x3FB4]  }
0x2f: {  	lr =	sadd.s32 s0, s3;
	s0 =	sld [smem:$0x3FAB]  }
0x30: {  	s3 =	sld [smem:$0x3FAE]  }
0x31: {  	[smem:$0x3FB7] =	sst s10  }
0x32: {  	s10 =	sld [smem:$0x3FB5];
	_ =	sdelay $0x3  }
0x33: {  	p0 =	seq.s32 s10, $0x1;
	s10 =	sld [smem:$0x3FB7];
	_ =	sdelay $0x3  }
0x34: {  	[smem:$0x3FB7] =	sst s10  }
0x35: {  	s10 =	sld [smem:$0x3FB6];
	_ =	sdelay $0x3  }
0x36: {  	p1 =	seq.s32 s10, $0x1;
	s10 =	sld [smem:$0x3FB7];
	_ =	sdelay $0x3  }
0x37: {  	[smem:$0x3FB7] =	sst s10  }
0x38: {  	s10 =	sld [smem:$0x3FB8]  }
0x39: {  	_ = 	snop;
	(pc) =	sbr.ind lr, $3  }
0x3a: {  	_ = 	snop  }
0x3b: {  	_ = 	snop  }
0x3c: {  	p2 =	seq.s32 s10, $0x1;
	s10 =	sld [smem:$0x3FB7]  }
0x3d: {  	_ =	shalt  }
0x3e: {  	_ =	shalt  }
0x3f: {  	_ =	shalt  }
0x40: {  	_ =	shalt  }
0x41: {  	_ =	shalt  }
0x42: {  	_ =	shalt  }
0x43: {  	_ =	shalt  }
0x44: {  	_ =	shalt  }
0x45: {  	_ =	shalt  }
0x46: {  	_ =	shalt  }
0x47: {  	_ =	shalt  }
0x48: {  	_ =	shalt  }
0x49: {  	_ =	shalt  }
0x4a: {  	_ =	shalt  }
0x4b: {  	_ =	shalt  }
0x4c: {  	_ =	shalt  }
0x4d: {  	_ =	shalt  }
0x4e: {  	_ =	shalt  }
0x4f: {  	_ =	shalt  }
0x50: {  	_ =	shalt  }
0x51: {  	_ =	shalt  }
0x52: {  	_ =	shalt  }
0x53: {  	_ =	shalt  }
0x54: {  	_ =	shalt  }
0x55: {  	_ =	shalt  }
0x56: {  	_ =	shalt  }
0x57: {  	_ =	shalt  }
0x58: {  	_ =	shalt  }
0x59: {  	_ =	shalt  }
0x5a: {  	_ =	shalt  }
0x5b: {  	_ =	shalt  }
0x5c: {  	_ =	shalt  }
0x5d: {  	_ =	shalt  }
0x5e: {  	_ =	shalt  }
0x5f: {  	_ =	shalt  }
0x60: {  	_ =	shalt  }
0x61: {  	_ =	shalt  }
0x62: {  	_ =	shalt  }
0x63: {  	_ =	shalt  }
0x64: {  	_ =	shalt  }
0x65: {  	_ =	shalt  }
0x66: {  	_ =	shalt  }
0x67: {  	_ =	shalt  }
0x68: {  	_ =	shalt  }
0x69: {  	_ =	shalt  }
0x6a: {  	_ =	shalt  }
0x6b: {  	_ =	shalt  }
0x6c: {  	_ =	shalt  }
0x6d: {  	_ =	shalt  }
0x6e: {  	_ =	shalt  }
0x6f: {  	_ =	shalt  }
0x70: {  	_ =	shalt  }
0x71: {  	_ =	shalt  }
0x72: {  	_ =	shalt  }
0x73: {  	_ =	shalt  }
0x74: {  	_ =	shalt  }
0x75: {  	_ =	shalt  }
0x76: {  	_ =	shalt  }
0x77: {  	_ =	shalt  }
0x78: {  	_ =	shalt  }
0x79: {  	_ =	shalt  }
0x7a: {  	_ =	shalt  }
0x7b: {  	_ =	shalt  }
0x7c: {  	_ =	shalt  }
0x7d: {  	_ =	shalt  }
0x7e: {  	_ =	shalt  }
0x7f: {  	_ =	shalt  }
0x80: {  	_ =	shalt  }
0x81: {  	_ =	shalt  }
0x82: {  	_ =	shalt  }
0x83: {  	_ =	shalt  }
0x84: {  	_ =	shalt  }
0x85: {  	_ =	shalt  }
0x86: {  	_ =	shalt  }
0x87: {  	_ =	shalt  }
.Lfunc_end0:
.L_simem_size_0:
called_computation_lowered:
.L_overlay_start_0:
0x88: {  	s2 =	sld [smem:$0x3FD9]  }
0x89: {  	s3 =	sld [smem:$0x3FFE];
	_ =	sdelay $0x1  }
0x8a: {  	s1 =	srdreg.scid  }
0x8b: {  	s0 =	sand.u32 $0x1, s1  }
0x8c: {  	s17 =	sshll.u32 s0, $0xA;
	s2 =	sadd.s32 s3, s2  }
0x8d: {  	s2 =	sadd.s32 s2, s17  }
0x8e: {  	[smem:$0x3FC3] =	sst s2  }
0x8f: {  	_ = 	snop  }
0x90: {  	s2 =	sld [smem:$0x3FC6]  }
0x91: {  	s18 =	sld [smem:$0x3FC5]  }
0x92: {  	s4 =	sld [smem:$0x3FD0];
	(tm) =	ssettm $0x1  }
0x93: {  	s5 =	sld [smem:$0x3FFB];
	_ =	sdelay $0x3  }
0x94: {  	_ =	strace s5  }
0x95: {  	s5 =	sld [smem:$0x3FFC];
	_ =	sdelay $0x3  }
0x96: {  	_ =	strace s5  }
0x97: {  	s5 =	sld [smem:$0x3FFD];
	_ =	sdelay $0x3  }
0x98: {  	_ =	strace s5  }
0x99: {  	_ =	strace $0x8FFFFFFF  }
0x9a: {  	s19 =	sld [smem:$0x3FDB];
	_ =	sdelay $0x1  }
0x9b: {  	s6 =	simm.s32 $_scs_section_size  }
0x9c: {  	s7 =	simm.s32 $_size__tile_overlayer_lowered;
	s8 =	simm.s32 $_tile_overlayer_lowered  }
0x9d: {  	s22 =	simm.s32 $0x1BFF;
	s21 =	sshll.u32 s8, $0x1;
	s5 =	sadd.s32 s6, s19  }
0x9e: {  	s9 =	simm.s32 $0x0;
	s20 =	sshll.u32 s7, $0x1;
	s7 =	sadd.s32 s21, s5  }
0x9f: {  	[timem:s9], [sflag:s22] =	dma.local [hbm:s7], s20  }
0xa0: {  	_ =	swait.ge [sflag:s22], s20  }
0xa1: {  	s6 =	ssub.s32 $0x0, s20;
	[sflag:s22] =	ssyncset.done $0x0  }
0xa2: {  	[sflag:s22] =	ssyncadd.s32 s6;
	_ =	sdelay $0x1  }
0xa3: {  	s23 =	simm.s32 $0x1B8B  }
0xa4: {  	_ =	swait.ge [sflag:s23], $0x1  }
0xa5: {  	[sflag:s23] =	ssyncset.done $0x0  }
0xa6: {  	s25 =	simm.s32 $0x1B8E;
	s24 =	sld [smem:$0x3FFE];
	[sflag:s23] =	ssyncadd.s32 $0xFFFFFFFF  }
0xa7: {  	s26 =	simm.s32 $execute0_lowered;
	[smem:$0x3FD2] =	sst s25  }
0xa8: {  	s7 =	sshll.u32 s26, $0x1;
	_ =	strace $0x80000046;
	[dreg:$0x1] =	wrdreg $0xFFFFFFFF  }
0xa9: {  	s28 =	simm.s32 $_size_execute0_lowered;
	s5 =	sadd.s32 s5, s7;
	[dreg:$0x0] =	wrdreg $0x0  }
0xaa: {  	s7 =	sshll.u32 s28, $0x1;
	[dreg:$0x2] =	wrdreg s5  }
0xab: {  	[dreg:$0x3] =	wrdreg s7  }
0xac: {  	[dreg:$0x4] =	wrdreg $0xC0  }
0xad: {  	_ =	task [dreg:s9], $0x5FFFF  }
0xae: {  	[dreg:$0x1] =	wrdreg $0xFFFFFFFF  }
0xaf: {  	[dreg:$0x0] =	wrdreg $0x60  }
0xb0: {  	[dreg:$0x2] =	wrdreg s24  }
0xb1: {  	[dreg:$0x3] =	wrdreg s2  }
0xb2: {  	[dreg:$0x4] =	wrdreg s18  }
0xb3: {  	[dreg:$0x5] =	wrdreg s4  }
0xb4: {  	[dreg:$0x6] =	wrdreg $0x9  }
0xb5: {  	_ =	task.clear_ibuf [dreg:s9], $0x7FFFF;
	_ =	strace $0x90000046  }
0xb6: {  	s29 =	simm.s32 $0x9;
	_ =	strace $0x80000048  }
0xb7: {  	_ =	swait.ge [sflag:s29], $0x1  }
0xb8: {  	[sflag:s29] =	ssyncadd.s32 $0xFFFFFFFF  }
0xb9: {  	_ =	strace $0x90000048  }
0xba: {  	_ =	sfence  }
0xbb: {  	s30 =	sld [smem:$0x0];
	_ =	sdelay $0x2  }
0xbc: {  	s31 =	sshll.u32 s1, $0xD;
	s1 =	sshrl.u32 s1, $0x2  }
0xbd: {  	s3 =	sand.u32 $0x4000, s31;
	s1 =	sadd.s32 s1, s30  }
0xbe: {  	s0 =	sor.u32 s3, s0;
	s1 =	sshll.u32 s1, $0x11  }
0xbf: {  	s0 =	sor.u32 s1, s0  }
0xc0: {  	s0 =	sadd.s32 $0x8F2B, s0  }
0xc1: {  	[sflag:s0] =	ssyncadd.remote.s32 $0x1  }
0xc2: {  	_ =	sfence.sel $0xFFFF  }
0xc3: {  	[dreg:$0x0] =	wrdreg $0xFFFFFFFF;
	(pc) =	sbr.abs _section_cstart, $3  }
0xc4: {  	[dreg:$0x1] =	wrdreg $0xFFFFFFFF  }
0xc5: {  	_ =	task.clear_ibuf [dreg:s9], $0x2FFFF;
	_ =	strace $0x9FFFFFFF  }
0xc6: {  	(tm) =	ssettm $0x7FFFFFFF  }
0xc7: {  	_ =	shalt  }
tec
execute0_lowered:
.L_overlay_start_1:
0x0: {  	(tag) =	ssettag $0x1  }
0x1: {  	v0 =	vimm.f32 $-1.000000000e+00;
	v1 =	vlaneseq.u32  }
0x2: {  	v2 =	vimm.s32 $0x0;
	v3 =	vimm.s32 $0xBCAB9A89;
	v4 =	vimm.s32 $0xF0EFDECD  }
0x3: {  	vm0 =	vcmask $0x1F10;
	v5 =	vimm.s32 $0x34231201;
	v6 =	vimm.s32 $0x78675645  }
0x4: {  	v7 =	vimm.s32 $0xBDAC9B8A;
	v8 =	vimm.s32 $0xF1E0DFCE;
	v9 =	vimm.s32 $0x35241302  }
0x5: {  	v10 =	vimm.s32 $0x79685746;
	v12 =	vimm.s32 $0xB1A09F8E;
	v13 =	vimm.s32 $0xF5E4D3C2  }
0x6: {  	v14 =	vimm.s32 $0x39281706;
	v15 =	vimm.s32 $0x7D6C5B4A;
	v16 =	vimm.s32 $0xB5A49382  }
0x7: {  	v17 =	vimm.s32 $0xF9E8D7C6;
	v18 =	vimm.s32 $0x3D2C1B0A;
	v19 =	vimm.s32 $0x71605F4E  }
0x8: {  	v20 =	vimm.s32 $0xB9A89786;
	v21 =	vimm.s32 $0xFDECDBCA;
	v22 =	vimm.s32 $0x31201F0E  }
0x9: {  	v23 =	vimm.s32 $0x75645342;
	vm14 =	vcmask $0x300;
	vm13 =	vcmask $0x704  }
0xa: {  	vm12 =	vcmask $0xB08;
	vm11 =	vcmask $0xF0C;
	vm10 =	vcmask $0x1310  }
0xb: {  	vm9 =	vcmask $0x1714;
	vm1 =	vcmask $0x1B18;
	vm15 =	vcmask $0x1F1C  }
0xc: {  	vm2 =	vcmask $0x2320;
	vm3 =	vcmask $0x2724;
	vm4 =	vcmask $0x2B28  }
0xd: {  	vm5 =	vcmask $0x2F2C;
	vm6 =	vcmask $0x3330;
	vm7 =	vcmask $0x3734  }
0xe: {  	vm8 =	vcmask $0x3B38;
	v24 =	vimm.s32 $0x1F5;
	v25 =	vimm.s32 $0x1F6  }
0xf: {  	v26 =	vimm.s32 $0x1F7;
	v27 =	vimm.s32 $0x1F8;
	v28 =	vimm.s32 $0x1F9  }
0x10: {  	v29 =	vimm.s32 $0x1FA;
	v30 =	vimm.s32 $0x1FB;
	v31 =	vimm.s32 $0x1FC  }
0x11: {  	v32 =	vimm.s32 $0x1FD;
	v33 =	vimm.s32 $0x1FE;
	v3 =	vunpack.c.0.s8.s32 v3  }
0x12: {  	v4 =	vunpack.c.0.s8.s32 v4;
	v5 =	vunpack.c.0.s8.s32 v5;
	v6 =	vunpack.c.0.s8.s32 v6  }
0x13: {  	v7 =	vunpack.c.0.s8.s32 v7;
	v8 =	vunpack.c.0.s8.s32 v8;
	v9 =	vunpack.c.0.s8.s32 v9  }
0x14: {  	v10 =	vunpack.c.0.s8.s32 v10;
	v12 =	vunpack.c.0.s8.s32 v12;
	v13 =	vunpack.c.0.s8.s32 v13  }
0x15: {  	v14 =	vunpack.c.0.s8.s32 v14;
	v15 =	vunpack.c.0.s8.s32 v15;
	v16 =	vunpack.c.0.s8.s32 v16  }
0x16: {  	v17 =	vunpack.c.0.s8.s32 v17;
	v18 =	vunpack.c.0.s8.s32 v18;
	v19 =	vunpack.c.0.s8.s32 v19  }
0x17: {  	v20 =	vunpack.c.0.s8.s32 v20;
	v21 =	vunpack.c.0.s8.s32 v21;
	v22 =	vunpack.c.0.s8.s32 v22  }
0x18: {  	v23 =	vunpack.c.0.s8.s32 v23;
	v24 =	vsel vm14, $0x106, v24;
	v25 =	vsel vm14, $0x107, v25  }
0x19: {  	v26 =	vsel vm14, $0x108, v26;
	v27 =	vsel vm14, $0x109, v27;
	v28 =	vsel vm14, $0x10A, v28  }
0x1a: {  	v29 =	vsel vm14, $0x10B, v29;
	v30 =	vsel vm14, $0x10C, v30;
	v31 =	vsel vm14, $0x10D, v31  }
0x1b: {  	v32 =	vsel vm14, $0x10E, v32;
	v33 =	vsel vm14, $0x10F, v33;
	v24 =	vsel vm13, $0x117, v24  }
0x1c: {  	v25 =	vsel vm13, $0x118, v25;
	v26 =	vsel vm13, $0x119, v26;
	v27 =	vsel vm13, $0x11A, v27  }
0x1d: {  	v28 =	vsel vm13, $0x11B, v28;
	v29 =	vsel vm13, $0x11C, v29;
	v30 =	vsel vm13, $0x11D, v30  }
0x1e: {  	v31 =	vsel vm13, $0x11E, v31;
	v32 =	vsel vm13, $0x11F, v32;
	v33 =	vsel vm13, $0x110, v33  }
0x1f: {  	v4 =	vsel vm0, v4, v3;
	v5 =	vsel vm0, v6, v5;
	v3 =	vimm.s32 $0xBEAD9C8B  }
0x20: {  	v6 =	vsel vm0, v8, v7;
	v7 =	vsel vm0, v10, v9;
	v9 =	vimm.s32 $0x36251403  }
0x21: {  	v10 =	vimm.s32 $0x7A695847;
	v24 =	vsel vm12, $0x128, v24;
	v25 =	vsel vm12, $0x129, v25  }
0x22: {  	v26 =	vsel vm12, $0x12A, v26;
	v27 =	vsel vm12, $0x12B, v27;
	v28 =	vsel vm12, $0x12C, v28  }
0x23: {  	v29 =	vsel vm12, $0x12D, v29;
	v30 =	vsel vm12, $0x12E, v30;
	v31 =	vsel vm12, $0x12F, v31  }
0x24: {  	v32 =	vsel vm12, $0x120, v32;
	v33 =	vsel vm12, $0x121, v33;
	v8 =	vunpack.c.0.s8.s32 v3  }
0x25: {  	v3 =	vimm.s32 $0xF2E1D0CF;
	v9 =	vunpack.c.0.s8.s32 v9;
	v10 =	vunpack.c.0.s8.s32 v10  }
0x26: {  	v4 =	vcombine.low v5, v4;
	v5 =	vcombine.low v7, v6;
	v24 =	vsel vm11, $0x139, v24  }
0x27: {  	v25 =	vsel vm11, $0x13A, v25;
	v26 =	vsel vm11, $0x13B, v26;
	v27 =	vsel vm11, $0x13C, v27  }
0x28: {  	v28 =	vsel vm11, $0x13D, v28;
	v29 =	vsel vm11, $0x13E, v29;
	v30 =	vsel vm11, $0x13F, v30  }
0x29: {  	v31 =	vsel vm11, $0x130, v31;
	v32 =	vsel vm11, $0x131, v32;
	v33 =	vsel vm11, $0x132, v33  }
0x2a: {  	v11 =	vunpack.c.0.s8.s32 v3;
	v3 =	vimm.s32 $0x40000000;
	v24 =	vsel vm10, $0x14A, v24  }
0x2b: {  	v25 =	vsel vm10, $0x14B, v25;
	v26 =	vsel vm10, $0x14C, v26;
	v27 =	vsel vm10, $0x14D, v27  }
0x2c: {  	v28 =	vsel vm10, $0x14E, v28;
	v29 =	vsel vm10, $0x14F, v29;
	v30 =	vsel vm10, $0x140, v30  }
0x2d: {  	v31 =	vsel vm10, $0x141, v31;
	v32 =	vsel vm10, $0x142, v32;
	v33 =	vsel vm10, $0x143, v33  }
0x2e: {  	v7 =	vsel vm0, v10, v9;
	v9 =	vimm.s32 $0x37261504;
	v10 =	vimm.s32 $0x7B6A5948  }
0x2f: {  	v4 =	vand.u32 $0xFF, v4;
	v5 =	vand.u32 $0xFF, v5;
	v24 =	vsel vm9, $0x15B, v24  }
0x30: {  	v25 =	vsel vm9, $0x15C, v25;
	v26 =	vsel vm9, $0x15D, v26;
	v27 =	vsel vm9, $0x15E, v27  }
0x31: {  	v28 =	vsel vm9, $0x15F, v28;
	v29 =	vsel vm9, $0x150, v29;
	v30 =	vsel vm9, $0x151, v30  }
0x32: {  	v31 =	vsel vm9, $0x152, v31;
	v32 =	vsel vm9, $0x153, v32;
	v33 =	vsel vm9, $0x154, v33  }
0x33: {  	v6 =	vsel vm0, v11, v8;
	v8 =	vimm.s32 $0xBFAE9D8C;
	v9 =	vunpack.c.0.s8.s32 v9  }
0x34: {  	v10 =	vunpack.c.0.s8.s32 v10;
	v11 =	vimm.s32 $0x7C6B5A49;
	v24 =	vsel vm1, $0x16C, v24  }
0x35: {  	v25 =	vsel vm1, $0x16D, v25;
	v26 =	vsel vm1, $0x16E, v26;
	v27 =	vsel vm1, $0x16F, v27  }
0x36: {  	v28 =	vsel vm1, $0x160, v28;
	v29 =	vsel vm1, $0x161, v29;
	v30 =	vsel vm1, $0x162, v30  }
0x37: {  	v31 =	vsel vm1, $0x163, v31;
	v32 =	vsel vm1, $0x164, v32;
	v33 =	vsel vm1, $0x165, v33  }
0x38: {  	v6 =	vcombine.low v7, v6;
	v7 =	vunpack.c.0.s8.s32 v8;
	v8 =	vimm.s32 $0xF3E2D1C0  }
0x39: {  	v11 =	vunpack.c.0.s8.s32 v11;
	v24 =	vsel vm15, $0x17D, v24;
	v25 =	vsel vm15, $0x17E, v25  }
0x3a: {  	v26 =	vsel vm15, $0x17F, v26;
	v27 =	vsel vm15, $0x170, v27;
	v28 =	vsel vm15, $0x171, v28  }
0x3b: {  	v29 =	vsel vm15, $0x172, v29;
	v30 =	vsel vm15, $0x173, v30;
	v31 =	vsel vm15, $0x174, v31  }
0x3c: {  	v32 =	vsel vm15, $0x175, v32;
	v33 =	vsel vm15, $0x176, v33;
	v8 =	vunpack.c.0.s8.s32 v8  }
0x3d: {  	v24 =	vsel vm2, $0x18E, v24;
	v25 =	vsel vm2, $0x18F, v25;
	v26 =	vsel vm2, $0x180, v26  }
0x3e: {  	v27 =	vsel vm2, $0x181, v27;
	v28 =	vsel vm2, $0x182, v28;
	v29 =	vsel vm2, $0x183, v29  }
0x3f: {  	v30 =	vsel vm2, $0x184, v30;
	v31 =	vsel vm2, $0x185, v31;
	v32 =	vsel vm2, $0x186, v32  }
0x40: {  	v33 =	vsel vm2, $0x187, v33;
	v6 =	vand.u32 $0xFF, v6;
	v24 =	vsel vm3, $0x19F, v24  }
0x41: {  	v25 =	vsel vm3, $0x190, v25;
	v26 =	vsel vm3, $0x191, v26;
	v27 =	vsel vm3, $0x192, v27  }
0x42: {  	v28 =	vsel vm3, $0x193, v28;
	v29 =	vsel vm3, $0x194, v29;
	v30 =	vsel vm3, $0x195, v30  }
0x43: {  	v31 =	vsel vm3, $0x196, v31;
	v32 =	vsel vm3, $0x197, v32;
	v33 =	vsel vm3, $0x198, v33  }
0x44: {  	v7 =	vsel vm0, v8, v7;
	v8 =	vsel vm0, v10, v9;
	v9 =	vimm.s32 $0xB0AF9E8D  }
0x45: {  	v10 =	vimm.s32 $0xF4E3D2C1;
	v24 =	vsel vm4, $0x1A0, v24;
	v25 =	vsel vm4, $0x1A1, v25  }
0x46: {  	v26 =	vsel vm4, $0x1A2, v26;
	v27 =	vsel vm4, $0x1A3, v27;
	v28 =	vsel vm4, $0x1A4, v28  }
0x47: {  	v29 =	vsel vm4, $0x1A5, v29;
	v30 =	vsel vm4, $0x1A6, v30;
	v31 =	vsel vm4, $0x1A7, v31  }
0x48: {  	v32 =	vsel vm4, $0x1A8, v32;
	v33 =	vsel vm4, $0x1A9, v33;
	v7 =	vcombine.low v8, v7  }
0x49: {  	v8 =	vunpack.c.0.s8.s32 v9;
	v9 =	vunpack.c.0.s8.s32 v10;
	v10 =	vimm.s32 $0x38271605  }
0x4a: {  	v24 =	vsel vm5, $0x1B1, v24;
	v25 =	vsel vm5, $0x1B2, v25;
	v26 =	vsel vm5, $0x1B3, v26  }
0x4b: {  	v27 =	vsel vm5, $0x1B4, v27;
	v28 =	vsel vm5, $0x1B5, v28;
	v29 =	vsel vm5, $0x1B6, v29  }
0x4c: {  	v30 =	vsel vm5, $0x1B7, v30;
	v31 =	vsel vm5, $0x1B8, v31;
	v32 =	vsel vm5, $0x1B9, v32  }
0x4d: {  	v33 =	vsel vm5, $0x1BA, v33;
	v10 =	vunpack.c.0.s8.s32 v10;
	v24 =	vsel vm6, $0x1C2, v24  }
0x4e: {  	v25 =	vsel vm6, $0x1C3, v25;
	v26 =	vsel vm6, $0x1C4, v26;
	v27 =	vsel vm6, $0x1C5, v27  }
0x4f: {  	v28 =	vsel vm6, $0x1C6, v28;
	v29 =	vsel vm6, $0x1C7, v29;
	v30 =	vsel vm6, $0x1C8, v30  }
0x50: {  	v31 =	vsel vm6, $0x1C9, v31;
	v32 =	vsel vm6, $0x1CA, v32;
	v33 =	vsel vm6, $0x1CB, v33  }
0x51: {  	v8 =	vsel vm0, v9, v8;
	v7 =	vand.u32 $0xFF, v7;
	v24 =	vsel vm7, $0x1D3, v24  }
0x52: {  	v25 =	vsel vm7, $0x1D4, v25;
	v26 =	vsel vm7, $0x1D5, v26;
	v27 =	vsel vm7, $0x1D6, v27  }
0x53: {  	v28 =	vsel vm7, $0x1D7, v28;
	v29 =	vsel vm7, $0x1D8, v29;
	v30 =	vsel vm7, $0x1D9, v30  }
0x54: {  	v31 =	vsel vm7, $0x1DA, v31;
	v32 =	vsel vm7, $0x1DB, v32;
	v33 =	vsel vm7, $0x1DC, v33  }
0x55: {  	v9 =	vsel vm0, v11, v10;
	v10 =	vimm.s32 $0xB2A1908F;
	v11 =	vsel vm0, v13, v12  }
0x56: {  	v12 =	vsel vm0, v15, v14;
	v13 =	vimm.s32 $0xF6E5D4C3;
	v14 =	vimm.s32 $0x3A291807  }
0x57: {  	v15 =	vimm.s32 $0x7E6D5C4B;
	v24 =	vsel vm8, $0x1E4, v24;
	v25 =	vsel vm8, $0x1E5, v25  }
0x58: {  	v26 =	vsel vm8, $0x1E6, v26;
	v27 =	vsel vm8, $0x1E7, v27;
	v28 =	vsel vm8, $0x1E8, v28  }
0x59: {  	v29 =	vsel vm8, $0x1E9, v29;
	v10 =	vunpack.c.0.s8.s32 v10;
	v13 =	vunpack.c.0.s8.s32 v13  }
0x5a: {  	v14 =	vunpack.c.0.s8.s32 v14;
	v15 =	vunpack.c.0.s8.s32 v15;
	v8 =	vcombine.low v9, v8  }
0x5b: {  	v9 =	vcombine.low v12, v11;
	v12 =	vimm.s32 $0xB3A29180;
	v10 =	vsel vm0, v13, v10  }
0x5c: {  	v11 =	vsel vm0, v15, v14;
	v13 =	vimm.s32 $0x3B2A1908;
	v14 =	vimm.s32 $0x7F6E5D4C  }
0x5d: {  	v10 =	vcombine.low v11, v10;
	v11 =	vunpack.c.0.s8.s32 v12;
	v12 =	vimm.s32 $0xF7E6D5C4  }
0x5e: {  	v13 =	vunpack.c.0.s8.s32 v13;
	v14 =	vunpack.c.0.s8.s32 v14;
	v12 =	vunpack.c.0.s8.s32 v12  }
0x5f: {  	v30 =	vsel vm8, $0x1EA, v30;
	v31 =	vsel vm8, $0x1EB, v31;
	v32 =	vsel vm8, $0x1EC, v32  }
0x60: {  	v15 =	vimm.s32 $0x706F5E4D;
	v11 =	vsel vm0, v12, v11;
	v12 =	vsel vm0, v14, v13  }
0x61: {  	v13 =	vimm.s32 $0xB4A39281;
	v14 =	vimm.s32 $0xF8E7D6C5;
	v11 =	vcombine.low v12, v11  }
0x62: {  	v12 =	vunpack.c.0.s8.s32 v13;
	v13 =	vunpack.c.0.s8.s32 v14;
	v14 =	vimm.s32 $0x3C2B1A09  }
0x63: {  	v33 =	vsel vm8, $0x1ED, v33;
	v15 =	vunpack.c.0.s8.s32 v15;
	v14 =	vunpack.c.0.s8.s32 v14  }
0x64: {  	v8 =	vand.u32 $0xFF, v8;
	v9 =	vand.u32 $0xFF, v9;
	v12 =	vsel vm0, v13, v12  }
0x65: {  	v13 =	vsel vm0, v15, v14;
	v14 =	vimm.s32 $0xB6A59483;
	v15 =	vsel vm0, v17, v16  }
0x66: {  	v16 =	vsel vm0, v19, v18;
	v17 =	vimm.s32 $0xFAE9D8C7;
	v18 =	vimm.s32 $0x3E2D1C0B  }
0x67: {  	v19 =	vimm.s32 $0x7261504F;
	v14 =	vunpack.c.0.s8.s32 v14;
	v17 =	vunpack.c.0.s8.s32 v17  }
0x68: {  	v18 =	vunpack.c.0.s8.s32 v18;
	v19 =	vunpack.c.0.s8.s32 v19;
	v12 =	vcombine.low v13, v12  }
0x69: {  	v13 =	vcombine.low v16, v15;
	v16 =	vimm.s32 $0xB7A69584;
	v14 =	vsel vm0, v17, v14  }
0x6a: {  	v15 =	vsel vm0, v19, v18;
	v17 =	vimm.s32 $0x3F2E1D0C;
	v18 =	vimm.s32 $0x73625140  }
0x6b: {  	v14 =	vcombine.low v15, v14;
	v15 =	vunpack.c.0.s8.s32 v16;
	v16 =	vimm.s32 $0xFBEAD9C8  }
0x6c: {  	v17 =	vunpack.c.0.s8.s32 v17;
	v18 =	vunpack.c.0.s8.s32 v18;
	v16 =	vunpack.c.0.s8.s32 v16  }
0x6d: {  	v10 =	vand.u32 $0xFF, v10;
	v11 =	vand.u32 $0xFF, v11;
	v12 =	vand.u32 $0xFF, v12  }
0x6e: {  	v19 =	vimm.s32 $0x74635241;
	v15 =	vsel vm0, v16, v15;
	v16 =	vsel vm0, v18, v17  }
0x6f: {  	v17 =	vimm.s32 $0xB8A79685;
	v18 =	vimm.s32 $0xFCEBDAC9;
	v15 =	vcombine.low v16, v15  }
0x70: {  	v16 =	vunpack.c.0.s8.s32 v17;
	v17 =	vunpack.c.0.s8.s32 v18;
	v18 =	vimm.s32 $0x302F1E0D  }
0x71: {  	v13 =	vand.u32 $0xFF, v13;
	v19 =	vunpack.c.0.s8.s32 v19;
	v18 =	vunpack.c.0.s8.s32 v18  }
0x72: {  	v14 =	vand.u32 $0xFF, v14;
	v15 =	vand.u32 $0xFF, v15;
	v16 =	vsel vm0, v17, v16  }
0x73: {  	v17 =	vsel vm0, v19, v18;
	v18 =	vsel vm0, v23, v22;
	v19 =	vimm.s32 $0xFEEDDCCB  }
0x74: {  	v22 =	vimm.s32 $0x76655443;
	v23 =	vimm.s32 $0x1F4;
	v16 =	vcombine.low v17, v16  }
0x75: {  	v17 =	vsel vm0, v21, v20;
	v19 =	vunpack.c.0.s8.s32 v19;
	v20 =	vimm.s32 $0x3221100F  }
0x76: {  	v21 =	vimm.s32 $0x1F0;
	v22 =	vunpack.c.0.s8.s32 v22;
	v23 =	vsel vm14, $0x105, v23  }
0x77: {  	v17 =	vcombine.low v18, v17;
	v18 =	vimm.s32 $0xBAA99887;
	v20 =	vunpack.c.0.s8.s32 v20  }
0x78: {  	v21 =	vsel vm14, $0x101, v21;
	v23 =	vsel vm13, $0x116, v23;
	v18 =	vunpack.c.0.s8.s32 v18  }
0x79: {  	v21 =	vsel vm13, $0x112, v21;
	v16 =	vand.u32 $0xFF, v16;
	v23 =	vsel vm12, $0x127, v23  }
0x7a: {  	v20 =	vsel vm0, v22, v20;
	v17 =	vand.u32 $0xFF, v17;
	v22 =	vimm.s32 $0x1F3  }
0x7b: {  	v23 =	vsel vm11, $0x138, v23;
	v18 =	vsel vm0, v19, v18;
	v19 =	vsel vm12, $0x123, v21  }
0x7c: {  	v21 =	vimm.s32 $0x1F2;
	v22 =	vsel vm14, $0x104, v22;
	v23 =	vsel vm10, $0x149, v23  }
0x7d: {  	v19 =	vsel vm11, $0x134, v19;
	v18 =	vcombine.low v20, v18;
	v20 =	vimm.s32 $0x1F1  }
0x7e: {  	v21 =	vsel vm14, $0x103, v21;
	v22 =	vsel vm13, $0x115, v22;
	v23 =	vsel vm9, $0x15A, v23  }
0x7f: {  	s2 =	rddreg [dreg:$0x0];
	v19 =	vsel vm10, $0x145, v19;
	v20 =	vsel vm14, $0x102, v20;
	v21 =	vsel vm13, $0x114, v21  }
0x80: {  	s0 =	rddreg [dreg:$0x1];
	v22 =	vsel vm12, $0x126, v22;
	v23 =	vsel vm1, $0x16B, v23;
	v19 =	vsel vm9, $0x156, v19  }
0x81: {  	s1 =	rddreg [dreg:$0x3];
	v18 =	vand.u32 $0xFF, v18;
	v20 =	vsel vm13, $0x113, v20;
	v21 =	vsel vm12, $0x125, v21  }
0x82: {  	s3 =	srdreg.scid;
	s6 =	stileid.u32;
	s7 =	simm.s32 $0x0;
	v22 =	vsel vm11, $0x137, v22;
	v23 =	vsel vm15, $0x17C, v23;
	v19 =	vsel vm1, $0x167, v19  }
0x83: {  	s14 =	simm.s32 $0x2;
	s15 =	simm.s32 $0x400;
	s16 =	simm.s32 $0x8800;
	v20 =	vsel vm12, $0x124, v20;
	v21 =	vsel vm11, $0x136, v21;
	v22 =	vsel vm10, $0x148, v22  }
0x84: {  	s17 =	simm.s32 $0x8A00;
	s18 =	simm.s32 $0x8C80;
	s19 =	simm.s32 $0x8C00;
	v23 =	vsel vm2, $0x18D, v23;
	v19 =	vsel vm15, $0x178, v19;
	v20 =	vsel vm11, $0x135, v20  }
0x85: {  	s20 =	simm.s32 $0x8E00;
	s31 =	simm.s32 $0xD800;
	s13 =	simm.s32 $0xF800;
	v21 =	vsel vm10, $0x147, v21;
	v22 =	vsel vm9, $0x159, v22;
	v23 =	vsel vm3, $0x19E, v23  }
0x86: {  	s21 =	simm.s32 $0x1;
	s22 =	simm.s32 $0x11000;
	s23 =	simm.s32 $0x80;
	v19 =	vsel vm2, $0x189, v19;
	v20 =	vsel vm10, $0x146, v20;
	v21 =	vsel vm9, $0x158, v21  }
0x87: {  	s24 =	simm.s32 $0x0;
	s3 =	sand.u32 $0x1, s3;
	s4 =	sshll.u32 s6, $0x9;
	v22 =	vsel vm1, $0x16A, v22;
	v23 =	vsel vm4, $0x1AF, v23;
	v19 =	vsel vm3, $0x19A, v19  }
0x88: {  	s8 =	sshrl.u32 s6, $0x1;
	[smem:$0x7FF] =	sst s7;
	s2 =	sadd.s32 $0xC00, s2;
	v20 =	vsel vm9, $0x157, v20;
	v21 =	vsel vm1, $0x169, v21;
	v22 =	vsel vm15, $0x17B, v22  }
0x89: {  	s7 =	sadd.s32 $0x200, s0;
	s5 =	sshll.u32 s3, $0x8;
	s4 =	sand.u32 $0x200, s4;
	v23 =	vsel vm5, $0x1B0, v23;
	v19 =	vsel vm4, $0x1AB, v19;
	v20 =	vsel vm1, $0x168, v20  }
0x8a: {  	s26 =	sshll.u32 s8, $0x12;
	_ =	strace $0x80000047;
	s3 =	ssub.s32 $0x2, s3;
	v21 =	vsel vm15, $0x17A, v21;
	v22 =	vsel vm2, $0x18C, v22;
	v23 =	vsel vm6, $0x1C1, v23  }
0x8b: {  	s9 =	sshll.u32 s8, $0xD;
	s4 =	sor.u32 s5, s4;
	s29 =	sshrl.u32 s3, $0x1;
	v20 =	vsel vm15, $0x179, v20;
	v19 =	vsel vm5, $0x1BC, v19;
	v21 =	vsel vm2, $0x18B, v21  }
0x8c: {  	s8 =	sadd.s32 $0x300, s0;
	s28 =	sor.u32 s26, s4;
	s3 =	ssub.s32 s3, s29;
	v22 =	vsel vm3, $0x19D, v22;
	v23 =	vsel vm7, $0x1D2, v23;
	v20 =	vsel vm2, $0x18A, v20  }
0x8d: {  	s10 =	sor.u32 $0x80, s4;
	s4 =	sor.u32 s9, s4;
	s6 =	sshrl.u32 s28, $0x3;
	v21 =	vsel vm3, $0x19C, v21;
	v19 =	vsel vm6, $0x1CD, v19;
	v22 =	vsel vm4, $0x1AE, v22  }
0x8e: {  	s5 =	sor.u32 s26, s10;
	s4 =	sshrl.u32 s4, $0x3;
	s9 =	sor.u32 s9, s10;
	v23 =	vsel vm8, $0x1E3, v23;
	v20 =	vsel vm3, $0x19B, v20;
	v21 =	vsel vm4, $0x1AD, v21  }
0x8f: {  	s12 =	smax.u32 s3, $0x1;
	s3 =	simm.s32 $0xE800;
	s6 =	sadd.s32 s2, s6;
	v19 =	vsel vm7, $0x1DE, v19;
	v22 =	vsel vm5, $0x1BF, v22;
	v20 =	vsel vm4, $0x1AC, v20  }
0x90: {  	s5 =	sshrl.u32 s5, $0x3;
	s4 =	sadd.s32 s1, s4;
	[dreg:$0x5] =	wrdreg s6;
	v21 =	vsel vm5, $0x1BE, v21;
	v19 =	vsel vm8, $0x1EF, v19;
	v20 =	vsel vm5, $0x1BD, v20  }
0x91: {  	s30 =	sshrl.u32 s9, $0x3;
	s6 =	sadd.s32 $0x100, s0;
	[dreg:$0x6] =	wrdreg s4;
	v22 =	vsel vm6, $0x1C0, v22;
	v21 =	vsel vm6, $0x1CF, v21;
	v20 =	vsel vm6, $0x1CE, v20  }
0x92: {  	s10 =	sadd.s32 s2, s5;
	s11 =	sadd.s32 s1, s30;
	s2 =	simm.s32 $0xE000;
	v22 =	vsel vm7, $0x1D1, v22;
	v21 =	vsel vm7, $0x1D0, v21;
	v20 =	vsel vm7, $0x1DF, v20  }
0x93: {  	s1 =	simm.s32 $0xF000;
	s4 =	simm.s32 $0x10000;
	s5 =	simm.s32 $0x10800;
	v22 =	vsel vm8, $0x1E2, v22;
	v21 =	vsel vm8, $0x1E1, v21;
	v20 =	vsel vm8, $0x1E0, v20  }
.LBB2_1:
0x94: {  	s9 =	rddreg [dreg:$0x2];
	s25 =	simm.s32 $0x0;
	s26 =	simm.s32 $0x11400  }
0x95: {  	[tilespmem:s26], [sflag:$0x2] =	stream.linear.gather [hbm4b:s9+s25], $0x400, $0x38;
	[tilespmem:$0x11800] =	vst v63  }
0x96: {  	_ =	swait.ge [sflag:s14], $0x400  }
0x97: {  	[sflag:s14] =	ssyncset.done $0x0  }
0x98: {  	s30 =	rddreg [dreg:$0x5];
	[sflag:s14] =	ssyncadd.s32 $0xFFFFFC00  }
0x99: {  	[tilespmem:s25], [sflag:$0x2] =	stream.strided.gather [hbm4b:s30+s23], $0x8000, s15, s23, $0x38;
	[tilespmem:$0x11800] =	vst v63  }
0x9a: {  	_ =	swait.ge [sflag:s14], $0x8000  }
0x9b: {  	[sflag:s14] =	ssyncset.done $0x0  }
0x9c: {  	[sflag:s14] =	ssyncadd.s32 $0xFFFF8000  }
0x9d: {  	v34 =	vld [tilespmem:s23+$0xFFFFFF80]  }
0x9e: {  	v35 =	vld [tilespmem:s23+$0xFFFFFF90]  }
0x9f: {  	v36 =	vld [tilespmem:s23+$0xFFFFFFA0]  }
0xa0: {  	v37 =	vld [tilespmem:s23+$0xFFFFFFB0]  }
0xa1: {  	v38 =	vld [tilespmem:s23+$0xFFFFFFC0]  }
0xa2: {  	v42 =	vld [tilespmem:s23+$0xFFFFFFD0];
	v39 =	vmin.f32 v0, v34;
	v40 =	vmax.f32 v0, v34;
	v34 =	vmax.f32 v34, $-1.000000000e+00  }
0xa3: {  	v43 =	vld [tilespmem:s23+$0xFFFFFFE0];
	v39 =	vmax.f32 v0, v39;
	v41 =	vmin.f32 v40, v35;
	v34 =	vmax.f32 v34, v35  }
0xa4: {  	v44 =	vld [tilespmem:s23+$0xFFFFFFF0];
	v35 =	vmax.f32 v40, v35;
	v39 =	vmax.f32 v39, v41;
	v34 =	vmax.f32 v34, v36  }
0xa5: {  	v40 =	vmin.f32 v35, v36;
	v35 =	vmax.f32 v35, v36;
	v41 =	vld [tilespmem:s23+$0x0];
	v34 =	vmax.f32 v34, v37  }
0xa6: {  	v56 =	vmax.f32 v39, v40;
	v45 =	vmax.f32 v35, v37;
	v39 =	vld [tilespmem:s23+$0x10];
	v34 =	vmax.f32 v34, v38  }
0xa7: {  	v35 =	vmin.f32 v35, v37;
	v40 =	vld [tilespmem:s23+$0x20];
	v57 =	vmin.f32 v45, v38;
	v46 =	vmax.f32 v34, v42  }
0xa8: {  	v35 =	vmax.f32 v56, v35;
	v38 =	vmax.f32 v45, v38;
	v34 =	vld [tilespmem:s23+$0x30];
	v58 =	vmax.f32 v46, v43  }
0xa9: {  	v36 =	vld [tilespmem:s23+$0x40];
	v35 =	vmax.f32 v35, v57;
	v59 =	vmin.f32 v38, v42;
	v60 =	vmax.f32 v58, v44  }
0xaa: {  	v37 =	vld [tilespmem:s23+$0x50];
	v38 =	vmax.f32 v38, v42;
	v35 =	vmax.f32 v35, v59;
	v61 =	vmax.f32 v60, v41  }
0xab: {  	v62 =	vmin.f32 v38, v43;
	v63 =	vmax.f32 v38, v43;
	v38 =	vld [tilespmem:s23+$0x60];
	v47 =	vmax.f32 v61, v39  }
0xac: {  	v42 =	vmax.f32 v35, v62;
	v43 =	vmax.f32 v63, v44;
	v35 =	vld [tilespmem:s23+$0x70];
	v47 =	vmax.f32 v47, v40  }
0xad: {  	s28 =	simm.s32 $0x180;
	s26 =	simm.s32 $0x0;
	s25 =	simm.s32 $0x40;
	v45 =	vmin.f32 v63, v44;
	v44 =	vmin.f32 v43, v41;
	v46 =	vmax.f32 v47, v34  }
.LBB2_2:
0xae: {  	p0 =	sne.s32 s25, $0x1FC0;
	v42 =	vmax.f32 v42, v45;
	v41 =	vmax.f32 v43, v41;
	v43 =	vmax.f32 v46, v36;
	s9 =	smov.u32 s25;
	s25 =	sadd.s32 $0x40, s25  }
0xaf: {  	v42 =	vmax.f32 v42, v44;
	v44 =	vmin.f32 v41, v39;
	v43 =	vmax.f32 v43, v37  }
0xb0: {  	v39 =	vmax.f32 v41, v39;
	v42 =	vmax.f32 v42, v44;
	v41 =	vmax.f32 v43, v38  }
0xb1: {  	s29 =	sshra.s32 s26, $0x2;
	s26 =	smov.u32 s9;
	v43 =	vmin.f32 v39, v40;
	v39 =	vmax.f32 v39, v40;
	v40 =	vmax.f32 v41, v35  }
0xb2: {  	v41 =	vmax.f32 v42, v43;
	v42 =	vmin.f32 v39, v34;
	v34 =	vmax.f32 v39, v34;
	[tilespmem:s29+$0x8000] =	vst v40  }
0xb3: {  	v40 =	vmax.f32 v41, v42;
	v41 =	vmin.f32 v34, v36;
	v34 =	vmax.f32 v34, v36;
	v39 =	vld [tilespmem:s28+$0xFFFFFF90]  }
0xb4: {  	v40 =	vmax.f32 v40, v41;
	v41 =	vmin.f32 v34, v37;
	v34 =	vmax.f32 v34, v37;
	v36 =	vld [tilespmem:s28+$0xFFFFFF80]  }
0xb5: {  	v40 =	vmax.f32 v40, v41;
	v41 =	vmin.f32 v34, v38;
	v38 =	vmax.f32 v34, v38;
	v37 =	vld [tilespmem:s28+$0xFFFFFFA0]  }
0xb6: {  	v40 =	vmax.f32 v40, v41;
	v41 =	vmin.f32 v38, v35;
	v35 =	vmax.f32 v38, v35;
	v34 =	vld [tilespmem:s28+$0x30]  }
0xb7: {  	v40 =	vmax.f32 v40, v41;
	v38 =	vld [tilespmem:s28+$0xFFFFFFB0]  }
0xb8: {  	v42 =	vld [tilespmem:s28+$0xFFFFFFC0]  }
0xb9: {  	v41 =	vmin.f32 v35, v36;
	v35 =	vmax.f32 v35, v36;
	v36 =	vmax.f32 v36, $-1.000000000e+00;
	v43 =	vld [tilespmem:s28+$0xFFFFFFD0]  }
0xba: {  	v40 =	vmax.f32 v40, v41;
	v41 =	vmin.f32 v35, v39;
	v36 =	vmax.f32 v36, v39;
	v44 =	vld [tilespmem:s28+$0xFFFFFFE0]  }
0xbb: {  	v35 =	vmax.f32 v35, v39;
	v40 =	vmax.f32 v40, v41;
	v36 =	vmax.f32 v36, v37;
	v45 =	vld [tilespmem:s28+$0xFFFFFFF0]  }
0xbc: {  	v39 =	vmin.f32 v35, v37;
	v35 =	vmax.f32 v35, v37;
	v36 =	vmax.f32 v36, v38;
	v41 =	vld [tilespmem:s28+$0x0]  }
0xbd: {  	v37 =	vmax.f32 v40, v39;
	v46 =	vmax.f32 v35, v38;
	v36 =	vmax.f32 v36, v42;
	v39 =	vld [tilespmem:s28+$0x10]  }
0xbe: {  	v35 =	vmin.f32 v35, v38;
	v38 =	vmin.f32 v46, v42;
	v36 =	vmax.f32 v36, v43;
	v40 =	vld [tilespmem:s28+$0x20]  }
0xbf: {  	v35 =	vmax.f32 v37, v35;
	v37 =	vmax.f32 v46, v42;
	v36 =	vmax.f32 v36, v44  }
.Ltmp0:
0xc0: {  	v35 =	vmax.f32 v35, v38;
	v38 =	vmin.f32 v37, v43;
	v42 =	vmax.f32 v36, v45;
	v36 =	vld [tilespmem:s28+$0x40];
	(pc) =	sbr.rel @p0 .LBB2_2-.Ltmp0, $4  }
0xc1: {  	v35 =	vmax.f32 v35, v38;
	v38 =	vmax.f32 v37, v43;
	v42 =	vmax.f32 v42, v41;
	v37 =	vld [tilespmem:s28+$0x50]  }
0xc2: {  	v43 =	vmin.f32 v38, v44;
	v44 =	vmax.f32 v38, v44;
	v46 =	vmax.f32 v42, v39;
	v38 =	vld [tilespmem:s28+$0x60]  }
0xc3: {  	v42 =	vmax.f32 v35, v43;
	v43 =	vmax.f32 v44, v45;
	v46 =	vmax.f32 v46, v40;
	v35 =	vld [tilespmem:s28+$0x70]  }
0xc4: {  	v45 =	vmin.f32 v44, v45;
	v44 =	vmin.f32 v43, v41;
	s28 =	sadd.s32 $0x100, s28;
	v46 =	vmax.f32 v46, v34  }
0xc5: {  	v46 =	vmax.f32 v46, v36  }
0xc6: {  	v46 =	vmax.f32 v46, v37  }
0xc7: {  	v46 =	vmax.f32 v46, v38  }
0xc8: {  	s9 =	sshra.s32 s26, $0x2;
	v46 =	vmax.f32 v46, v35  }
0xc9: {  	[tilespmem:s9+$0x8000] =	vst v46  }
0xca: {  	[tilespmem:$0x8800] =	vst v0  }
0xcb: {  	[tilespmem:$0x8810] =	vst v0  }
0xcc: {  	[tilespmem:$0x8820] =	vst v0  }
0xcd: {  	[tilespmem:$0x8830] =	vst v0  }
0xce: {  	[tilespmem:$0x8840] =	vst v0  }
0xcf: {  	[tilespmem:$0x8850] =	vst v0  }
0xd0: {  	[tilespmem:$0x8860] =	vst v0  }
0xd1: {  	[tilespmem:$0x8870] =	vst v0  }
0xd2: {  	[tilespmem:$0x8880] =	vst v0  }
0xd3: {  	[tilespmem:$0x8890] =	vst v0  }
0xd4: {  	[tilespmem:$0x88A0] =	vst v0  }
0xd5: {  	[tilespmem:$0x88B0] =	vst v0  }
0xd6: {  	[tilespmem:$0x88C0] =	vst v0  }
0xd7: {  	[tilespmem:$0x88D0] =	vst v0  }
0xd8: {  	[tilespmem:$0x88E0] =	vst v0  }
0xd9: {  	v42 =	vmax.f32 v42, v45;
	v41 =	vmax.f32 v43, v41;
	[tilespmem:$0x88F0] =	vst v0  }
0xda: {  	v42 =	vmax.f32 v42, v44;
	v43 =	vmin.f32 v41, v39;
	v53 =	vmax.f32 v41, v39;
	[tilespmem:$0x8900] =	vst v0  }
0xdb: {  	v54 =	vmax.f32 v42, v43;
	v55 =	vmin.f32 v53, v40;
	v39 =	vmax.f32 v53, v40;
	[tilespmem:$0x8910] =	vst v0  }
0xdc: {  	v56 =	vmax.f32 v54, v55;
	v57 =	vmin.f32 v39, v34;
	v58 =	vmax.f32 v39, v34;
	[tilespmem:$0x8920] =	vst v0  }
0xdd: {  	v59 =	vmax.f32 v56, v57;
	v60 =	vmin.f32 v58, v36;
	v34 =	vmax.f32 v58, v36;
	[tilespmem:$0x8930] =	vst v0  }
0xde: {  	v61 =	vmax.f32 v59, v60;
	v62 =	vmin.f32 v34, v37;
	v34 =	vmax.f32 v34, v37;
	[tilespmem:$0x8940] =	vst v0  }
0xdf: {  	[tilespmem:$0x8950] =	vst v0;
	v36 =	vmax.f32 v61, v62;
	v37 =	vmin.f32 v34, v38;
	v34 =	vmax.f32 v34, v38  }
0xe0: {  	[tilespmem:$0x8960] =	vst v0;
	v36 =	vmax.f32 v36, v37;
	v63 =	vmin.f32 v34, v35  }
0xe1: {  	[tilespmem:$0x8970] =	vst v0;
	v36 =	vmax.f32 v36, v63  }
0xe2: {  	[tilespmem:$0x8980] =	vst v0;
	(xrf0) =	vmin.scan.msk.f32 $0xffff, v36  }
0xe3: {  	[tilespmem:$0x8990] =	vst v0  }
0xe4: {  	[tilespmem:$0x89A0] =	vst v0  }
.Ltmp1:
0xe5: {  	[tilespmem:$0x89B0] =	vst v0;
	(pc) =	sbr.rel .LBB2_4-.Ltmp1, $4  }
0xe6: {  	[tilespmem:$0x89C0] =	vst v0  }
0xe7: {  	[tilespmem:$0x89D0] =	vst v0  }
0xe8: {  	[tilespmem:$0x89E0] =	vst v0;
	v36, _, _ =	vpop (xrf0)  }
0xe9: {  	s25 =	simm.s32 $0xF0;
	s26 =	simm.s32 $0x8000;
	s28 =	simm.s32 $0x80;
	[tilespmem:$0x89F0] =	vst v0;
	v34 =	vmax.f32 v34, v35;
	v35 =	vbroadcast v36, $0xF;
	v36 =	vimm.s32 $0x0  }
.LBB2_6:
0xea: {  	s25 =	sadd.s32 $0x100, s25  }
0xeb: {  	p0 =	sne.s32 s25, $0x80F0  }
.Ltmp2:
0xec: {  	_ = 	snop;
	(pc) =	sbr.rel @!p0 .LBB2_7-.Ltmp2, $2  }
0xed: {  	_ =	sdelay $0x2  }
0xee: {  	s26 =	sadd.s32 $0x10, s26;
	s28 =	sadd.s32 $0x100, s28  }
.LBB2_4:
0xef: {  	v37 =	vld [tilespmem:s26+$0x0];
	_ =	sdelay $0x4  }
0xf0: {  	vm0 =	vge.f32 v37, v35  }
0xf1: {  	v37 =	vmpcnt.ones.xlane vm0;
	_ =	sdelay $0x1  }
0xf2: {  	(v2sf) =	vpush v37, $0x0;
	_ =	sdelay $0xe  }
0xf3: {  	s9 =	spop (v2sf)  }
0xf4: {  	p0 =	slt.s32 s9, $0x1  }
.Ltmp3:
0xf5: {  	_ = 	snop;
	(pc) =	sbr.rel @p0 .LBB2_6-.Ltmp3, $1  }
0xf6: {  	_ =	sdelay $0x3  }
0xf7: {  	v37 =	vld [tilespmem:s28+$0xFFFFFF80];
	_ =	sdelay $0x2  }
0xf8: {  	vm0 =	vlt.s32 v36, $0x1F  }
0xf9: {  	v38 =	vnsel vm0, $0x1F, v36  }
0xfa: {  	v38 =	vshll.u32 v38, $0x4;
	vm9 =	vge.f32 v37, v35  }
0xfb: {  	v38 =	vor.u32 v1, v38;
	_ =	sdelay $0x3  }
0xfc: {  	s9 =	sadd.s32 $0xFFFFFF10, s25  }
0xfd: {  	v56 =	vor.u32 s9, v1;
	[tilespmem:v38+s16+$0x0] =	vst.idx.msk vm9, v37  }
0xfe: {  	[tilespmem:v38+s17+$0x0] =	vst.idx.msk vm9, v56  }
0xff: {  	v37 =	vld [tilespmem:s28+$0xFFFFFF90]  }
0x100: {  	v57 =	vsel vm9, $0x1, v2  }
0x101: {  	v58 =	vadd.s32 v57, v36  }
0x102: {  	vm10 =	vlt.s32 v58, $0x1F  }
0x103: {  	v38 =	vnsel vm10, $0x1F, v58  }
0x104: {  	v38 =	vshll.u32 v38, $0x4;
	vm11 =	vge.f32 v37, v35  }
0x105: {  	v38 =	vor.u32 v1, v38;
	_ =	sdelay $0x3  }
0x106: {  	s29 =	sadd.s32 $0xFFFFFF20, s25  }
0x107: {  	v59 =	vor.u32 s29, v1;
	[tilespmem:v38+s16+$0x0] =	vst.idx.msk vm11, v37  }
0x108: {  	[tilespmem:v38+s17+$0x0] =	vst.idx.msk vm11, v59  }
0x109: {  	v37 =	vld [tilespmem:s28+$0xFFFFFFA0]  }
0x10a: {  	v60 =	vsel vm11, $0x1, v2  }
0x10b: {  	v36 =	vadd.s32 v60, v58  }
0x10c: {  	vm12 =	vlt.s32 v36, $0x1F  }
0x10d: {  	v38 =	vnsel vm12, $0x1F, v36  }
0x10e: {  	v38 =	vshll.u32 v38, $0x4;
	vm13 =	vge.f32 v37, v35  }
0x10f: {  	v38 =	vor.u32 v1, v38;
	_ =	sdelay $0x3  }
0x110: {  	s30 =	sadd.s32 $0xFFFFFF30, s25  }
0x111: {  	v61 =	vor.u32 s30, v1;
	[tilespmem:v38+s16+$0x0] =	vst.idx.msk vm13, v37  }
0x112: {  	[tilespmem:v38+s17+$0x0] =	vst.idx.msk vm13, v61  }
0x113: {  	v37 =	vld [tilespmem:s28+$0xFFFFFFB0]  }
0x114: {  	v62 =	vsel vm13, $0x1, v2  }
0x115: {  	v36 =	vadd.s32 v62, v36  }
0x116: {  	vm14 =	vlt.s32 v36, $0x1F  }
0x117: {  	v38 =	vnsel vm14, $0x1F, v36  }
0x118: {  	v38 =	vshll.u32 v38, $0x4;
	vm15 =	vge.f32 v37, v35  }
0x119: {  	v38 =	vor.u32 v1, v38;
	_ =	sdelay $0x3  }
0x11a: {  	s29 =	sadd.s32 $0xFFFFFF40, s25  }
0x11b: {  	v63 =	vor.u32 s29, v1;
	[tilespmem:v38+s16+$0x0] =	vst.idx.msk vm15, v37  }
0x11c: {  	[tilespmem:v38+s17+$0x0] =	vst.idx.msk vm15, v63  }
0x11d: {  	v37 =	vld [tilespmem:s28+$0xFFFFFFC0]  }
0x11e: {  	v40 =	vsel vm15, $0x1, v2  }
0x11f: {  	v36 =	vadd.s32 v40, v36  }
0x120: {  	vm4 =	vlt.s32 v36, $0x1F  }
0x121: {  	v38 =	vnsel vm4, $0x1F, v36  }
0x122: {  	v38 =	vshll.u32 v38, $0x4;
	vm5 =	vge.f32 v37, v35  }
0x123: {  	v38 =	vor.u32 v1, v38;
	_ =	sdelay $0x3  }
0x124: {  	s30 =	sadd.s32 $0xFFFFFF50, s25  }
0x125: {  	v41 =	vor.u32 s30, v1;
	[tilespmem:v38+s16+$0x0] =	vst.idx.msk vm5, v37  }
0x126: {  	[tilespmem:v38+s17+$0x0] =	vst.idx.msk vm5, v41  }
0x127: {  	v37 =	vld [tilespmem:s28+$0xFFFFFFD0]  }
0x128: {  	v42 =	vsel vm5, $0x1, v2  }
0x129: {  	v36 =	vadd.s32 v42, v36  }
0x12a: {  	vm6 =	vlt.s32 v36, $0x1F  }
0x12b: {  	v38 =	vnsel vm6, $0x1F, v36  }
0x12c: {  	v38 =	vshll.u32 v38, $0x4;
	vm7 =	vge.f32 v37, v35  }
0x12d: {  	v38 =	vor.u32 v1, v38;
	_ =	sdelay $0x3  }
0x12e: {  	s29 =	sadd.s32 $0xFFFFFF60, s25  }
0x12f: {  	v43 =	vor.u32 s29, v1;
	[tilespmem:v38+s16+$0x0] =	vst.idx.msk vm7, v37  }
0x130: {  	[tilespmem:v38+s17+$0x0] =	vst.idx.msk vm7, v43  }
0x131: {  	v37 =	vld [tilespmem:s28+$0xFFFFFFE0]  }
0x132: {  	v44 =	vsel vm7, $0x1, v2  }
0x133: {  	v36 =	vadd.s32 v44, v36  }
0x134: {  	vm8 =	vlt.s32 v36, $0x1F  }
0x135: {  	v38 =	vnsel vm8, $0x1F, v36  }
0x136: {  	v38 =	vshll.u32 v38, $0x4;
	vm9 =	vge.f32 v37, v35  }
0x137: {  	v38 =	vor.u32 v1, v38;
	_ =	sdelay $0x3  }
0x138: {  	s30 =	sadd.s32 $0xFFFFFF70, s25  }
0x139: {  	v45 =	vor.u32 s30, v1;
	[tilespmem:v38+s16+$0x0] =	vst.idx.msk vm9, v37  }
0x13a: {  	[tilespmem:v38+s17+$0x0] =	vst.idx.msk vm9, v45  }
0x13b: {  	v37 =	vld [tilespmem:s28+$0xFFFFFFF0]  }
0x13c: {  	v46 =	vsel vm9, $0x1, v2  }
0x13d: {  	v36 =	vadd.s32 v46, v36  }
0x13e: {  	vm10 =	vlt.s32 v36, $0x1F  }
0x13f: {  	v38 =	vnsel vm10, $0x1F, v36  }
0x140: {  	v38 =	vshll.u32 v38, $0x4;
	vm11 =	vge.f32 v37, v35  }
0x141: {  	v38 =	vor.u32 v1, v38;
	_ =	sdelay $0x3  }
0x142: {  	s29 =	sadd.s32 $0xFFFFFF80, s25  }
0x143: {  	v47 =	vor.u32 s29, v1;
	[tilespmem:v38+s16+$0x0] =	vst.idx.msk vm11, v37  }
0x144: {  	[tilespmem:v38+s17+$0x0] =	vst.idx.msk vm11, v47  }
0x145: {  	v37 =	vld [tilespmem:s28+$0x0]  }
0x146: {  	v48 =	vsel vm11, $0x1, v2  }
0x147: {  	v36 =	vadd.s32 v48, v36  }
0x148: {  	vm12 =	vlt.s32 v36, $0x1F  }
0x149: {  	v38 =	vnsel vm12, $0x1F, v36  }
0x14a: {  	v38 =	vshll.u32 v38, $0x4;
	vm13 =	vge.f32 v37, v35  }
0x14b: {  	v38 =	vor.u32 v1, v38;
	_ =	sdelay $0x3  }
0x14c: {  	s30 =	sadd.s32 $0xFFFFFF90, s25  }
0x14d: {  	v49 =	vor.u32 s30, v1;
	[tilespmem:v38+s16+$0x0] =	vst.idx.msk vm13, v37  }
0x14e: {  	[tilespmem:v38+s17+$0x0] =	vst.idx.msk vm13, v49  }
0x14f: {  	v37 =	vld [tilespmem:s28+$0x10]  }
0x150: {  	v50 =	vsel vm13, $0x1, v2  }
0x151: {  	v36 =	vadd.s32 v50, v36  }
0x152: {  	vm14 =	vlt.s32 v36, $0x1F  }
0x153: {  	v38 =	vnsel vm14, $0x1F, v36  }
0x154: {  	v38 =	vshll.u32 v38, $0x4;
	vm15 =	vge.f32 v37, v35  }
0x155: {  	v38 =	vor.u32 v1, v38;
	_ =	sdelay $0x3  }
0x156: {  	s29 =	sadd.s32 $0xFFFFFFA0, s25  }
0x157: {  	v51 =	vor.u32 s29, v1;
	[tilespmem:v38+s16+$0x0] =	vst.idx.msk vm15, v37  }
0x158: {  	[tilespmem:v38+s17+$0x0] =	vst.idx.msk vm15, v51  }
0x159: {  	v37 =	vld [tilespmem:s28+$0x20]  }
0x15a: {  	v52 =	vsel vm15, $0x1, v2  }
0x15b: {  	v36 =	vadd.s32 v52, v36  }
0x15c: {  	vm4 =	vlt.s32 v36, $0x1F  }
0x15d: {  	v38 =	vnsel vm4, $0x1F, v36  }
0x15e: {  	v38 =	vshll.u32 v38, $0x4;
	vm5 =	vge.f32 v37, v35  }
0x15f: {  	v38 =	vor.u32 v1, v38;
	_ =	sdelay $0x3  }
0x160: {  	s30 =	sadd.s32 $0xFFFFFFB0, s25  }
0x161: {  	v53 =	vor.u32 s30, v1;
	[tilespmem:v38+s16+$0x0] =	vst.idx.msk vm5, v37  }
0x162: {  	[tilespmem:v38+s17+$0x0] =	vst.idx.msk vm5, v53  }
0x163: {  	v37 =	vld [tilespmem:s28+$0x30]  }
0x164: {  	v54 =	vsel vm5, $0x1, v2  }
0x165: {  	v36 =	vadd.s32 v54, v36  }
0x166: {  	vm6 =	vlt.s32 v36, $0x1F  }
0x167: {  	v38 =	vnsel vm6, $0x1F, v36  }
0x168: {  	v38 =	vshll.u32 v38, $0x4;
	vm7 =	vge.f32 v37, v35  }
0x169: {  	v38 =	vor.u32 v1, v38;
	_ =	sdelay $0x3  }
0x16a: {  	s29 =	sadd.s32 $0xFFFFFFC0, s25  }
0x16b: {  	v55 =	vor.u32 s29, v1;
	[tilespmem:v38+s16+$0x0] =	vst.idx.msk vm7, v37  }
0x16c: {  	[tilespmem:v38+s17+$0x0] =	vst.idx.msk vm7, v55  }
0x16d: {  	v37 =	vld [tilespmem:s28+$0x40]  }
0x16e: {  	v56 =	vsel vm7, $0x1, v2  }
0x16f: {  	v36 =	vadd.s32 v56, v36  }
0x170: {  	vm8 =	vlt.s32 v36, $0x1F  }
0x171: {  	v38 =	vnsel vm8, $0x1F, v36  }
0x172: {  	v38 =	vshll.u32 v38, $0x4;
	vm9 =	vge.f32 v37, v35  }
0x173: {  	v38 =	vor.u32 v1, v38;
	_ =	sdelay $0x3  }
0x174: {  	s30 =	sadd.s32 $0xFFFFFFD0, s25  }
0x175: {  	v57 =	vor.u32 s30, v1;
	[tilespmem:v38+s16+$0x0] =	vst.idx.msk vm9, v37  }
0x176: {  	[tilespmem:v38+s17+$0x0] =	vst.idx.msk vm9, v57  }
0x177: {  	v37 =	vld [tilespmem:s28+$0x50]  }
0x178: {  	v58 =	vsel vm9, $0x1, v2  }
0x179: {  	v36 =	vadd.s32 v58, v36  }
0x17a: {  	vm10 =	vlt.s32 v36, $0x1F  }
0x17b: {  	v38 =	vnsel vm10, $0x1F, v36  }
0x17c: {  	v38 =	vshll.u32 v38, $0x4;
	vm11 =	vge.f32 v37, v35  }
0x17d: {  	v38 =	vor.u32 v1, v38;
	_ =	sdelay $0x3  }
0x17e: {  	s29 =	sadd.s32 $0xFFFFFFE0, s25  }
0x17f: {  	v59 =	vor.u32 s29, v1;
	[tilespmem:v38+s16+$0x0] =	vst.idx.msk vm11, v37  }
0x180: {  	[tilespmem:v38+s17+$0x0] =	vst.idx.msk vm11, v59  }
0x181: {  	v37 =	vld [tilespmem:s28+$0x60]  }
0x182: {  	v60 =	vsel vm11, $0x1, v2  }
0x183: {  	v36 =	vadd.s32 v60, v36  }
0x184: {  	vm12 =	vlt.s32 v36, $0x1F  }
0x185: {  	v38 =	vnsel vm12, $0x1F, v36  }
0x186: {  	v38 =	vshll.u32 v38, $0x4;
	vm13 =	vge.f32 v37, v35  }
0x187: {  	v38 =	vor.u32 v1, v38;
	_ =	sdelay $0x3  }
0x188: {  	s30 =	sadd.s32 $0xFFFFFFF0, s25  }
0x189: {  	v61 =	vor.u32 s30, v1;
	[tilespmem:v38+s16+$0x0] =	vst.idx.msk vm13, v37  }
0x18a: {  	[tilespmem:v38+s17+$0x0] =	vst.idx.msk vm13, v61  }
0x18b: {  	v37 =	vld [tilespmem:s28+$0x70]  }
0x18c: {  	v62 =	vsel vm13, $0x1, v2  }
0x18d: {  	v36 =	vadd.s32 v62, v36  }
0x18e: {  	vm14 =	vlt.s32 v36, $0x1F  }
0x18f: {  	v38 =	vnsel vm14, $0x1F, v36  }
0x190: {  	v38 =	vshll.u32 v38, $0x4;
	vm15 =	vge.f32 v37, v35  }
0x191: {  	v38 =	vor.u32 v1, v38;
	_ =	sdelay $0x1  }
.Ltmp4:
0x192: {  	_ = 	snop;
	(pc) =	sbr.rel .LBB2_6-.Ltmp4, $3  }
0x193: {  	_ =	sdelay $0x1  }
0x194: {  	v63 =	vor.u32 s25, v1;
	v39 =	vsel vm15, $0x1, v2;
	[tilespmem:v38+s16+$0x0] =	vst.idx.msk vm15, v37  }
0x195: {  	v36 =	vadd.s32 v39, v36;
	[tilespmem:v38+s17+$0x0] =	vst.idx.msk vm15, v63  }
.LBB2_7:
0x196: {  	(xrf0) =	vmax.scan.msk.f32 $0xffff, v34;
	_ =	sdelay $0x5  }
0x197: {  	(v2sf) =	vpush v35, $0x0;
	v34, _, _ =	vpop (xrf0)  }
0x198: {  	(v2sf) =	vpush v34, $0xF;
	_ =	sdelay $0xd  }
0x199: {  	s25 =	spop (v2sf)  }
0x19a: {  	s26 =	simm.s32 $0x0;
	s28 =	spop (v2sf)  }
.LBB2_8:
0x19b: {  	s9 =	ssub.s32 s28, s25  }
0x19c: {  	s9 =	sadd.s32 $0x1, s9  }
0x19d: {  	s9 =	sshra.s32 s9, $0x1  }
0x19e: {  	s30 =	simm.s32 $0x0;
	s29 =	sadd.s32 s25, s9  }
0x19f: {  	v36 =	vld [tilespmem:s30+$0x8800];
	v34 =	vmov s29  }
0x1a0: {  	s9 =	simm.s32 $0x40;
	v35 =	vbroadcast v34, $0x0;
	v34 =	vimm.s32 $0x0  }
.LBB2_9:
0x1a1: {  	p0 =	sne.s32 s9, $0x7C0  }
.Ltmp5:
0x1a2: {  	_ = 	snop;
	(pc) =	sbr.rel @p0 .LBB2_9-.Ltmp5, $4  }
0x1a3: {  	_ = 	snop  }
0x1a4: {  	s30 =	sshra.s32 s9, $0x2;
	s9 =	sadd.s32 $0x40, s9;
	vm0 =	vge.f32 v36, v35  }
0x1a5: {  	v36 =	vld [tilespmem:s30+$0x8800];
	v37 =	vsel vm0, $0x1, v2  }
0x1a6: {  	v34 =	vadd.s32 v37, v34  }
0x1a7: {  	_ =	sdelay $0x2  }
0x1a8: {  	vm0 =	vge.f32 v36, v35  }
0x1a9: {  	v35 =	vsel vm0, $0x1, v2  }
0x1aa: {  	v34 =	vadd.s32 v35, v34  }
0x1ab: {  	(xrf0) =	vadd.scan.msk.s32 $0xffff, v34;
	_ =	sdelay $0x5  }
0x1ac: {  	v34, _, _ =	vpop (xrf0)  }
0x1ad: {  	(v2sf) =	vpush v34, $0xF;
	_ =	sdelay $0xb  }
0x1ae: {  	s26 =	sadd.s32 $0x1, s26  }
0x1af: {  	p1 =	sne.s32 s26, $0x1F  }
.Ltmp6:
0x1b0: {  	_ = 	snop;
	(pc) =	sbr.rel @p1 .LBB2_8-.Ltmp6, $4  }
0x1b1: {  	s9 =	spop (v2sf)  }
0x1b2: {  	p0 =	sgt.s32 s9, $0x1F;
	s9 =	sadd.s32 $0xFFFFFFFF, s29  }
0x1b3: {  	s9 =	smov.u32 @p0 s28  }
0x1b4: {  	s25 =	smov.u32 @p0 s29;
	s28 =	smov.u32 s9  }
0x1b5: {  	s9 =	simm.s32 $0x0  }
0x1b6: {  	v35 =	vld [tilespmem:s9+$0x8800];
	_ =	sdelay $0x1  }
0x1b7: {  	v34 =	vmov s25  }
0x1b8: {  	v34 =	vbroadcast v34, $0x0;
	_ =	sdelay $0x1  }
0x1b9: {  	vm0 =	vgt.f32 v35, v34  }
0x1ba: {  	v37 =	vmpcnt.ones.xlane vm0;
	_ =	sdelay $0x1  }
0x1bb: {  	(v2sf) =	vpush v37, $0x0;
	_ =	sdelay $0x1  }
0x1bc: {  	v36 =	vld [tilespmem:s9+$0x8A00];
	_ =	sdelay $0x1  }
0x1bd: {  	p0 =	por $0x1, $0x1;
	s9 =	simm.s32 $0x0  }
0x1be: {  	s9 =	simm.s32 @!p0 $0x20  }
0x1bf: {  	[tilespmem:s9+$0x8C00] =	vst.msk vm0, v35  }
0x1c0: {  	s25 =	simm.s32 $0x0;
	s28 =	simm.s32 $0x10;
	s26 =	simm.s32 $0x80;
	[tilespmem:s9+$0x8C80] =	vst.msk vm0, v36  }
.LBB2_12:
0x1c1: {  	p0 =	sne.s32 s26, $0x7C0;
	v35 =	vld [tilespmem:s28+$0x8800];
	_ =	sdelay $0x4  }
0x1c2: {  	vm0 =	vgt.f32 v35, v34  }
0x1c3: {  	v36 =	vmpcnt.ones.xlane vm0  }
0x1c4: {  	v37 =	vld [tilespmem:s28+$0x8A00];
	s9 =	spop (v2sf)  }
0x1c5: {  	(v2sf) =	vpush v36, $0x0;
	s25 =	sadd.s32 s25, s9  }
0x1c6: {  	p1 =	slt.s32 s25, $0x20;
	s9 =	smov.u32 s25  }
0x1c7: {  	s9 =	simm.s32 @!p1 $0x20  }
.Ltmp7:
0x1c8: {  	[tilespmem:s9+$0x8C00] =	vst.msk vm0, v35;
	(pc) =	sbr.rel @p0 .LBB2_12-.Ltmp7, $2  }
0x1c9: {  	[tilespmem:s9+$0x8C80] =	vst.msk vm0, v37;
	_ =	sdelay $0x2  }
0x1ca: {  	s28 =	sshra.s32 s26, $0x2;
	s26 =	sadd.s32 $0x40, s26  }
0x1cb: {  	_ =	sdelay $0x1  }
0x1cc: {  	v35 =	vld [tilespmem:s28+$0x8800];
	_ =	sdelay $0x4  }
0x1cd: {  	v37 =	vld [tilespmem:s28+$0x8A00];
	vm0 =	vgt.f32 v35, v34;
	s9 =	spop (v2sf)  }
0x1ce: {  	v36 =	vmpcnt.ones.xlane vm0;
	s9 =	sadd.s32 s25, s9  }
0x1cf: {  	p0 =	slt.s32 s9, $0x20;
	s25 =	smov.u32 s9  }
0x1d0: {  	(v2sf) =	vpush v36, $0x0;
	s25 =	simm.s32 @!p0 $0x20  }
0x1d1: {  	[tilespmem:s25+$0x8C00] =	vst.msk vm0, v35  }
0x1d2: {  	[tilespmem:s25+$0x8C80] =	vst.msk vm0, v37  }
0x1d3: {  	[tilespmem:$0x8D80] =	vst v3  }
0x1d4: {  	[tilespmem:$0x8D90] =	vst v3  }
0x1d5: {  	[tilespmem:$0x8DA0] =	vst v3  }
0x1d6: {  	s26 =	simm.s32 $0x0;
	[tilespmem:$0x8DB0] =	vst v3  }
0x1d7: {  	v35 =	vld [tilespmem:s26+$0x8800];
	_ =	sdelay $0x4  }
0x1d8: {  	vm15 =	veq.f32 v35, v34  }
0x1d9: {  	v35 =	vmpcnt.ones.xlane vm15;
	_ =	sdelay $0x1  }
0x1da: {  	s30 =	spop (v2sf);
	(v2sf) =	vpush v35, $0x0;
	_ =	sdelay $0x1  }
0x1db: {  	v63 =	vld [tilespmem:s26+$0x8A00];
	_ =	sdelay $0x2  }
0x1dc: {  	s28 =	simm.s32 $0x0;
	p0 =	por $0x1, $0x1  }
0x1dd: {  	s29 =	simm.s32 $0x10;
	s28 =	simm.s32 @!p0 $0x30  }
0x1de: {  	s26 =	simm.s32 $0x0;
	[tilespmem:s28+$0x8D80] =	vst.msk vm15, v63;
	s28 =	simm.s32 $0x80;
	s25 =	sadd.s32 s9, s30  }
.LBB2_14:
0x1df: {  	p0 =	sne.s32 s28, $0x7C0;
	v35 =	vld [tilespmem:s29+$0x8800];
	_ =	sdelay $0x4  }
0x1e0: {  	vm0 =	veq.f32 v35, v34  }
0x1e1: {  	v35 =	vld [tilespmem:s29+$0x8A00];
	v36 =	vmpcnt.ones.xlane vm0  }
0x1e2: {  	s9 =	spop (v2sf)  }
0x1e3: {  	(v2sf) =	vpush v36, $0x0;
	s26 =	sadd.s32 s26, s9  }
0x1e4: {  	p1 =	slt.s32 s26, $0x30;
	s9 =	smov.u32 s26  }
0x1e5: {  	s9 =	simm.s32 @!p1 $0x30  }
.Ltmp8:
0x1e6: {  	[tilespmem:s9+$0x8D80] =	vst.msk vm0, v35;
	(pc) =	sbr.rel @p0 .LBB2_14-.Ltmp8, $2  }
0x1e7: {  	_ =	sdelay $0x2  }
0x1e8: {  	s29 =	sshra.s32 s28, $0x2;
	s28 =	sadd.s32 $0x40, s28  }
0x1e9: {  	v35 =	vld [tilespmem:s29+$0x8800];
	_ =	sdelay $0x4  }
0x1ea: {  	vm0 =	veq.f32 v35, v34  }
0x1eb: {  	v35 =	vmpcnt.ones.xlane vm0;
	_ =	sdelay $0x1  }
0x1ec: {  	(v2sf) =	vpush v35, $0x0;
	_ =	sdelay $0x6  }
0x1ed: {  	p0 =	slt.s32 s25, $0x1F;
	s9 =	spop (v2sf)  }
0x1ee: {  	s25 =	simm.s32 @!p0 $0x1F;
	s9 =	sadd.s32 s26, s9  }
0x1ef: {  	v63 =	vld [tilespmem:s29+$0x8A00];
	s29 =	ssub.s32 $0x20, s25;
	p0 =	slt.s32 s9, $0x30  }
0x1f0: {  	s9 =	simm.s32 @!p0 $0x30;
	p0 =	slt.s32 s29, $0x1  }
.Ltmp9:
0x1f1: {  	_ = 	snop;
	(pc) =	sbr.rel @p0 .LBB2_19-.Ltmp9, $2  }
0x1f2: {  	_ =	sdelay $0x2  }
0x1f3: {  	[tilespmem:s9+$0x8D80] =	vst.msk vm0, v63;
	s30 =	spop (v2sf)  }
0x1f4: {  	v37 =	vld [tilespmem:$0x8D80]  }
0x1f5: {  	v36 =	vld [tilespmem:$0x8D90];
	_ =	sdelay $0x1  }
0x1f6: {  	v38 =	vld [tilespmem:$0x8DA0];
	_ =	sdelay $0x1  }
0x1f7: {  	v39 =	vld [tilespmem:$0x8DB0]  }
0x1f8: {  	vm0 =	vlt.s32 v37, v36  }
0x1f9: {  	v35 =	vsel vm0, v37, v36  }
0x1fa: {  	vm0 =	vlt.s32 v35, v38  }
0x1fb: {  	v35 =	vsel vm0, v35, v38  }
0x1fc: {  	vm0 =	vlt.s32 v35, v39  }
0x1fd: {  	v35 =	vsel vm0, v35, v39  }
0x1fe: {  	vm0 =	vlt.s32 v35, $0x40000000  }
0x1ff: {  	v35 =	vnsel vm0, $0x40000000, v35  }
0x200: {  	v35 =	vxor.u32 $0x80000000, v35  }
0x201: {  	(xrf0) =	vmin.scan.msk.u32 $0xffff, v35;
	_ =	sdelay $0x5  }
0x202: {  	v35, _, _ =	vpop (xrf0)  }
0x203: {  	(v2sf) =	vpush v35, $0xF;
	_ =	sdelay $0xe  }
0x204: {  	p0 =	sne.s32 s25, $0x1F;
	s9 =	spop (v2sf)  }
.Ltmp10:
0x205: {  	s9 =	sxor.u32 $0x80000000, s9;
	(pc) =	sbr.rel @!p0 .LBB2_18-.Ltmp10, $4  }
0x206: {  	v35 =	vmov s25;
	vm13 =	veq.s32 v36, s9;
	vm1 =	veq.s32 v38, s9  }
0x207: {  	vm2 =	veq.s32 v39, s9;
	v40 =	vmov s9;
	v38 =	vsel vm1, $0x40000000, v38  }
0x208: {  	vm14 =	veq.s32 v37, s9;
	v41 =	vsel vm13, $0x40000000, v36;
	vm15 =	vlt.s32 v40, $0x7FFF;
	[tilespmem:$0x8DA0] =	vst v38  }
0x209: {  	s25 =	sadd.s32 $0x1, s25;
	v36 =	vsel vm2, $0x40000000, v39;
	v38 =	vsel vm14, $0x40000000, v37;
	[tilespmem:$0x8D90] =	vst v41;
	v37 =	vnsel vm15, $0x7FFF, v40  }
.LBB2_17:
0x20a: {  	p0 =	sne.s32 s25, $0x1F;
	[tilespmem:$0x8D80] =	vst v38;
	s26 =	smov.u32 s25;
	s25 =	sadd.s32 $0x1, s25  }
0x20b: {  	[tilespmem:$0x8DB0] =	vst v36  }
0x20c: {  	[tilespmem:v35+s18+$0x0] =	vst.idx.msk $0x1, v37  }
0x20d: {  	[tilespmem:v35+s19+$0x0] =	vst.idx.msk $0x1, v34  }
0x20e: {  	v37 =	vld [tilespmem:$0x8D80]  }
0x20f: {  	v38 =	vld [tilespmem:$0x8D90];
	_ =	sdelay $0x1  }
0x210: {  	v36 =	vld [tilespmem:$0x8DA0];
	_ =	sdelay $0x1  }
0x211: {  	v39 =	vld [tilespmem:$0x8DB0]  }
0x212: {  	vm0 =	vlt.s32 v37, v38  }
0x213: {  	v35 =	vsel vm0, v37, v38  }
0x214: {  	vm0 =	vlt.s32 v35, v36  }
0x215: {  	v35 =	vsel vm0, v35, v36  }
0x216: {  	vm0 =	vlt.s32 v35, v39  }
0x217: {  	v35 =	vsel vm0, v35, v39  }
0x218: {  	vm0 =	vlt.s32 v35, $0x40000000  }
0x219: {  	v35 =	vnsel vm0, $0x40000000, v35  }
0x21a: {  	v35 =	vxor.u32 $0x80000000, v35  }
0x21b: {  	(xrf0) =	vmin.scan.msk.u32 $0xffff, v35;
	_ =	sdelay $0x5  }
0x21c: {  	v35, _, _ =	vpop (xrf0)  }
0x21d: {  	(v2sf) =	vpush v35, $0xF;
	_ =	sdelay $0xe  }
0x21e: {  	s9 =	spop (v2sf)  }
.Ltmp11:
0x21f: {  	v35 =	vmov s26;
	s9 =	sxor.u32 $0x80000000, s9;
	(pc) =	sbr.rel @p0 .LBB2_17-.Ltmp11, $4  }
0x220: {  	vm0 =	veq.s32 v38, s9;
	vm1 =	veq.s32 v36, s9;
	vm2 =	veq.s32 v39, s9  }
0x221: {  	v40 =	vmov s9;
	v41 =	vsel vm1, $0x40000000, v36;
	v36 =	vsel vm2, $0x40000000, v39  }
0x222: {  	vm1 =	veq.s32 v37, s9;
	v39 =	vsel vm0, $0x40000000, v38;
	vm0 =	vlt.s32 v40, $0x7FFF;
	[tilespmem:$0x8DA0] =	vst v41  }
0x223: {  	v38 =	vsel vm1, $0x40000000, v37;
	v37 =	vnsel vm0, $0x7FFF, v40;
	[tilespmem:$0x8D90] =	vst v39  }
.LBB2_18:
0x224: {  	_ =	sdelay $0x1  }
0x225: {  	[tilespmem:$0x8D80] =	vst v38  }
0x226: {  	[tilespmem:$0x8DB0] =	vst v36  }
0x227: {  	[tilespmem:v35+s18+$0x0] =	vst.idx.msk $0x1, v37  }
0x228: {  	[tilespmem:v35+s19+$0x0] =	vst.idx.msk $0x1, v34  }
.LBB2_19:
0x229: {  	v34 =	vld [tilespmem:$0x8C80];
	v37 =	vmul.u32 $0x11, v1  }
0x22a: {  	v35 =	vld [tilespmem:$0x8C00];
	_ =	sdelay $0x3  }
0x22b: {  	[tilespmem:$0x8D00] =	vst v34  }
0x22c: {  	[tilespmem:v37+s20+$0x0] =	vst.idx.msk $0xffff, v35  }
0x22d: {  	[tilespmem:v4+s20+$0x0] =	vst.idx.msk $0xffff, v35  }
0x22e: {  	[tilespmem:v5+s20+$0x0] =	vst.idx.msk $0xffff, v35  }
0x22f: {  	[tilespmem:v6+s20+$0x0] =	vst.idx.msk $0xffff, v35  }
0x230: {  	[tilespmem:v7+s20+$0x0] =	vst.idx.msk $0xffff, v35  }
0x231: {  	[tilespmem:v8+s20+$0x0] =	vst.idx.msk $0xffff, v35  }
0x232: {  	[tilespmem:v9+s20+$0x0] =	vst.idx.msk $0xffff, v35  }
0x233: {  	[tilespmem:v10+s20+$0x0] =	vst.idx.msk $0xffff, v35  }
0x234: {  	[tilespmem:v11+s20+$0x0] =	vst.idx.msk $0xffff, v35  }
0x235: {  	[tilespmem:v12+s20+$0x0] =	vst.idx.msk $0xffff, v35  }
0x236: {  	[tilespmem:v13+s20+$0x0] =	vst.idx.msk $0xffff, v35  }
0x237: {  	[tilespmem:v14+s20+$0x0] =	vst.idx.msk $0xffff, v35  }
0x238: {  	[tilespmem:v15+s20+$0x0] =	vst.idx.msk $0xffff, v35  }
0x239: {  	[tilespmem:v16+s20+$0x0] =	vst.idx.msk $0xffff, v35  }
0x23a: {  	[tilespmem:v17+s20+$0x0] =	vst.idx.msk $0xffff, v35  }
0x23b: {  	[tilespmem:v18+s20+$0x0] =	vst.idx.msk $0xffff, v35  }
0x23c: {  	v59 =	vld [tilespmem:$0x8C90]  }
0x23d: {  	v38 =	vor.u32 $0x100, v37;
	v35 =	vld [tilespmem:$0x8C10];
	_ =	sdelay $0x3  }
0x23e: {  	[tilespmem:$0x8D10] =	vst v59  }
0x23f: {  	[tilespmem:v38+s20+$0x0] =	vst.idx.msk $0xffff, v35  }
0x240: {  	[tilespmem:v19+s20+$0x0] =	vst.idx.msk $0xffff, v35  }
0x241: {  	[tilespmem:v20+s20+$0x0] =	vst.idx.msk $0xffff, v35  }
0x242: {  	[tilespmem:v21+s20+$0x0] =	vst.idx.msk $0xffff, v35  }
0x243: {  	[tilespmem:v22+s20+$0x0] =	vst.idx.msk $0xffff, v35  }
0x244: {  	[tilespmem:v23+s20+$0x0] =	vst.idx.msk $0xffff, v35  }
0x245: {  	[tilespmem:v24+s20+$0x0] =	vst.idx.msk $0xffff, v35  }
0x246: {  	[tilespmem:v25+s20+$0x0] =	vst.idx.msk $0xffff, v35  }
0x247: {  	[tilespmem:v26+s20+$0x0] =	vst.idx.msk $0xffff, v35  }
0x248: {  	[tilespmem:v27+s20+$0x0] =	vst.idx.msk $0xffff, v35  }
0x249: {  	[tilespmem:v28+s20+$0x0] =	vst.idx.msk $0xffff, v35  }
0x24a: {  	[tilespmem:v29+s20+$0x0] =	vst.idx.msk $0xffff, v35  }
0x24b: {  	[tilespmem:v30+s20+$0x0] =	vst.idx.msk $0xffff, v35  }
0x24c: {  	[tilespmem:v31+s20+$0x0] =	vst.idx.msk $0xffff, v35  }
0x24d: {  	[tilespmem:v32+s20+$0x0] =	vst.idx.msk $0xffff, v35  }
0x24e: {  	[tilespmem:v33+s20+$0x0] =	vst.idx.msk $0xffff, v35  }
0x24f: {  	v60 =	vld [tilespmem:$0x8D00];
	_ =	sdelay $0x4  }
0x250: {  	v61 =	vshll.u32 v60, $0x3  }
0x251: {  	v34 =	vand.u32 $0x7, v60;
	v35 =	vand.u32 $0xFFFFFFC0, v61  }
0x252: {  	v62 =	vshrl.u32 v1, $0x3;
	v39 =	vor.u32 v34, v35;
	v35 =	vand.u32 $0x7, v1  }
0x253: {  	v34 =	vmul.u32 $0x8, v62;
	v36 =	vperm.xlane v39, v35;
	_ =	sdelay $0x1  }
0x254: {  	v40 =	vadd.s32 v34, v36;
	_ =	sdelay $0x3  }
0x255: {  	vm0 =	vmmov $0xffff;
	s9 =	simm.s32 $0x0;
	s25 =	simm.s32 $0x9000  }
0x256: {  	v36 =	vor.u32 $0x8, v1;
	[tilespmem:s25], [sflag:$0x1] =	stream.indirect_vreg.gather [hbm4b:s0+s9], $0x80, v40, vm0, $0xb8;
	[tilespmem:$0x11800] =	vst v63  }
0x257: {  	s26 =	simm.s32 $0x9800;
	v39 =	vperm.xlane v39, v36  }
0x258: {  	[tilespmem:s26], [sflag:$0x1] =	stream.indirect_vreg.gather [hbm4b:s6+s9], $0x80, v40, vm0, $0xb8;
	[tilespmem:$0x11800] =	vst v63  }
0x259: {  	s28 =	simm.s32 $0xA000;
	v39 =	vadd.s32 v34, v39  }
0x25a: {  	[tilespmem:s28], [sflag:$0x1] =	stream.indirect_vreg.gather [hbm4b:s7+s9], $0x80, v40, vm0, $0xb8;
	[tilespmem:$0x11800] =	vst v63  }
0x25b: {  	s29 =	simm.s32 $0xA800  }
0x25c: {  	[tilespmem:s29], [sflag:$0x1] =	stream.indirect_vreg.gather [hbm4b:s8+s9], $0x80, v40, vm0, $0xb8;
	[tilespmem:$0x11800] =	vst v63  }
0x25d: {  	s30 =	simm.s32 $0xB000  }
0x25e: {  	[tilespmem:s30], [sflag:$0x1] =	stream.indirect_vreg.gather [hbm4b:s0+s9], $0x80, v39, vm0, $0xb8;
	[tilespmem:$0x11800] =	vst v63  }
0x25f: {  	s26 =	simm.s32 $0xB800  }
0x260: {  	[tilespmem:s26], [sflag:$0x1] =	stream.indirect_vreg.gather [hbm4b:s6+s9], $0x80, v39, vm0, $0xb8;
	[tilespmem:$0x11800] =	vst v63  }
0x261: {  	s28 =	simm.s32 $0xC000  }
0x262: {  	[tilespmem:s28], [sflag:$0x1] =	stream.indirect_vreg.gather [hbm4b:s7+s9], $0x80, v39, vm0, $0xb8;
	[tilespmem:$0x11800] =	vst v63  }
0x263: {  	s29 =	simm.s32 $0xC800  }
0x264: {  	[tilespmem:s29], [sflag:$0x1] =	stream.indirect_vreg.gather [hbm4b:s8+s9], $0x80, v39, vm0, $0xb8;
	[tilespmem:$0x11800] =	vst v63  }
0x265: {  	v39 =	vld [tilespmem:$0x8D10];
	_ =	sdelay $0x4  }
0x266: {  	v63 =	vshll.u32 v39, $0x3  }
0x267: {  	v39 =	vand.u32 $0x7, v39;
	v40 =	vand.u32 $0xFFFFFFC0, v63  }
0x268: {  	v39 =	vor.u32 v39, v40  }
0x269: {  	v40 =	vperm.xlane v39, v35;
	_ =	sdelay $0x1  }
0x26a: {  	v40 =	vadd.s32 v34, v40;
	_ =	sdelay $0x3  }
0x26b: {  	s30 =	simm.s32 $0xD000  }
0x26c: {  	[tilespmem:s30], [sflag:$0x1] =	stream.indirect_vreg.gather [hbm4b:s0+s9], $0x80, v40, vm0, $0xb8;
	[tilespmem:$0x11800] =	vst v63  }
0x26d: {  	v39 =	vperm.xlane v39, v36  }
0x26e: {  	[tilespmem:s31], [sflag:$0x1] =	stream.indirect_vreg.gather [hbm4b:s6+s9], $0x80, v40, vm0, $0xb8;
	[tilespmem:$0x11800] =	vst v63  }
0x26f: {  	v39 =	vadd.s32 v34, v39  }
0x270: {  	[tilespmem:s2], [sflag:$0x1] =	stream.indirect_vreg.gather [hbm4b:s7+s9], $0x80, v40, vm0, $0xb8;
	[tilespmem:$0x11800] =	vst v63  }
0x271: {  	_ = 	snop  }
0x272: {  	[tilespmem:s3], [sflag:$0x1] =	stream.indirect_vreg.gather [hbm4b:s8+s9], $0x80, v40, vm0, $0xb8;
	[tilespmem:$0x11800] =	vst v63  }
0x273: {  	_ = 	snop  }
0x274: {  	[tilespmem:s1], [sflag:$0x1] =	stream.indirect_vreg.gather [hbm4b:s0+s9], $0x80, v39, vm0, $0xb8;
	[tilespmem:$0x11800] =	vst v63  }
0x275: {  	_ = 	snop  }
0x276: {  	[tilespmem:s13], [sflag:$0x1] =	stream.indirect_vreg.gather [hbm4b:s6+s9], $0x80, v39, vm0, $0xb8;
	[tilespmem:$0x11800] =	vst v63  }
0x277: {  	_ = 	snop  }
0x278: {  	[tilespmem:s4], [sflag:$0x1] =	stream.indirect_vreg.gather [hbm4b:s7+s9], $0x80, v39, vm0, $0xb8;
	[tilespmem:$0x11800] =	vst v63  }
0x279: {  	_ = 	snop  }
0x27a: {  	[tilespmem:s5], [sflag:$0x1] =	stream.indirect_vreg.gather [hbm4b:s8+s9], $0x80, v39, vm0, $0xb8;
	[tilespmem:$0x11800] =	vst v63  }
0x27b: {  	_ =	swait.ge [sflag:s21], $0x8000  }
0x27c: {  	[sflag:s21] =	ssyncset.done $0x0  }
0x27d: {  	s9 =	simm.s32 $0x0;
	[sflag:s21] =	ssyncadd.s32 $0xFFFF8000  }
0x27e: {  	s25 =	simm.s32 $0x40;
	v39 =	vld [tilespmem:s9+$0x11400]  }
.LBB2_20:
0x27f: {  	p0 =	sne.s32 s25, $0xFC0  }
.Ltmp12:
0x280: {  	_ = 	snop;
	(pc) =	sbr.rel @p0 .LBB2_20-.Ltmp12, $3  }
0x281: {  	_ =	sdelay $0x1  }
0x282: {  	[tilespmem:s9+$0x11000] =	vst v39;
	s9 =	sshra.s32 s25, $0x2;
	s25 =	sadd.s32 $0x40, s25  }
0x283: {  	v39 =	vld [tilespmem:s9+$0x11400]  }
0x284: {  	_ =	sdelay $0x3  }
0x285: {  	[tilespmem:s9+$0x11000] =	vst v39;
	s9 =	simm.s32 $0x0  }
0x286: {  	v39 =	vld [tilespmem:$0x8E00];
	s25 =	sand.u32 $0x70, s9;
	s26 =	sand.u32 $0x1C00, s9  }
0x287: {  	v40 =	vld [tilespmem:$0x8E10];
	s26 =	sor.u32 s25, s26  }
0x288: {  	s25 =	simm.s32 $0x11000;
	v41 =	vld [tilespmem:s26+$0x9000]  }
0x289: {  	v42 =	vld [tilespmem:s25+$0x0]  }
0x28a: {  	v45 =	vld [tilespmem:s26+$0x9080]  }
0x28b: {  	v44 =	vld [tilespmem:$0x8E20]  }
0x28c: {  	v46 =	vld [tilespmem:s26+$0x9100]  }
0x28d: {  	v43 =	vld [tilespmem:$0x8E30];
	v47 =	vmul.f32 v41, v39  }
0x28e: {  	v48 =	vld [tilespmem:s26+$0x9180]  }
0x28f: {  	v49 =	vld [tilespmem:s26+$0x9200];
	v45 =	vmul.f32 v45, v40;
	v47 =	vadd.f32 v47, v42  }
0x290: {  	v41 =	vld [tilespmem:$0x8E40]  }
0x291: {  	v50 =	vld [tilespmem:s26+$0x9280];
	v46 =	vmul.f32 v46, v44;
	v47 =	vadd.f32 v45, v47  }
0x292: {  	v42 =	vld [tilespmem:$0x8E50]  }
0x293: {  	s9 =	sor.u32 s9, s9;
	v51 =	vld [tilespmem:s26+$0x9300];
	v48 =	vmul.f32 v48, v43;
	v47 =	vadd.f32 v46, v47  }
0x294: {  	s9 =	sor.u32 $0x380, s9;
	v45 =	vld [tilespmem:$0x8E60]  }
0x295: {  	v60 =	vld [tilespmem:s9+$0x9000];
	v59 =	vmul.f32 v49, v41;
	v47 =	vadd.f32 v48, v47  }
0x296: {  	v46 =	vld [tilespmem:$0x8E70]  }
0x297: {  	v61 =	vmul.f32 v50, v42;
	v47 =	vadd.f32 v59, v47;
	_ =	sdelay $0x1  }
0x298: {  	v62 =	vmul.f32 v51, v45;
	v47 =	vadd.f32 v61, v47;
	_ =	sdelay $0x1  }
0x299: {  	v63 =	vmul.f32 v60, v46;
	v47 =	vadd.f32 v62, v47;
	_ =	sdelay $0x1  }
0x29a: {  	s28 =	simm.s32 $0x80;
	s26 =	simm.s32 $0x10;
	v47 =	vadd.f32 v63, v47  }
0x29b: {  	s29 =	simm.s32 $0x20;
	s30 =	sand.u32 $0x1C00, s28;
	s9 =	sand.u32 $0x70, s26  }
.LBB2_22:
0x29c: {  	p0 =	sne.s32 s29, $0x3F0;
	s9 =	sor.u32 s9, s30;
	[tilespmem:s25+$0x0] =	vst v47  }
0x29d: {  	s25 =	sadd.s32 $0x10, s25;
	v47 =	vld [tilespmem:s9+$0x9000]  }
0x29e: {  	v48 =	vld [tilespmem:s25+$0x0]  }
0x29f: {  	v49 =	vld [tilespmem:s9+$0x9080];
	_ =	sdelay $0x1  }
0x2a0: {  	v50 =	vld [tilespmem:s9+$0x9100]  }
0x2a1: {  	v47 =	vmul.f32 v47, v39  }
0x2a2: {  	v51 =	vld [tilespmem:s9+$0x9180]  }
0x2a3: {  	v47 =	vadd.f32 v47, v48;
	v48 =	vmul.f32 v49, v40  }
0x2a4: {  	v49 =	vld [tilespmem:s9+$0x9200]  }
0x2a5: {  	v47 =	vadd.f32 v48, v47;
	v48 =	vmul.f32 v50, v44  }
0x2a6: {  	v50 =	vld [tilespmem:s9+$0x9280]  }
0x2a7: {  	v47 =	vadd.f32 v48, v47;
	v48 =	vmul.f32 v51, v43  }
0x2a8: {  	v51 =	vld [tilespmem:s9+$0x9300];
	s9 =	sor.u32 s28, s26;
	s26 =	smov.u32 s29  }
0x2a9: {  	v47 =	vadd.f32 v48, v47;
	v48 =	vmul.f32 v49, v41;
	s9 =	sor.u32 $0x380, s9  }
0x2aa: {  	v49 =	vld [tilespmem:s9+$0x9000]  }
0x2ab: {  	v47 =	vadd.f32 v48, v47;
	v48 =	vmul.f32 v50, v42;
	_ =	sdelay $0x1  }
0x2ac: {  	v47 =	vadd.f32 v48, v47;
	v48 =	vmul.f32 v51, v45  }
.Ltmp13:
0x2ad: {  	(pc) =	sbr.rel @p0 .LBB2_22-.Ltmp13, $3  }
0x2ae: {  	v47 =	vadd.f32 v48, v47;
	v48 =	vmul.f32 v49, v46;
	_ =	sdelay $0x1  }
0x2af: {  	s28 =	sadd.s32 $0x80, s28;
	v47 =	vadd.f32 v48, v47  }
0x2b0: {  	s29 =	sadd.s32 $0x10, s29;
	s30 =	sand.u32 $0x1C00, s28;
	s9 =	sand.u32 $0x70, s26  }
0x2b1: {  	s9 =	sor.u32 s9, s30;
	[tilespmem:s25+$0x0] =	vst v47  }
0x2b2: {  	s25 =	sadd.s32 $0x10, s25;
	v47 =	vld [tilespmem:s9+$0x9000]  }
0x2b3: {  	v48 =	vld [tilespmem:s25+$0x0]  }
0x2b4: {  	v49 =	vld [tilespmem:s9+$0x9080];
	_ =	sdelay $0x1  }
0x2b5: {  	v50 =	vld [tilespmem:s9+$0x9100]  }
0x2b6: {  	v39 =	vmul.f32 v47, v39  }
0x2b7: {  	v57 =	vld [tilespmem:s9+$0x9180]  }
0x2b8: {  	v40 =	vmul.f32 v49, v40;
	v39 =	vadd.f32 v39, v48  }
0x2b9: {  	v58 =	vld [tilespmem:s9+$0x9200]  }
0x2ba: {  	v59 =	vmul.f32 v50, v44;
	v39 =	vadd.f32 v40, v39  }
0x2bb: {  	v60 =	vld [tilespmem:s9+$0x9280]  }
0x2bc: {  	v61 =	vmul.f32 v57, v43;
	v39 =	vadd.f32 v59, v39  }
0x2bd: {  	s30 =	sor.u32 s28, s26;
	v62 =	vld [tilespmem:s9+$0x9300]  }
0x2be: {  	s9 =	sor.u32 $0x380, s30;
	v63 =	vmul.f32 v58, v41;
	v39 =	vadd.f32 v61, v39  }
0x2bf: {  	v47 =	vld [tilespmem:s9+$0x9000]  }
0x2c0: {  	v48 =	vmul.f32 v60, v42;
	v39 =	vadd.f32 v63, v39;
	_ =	sdelay $0x1  }
0x2c1: {  	v49 =	vmul.f32 v62, v45;
	v39 =	vadd.f32 v48, v39;
	_ =	sdelay $0x1  }
0x2c2: {  	v50 =	vmul.f32 v47, v46;
	v39 =	vadd.f32 v49, v39;
	_ =	sdelay $0x1  }
0x2c3: {  	v39 =	vadd.f32 v50, v39;
	_ =	sdelay $0x1  }
0x2c4: {  	[tilespmem:s25+$0x0] =	vst v39;
	s25 =	simm.s32 $0x0  }
0x2c5: {  	v39 =	vld [tilespmem:$0x8E80];
	s26 =	sand.u32 $0x70, s25;
	s9 =	sand.u32 $0x1C00, s25  }
0x2c6: {  	v40 =	vld [tilespmem:$0x8E90];
	s9 =	sor.u32 s26, s9  }
0x2c7: {  	s25 =	simm.s32 $0x11000;
	v51 =	vld [tilespmem:s9+$0xB000]  }
0x2c8: {  	v52 =	vld [tilespmem:s25+$0x0]  }
0x2c9: {  	v53 =	vld [tilespmem:s9+$0xB080]  }
0x2ca: {  	v43 =	vld [tilespmem:$0x8EA0]  }
0x2cb: {  	v54 =	vld [tilespmem:s9+$0xB100]  }
0x2cc: {  	v41 =	vld [tilespmem:$0x8EB0];
	v55 =	vmul.f32 v51, v39  }
0x2cd: {  	v56 =	vld [tilespmem:s9+$0xB180]  }
0x2ce: {  	v42 =	vld [tilespmem:$0x8EC0];
	v45 =	vmul.f32 v53, v40;
	v47 =	vadd.f32 v55, v52  }
0x2cf: {  	v57 =	vld [tilespmem:s9+$0xB200]  }
0x2d0: {  	v44 =	vld [tilespmem:$0x8ED0];
	v46 =	vmul.f32 v54, v43;
	v47 =	vadd.f32 v45, v47  }
0x2d1: {  	v58 =	vld [tilespmem:s9+$0xB280]  }
0x2d2: {  	v48 =	vmul.f32 v56, v41;
	v51 =	vld [tilespmem:s9+$0xB300];
	v47 =	vadd.f32 v46, v47  }
0x2d3: {  	v45 =	vld [tilespmem:$0x8EE0]  }
0x2d4: {  	v60 =	vld [tilespmem:s9+$0xB380];
	v59 =	vmul.f32 v57, v42;
	v47 =	vadd.f32 v48, v47  }
0x2d5: {  	v46 =	vld [tilespmem:$0x8EF0]  }
0x2d6: {  	v61 =	vmul.f32 v58, v44;
	v47 =	vadd.f32 v59, v47;
	_ =	sdelay $0x1  }
0x2d7: {  	v62 =	vmul.f32 v51, v45;
	v47 =	vadd.f32 v61, v47;
	_ =	sdelay $0x1  }
0x2d8: {  	v63 =	vmul.f32 v60, v46;
	v47 =	vadd.f32 v62, v47;
	_ =	sdelay $0x1  }
0x2d9: {  	s30 =	simm.s32 $0x10;
	s26 =	simm.s32 $0x80;
	v47 =	vadd.f32 v63, v47  }
0x2da: {  	s28 =	simm.s32 $0x20;
	s29 =	sand.u32 $0x1C00, s26;
	s9 =	sand.u32 $0x70, s30  }
.LBB2_24:
0x2db: {  	p0 =	sne.s32 s28, $0x3F0;
	s9 =	sor.u32 s9, s29;
	[tilespmem:s25+$0x0] =	vst v47  }
0x2dc: {  	s25 =	sadd.s32 $0x10, s25;
	v47 =	vld [tilespmem:s9+$0xB000]  }
0x2dd: {  	v48 =	vld [tilespmem:s25+$0x0]  }
0x2de: {  	v49 =	vld [tilespmem:s9+$0xB080];
	_ =	sdelay $0x1  }
0x2df: {  	v50 =	vld [tilespmem:s9+$0xB100]  }
0x2e0: {  	v47 =	vmul.f32 v47, v39  }
0x2e1: {  	v51 =	vld [tilespmem:s9+$0xB180]  }
0x2e2: {  	v47 =	vadd.f32 v47, v48;
	v48 =	vmul.f32 v49, v40  }
0x2e3: {  	v49 =	vld [tilespmem:s9+$0xB200]  }
0x2e4: {  	v47 =	vadd.f32 v48, v47;
	v48 =	vmul.f32 v50, v43  }
0x2e5: {  	v50 =	vld [tilespmem:s9+$0xB280]  }
0x2e6: {  	v47 =	vadd.f32 v48, v47;
	v48 =	vmul.f32 v51, v41  }
0x2e7: {  	v51 =	vld [tilespmem:s9+$0xB300]  }
0x2e8: {  	v47 =	vadd.f32 v48, v47;
	v48 =	vmul.f32 v49, v42  }
0x2e9: {  	v49 =	vld [tilespmem:s9+$0xB380]  }
0x2ea: {  	v47 =	vadd.f32 v48, v47;
	v48 =	vmul.f32 v50, v44;
	_ =	sdelay $0x1  }
0x2eb: {  	v47 =	vadd.f32 v48, v47;
	v48 =	vmul.f32 v51, v45  }
.Ltmp14:
0x2ec: {  	(pc) =	sbr.rel @p0 .LBB2_24-.Ltmp14, $3  }
0x2ed: {  	v47 =	vadd.f32 v48, v47;
	v48 =	vmul.f32 v49, v46;
	_ =	sdelay $0x1  }
0x2ee: {  	s26 =	sadd.s32 $0x80, s26;
	v47 =	vadd.f32 v48, v47  }
0x2ef: {  	s29 =	sand.u32 $0x1C00, s26;
	s9 =	sand.u32 $0x70, s28;
	s28 =	sadd.s32 $0x10, s28  }
0x2f0: {  	s9 =	sor.u32 s9, s29;
	[tilespmem:s25+$0x0] =	vst v47  }
0x2f1: {  	s30 =	sadd.s32 $0x10, s25;
	v47 =	vld [tilespmem:s9+$0xB000]  }
0x2f2: {  	v48 =	vld [tilespmem:s30+$0x0]  }
0x2f3: {  	v49 =	vld [tilespmem:s9+$0xB080];
	_ =	sdelay $0x1  }
0x2f4: {  	v50 =	vld [tilespmem:s9+$0xB100]  }
0x2f5: {  	v39 =	vmul.f32 v47, v39  }
0x2f6: {  	v57 =	vld [tilespmem:s9+$0xB180]  }
0x2f7: {  	v40 =	vmul.f32 v49, v40;
	v39 =	vadd.f32 v39, v48  }
0x2f8: {  	v58 =	vld [tilespmem:s9+$0xB200]  }
0x2f9: {  	v59 =	vmul.f32 v50, v43;
	v39 =	vadd.f32 v40, v39  }
0x2fa: {  	v60 =	vld [tilespmem:s9+$0xB280]  }
0x2fb: {  	v61 =	vmul.f32 v57, v41;
	v39 =	vadd.f32 v59, v39  }
0x2fc: {  	v62 =	vld [tilespmem:s9+$0xB300]  }
0x2fd: {  	v63 =	vmul.f32 v58, v42;
	v39 =	vadd.f32 v61, v39  }
0x2fe: {  	v47 =	vld [tilespmem:s9+$0xB380]  }
0x2ff: {  	v48 =	vmul.f32 v60, v44;
	v39 =	vadd.f32 v63, v39;
	_ =	sdelay $0x1  }
0x300: {  	v49 =	vmul.f32 v62, v45;
	v39 =	vadd.f32 v48, v39;
	_ =	sdelay $0x1  }
0x301: {  	v50 =	vmul.f32 v47, v46;
	v39 =	vadd.f32 v49, v39;
	_ =	sdelay $0x1  }
0x302: {  	v39 =	vadd.f32 v50, v39;
	_ =	sdelay $0x1  }
0x303: {  	s25 =	simm.s32 $0x0;
	[tilespmem:s30+$0x0] =	vst v39  }
0x304: {  	s26 =	sand.u32 $0x70, s25;
	s9 =	sand.u32 $0x1C00, s25;
	v39 =	vld [tilespmem:$0x8F00]  }
0x305: {  	s9 =	sor.u32 s26, s9;
	v40 =	vld [tilespmem:$0x8F10]  }
0x306: {  	s25 =	simm.s32 $0x11000;
	v51 =	vld [tilespmem:s9+$0xD000]  }
0x307: {  	v52 =	vld [tilespmem:s25+$0x0]  }
0x308: {  	v53 =	vld [tilespmem:s9+$0xD080]  }
0x309: {  	v43 =	vld [tilespmem:$0x8F20]  }
0x30a: {  	v54 =	vld [tilespmem:s9+$0xD100]  }
0x30b: {  	v41 =	vld [tilespmem:$0x8F30];
	v55 =	vmul.f32 v51, v39  }
0x30c: {  	v56 =	vld [tilespmem:s9+$0xD180]  }
0x30d: {  	v42 =	vld [tilespmem:$0x8F40];
	v45 =	vmul.f32 v53, v40;
	v47 =	vadd.f32 v55, v52  }
0x30e: {  	v57 =	vld [tilespmem:s9+$0xD200]  }
0x30f: {  	v44 =	vld [tilespmem:$0x8F50];
	v46 =	vmul.f32 v54, v43;
	v47 =	vadd.f32 v45, v47  }
0x310: {  	v58 =	vld [tilespmem:s9+$0xD280]  }
0x311: {  	v48 =	vmul.f32 v56, v41;
	v51 =	vld [tilespmem:s9+$0xD300];
	v47 =	vadd.f32 v46, v47  }
0x312: {  	v45 =	vld [tilespmem:$0x8F60]  }
0x313: {  	v60 =	vld [tilespmem:s9+$0xD380];
	v59 =	vmul.f32 v57, v42;
	v47 =	vadd.f32 v48, v47  }
0x314: {  	v46 =	vld [tilespmem:$0x8F70]  }
0x315: {  	v61 =	vmul.f32 v58, v44;
	v47 =	vadd.f32 v59, v47;
	_ =	sdelay $0x1  }
0x316: {  	v62 =	vmul.f32 v51, v45;
	v47 =	vadd.f32 v61, v47;
	_ =	sdelay $0x1  }
0x317: {  	v63 =	vmul.f32 v60, v46;
	v47 =	vadd.f32 v62, v47;
	_ =	sdelay $0x1  }
0x318: {  	s26 =	simm.s32 $0x80;
	s30 =	simm.s32 $0x10;
	v47 =	vadd.f32 v63, v47  }
0x319: {  	s28 =	simm.s32 $0x20;
	s29 =	sand.u32 $0x1C00, s26;
	s9 =	sand.u32 $0x70, s30  }
.LBB2_26:
0x31a: {  	p0 =	sne.s32 s28, $0x3F0;
	s9 =	sor.u32 s9, s29;
	[tilespmem:s25+$0x0] =	vst v47  }
0x31b: {  	s25 =	sadd.s32 $0x10, s25;
	v47 =	vld [tilespmem:s9+$0xD000]  }
0x31c: {  	v48 =	vld [tilespmem:s25+$0x0]  }
0x31d: {  	v49 =	vld [tilespmem:s9+$0xD080];
	_ =	sdelay $0x1  }
0x31e: {  	v50 =	vld [tilespmem:s9+$0xD100]  }
0x31f: {  	v47 =	vmul.f32 v47, v39  }
0x320: {  	v51 =	vld [tilespmem:s9+$0xD180]  }
0x321: {  	v47 =	vadd.f32 v47, v48;
	v48 =	vmul.f32 v49, v40  }
0x322: {  	v49 =	vld [tilespmem:s9+$0xD200]  }
0x323: {  	v47 =	vadd.f32 v48, v47;
	v48 =	vmul.f32 v50, v43  }
0x324: {  	v50 =	vld [tilespmem:s9+$0xD280]  }
0x325: {  	v47 =	vadd.f32 v48, v47;
	v48 =	vmul.f32 v51, v41  }
0x326: {  	v51 =	vld [tilespmem:s9+$0xD300]  }
0x327: {  	v47 =	vadd.f32 v48, v47;
	v48 =	vmul.f32 v49, v42  }
0x328: {  	v49 =	vld [tilespmem:s9+$0xD380]  }
0x329: {  	v47 =	vadd.f32 v48, v47;
	v48 =	vmul.f32 v50, v44;
	_ =	sdelay $0x1  }
0x32a: {  	v47 =	vadd.f32 v48, v47;
	v48 =	vmul.f32 v51, v45  }
.Ltmp15:
0x32b: {  	(pc) =	sbr.rel @p0 .LBB2_26-.Ltmp15, $3  }
0x32c: {  	v47 =	vadd.f32 v48, v47;
	v48 =	vmul.f32 v49, v46;
	_ =	sdelay $0x1  }
0x32d: {  	s26 =	sadd.s32 $0x80, s26;
	v47 =	vadd.f32 v48, v47  }
0x32e: {  	s29 =	sand.u32 $0x1C00, s26;
	s9 =	sand.u32 $0x70, s28;
	s28 =	sadd.s32 $0x10, s28  }
0x32f: {  	s9 =	sor.u32 s9, s29;
	[tilespmem:s25+$0x0] =	vst v47  }
0x330: {  	s30 =	sadd.s32 $0x10, s25;
	v47 =	vld [tilespmem:s9+$0xD000]  }
0x331: {  	v48 =	vld [tilespmem:s30+$0x0]  }
0x332: {  	v49 =	vld [tilespmem:s9+$0xD080];
	_ =	sdelay $0x1  }
0x333: {  	v50 =	vld [tilespmem:s9+$0xD100]  }
0x334: {  	v39 =	vmul.f32 v47, v39  }
0x335: {  	v57 =	vld [tilespmem:s9+$0xD180]  }
0x336: {  	v40 =	vmul.f32 v49, v40;
	v39 =	vadd.f32 v39, v48  }
0x337: {  	v58 =	vld [tilespmem:s9+$0xD200]  }
0x338: {  	v59 =	vmul.f32 v50, v43;
	v39 =	vadd.f32 v40, v39  }
0x339: {  	v60 =	vld [tilespmem:s9+$0xD280]  }
0x33a: {  	v61 =	vmul.f32 v57, v41;
	v39 =	vadd.f32 v59, v39  }
0x33b: {  	v62 =	vld [tilespmem:s9+$0xD300]  }
0x33c: {  	v63 =	vmul.f32 v58, v42;
	v39 =	vadd.f32 v61, v39  }
0x33d: {  	v47 =	vld [tilespmem:s9+$0xD380]  }
0x33e: {  	v48 =	vmul.f32 v60, v44;
	v39 =	vadd.f32 v63, v39;
	_ =	sdelay $0x1  }
0x33f: {  	v49 =	vmul.f32 v62, v45;
	v39 =	vadd.f32 v48, v39;
	_ =	sdelay $0x1  }
0x340: {  	v50 =	vmul.f32 v47, v46;
	v39 =	vadd.f32 v49, v39;
	_ =	sdelay $0x1  }
0x341: {  	v39 =	vadd.f32 v50, v39;
	_ =	sdelay $0x1  }
0x342: {  	s25 =	simm.s32 $0x0;
	[tilespmem:s30+$0x0] =	vst v39  }
0x343: {  	s26 =	sand.u32 $0x70, s25;
	s9 =	sand.u32 $0x1C00, s25;
	v39 =	vld [tilespmem:$0x8F80]  }
0x344: {  	s9 =	sor.u32 s26, s9;
	v40 =	vld [tilespmem:$0x8F90]  }
0x345: {  	s25 =	simm.s32 $0x11000;
	v51 =	vld [tilespmem:s9+$0xF000]  }
0x346: {  	v52 =	vld [tilespmem:s25+$0x0]  }
0x347: {  	v53 =	vld [tilespmem:s9+$0xF080]  }
0x348: {  	v43 =	vld [tilespmem:$0x8FA0]  }
0x349: {  	v54 =	vld [tilespmem:s9+$0xF100]  }
0x34a: {  	v41 =	vld [tilespmem:$0x8FB0];
	v55 =	vmul.f32 v51, v39  }
0x34b: {  	v56 =	vld [tilespmem:s9+$0xF180]  }
0x34c: {  	v42 =	vld [tilespmem:$0x8FC0];
	v45 =	vmul.f32 v53, v40;
	v47 =	vadd.f32 v55, v52  }
0x34d: {  	v57 =	vld [tilespmem:s9+$0xF200]  }
0x34e: {  	v44 =	vld [tilespmem:$0x8FD0];
	v46 =	vmul.f32 v54, v43;
	v47 =	vadd.f32 v45, v47  }
0x34f: {  	v58 =	vld [tilespmem:s9+$0xF280]  }
0x350: {  	v48 =	vmul.f32 v56, v41;
	v51 =	vld [tilespmem:s9+$0xF300];
	v47 =	vadd.f32 v46, v47  }
0x351: {  	v45 =	vld [tilespmem:$0x8FE0]  }
0x352: {  	v60 =	vld [tilespmem:s9+$0xF380];
	v59 =	vmul.f32 v57, v42;
	v47 =	vadd.f32 v48, v47  }
0x353: {  	v46 =	vld [tilespmem:$0x8FF0]  }
0x354: {  	v61 =	vmul.f32 v58, v44;
	v47 =	vadd.f32 v59, v47;
	_ =	sdelay $0x1  }
0x355: {  	v62 =	vmul.f32 v51, v45;
	v47 =	vadd.f32 v61, v47;
	_ =	sdelay $0x1  }
0x356: {  	v63 =	vmul.f32 v60, v46;
	v47 =	vadd.f32 v62, v47;
	_ =	sdelay $0x1  }
0x357: {  	s26 =	simm.s32 $0x80;
	s30 =	simm.s32 $0x10;
	v47 =	vadd.f32 v63, v47  }
0x358: {  	s28 =	simm.s32 $0x20;
	s29 =	sand.u32 $0x1C00, s26;
	s9 =	sand.u32 $0x70, s30  }
.LBB2_28:
0x359: {  	p0 =	sne.s32 s28, $0x3F0;
	s9 =	sor.u32 s9, s29;
	[tilespmem:s25+$0x0] =	vst v47  }
0x35a: {  	s25 =	sadd.s32 $0x10, s25;
	v47 =	vld [tilespmem:s9+$0xF000]  }
0x35b: {  	v48 =	vld [tilespmem:s25+$0x0]  }
0x35c: {  	v49 =	vld [tilespmem:s9+$0xF080];
	_ =	sdelay $0x1  }
0x35d: {  	v50 =	vld [tilespmem:s9+$0xF100]  }
0x35e: {  	v47 =	vmul.f32 v47, v39  }
0x35f: {  	v51 =	vld [tilespmem:s9+$0xF180]  }
0x360: {  	v47 =	vadd.f32 v47, v48;
	v48 =	vmul.f32 v49, v40  }
0x361: {  	v49 =	vld [tilespmem:s9+$0xF200]  }
0x362: {  	v47 =	vadd.f32 v48, v47;
	v48 =	vmul.f32 v50, v43  }
0x363: {  	v50 =	vld [tilespmem:s9+$0xF280]  }
0x364: {  	v47 =	vadd.f32 v48, v47;
	v48 =	vmul.f32 v51, v41  }
0x365: {  	v51 =	vld [tilespmem:s9+$0xF300]  }
0x366: {  	v47 =	vadd.f32 v48, v47;
	v48 =	vmul.f32 v49, v42  }
0x367: {  	v49 =	vld [tilespmem:s9+$0xF380]  }
0x368: {  	v47 =	vadd.f32 v48, v47;
	v48 =	vmul.f32 v50, v44;
	_ =	sdelay $0x1  }
0x369: {  	v47 =	vadd.f32 v48, v47;
	v48 =	vmul.f32 v51, v45  }
.Ltmp16:
0x36a: {  	(pc) =	sbr.rel @p0 .LBB2_28-.Ltmp16, $3  }
0x36b: {  	v47 =	vadd.f32 v48, v47;
	v48 =	vmul.f32 v49, v46;
	_ =	sdelay $0x1  }
0x36c: {  	s26 =	sadd.s32 $0x80, s26;
	v47 =	vadd.f32 v48, v47  }
0x36d: {  	s29 =	sand.u32 $0x1C00, s26;
	s9 =	sand.u32 $0x70, s28;
	s28 =	sadd.s32 $0x10, s28  }
0x36e: {  	s9 =	sor.u32 s9, s29;
	[tilespmem:s25+$0x0] =	vst v47  }
0x36f: {  	s26 =	sadd.s32 $0x10, s25;
	v47 =	vld [tilespmem:s9+$0xF000]  }
0x370: {  	v48 =	vld [tilespmem:s26+$0x0]  }
0x371: {  	v49 =	vld [tilespmem:s9+$0xF080];
	_ =	sdelay $0x1  }
0x372: {  	v50 =	vld [tilespmem:s9+$0xF100]  }
0x373: {  	v39 =	vmul.f32 v47, v39  }
0x374: {  	v60 =	vld [tilespmem:s9+$0xF180]  }
0x375: {  	v40 =	vmul.f32 v49, v40;
	v39 =	vadd.f32 v39, v48  }
0x376: {  	v61 =	vld [tilespmem:s9+$0xF200]  }
0x377: {  	v62 =	vmul.f32 v50, v43;
	v39 =	vadd.f32 v40, v39  }
0x378: {  	v63 =	vld [tilespmem:s9+$0xF280]  }
0x379: {  	v49 =	vmul.f32 v60, v41;
	v39 =	vadd.f32 v62, v39  }
0x37a: {  	v50 =	vld [tilespmem:s9+$0xF300]  }
0x37b: {  	v51 =	vmul.f32 v61, v42;
	v39 =	vadd.f32 v49, v39  }
0x37c: {  	v52 =	vld [tilespmem:s9+$0xF380]  }
0x37d: {  	v53 =	vmul.f32 v63, v44;
	v39 =	vadd.f32 v51, v39;
	_ =	sdelay $0x1  }
0x37e: {  	v54 =	vmul.f32 v50, v45;
	v39 =	vadd.f32 v53, v39;
	_ =	sdelay $0x1  }
0x37f: {  	v55 =	vmul.f32 v52, v46;
	v39 =	vadd.f32 v54, v39;
	_ =	sdelay $0x1  }
0x380: {  	v39 =	vadd.f32 v55, v39;
	_ =	sdelay $0x1  }
0x381: {  	s29 =	simm.s32 $0x80;
	s30 =	rddreg [dreg:$0x6];
	[tilespmem:s26+$0x0] =	vst v39  }
0x382: {  	[hbm4b:s30+s29] =	stream.strided.scatter [tilespmem:s22], [sflag:$0x2], $0x400, s15, s29, $0x38;
	[tilespmem:$0x11800] =	vst v63  }
0x383: {  	_ =	swait.ge [sflag:s14], $0x400  }
0x384: {  	[sflag:s14] =	ssyncset.done $0x0  }
0x385: {  	s25 =	simm.s32 $0x0;
	[sflag:s14] =	ssyncadd.s32 $0xFFFFFC00  }
0x386: {  	[tilespmem:s25], [sflag:$0x2] =	stream.strided.gather [hbm4b:s10+s29], $0x8000, s15, s29, $0x38;
	[tilespmem:$0x11800] =	vst v63  }
0x387: {  	_ =	swait.ge [sflag:s14], $0x8000  }
0x388: {  	[sflag:s14] =	ssyncset.done $0x0  }
0x389: {  	[sflag:s14] =	ssyncadd.s32 $0xFFFF8000  }
0x38a: {  	v56 =	vld [tilespmem:s29+$0xFFFFFF80]  }
0x38b: {  	v57 =	vld [tilespmem:s29+$0xFFFFFF90]  }
0x38c: {  	v58 =	vld [tilespmem:s29+$0xFFFFFFA0]  }
0x38d: {  	v52 =	vld [tilespmem:s29+$0xFFFFFFB0]  }
0x38e: {  	v59 =	vimm.f32 $-1.000000000e+00;
	v60 =	vld [tilespmem:s29+$0xFFFFFFC0]  }
0x38f: {  	v63 =	vld [tilespmem:s29+$0xFFFFFFD0];
	v61 =	vmin.f32 v59, v56;
	v62 =	vmax.f32 v59, v56;
	v39 =	vmax.f32 v56, $-1.000000000e+00  }
0x390: {  	v54 =	vld [tilespmem:s29+$0xFFFFFFE0];
	v43 =	vmax.f32 v59, v61;
	v53 =	vmin.f32 v62, v57;
	v39 =	vmax.f32 v39, v57  }
0x391: {  	v55 =	vld [tilespmem:s29+$0xFFFFFFF0];
	v40 =	vmax.f32 v62, v57;
	v43 =	vmax.f32 v43, v53;
	v39 =	vmax.f32 v39, v58  }
0x392: {  	v46 =	vld [tilespmem:s29+$0x0];
	v56 =	vmin.f32 v40, v58;
	v40 =	vmax.f32 v40, v58;
	v39 =	vmax.f32 v39, v52  }
0x393: {  	v44 =	vld [tilespmem:s29+$0x10];
	v57 =	vmax.f32 v43, v56;
	v58 =	vmax.f32 v40, v52;
	v39 =	vmax.f32 v39, v60  }
0x394: {  	v45 =	vld [tilespmem:s29+$0x20];
	v40 =	vmin.f32 v40, v52;
	v59 =	vmin.f32 v58, v60;
	v51 =	vmax.f32 v39, v63  }
0x395: {  	v40 =	vmax.f32 v57, v40;
	v43 =	vmax.f32 v58, v60;
	v39 =	vld [tilespmem:s29+$0x30];
	v60 =	vmax.f32 v51, v54  }
0x396: {  	v41 =	vld [tilespmem:s29+$0x40];
	v40 =	vmax.f32 v40, v59;
	v61 =	vmin.f32 v43, v63;
	v62 =	vmax.f32 v60, v55  }
0x397: {  	v42 =	vld [tilespmem:s29+$0x50];
	v43 =	vmax.f32 v43, v63;
	v40 =	vmax.f32 v40, v61;
	v47 =	vmax.f32 v62, v46  }
0x398: {  	v48 =	vmin.f32 v43, v54;
	v49 =	vmax.f32 v43, v54;
	v43 =	vld [tilespmem:s29+$0x60];
	v63 =	vmax.f32 v47, v44  }
0x399: {  	v47 =	vmax.f32 v40, v48;
	v48 =	vmax.f32 v49, v55;
	v40 =	vld [tilespmem:s29+$0x70];
	v51 =	vmax.f32 v63, v45  }
0x39a: {  	s28 =	simm.s32 $0x180;
	s26 =	simm.s32 $0x40;
	v50 =	vmin.f32 v49, v55;
	v49 =	vmin.f32 v48, v46;
	v51 =	vmax.f32 v51, v39  }
.LBB2_30:
0x39b: {  	p0 =	sne.s32 s26, $0x1FC0;
	v47 =	vmax.f32 v47, v50;
	v46 =	vmax.f32 v48, v46;
	v48 =	vmax.f32 v51, v41;
	s9 =	smov.u32 s26;
	s26 =	sadd.s32 $0x40, s26  }
0x39c: {  	v47 =	vmax.f32 v47, v49;
	v49 =	vmin.f32 v46, v44;
	v48 =	vmax.f32 v48, v42  }
0x39d: {  	v44 =	vmax.f32 v46, v44;
	v47 =	vmax.f32 v47, v49;
	v46 =	vmax.f32 v48, v43  }
0x39e: {  	s29 =	sshra.s32 s25, $0x2;
	s25 =	smov.u32 s9;
	v48 =	vmin.f32 v44, v45;
	v44 =	vmax.f32 v44, v45;
	v45 =	vmax.f32 v46, v40  }
0x39f: {  	v46 =	vmax.f32 v47, v48;
	v47 =	vmin.f32 v44, v39;
	v39 =	vmax.f32 v44, v39;
	[tilespmem:s29+$0x8000] =	vst v45  }
0x3a0: {  	v45 =	vmax.f32 v46, v47;
	v46 =	vmin.f32 v39, v41;
	v39 =	vmax.f32 v39, v41;
	v44 =	vld [tilespmem:s28+$0xFFFFFF90]  }
0x3a1: {  	v45 =	vmax.f32 v45, v46;
	v46 =	vmin.f32 v39, v42;
	v39 =	vmax.f32 v39, v42;
	v41 =	vld [tilespmem:s28+$0xFFFFFF80]  }
0x3a2: {  	v45 =	vmax.f32 v45, v46;
	v46 =	vmin.f32 v39, v43;
	v43 =	vmax.f32 v39, v43;
	v42 =	vld [tilespmem:s28+$0xFFFFFFA0]  }
0x3a3: {  	v45 =	vmax.f32 v45, v46;
	v46 =	vmin.f32 v43, v40;
	v40 =	vmax.f32 v43, v40;
	v39 =	vld [tilespmem:s28+$0x30]  }
0x3a4: {  	v45 =	vmax.f32 v45, v46;
	v43 =	vld [tilespmem:s28+$0xFFFFFFB0]  }
0x3a5: {  	v47 =	vld [tilespmem:s28+$0xFFFFFFC0]  }
0x3a6: {  	v46 =	vmin.f32 v40, v41;
	v40 =	vmax.f32 v40, v41;
	v41 =	vmax.f32 v41, $-1.000000000e+00;
	v48 =	vld [tilespmem:s28+$0xFFFFFFD0]  }
0x3a7: {  	v45 =	vmax.f32 v45, v46;
	v46 =	vmin.f32 v40, v44;
	v41 =	vmax.f32 v41, v44;
	v49 =	vld [tilespmem:s28+$0xFFFFFFE0]  }
0x3a8: {  	v40 =	vmax.f32 v40, v44;
	v45 =	vmax.f32 v45, v46;
	v41 =	vmax.f32 v41, v42;
	v50 =	vld [tilespmem:s28+$0xFFFFFFF0]  }
0x3a9: {  	v44 =	vmin.f32 v40, v42;
	v40 =	vmax.f32 v40, v42;
	v41 =	vmax.f32 v41, v43;
	v46 =	vld [tilespmem:s28+$0x0]  }
0x3aa: {  	v42 =	vmax.f32 v45, v44;
	v51 =	vmax.f32 v40, v43;
	v41 =	vmax.f32 v41, v47;
	v44 =	vld [tilespmem:s28+$0x10]  }
0x3ab: {  	v40 =	vmin.f32 v40, v43;
	v43 =	vmin.f32 v51, v47;
	v41 =	vmax.f32 v41, v48;
	v45 =	vld [tilespmem:s28+$0x20]  }
0x3ac: {  	v40 =	vmax.f32 v42, v40;
	v42 =	vmax.f32 v51, v47;
	v41 =	vmax.f32 v41, v49  }
.Ltmp17:
0x3ad: {  	v40 =	vmax.f32 v40, v43;
	v43 =	vmin.f32 v42, v48;
	v47 =	vmax.f32 v41, v50;
	v41 =	vld [tilespmem:s28+$0x40];
	(pc) =	sbr.rel @p0 .LBB2_30-.Ltmp17, $4  }
0x3ae: {  	v40 =	vmax.f32 v40, v43;
	v43 =	vmax.f32 v42, v48;
	v47 =	vmax.f32 v47, v46;
	v42 =	vld [tilespmem:s28+$0x50]  }
0x3af: {  	v48 =	vmin.f32 v43, v49;
	v49 =	vmax.f32 v43, v49;
	v51 =	vmax.f32 v47, v44;
	v43 =	vld [tilespmem:s28+$0x60]  }
0x3b0: {  	v47 =	vmax.f32 v40, v48;
	v48 =	vmax.f32 v49, v50;
	v51 =	vmax.f32 v51, v45;
	v40 =	vld [tilespmem:s28+$0x70]  }
0x3b1: {  	v50 =	vmin.f32 v49, v50;
	v49 =	vmin.f32 v48, v46;
	s28 =	sadd.s32 $0x100, s28;
	v51 =	vmax.f32 v51, v39  }
0x3b2: {  	v51 =	vmax.f32 v51, v41  }
0x3b3: {  	v51 =	vmax.f32 v51, v42  }
0x3b4: {  	v51 =	vmax.f32 v51, v43  }
0x3b5: {  	s9 =	sshra.s32 s25, $0x2;
	v51 =	vmax.f32 v51, v40  }
0x3b6: {  	[tilespmem:s9+$0x8000] =	vst v51  }
0x3b7: {  	[tilespmem:$0x8800] =	vst v0  }
0x3b8: {  	[tilespmem:$0x8810] =	vst v0  }
0x3b9: {  	[tilespmem:$0x8820] =	vst v0  }
0x3ba: {  	[tilespmem:$0x8830] =	vst v0  }
0x3bb: {  	[tilespmem:$0x8840] =	vst v0  }
0x3bc: {  	[tilespmem:$0x8850] =	vst v0  }
0x3bd: {  	[tilespmem:$0x8860] =	vst v0  }
0x3be: {  	[tilespmem:$0x8870] =	vst v0  }
0x3bf: {  	[tilespmem:$0x8880] =	vst v0  }
0x3c0: {  	[tilespmem:$0x8890] =	vst v0  }
0x3c1: {  	[tilespmem:$0x88A0] =	vst v0  }
0x3c2: {  	[tilespmem:$0x88B0] =	vst v0  }
0x3c3: {  	[tilespmem:$0x88C0] =	vst v0  }
0x3c4: {  	[tilespmem:$0x88D0] =	vst v0  }
0x3c5: {  	[tilespmem:$0x88E0] =	vst v0  }
0x3c6: {  	v47 =	vmax.f32 v47, v50;
	v46 =	vmax.f32 v48, v46;
	[tilespmem:$0x88F0] =	vst v0  }
0x3c7: {  	v47 =	vmax.f32 v47, v49;
	v48 =	vmin.f32 v46, v44;
	v53 =	vmax.f32 v46, v44;
	[tilespmem:$0x8900] =	vst v0  }
0x3c8: {  	v54 =	vmax.f32 v47, v48;
	v55 =	vmin.f32 v53, v45;
	v44 =	vmax.f32 v53, v45;
	[tilespmem:$0x8910] =	vst v0  }
0x3c9: {  	v56 =	vmax.f32 v54, v55;
	v57 =	vmin.f32 v44, v39;
	v58 =	vmax.f32 v44, v39;
	[tilespmem:$0x8920] =	vst v0  }
0x3ca: {  	v59 =	vmax.f32 v56, v57;
	v60 =	vmin.f32 v58, v41;
	v39 =	vmax.f32 v58, v41;
	[tilespmem:$0x8930] =	vst v0  }
0x3cb: {  	v61 =	vmax.f32 v59, v60;
	v62 =	vmin.f32 v39, v42;
	v39 =	vmax.f32 v39, v42;
	[tilespmem:$0x8940] =	vst v0  }
0x3cc: {  	[tilespmem:$0x8950] =	vst v0;
	v41 =	vmax.f32 v61, v62;
	v42 =	vmin.f32 v39, v43;
	v39 =	vmax.f32 v39, v43  }
0x3cd: {  	[tilespmem:$0x8960] =	vst v0;
	v41 =	vmax.f32 v41, v42;
	v63 =	vmin.f32 v39, v40  }
0x3ce: {  	[tilespmem:$0x8970] =	vst v0;
	v41 =	vmax.f32 v41, v63  }
0x3cf: {  	[tilespmem:$0x8980] =	vst v0;
	(xrf0) =	vmin.scan.msk.f32 $0xffff, v41  }
0x3d0: {  	[tilespmem:$0x8990] =	vst v0  }
0x3d1: {  	[tilespmem:$0x89A0] =	vst v0  }
.Ltmp18:
0x3d2: {  	[tilespmem:$0x89B0] =	vst v0;
	(pc) =	sbr.rel .LBB2_32-.Ltmp18, $4  }
0x3d3: {  	[tilespmem:$0x89C0] =	vst v0  }
0x3d4: {  	[tilespmem:$0x89D0] =	vst v0  }
0x3d5: {  	[tilespmem:$0x89E0] =	vst v0;
	v41, _, _ =	vpop (xrf0)  }
0x3d6: {  	s25 =	simm.s32 $0xF0;
	s26 =	simm.s32 $0x8000;
	s28 =	simm.s32 $0x80;
	[tilespmem:$0x89F0] =	vst v0;
	v39 =	vmax.f32 v39, v40;
	v40 =	vbroadcast v41, $0xF;
	v41 =	vimm.s32 $0x0  }
.LBB2_34:
0x3d7: {  	s25 =	sadd.s32 $0x100, s25  }
0x3d8: {  	p0 =	sne.s32 s25, $0x80F0  }
.Ltmp19:
0x3d9: {  	_ = 	snop;
	(pc) =	sbr.rel @!p0 .LBB2_35-.Ltmp19, $2  }
0x3da: {  	_ =	sdelay $0x2  }
0x3db: {  	s26 =	sadd.s32 $0x10, s26;
	s28 =	sadd.s32 $0x100, s28  }
.LBB2_32:
0x3dc: {  	v42 =	vld [tilespmem:s26+$0x0];
	_ =	sdelay $0x4  }
0x3dd: {  	vm1 =	vge.f32 v42, v40  }
0x3de: {  	v42 =	vmpcnt.ones.xlane vm1;
	_ =	sdelay $0x1  }
0x3df: {  	(v2sf) =	vpush v42, $0x0;
	_ =	sdelay $0xe  }
0x3e0: {  	s9 =	spop (v2sf)  }
0x3e1: {  	p0 =	slt.s32 s9, $0x1  }
.Ltmp20:
0x3e2: {  	_ = 	snop;
	(pc) =	sbr.rel @p0 .LBB2_34-.Ltmp20, $1  }
0x3e3: {  	_ =	sdelay $0x3  }
0x3e4: {  	v42 =	vld [tilespmem:s28+$0xFFFFFF80];
	_ =	sdelay $0x2  }
0x3e5: {  	vm1 =	vlt.s32 v41, $0x1F  }
0x3e6: {  	v43 =	vnsel vm1, $0x1F, v41  }
0x3e7: {  	v43 =	vshll.u32 v43, $0x4;
	vm1 =	vge.f32 v42, v40  }
0x3e8: {  	v43 =	vor.u32 v1, v43;
	_ =	sdelay $0x3  }
0x3e9: {  	s9 =	sadd.s32 $0xFFFFFF10, s25  }
0x3ea: {  	v51 =	vor.u32 s9, v1;
	[tilespmem:v43+s16+$0x0] =	vst.idx.msk vm1, v42  }
0x3eb: {  	[tilespmem:v43+s17+$0x0] =	vst.idx.msk vm1, v51  }
0x3ec: {  	v42 =	vld [tilespmem:s28+$0xFFFFFF90]  }
0x3ed: {  	v52 =	vsel vm1, $0x1, v2  }
0x3ee: {  	v53 =	vadd.s32 v52, v41  }
0x3ef: {  	vm1 =	vlt.s32 v53, $0x1F  }
0x3f0: {  	v43 =	vnsel vm1, $0x1F, v53  }
0x3f1: {  	v43 =	vshll.u32 v43, $0x4;
	vm1 =	vge.f32 v42, v40  }
0x3f2: {  	v43 =	vor.u32 v1, v43;
	_ =	sdelay $0x3  }
0x3f3: {  	s29 =	sadd.s32 $0xFFFFFF20, s25  }
0x3f4: {  	v54 =	vor.u32 s29, v1;
	[tilespmem:v43+s16+$0x0] =	vst.idx.msk vm1, v42  }
0x3f5: {  	[tilespmem:v43+s17+$0x0] =	vst.idx.msk vm1, v54  }
0x3f6: {  	v42 =	vld [tilespmem:s28+$0xFFFFFFA0]  }
0x3f7: {  	v55 =	vsel vm1, $0x1, v2  }
0x3f8: {  	v41 =	vadd.s32 v55, v53  }
0x3f9: {  	vm1 =	vlt.s32 v41, $0x1F  }
0x3fa: {  	v43 =	vnsel vm1, $0x1F, v41  }
0x3fb: {  	v43 =	vshll.u32 v43, $0x4;
	vm1 =	vge.f32 v42, v40  }
0x3fc: {  	v43 =	vor.u32 v1, v43;
	_ =	sdelay $0x3  }
0x3fd: {  	s30 =	sadd.s32 $0xFFFFFF30, s25  }
0x3fe: {  	v56 =	vor.u32 s30, v1;
	[tilespmem:v43+s16+$0x0] =	vst.idx.msk vm1, v42  }
0x3ff: {  	[tilespmem:v43+s17+$0x0] =	vst.idx.msk vm1, v56  }
0x400: {  	v42 =	vld [tilespmem:s28+$0xFFFFFFB0]  }
0x401: {  	v57 =	vsel vm1, $0x1, v2  }
0x402: {  	v41 =	vadd.s32 v57, v41  }
0x403: {  	vm1 =	vlt.s32 v41, $0x1F  }
0x404: {  	v43 =	vnsel vm1, $0x1F, v41  }
0x405: {  	v43 =	vshll.u32 v43, $0x4;
	vm1 =	vge.f32 v42, v40  }
0x406: {  	v43 =	vor.u32 v1, v43;
	_ =	sdelay $0x3  }
0x407: {  	s29 =	sadd.s32 $0xFFFFFF40, s25  }
0x408: {  	v58 =	vor.u32 s29, v1;
	[tilespmem:v43+s16+$0x0] =	vst.idx.msk vm1, v42  }
0x409: {  	[tilespmem:v43+s17+$0x0] =	vst.idx.msk vm1, v58  }
0x40a: {  	v42 =	vld [tilespmem:s28+$0xFFFFFFC0]  }
0x40b: {  	v59 =	vsel vm1, $0x1, v2  }
0x40c: {  	v41 =	vadd.s32 v59, v41  }
0x40d: {  	vm1 =	vlt.s32 v41, $0x1F  }
0x40e: {  	v43 =	vnsel vm1, $0x1F, v41  }
0x40f: {  	v43 =	vshll.u32 v43, $0x4;
	vm1 =	vge.f32 v42, v40  }
0x410: {  	v43 =	vor.u32 v1, v43;
	_ =	sdelay $0x3  }
0x411: {  	s30 =	sadd.s32 $0xFFFFFF50, s25  }
0x412: {  	v60 =	vor.u32 s30, v1;
	[tilespmem:v43+s16+$0x0] =	vst.idx.msk vm1, v42  }
0x413: {  	[tilespmem:v43+s17+$0x0] =	vst.idx.msk vm1, v60  }
0x414: {  	v42 =	vld [tilespmem:s28+$0xFFFFFFD0]  }
0x415: {  	v61 =	vsel vm1, $0x1, v2  }
0x416: {  	v41 =	vadd.s32 v61, v41  }
0x417: {  	vm1 =	vlt.s32 v41, $0x1F  }
0x418: {  	v43 =	vnsel vm1, $0x1F, v41  }
0x419: {  	v43 =	vshll.u32 v43, $0x4;
	vm1 =	vge.f32 v42, v40  }
0x41a: {  	v43 =	vor.u32 v1, v43;
	_ =	sdelay $0x3  }
0x41b: {  	s29 =	sadd.s32 $0xFFFFFF60, s25  }
0x41c: {  	v62 =	vor.u32 s29, v1;
	[tilespmem:v43+s16+$0x0] =	vst.idx.msk vm1, v42  }
0x41d: {  	[tilespmem:v43+s17+$0x0] =	vst.idx.msk vm1, v62  }
0x41e: {  	v42 =	vld [tilespmem:s28+$0xFFFFFFE0]  }
0x41f: {  	v63 =	vsel vm1, $0x1, v2  }
0x420: {  	v41 =	vadd.s32 v63, v41  }
0x421: {  	vm1 =	vlt.s32 v41, $0x1F  }
0x422: {  	v43 =	vnsel vm1, $0x1F, v41  }
0x423: {  	v43 =	vshll.u32 v43, $0x4;
	vm1 =	vge.f32 v42, v40  }
0x424: {  	v43 =	vor.u32 v1, v43;
	_ =	sdelay $0x3  }
0x425: {  	s30 =	sadd.s32 $0xFFFFFF70, s25  }
0x426: {  	v45 =	vor.u32 s30, v1;
	[tilespmem:v43+s16+$0x0] =	vst.idx.msk vm1, v42  }
0x427: {  	[tilespmem:v43+s17+$0x0] =	vst.idx.msk vm1, v45  }
0x428: {  	v42 =	vld [tilespmem:s28+$0xFFFFFFF0]  }
0x429: {  	v46 =	vsel vm1, $0x1, v2  }
0x42a: {  	v41 =	vadd.s32 v46, v41  }
0x42b: {  	vm1 =	vlt.s32 v41, $0x1F  }
0x42c: {  	v43 =	vnsel vm1, $0x1F, v41  }
0x42d: {  	v43 =	vshll.u32 v43, $0x4;
	vm1 =	vge.f32 v42, v40  }
0x42e: {  	v43 =	vor.u32 v1, v43;
	_ =	sdelay $0x3  }
0x42f: {  	s29 =	sadd.s32 $0xFFFFFF80, s25  }
0x430: {  	v47 =	vor.u32 s29, v1;
	[tilespmem:v43+s16+$0x0] =	vst.idx.msk vm1, v42  }
0x431: {  	[tilespmem:v43+s17+$0x0] =	vst.idx.msk vm1, v47  }
0x432: {  	v42 =	vld [tilespmem:s28+$0x0]  }
0x433: {  	v48 =	vsel vm1, $0x1, v2  }
0x434: {  	v41 =	vadd.s32 v48, v41  }
0x435: {  	vm1 =	vlt.s32 v41, $0x1F  }
0x436: {  	v43 =	vnsel vm1, $0x1F, v41  }
0x437: {  	v43 =	vshll.u32 v43, $0x4;
	vm1 =	vge.f32 v42, v40  }
0x438: {  	v43 =	vor.u32 v1, v43;
	_ =	sdelay $0x3  }
0x439: {  	s30 =	sadd.s32 $0xFFFFFF90, s25  }
0x43a: {  	v49 =	vor.u32 s30, v1;
	[tilespmem:v43+s16+$0x0] =	vst.idx.msk vm1, v42  }
0x43b: {  	[tilespmem:v43+s17+$0x0] =	vst.idx.msk vm1, v49  }
0x43c: {  	v42 =	vld [tilespmem:s28+$0x10]  }
0x43d: {  	v50 =	vsel vm1, $0x1, v2  }
0x43e: {  	v41 =	vadd.s32 v50, v41  }
0x43f: {  	vm1 =	vlt.s32 v41, $0x1F  }
0x440: {  	v43 =	vnsel vm1, $0x1F, v41  }
0x441: {  	v43 =	vshll.u32 v43, $0x4;
	vm1 =	vge.f32 v42, v40  }
0x442: {  	v43 =	vor.u32 v1, v43;
	_ =	sdelay $0x3  }
0x443: {  	s29 =	sadd.s32 $0xFFFFFFA0, s25  }
0x444: {  	v51 =	vor.u32 s29, v1;
	[tilespmem:v43+s16+$0x0] =	vst.idx.msk vm1, v42  }
0x445: {  	[tilespmem:v43+s17+$0x0] =	vst.idx.msk vm1, v51  }
0x446: {  	v42 =	vld [tilespmem:s28+$0x20]  }
0x447: {  	v52 =	vsel vm1, $0x1, v2  }
0x448: {  	v41 =	vadd.s32 v52, v41  }
0x449: {  	vm1 =	vlt.s32 v41, $0x1F  }
0x44a: {  	v43 =	vnsel vm1, $0x1F, v41  }
0x44b: {  	v43 =	vshll.u32 v43, $0x4;
	vm1 =	vge.f32 v42, v40  }
0x44c: {  	v43 =	vor.u32 v1, v43;
	_ =	sdelay $0x3  }
0x44d: {  	s30 =	sadd.s32 $0xFFFFFFB0, s25  }
0x44e: {  	v53 =	vor.u32 s30, v1;
	[tilespmem:v43+s16+$0x0] =	vst.idx.msk vm1, v42  }
0x44f: {  	[tilespmem:v43+s17+$0x0] =	vst.idx.msk vm1, v53  }
0x450: {  	v42 =	vld [tilespmem:s28+$0x30]  }
0x451: {  	v54 =	vsel vm1, $0x1, v2  }
0x452: {  	v41 =	vadd.s32 v54, v41  }
0x453: {  	vm1 =	vlt.s32 v41, $0x1F  }
0x454: {  	v43 =	vnsel vm1, $0x1F, v41  }
0x455: {  	v43 =	vshll.u32 v43, $0x4;
	vm1 =	vge.f32 v42, v40  }
0x456: {  	v43 =	vor.u32 v1, v43;
	_ =	sdelay $0x3  }
0x457: {  	s29 =	sadd.s32 $0xFFFFFFC0, s25  }
0x458: {  	v55 =	vor.u32 s29, v1;
	[tilespmem:v43+s16+$0x0] =	vst.idx.msk vm1, v42  }
0x459: {  	[tilespmem:v43+s17+$0x0] =	vst.idx.msk vm1, v55  }
0x45a: {  	v42 =	vld [tilespmem:s28+$0x40]  }
0x45b: {  	v56 =	vsel vm1, $0x1, v2  }
0x45c: {  	v41 =	vadd.s32 v56, v41  }
0x45d: {  	vm1 =	vlt.s32 v41, $0x1F  }
0x45e: {  	v43 =	vnsel vm1, $0x1F, v41  }
0x45f: {  	v43 =	vshll.u32 v43, $0x4;
	vm1 =	vge.f32 v42, v40  }
0x460: {  	v43 =	vor.u32 v1, v43;
	_ =	sdelay $0x3  }
0x461: {  	s30 =	sadd.s32 $0xFFFFFFD0, s25  }
0x462: {  	v57 =	vor.u32 s30, v1;
	[tilespmem:v43+s16+$0x0] =	vst.idx.msk vm1, v42  }
0x463: {  	[tilespmem:v43+s17+$0x0] =	vst.idx.msk vm1, v57  }
0x464: {  	v42 =	vld [tilespmem:s28+$0x50]  }
0x465: {  	v58 =	vsel vm1, $0x1, v2  }
0x466: {  	v41 =	vadd.s32 v58, v41  }
0x467: {  	vm1 =	vlt.s32 v41, $0x1F  }
0x468: {  	v43 =	vnsel vm1, $0x1F, v41  }
0x469: {  	v43 =	vshll.u32 v43, $0x4;
	vm1 =	vge.f32 v42, v40  }
0x46a: {  	v43 =	vor.u32 v1, v43;
	_ =	sdelay $0x3  }
0x46b: {  	s29 =	sadd.s32 $0xFFFFFFE0, s25  }
0x46c: {  	v59 =	vor.u32 s29, v1;
	[tilespmem:v43+s16+$0x0] =	vst.idx.msk vm1, v42  }
0x46d: {  	[tilespmem:v43+s17+$0x0] =	vst.idx.msk vm1, v59  }
0x46e: {  	v42 =	vld [tilespmem:s28+$0x60]  }
0x46f: {  	v60 =	vsel vm1, $0x1, v2  }
0x470: {  	v41 =	vadd.s32 v60, v41  }
0x471: {  	vm1 =	vlt.s32 v41, $0x1F  }
0x472: {  	v43 =	vnsel vm1, $0x1F, v41  }
0x473: {  	v43 =	vshll.u32 v43, $0x4;
	vm1 =	vge.f32 v42, v40  }
0x474: {  	v43 =	vor.u32 v1, v43;
	_ =	sdelay $0x3  }
0x475: {  	s30 =	sadd.s32 $0xFFFFFFF0, s25  }
0x476: {  	v61 =	vor.u32 s30, v1;
	[tilespmem:v43+s16+$0x0] =	vst.idx.msk vm1, v42  }
0x477: {  	[tilespmem:v43+s17+$0x0] =	vst.idx.msk vm1, v61  }
0x478: {  	v42 =	vld [tilespmem:s28+$0x70]  }
0x479: {  	v62 =	vsel vm1, $0x1, v2  }
0x47a: {  	v41 =	vadd.s32 v62, v41  }
0x47b: {  	vm1 =	vlt.s32 v41, $0x1F  }
0x47c: {  	v43 =	vnsel vm1, $0x1F, v41  }
0x47d: {  	v43 =	vshll.u32 v43, $0x4;
	vm1 =	vge.f32 v42, v40  }
0x47e: {  	v43 =	vor.u32 v1, v43;
	_ =	sdelay $0x1  }
.Ltmp21:
0x47f: {  	_ = 	snop;
	(pc) =	sbr.rel .LBB2_34-.Ltmp21, $3  }
0x480: {  	_ =	sdelay $0x1  }
0x481: {  	v63 =	vor.u32 s25, v1;
	v44 =	vsel vm1, $0x1, v2;
	[tilespmem:v43+s16+$0x0] =	vst.idx.msk vm1, v42  }
0x482: {  	v41 =	vadd.s32 v44, v41;
	[tilespmem:v43+s17+$0x0] =	vst.idx.msk vm1, v63  }
.LBB2_35:
0x483: {  	(xrf0) =	vmax.scan.msk.f32 $0xffff, v39;
	_ =	sdelay $0x5  }
0x484: {  	(v2sf) =	vpush v40, $0x0;
	v39, _, _ =	vpop (xrf0)  }
0x485: {  	(v2sf) =	vpush v39, $0xF;
	_ =	sdelay $0xd  }
0x486: {  	s25 =	spop (v2sf)  }
0x487: {  	s26 =	simm.s32 $0x0;
	s28 =	spop (v2sf)  }
.LBB2_36:
0x488: {  	s9 =	ssub.s32 s28, s25  }
0x489: {  	s9 =	sadd.s32 $0x1, s9  }
0x48a: {  	s9 =	sshra.s32 s9, $0x1  }
0x48b: {  	s30 =	simm.s32 $0x0;
	s29 =	sadd.s32 s25, s9  }
0x48c: {  	v41 =	vld [tilespmem:s30+$0x8800];
	v39 =	vmov s29  }
0x48d: {  	s9 =	simm.s32 $0x40;
	v40 =	vbroadcast v39, $0x0;
	v39 =	vimm.s32 $0x0  }
.LBB2_37:
0x48e: {  	p0 =	sne.s32 s9, $0x7C0  }
.Ltmp22:
0x48f: {  	_ = 	snop;
	(pc) =	sbr.rel @p0 .LBB2_37-.Ltmp22, $4  }
0x490: {  	_ = 	snop  }
0x491: {  	s30 =	sshra.s32 s9, $0x2;
	s9 =	sadd.s32 $0x40, s9;
	vm1 =	vge.f32 v41, v40  }
0x492: {  	v41 =	vld [tilespmem:s30+$0x8800];
	v42 =	vsel vm1, $0x1, v2  }
0x493: {  	v39 =	vadd.s32 v42, v39  }
0x494: {  	_ =	sdelay $0x2  }
0x495: {  	vm1 =	vge.f32 v41, v40  }
0x496: {  	v40 =	vsel vm1, $0x1, v2  }
0x497: {  	v39 =	vadd.s32 v40, v39  }
0x498: {  	(xrf0) =	vadd.scan.msk.s32 $0xffff, v39;
	_ =	sdelay $0x5  }
0x499: {  	v39, _, _ =	vpop (xrf0)  }
0x49a: {  	(v2sf) =	vpush v39, $0xF;
	_ =	sdelay $0xb  }
0x49b: {  	s26 =	sadd.s32 $0x1, s26  }
0x49c: {  	p1 =	sne.s32 s26, $0x1F  }
.Ltmp23:
0x49d: {  	_ = 	snop;
	(pc) =	sbr.rel @p1 .LBB2_36-.Ltmp23, $4  }
0x49e: {  	s9 =	spop (v2sf)  }
0x49f: {  	p0 =	sgt.s32 s9, $0x1F;
	s9 =	sadd.s32 $0xFFFFFFFF, s29  }
0x4a0: {  	s9 =	smov.u32 @p0 s28  }
0x4a1: {  	s25 =	smov.u32 @p0 s29;
	s28 =	smov.u32 s9  }
0x4a2: {  	s9 =	simm.s32 $0x0  }
0x4a3: {  	v40 =	vld [tilespmem:s9+$0x8800];
	_ =	sdelay $0x1  }
0x4a4: {  	v39 =	vmov s25  }
0x4a5: {  	v39 =	vbroadcast v39, $0x0;
	_ =	sdelay $0x1  }
0x4a6: {  	vm1 =	vgt.f32 v40, v39  }
0x4a7: {  	v42 =	vmpcnt.ones.xlane vm1;
	_ =	sdelay $0x1  }
0x4a8: {  	(v2sf) =	vpush v42, $0x0;
	_ =	sdelay $0x1  }
0x4a9: {  	v41 =	vld [tilespmem:s9+$0x8A00];
	_ =	sdelay $0x1  }
0x4aa: {  	p0 =	por $0x1, $0x1;
	s9 =	simm.s32 $0x0  }
0x4ab: {  	s9 =	simm.s32 @!p0 $0x20  }
0x4ac: {  	[tilespmem:s9+$0x8C00] =	vst.msk vm1, v40  }
0x4ad: {  	s25 =	simm.s32 $0x0;
	s28 =	simm.s32 $0x10;
	s26 =	simm.s32 $0x80;
	[tilespmem:s9+$0x8C80] =	vst.msk vm1, v41  }
.LBB2_40:
0x4ae: {  	p0 =	sne.s32 s26, $0x7C0;
	v40 =	vld [tilespmem:s28+$0x8800];
	_ =	sdelay $0x4  }
0x4af: {  	vm1 =	vgt.f32 v40, v39  }
0x4b0: {  	v41 =	vmpcnt.ones.xlane vm1  }
0x4b1: {  	v42 =	vld [tilespmem:s28+$0x8A00];
	s9 =	spop (v2sf)  }
0x4b2: {  	(v2sf) =	vpush v41, $0x0;
	s25 =	sadd.s32 s25, s9  }
0x4b3: {  	p1 =	slt.s32 s25, $0x20;
	s9 =	smov.u32 s25  }
0x4b4: {  	s9 =	simm.s32 @!p1 $0x20  }
.Ltmp24:
0x4b5: {  	[tilespmem:s9+$0x8C00] =	vst.msk vm1, v40;
	(pc) =	sbr.rel @p0 .LBB2_40-.Ltmp24, $2  }
0x4b6: {  	[tilespmem:s9+$0x8C80] =	vst.msk vm1, v42;
	_ =	sdelay $0x2  }
0x4b7: {  	s28 =	sshra.s32 s26, $0x2;
	s26 =	sadd.s32 $0x40, s26  }
0x4b8: {  	_ =	sdelay $0x1  }
0x4b9: {  	v40 =	vld [tilespmem:s28+$0x8800];
	_ =	sdelay $0x4  }
0x4ba: {  	v42 =	vld [tilespmem:s28+$0x8A00];
	vm1 =	vgt.f32 v40, v39;
	s9 =	spop (v2sf)  }
0x4bb: {  	v41 =	vmpcnt.ones.xlane vm1;
	s9 =	sadd.s32 s25, s9  }
0x4bc: {  	p0 =	slt.s32 s9, $0x20;
	s25 =	smov.u32 s9  }
0x4bd: {  	(v2sf) =	vpush v41, $0x0;
	s25 =	simm.s32 @!p0 $0x20  }
0x4be: {  	[tilespmem:s25+$0x8C00] =	vst.msk vm1, v40  }
0x4bf: {  	[tilespmem:s25+$0x8C80] =	vst.msk vm1, v42  }
0x4c0: {  	[tilespmem:$0x8D80] =	vst v3  }
0x4c1: {  	[tilespmem:$0x8D90] =	vst v3  }
0x4c2: {  	[tilespmem:$0x8DA0] =	vst v3  }
0x4c3: {  	s26 =	simm.s32 $0x0;
	[tilespmem:$0x8DB0] =	vst v3  }
0x4c4: {  	v40 =	vld [tilespmem:s26+$0x8800];
	_ =	sdelay $0x4  }
0x4c5: {  	vm1 =	veq.f32 v40, v39  }
0x4c6: {  	v40 =	vmpcnt.ones.xlane vm1;
	_ =	sdelay $0x1  }
0x4c7: {  	s30 =	spop (v2sf);
	(v2sf) =	vpush v40, $0x0;
	_ =	sdelay $0x1  }
0x4c8: {  	v63 =	vld [tilespmem:s26+$0x8A00];
	_ =	sdelay $0x2  }
0x4c9: {  	s28 =	simm.s32 $0x0;
	p0 =	por $0x1, $0x1  }
0x4ca: {  	s29 =	simm.s32 $0x10;
	s28 =	simm.s32 @!p0 $0x30  }
0x4cb: {  	s26 =	simm.s32 $0x0;
	[tilespmem:s28+$0x8D80] =	vst.msk vm1, v63;
	s28 =	simm.s32 $0x80;
	s25 =	sadd.s32 s9, s30  }
.LBB2_42:
0x4cc: {  	p0 =	sne.s32 s28, $0x7C0;
	v40 =	vld [tilespmem:s29+$0x8800];
	_ =	sdelay $0x4  }
0x4cd: {  	vm1 =	veq.f32 v40, v39  }
0x4ce: {  	v40 =	vld [tilespmem:s29+$0x8A00];
	v41 =	vmpcnt.ones.xlane vm1  }
0x4cf: {  	s9 =	spop (v2sf)  }
0x4d0: {  	(v2sf) =	vpush v41, $0x0;
	s26 =	sadd.s32 s26, s9  }
0x4d1: {  	p1 =	slt.s32 s26, $0x30;
	s9 =	smov.u32 s26  }
0x4d2: {  	s9 =	simm.s32 @!p1 $0x30  }
.Ltmp25:
0x4d3: {  	[tilespmem:s9+$0x8D80] =	vst.msk vm1, v40;
	(pc) =	sbr.rel @p0 .LBB2_42-.Ltmp25, $2  }
0x4d4: {  	_ =	sdelay $0x2  }
0x4d5: {  	s29 =	sshra.s32 s28, $0x2;
	s28 =	sadd.s32 $0x40, s28  }
0x4d6: {  	v40 =	vld [tilespmem:s29+$0x8800];
	_ =	sdelay $0x4  }
0x4d7: {  	vm1 =	veq.f32 v40, v39  }
0x4d8: {  	v40 =	vmpcnt.ones.xlane vm1;
	_ =	sdelay $0x1  }
0x4d9: {  	(v2sf) =	vpush v40, $0x0;
	_ =	sdelay $0x6  }
0x4da: {  	p0 =	slt.s32 s25, $0x1F;
	s9 =	spop (v2sf)  }
0x4db: {  	s25 =	simm.s32 @!p0 $0x1F;
	s9 =	sadd.s32 s26, s9  }
0x4dc: {  	v63 =	vld [tilespmem:s29+$0x8A00];
	s29 =	ssub.s32 $0x20, s25;
	p0 =	slt.s32 s9, $0x30  }
0x4dd: {  	s9 =	simm.s32 @!p0 $0x30;
	p0 =	slt.s32 s29, $0x1  }
.Ltmp26:
0x4de: {  	_ = 	snop;
	(pc) =	sbr.rel @p0 .LBB2_47-.Ltmp26, $2  }
0x4df: {  	_ =	sdelay $0x2  }
0x4e0: {  	[tilespmem:s9+$0x8D80] =	vst.msk vm1, v63;
	s30 =	spop (v2sf)  }
0x4e1: {  	v42 =	vld [tilespmem:$0x8D80]  }
0x4e2: {  	v41 =	vld [tilespmem:$0x8D90];
	_ =	sdelay $0x1  }
0x4e3: {  	v43 =	vld [tilespmem:$0x8DA0];
	_ =	sdelay $0x1  }
0x4e4: {  	v44 =	vld [tilespmem:$0x8DB0]  }
0x4e5: {  	vm1 =	vlt.s32 v42, v41  }
0x4e6: {  	v40 =	vsel vm1, v42, v41  }
0x4e7: {  	vm1 =	vlt.s32 v40, v43  }
0x4e8: {  	v40 =	vsel vm1, v40, v43  }
0x4e9: {  	vm1 =	vlt.s32 v40, v44  }
0x4ea: {  	v40 =	vsel vm1, v40, v44  }
0x4eb: {  	vm1 =	vlt.s32 v40, $0x40000000  }
0x4ec: {  	v40 =	vnsel vm1, $0x40000000, v40  }
0x4ed: {  	v40 =	vxor.u32 $0x80000000, v40  }
0x4ee: {  	(xrf0) =	vmin.scan.msk.u32 $0xffff, v40;
	_ =	sdelay $0x5  }
0x4ef: {  	v40, _, _ =	vpop (xrf0)  }
0x4f0: {  	(v2sf) =	vpush v40, $0xF;
	_ =	sdelay $0xe  }
0x4f1: {  	p0 =	sne.s32 s25, $0x1F;
	s9 =	spop (v2sf)  }
.Ltmp27:
0x4f2: {  	s9 =	sxor.u32 $0x80000000, s9;
	(pc) =	sbr.rel @!p0 .LBB2_46-.Ltmp27, $4  }
0x4f3: {  	v40 =	vmov s25;
	vm1 =	veq.s32 v41, s9;
	vm2 =	veq.s32 v43, s9  }
0x4f4: {  	vm3 =	veq.s32 v44, s9;
	v45 =	vmov s9;
	v43 =	vsel vm2, $0x40000000, v43  }
0x4f5: {  	vm2 =	veq.s32 v42, s9;
	v46 =	vsel vm1, $0x40000000, v41;
	vm1 =	vlt.s32 v45, $0x7FFF;
	[tilespmem:$0x8DA0] =	vst v43  }
0x4f6: {  	s25 =	sadd.s32 $0x1, s25;
	v41 =	vsel vm3, $0x40000000, v44;
	v43 =	vsel vm2, $0x40000000, v42;
	[tilespmem:$0x8D90] =	vst v46;
	v42 =	vnsel vm1, $0x7FFF, v45  }
.LBB2_45:
0x4f7: {  	p0 =	sne.s32 s25, $0x1F;
	[tilespmem:$0x8D80] =	vst v43;
	s26 =	smov.u32 s25;
	s25 =	sadd.s32 $0x1, s25  }
0x4f8: {  	[tilespmem:$0x8DB0] =	vst v41  }
0x4f9: {  	[tilespmem:v40+s18+$0x0] =	vst.idx.msk $0x1, v42  }
0x4fa: {  	[tilespmem:v40+s19+$0x0] =	vst.idx.msk $0x1, v39  }
0x4fb: {  	v42 =	vld [tilespmem:$0x8D80]  }
0x4fc: {  	v43 =	vld [tilespmem:$0x8D90];
	_ =	sdelay $0x1  }
0x4fd: {  	v41 =	vld [tilespmem:$0x8DA0];
	_ =	sdelay $0x1  }
0x4fe: {  	v44 =	vld [tilespmem:$0x8DB0]  }
0x4ff: {  	vm1 =	vlt.s32 v42, v43  }
0x500: {  	v40 =	vsel vm1, v42, v43  }
0x501: {  	vm1 =	vlt.s32 v40, v41  }
0x502: {  	v40 =	vsel vm1, v40, v41  }
0x503: {  	vm1 =	vlt.s32 v40, v44  }
0x504: {  	v40 =	vsel vm1, v40, v44  }
0x505: {  	vm1 =	vlt.s32 v40, $0x40000000  }
0x506: {  	v40 =	vnsel vm1, $0x40000000, v40  }
0x507: {  	v40 =	vxor.u32 $0x80000000, v40  }
0x508: {  	(xrf0) =	vmin.scan.msk.u32 $0xffff, v40;
	_ =	sdelay $0x5  }
0x509: {  	v40, _, _ =	vpop (xrf0)  }
0x50a: {  	(v2sf) =	vpush v40, $0xF;
	_ =	sdelay $0xe  }
0x50b: {  	s9 =	spop (v2sf)  }
.Ltmp28:
0x50c: {  	v40 =	vmov s26;
	s9 =	sxor.u32 $0x80000000, s9;
	(pc) =	sbr.rel @p0 .LBB2_45-.Ltmp28, $4  }
0x50d: {  	vm1 =	veq.s32 v43, s9;
	vm2 =	veq.s32 v41, s9;
	vm3 =	veq.s32 v44, s9  }
0x50e: {  	v45 =	vmov s9;
	v46 =	vsel vm2, $0x40000000, v41;
	v41 =	vsel vm3, $0x40000000, v44  }
0x50f: {  	vm2 =	veq.s32 v42, s9;
	v44 =	vsel vm1, $0x40000000, v43;
	vm1 =	vlt.s32 v45, $0x7FFF;
	[tilespmem:$0x8DA0] =	vst v46  }
0x510: {  	v43 =	vsel vm2, $0x40000000, v42;
	v42 =	vnsel vm1, $0x7FFF, v45;
	[tilespmem:$0x8D90] =	vst v44  }
.LBB2_46:
0x511: {  	_ =	sdelay $0x1  }
0x512: {  	[tilespmem:$0x8D80] =	vst v43  }
0x513: {  	[tilespmem:$0x8DB0] =	vst v41  }
0x514: {  	[tilespmem:v40+s18+$0x0] =	vst.idx.msk $0x1, v42  }
0x515: {  	[tilespmem:v40+s19+$0x0] =	vst.idx.msk $0x1, v39  }
.LBB2_47:
0x516: {  	v39 =	vld [tilespmem:$0x8C80]  }
0x517: {  	v40 =	vld [tilespmem:$0x8C00];
	_ =	sdelay $0x3  }
0x518: {  	[tilespmem:$0x8D00] =	vst v39  }
0x519: {  	[tilespmem:v37+s20+$0x0] =	vst.idx.msk $0xffff, v40  }
0x51a: {  	[tilespmem:v4+s20+$0x0] =	vst.idx.msk $0xffff, v40  }
0x51b: {  	[tilespmem:v5+s20+$0x0] =	vst.idx.msk $0xffff, v40  }
0x51c: {  	[tilespmem:v6+s20+$0x0] =	vst.idx.msk $0xffff, v40  }
0x51d: {  	[tilespmem:v7+s20+$0x0] =	vst.idx.msk $0xffff, v40  }
0x51e: {  	[tilespmem:v8+s20+$0x0] =	vst.idx.msk $0xffff, v40  }
0x51f: {  	[tilespmem:v9+s20+$0x0] =	vst.idx.msk $0xffff, v40  }
0x520: {  	[tilespmem:v10+s20+$0x0] =	vst.idx.msk $0xffff, v40  }
0x521: {  	[tilespmem:v11+s20+$0x0] =	vst.idx.msk $0xffff, v40  }
0x522: {  	[tilespmem:v12+s20+$0x0] =	vst.idx.msk $0xffff, v40  }
0x523: {  	[tilespmem:v13+s20+$0x0] =	vst.idx.msk $0xffff, v40  }
0x524: {  	[tilespmem:v14+s20+$0x0] =	vst.idx.msk $0xffff, v40  }
0x525: {  	[tilespmem:v15+s20+$0x0] =	vst.idx.msk $0xffff, v40  }
0x526: {  	[tilespmem:v16+s20+$0x0] =	vst.idx.msk $0xffff, v40  }
0x527: {  	[tilespmem:v17+s20+$0x0] =	vst.idx.msk $0xffff, v40  }
0x528: {  	[tilespmem:v18+s20+$0x0] =	vst.idx.msk $0xffff, v40  }
0x529: {  	v37 =	vld [tilespmem:$0x8C90]  }
0x52a: {  	v57 =	vld [tilespmem:$0x8C10];
	_ =	sdelay $0x3  }
0x52b: {  	[tilespmem:$0x8D10] =	vst v37  }
0x52c: {  	[tilespmem:v38+s20+$0x0] =	vst.idx.msk $0xffff, v57  }
0x52d: {  	[tilespmem:v19+s20+$0x0] =	vst.idx.msk $0xffff, v57  }
0x52e: {  	[tilespmem:v20+s20+$0x0] =	vst.idx.msk $0xffff, v57  }
0x52f: {  	[tilespmem:v21+s20+$0x0] =	vst.idx.msk $0xffff, v57  }
0x530: {  	[tilespmem:v22+s20+$0x0] =	vst.idx.msk $0xffff, v57  }
0x531: {  	[tilespmem:v23+s20+$0x0] =	vst.idx.msk $0xffff, v57  }
0x532: {  	[tilespmem:v24+s20+$0x0] =	vst.idx.msk $0xffff, v57  }
0x533: {  	[tilespmem:v25+s20+$0x0] =	vst.idx.msk $0xffff, v57  }
0x534: {  	[tilespmem:v26+s20+$0x0] =	vst.idx.msk $0xffff, v57  }
0x535: {  	[tilespmem:v27+s20+$0x0] =	vst.idx.msk $0xffff, v57  }
0x536: {  	[tilespmem:v28+s20+$0x0] =	vst.idx.msk $0xffff, v57  }
0x537: {  	[tilespmem:v29+s20+$0x0] =	vst.idx.msk $0xffff, v57  }
0x538: {  	[tilespmem:v30+s20+$0x0] =	vst.idx.msk $0xffff, v57  }
0x539: {  	[tilespmem:v31+s20+$0x0] =	vst.idx.msk $0xffff, v57  }
0x53a: {  	[tilespmem:v32+s20+$0x0] =	vst.idx.msk $0xffff, v57  }
0x53b: {  	[tilespmem:v33+s20+$0x0] =	vst.idx.msk $0xffff, v57  }
0x53c: {  	v58 =	vld [tilespmem:$0x8D00];
	_ =	sdelay $0x4  }
0x53d: {  	v59 =	vshll.u32 v58, $0x3  }
0x53e: {  	v37 =	vand.u32 $0x7, v58;
	v38 =	vand.u32 $0xFFFFFFC0, v59  }
0x53f: {  	v37 =	vor.u32 v37, v38  }
0x540: {  	v38 =	vperm.xlane v37, v35;
	_ =	sdelay $0x1  }
0x541: {  	v38 =	vadd.s32 v34, v38;
	_ =	sdelay $0x3  }
0x542: {  	s9 =	simm.s32 $0x0;
	s25 =	simm.s32 $0x9000  }
0x543: {  	[tilespmem:s25], [sflag:$0x1] =	stream.indirect_vreg.gather [hbm4b:s0+s9], $0x80, v38, vm0, $0xb8;
	[tilespmem:$0x11800] =	vst v63  }
0x544: {  	s26 =	simm.s32 $0x9800;
	v37 =	vperm.xlane v37, v36  }
0x545: {  	[tilespmem:s26], [sflag:$0x1] =	stream.indirect_vreg.gather [hbm4b:s6+s9], $0x80, v38, vm0, $0xb8;
	[tilespmem:$0x11800] =	vst v63  }
0x546: {  	s28 =	simm.s32 $0xA000;
	v37 =	vadd.s32 v34, v37  }
0x547: {  	[tilespmem:s28], [sflag:$0x1] =	stream.indirect_vreg.gather [hbm4b:s7+s9], $0x80, v38, vm0, $0xb8;
	[tilespmem:$0x11800] =	vst v63  }
0x548: {  	s29 =	simm.s32 $0xA800  }
0x549: {  	[tilespmem:s29], [sflag:$0x1] =	stream.indirect_vreg.gather [hbm4b:s8+s9], $0x80, v38, vm0, $0xb8;
	[tilespmem:$0x11800] =	vst v63  }
0x54a: {  	s30 =	simm.s32 $0xB000  }
0x54b: {  	[tilespmem:s30], [sflag:$0x1] =	stream.indirect_vreg.gather [hbm4b:s0+s9], $0x80, v37, vm0, $0xb8;
	[tilespmem:$0x11800] =	vst v63  }
0x54c: {  	s26 =	simm.s32 $0xB800  }
0x54d: {  	[tilespmem:s26], [sflag:$0x1] =	stream.indirect_vreg.gather [hbm4b:s6+s9], $0x80, v37, vm0, $0xb8;
	[tilespmem:$0x11800] =	vst v63  }
0x54e: {  	s28 =	simm.s32 $0xC000  }
0x54f: {  	[tilespmem:s28], [sflag:$0x1] =	stream.indirect_vreg.gather [hbm4b:s7+s9], $0x80, v37, vm0, $0xb8;
	[tilespmem:$0x11800] =	vst v63  }
0x550: {  	s29 =	simm.s32 $0xC800  }
0x551: {  	[tilespmem:s29], [sflag:$0x1] =	stream.indirect_vreg.gather [hbm4b:s8+s9], $0x80, v37, vm0, $0xb8;
	[tilespmem:$0x11800] =	vst v63  }
0x552: {  	v37 =	vld [tilespmem:$0x8D10];
	_ =	sdelay $0x4  }
0x553: {  	v60 =	vshll.u32 v37, $0x3  }
0x554: {  	v37 =	vand.u32 $0x7, v37;
	v38 =	vand.u32 $0xFFFFFFC0, v60  }
0x555: {  	v37 =	vor.u32 v37, v38  }
0x556: {  	v61 =	vperm.xlane v37, v35;
	_ =	sdelay $0x1  }
0x557: {  	v35 =	vadd.s32 v34, v61;
	_ =	sdelay $0x3  }
0x558: {  	s30 =	simm.s32 $0xD000  }
0x559: {  	[tilespmem:s30], [sflag:$0x1] =	stream.indirect_vreg.gather [hbm4b:s0+s9], $0x80, v35, vm0, $0xb8;
	[tilespmem:$0x11800] =	vst v63  }
0x55a: {  	v62 =	vperm.xlane v37, v36  }
0x55b: {  	[tilespmem:s31], [sflag:$0x1] =	stream.indirect_vreg.gather [hbm4b:s6+s9], $0x80, v35, vm0, $0xb8;
	[tilespmem:$0x11800] =	vst v63  }
0x55c: {  	v63 =	vadd.s32 v34, v62  }
0x55d: {  	[tilespmem:s2], [sflag:$0x1] =	stream.indirect_vreg.gather [hbm4b:s7+s9], $0x80, v35, vm0, $0xb8;
	[tilespmem:$0x11800] =	vst v63  }
0x55e: {  	_ = 	snop  }
0x55f: {  	[tilespmem:s3], [sflag:$0x1] =	stream.indirect_vreg.gather [hbm4b:s8+s9], $0x80, v35, vm0, $0xb8;
	[tilespmem:$0x11800] =	vst v63  }
0x560: {  	_ = 	snop  }
0x561: {  	[tilespmem:s1], [sflag:$0x1] =	stream.indirect_vreg.gather [hbm4b:s0+s9], $0x80, v63, vm0, $0xb8;
	[tilespmem:$0x11800] =	vst v63  }
0x562: {  	_ = 	snop  }
0x563: {  	[tilespmem:s13], [sflag:$0x1] =	stream.indirect_vreg.gather [hbm4b:s6+s9], $0x80, v63, vm0, $0xb8;
	[tilespmem:$0x11800] =	vst v63  }
0x564: {  	_ = 	snop  }
0x565: {  	[tilespmem:s4], [sflag:$0x1] =	stream.indirect_vreg.gather [hbm4b:s7+s9], $0x80, v63, vm0, $0xb8;
	[tilespmem:$0x11800] =	vst v63  }
0x566: {  	_ = 	snop  }
0x567: {  	[tilespmem:s5], [sflag:$0x1] =	stream.indirect_vreg.gather [hbm4b:s8+s9], $0x80, v63, vm0, $0xb8;
	[tilespmem:$0x11800] =	vst v63  }
0x568: {  	_ =	swait.ge [sflag:s21], $0x8000  }
0x569: {  	[sflag:s21] =	ssyncset.done $0x0  }
0x56a: {  	s9 =	simm.s32 $0x0;
	[sflag:s21] =	ssyncadd.s32 $0xFFFF8000  }
0x56b: {  	s25 =	simm.s32 $0x40;
	v34 =	vld [tilespmem:s9+$0x11400]  }
.LBB2_48:
0x56c: {  	p0 =	sne.s32 s25, $0xFC0  }
.Ltmp29:
0x56d: {  	_ = 	snop;
	(pc) =	sbr.rel @p0 .LBB2_48-.Ltmp29, $3  }
0x56e: {  	_ =	sdelay $0x1  }
0x56f: {  	[tilespmem:s9+$0x11000] =	vst v34;
	s9 =	sshra.s32 s25, $0x2;
	s25 =	sadd.s32 $0x40, s25  }
0x570: {  	v34 =	vld [tilespmem:s9+$0x11400]  }
0x571: {  	_ =	sdelay $0x3  }
0x572: {  	[tilespmem:s9+$0x11000] =	vst v34;
	s9 =	simm.s32 $0x0  }
0x573: {  	v34 =	vld [tilespmem:$0x8E00];
	s25 =	sand.u32 $0x70, s9;
	s26 =	sand.u32 $0x1C00, s9  }
0x574: {  	v35 =	vld [tilespmem:$0x8E10];
	s26 =	sor.u32 s25, s26  }
0x575: {  	s25 =	simm.s32 $0x11000;
	v36 =	vld [tilespmem:s26+$0x9000]  }
0x576: {  	v37 =	vld [tilespmem:s25+$0x0]  }
0x577: {  	v40 =	vld [tilespmem:s26+$0x9080]  }
0x578: {  	v39 =	vld [tilespmem:$0x8E20]  }
0x579: {  	v41 =	vld [tilespmem:s26+$0x9100]  }
0x57a: {  	v38 =	vld [tilespmem:$0x8E30];
	v42 =	vmul.f32 v36, v34  }
0x57b: {  	v43 =	vld [tilespmem:s26+$0x9180]  }
0x57c: {  	v44 =	vld [tilespmem:s26+$0x9200];
	v40 =	vmul.f32 v40, v35;
	v42 =	vadd.f32 v42, v37  }
0x57d: {  	v36 =	vld [tilespmem:$0x8E40]  }
0x57e: {  	v45 =	vld [tilespmem:s26+$0x9280];
	v41 =	vmul.f32 v41, v39;
	v42 =	vadd.f32 v40, v42  }
0x57f: {  	v37 =	vld [tilespmem:$0x8E50]  }
0x580: {  	s9 =	sor.u32 s9, s9;
	v46 =	vld [tilespmem:s26+$0x9300];
	v43 =	vmul.f32 v43, v38;
	v42 =	vadd.f32 v41, v42  }
0x581: {  	s9 =	sor.u32 $0x380, s9;
	v40 =	vld [tilespmem:$0x8E60]  }
0x582: {  	v60 =	vld [tilespmem:s9+$0x9000];
	v59 =	vmul.f32 v44, v36;
	v42 =	vadd.f32 v43, v42  }
0x583: {  	v41 =	vld [tilespmem:$0x8E70]  }
0x584: {  	v61 =	vmul.f32 v45, v37;
	v42 =	vadd.f32 v59, v42;
	_ =	sdelay $0x1  }
0x585: {  	v62 =	vmul.f32 v46, v40;
	v42 =	vadd.f32 v61, v42;
	_ =	sdelay $0x1  }
0x586: {  	v63 =	vmul.f32 v60, v41;
	v42 =	vadd.f32 v62, v42;
	_ =	sdelay $0x1  }
0x587: {  	s28 =	simm.s32 $0x80;
	s26 =	simm.s32 $0x10;
	v42 =	vadd.f32 v63, v42  }
0x588: {  	s29 =	simm.s32 $0x20;
	s30 =	sand.u32 $0x1C00, s28;
	s9 =	sand.u32 $0x70, s26  }
.LBB2_50:
0x589: {  	p0 =	sne.s32 s29, $0x3F0;
	s9 =	sor.u32 s9, s30;
	[tilespmem:s25+$0x0] =	vst v42  }
0x58a: {  	s25 =	sadd.s32 $0x10, s25;
	v42 =	vld [tilespmem:s9+$0x9000]  }
0x58b: {  	v43 =	vld [tilespmem:s25+$0x0]  }
0x58c: {  	v44 =	vld [tilespmem:s9+$0x9080];
	_ =	sdelay $0x1  }
0x58d: {  	v45 =	vld [tilespmem:s9+$0x9100]  }
0x58e: {  	v42 =	vmul.f32 v42, v34  }
0x58f: {  	v46 =	vld [tilespmem:s9+$0x9180]  }
0x590: {  	v42 =	vadd.f32 v42, v43;
	v43 =	vmul.f32 v44, v35  }
0x591: {  	v44 =	vld [tilespmem:s9+$0x9200]  }
0x592: {  	v42 =	vadd.f32 v43, v42;
	v43 =	vmul.f32 v45, v39  }
0x593: {  	v45 =	vld [tilespmem:s9+$0x9280]  }
0x594: {  	v42 =	vadd.f32 v43, v42;
	v43 =	vmul.f32 v46, v38  }
0x595: {  	v46 =	vld [tilespmem:s9+$0x9300];
	s9 =	sor.u32 s28, s26;
	s26 =	smov.u32 s29  }
0x596: {  	v42 =	vadd.f32 v43, v42;
	v43 =	vmul.f32 v44, v36;
	s9 =	sor.u32 $0x380, s9  }
0x597: {  	v44 =	vld [tilespmem:s9+$0x9000]  }
0x598: {  	v42 =	vadd.f32 v43, v42;
	v43 =	vmul.f32 v45, v37;
	_ =	sdelay $0x1  }
0x599: {  	v42 =	vadd.f32 v43, v42;
	v43 =	vmul.f32 v46, v40  }
.Ltmp30:
0x59a: {  	(pc) =	sbr.rel @p0 .LBB2_50-.Ltmp30, $3  }
0x59b: {  	v42 =	vadd.f32 v43, v42;
	v43 =	vmul.f32 v44, v41;
	_ =	sdelay $0x1  }
0x59c: {  	s28 =	sadd.s32 $0x80, s28;
	v42 =	vadd.f32 v43, v42  }
0x59d: {  	s29 =	sadd.s32 $0x10, s29;
	s30 =	sand.u32 $0x1C00, s28;
	s9 =	sand.u32 $0x70, s26  }
0x59e: {  	s9 =	sor.u32 s9, s30;
	[tilespmem:s25+$0x0] =	vst v42  }
0x59f: {  	s25 =	sadd.s32 $0x10, s25;
	v42 =	vld [tilespmem:s9+$0x9000]  }
0x5a0: {  	v43 =	vld [tilespmem:s25+$0x0]  }
0x5a1: {  	v44 =	vld [tilespmem:s9+$0x9080];
	_ =	sdelay $0x1  }
0x5a2: {  	v45 =	vld [tilespmem:s9+$0x9100]  }
0x5a3: {  	v34 =	vmul.f32 v42, v34  }
0x5a4: {  	v60 =	vld [tilespmem:s9+$0x9180]  }
0x5a5: {  	v35 =	vmul.f32 v44, v35;
	v34 =	vadd.f32 v34, v43  }
0x5a6: {  	v61 =	vld [tilespmem:s9+$0x9200]  }
0x5a7: {  	v62 =	vmul.f32 v45, v39;
	v34 =	vadd.f32 v35, v34  }
0x5a8: {  	v63 =	vld [tilespmem:s9+$0x9280]  }
0x5a9: {  	v44 =	vmul.f32 v60, v38;
	v34 =	vadd.f32 v62, v34  }
0x5aa: {  	s30 =	sor.u32 s28, s26;
	v45 =	vld [tilespmem:s9+$0x9300]  }
0x5ab: {  	v46 =	vmul.f32 v61, v36;
	s9 =	sor.u32 $0x380, s30;
	v34 =	vadd.f32 v44, v34  }
0x5ac: {  	v47 =	vld [tilespmem:s9+$0x9000]  }
0x5ad: {  	v48 =	vmul.f32 v63, v37;
	v34 =	vadd.f32 v46, v34;
	_ =	sdelay $0x1  }
0x5ae: {  	v49 =	vmul.f32 v45, v40;
	v34 =	vadd.f32 v48, v34;
	_ =	sdelay $0x1  }
0x5af: {  	v50 =	vmul.f32 v47, v41;
	v34 =	vadd.f32 v49, v34;
	_ =	sdelay $0x1  }
0x5b0: {  	v34 =	vadd.f32 v50, v34;
	_ =	sdelay $0x1  }
0x5b1: {  	[tilespmem:s25+$0x0] =	vst v34;
	s25 =	simm.s32 $0x0  }
0x5b2: {  	v34 =	vld [tilespmem:$0x8E80];
	s26 =	sand.u32 $0x70, s25;
	s9 =	sand.u32 $0x1C00, s25  }
0x5b3: {  	v35 =	vld [tilespmem:$0x8E90];
	s9 =	sor.u32 s26, s9  }
0x5b4: {  	s25 =	simm.s32 $0x11000;
	v51 =	vld [tilespmem:s9+$0xB000]  }
0x5b5: {  	v52 =	vld [tilespmem:s25+$0x0]  }
0x5b6: {  	v53 =	vld [tilespmem:s9+$0xB080]  }
0x5b7: {  	v38 =	vld [tilespmem:$0x8EA0]  }
0x5b8: {  	v54 =	vld [tilespmem:s9+$0xB100]  }
0x5b9: {  	v36 =	vld [tilespmem:$0x8EB0];
	v55 =	vmul.f32 v51, v34  }
0x5ba: {  	v56 =	vld [tilespmem:s9+$0xB180]  }
0x5bb: {  	v37 =	vld [tilespmem:$0x8EC0];
	v40 =	vmul.f32 v53, v35;
	v42 =	vadd.f32 v55, v52  }
0x5bc: {  	v57 =	vld [tilespmem:s9+$0xB200]  }
0x5bd: {  	v39 =	vld [tilespmem:$0x8ED0];
	v41 =	vmul.f32 v54, v38;
	v42 =	vadd.f32 v40, v42  }
0x5be: {  	v58 =	vld [tilespmem:s9+$0xB280]  }
0x5bf: {  	v46 =	vld [tilespmem:s9+$0xB300];
	v43 =	vmul.f32 v56, v36;
	v42 =	vadd.f32 v41, v42  }
0x5c0: {  	v40 =	vld [tilespmem:$0x8EE0]  }
0x5c1: {  	v60 =	vld [tilespmem:s9+$0xB380];
	v59 =	vmul.f32 v57, v37;
	v42 =	vadd.f32 v43, v42  }
0x5c2: {  	v41 =	vld [tilespmem:$0x8EF0]  }
0x5c3: {  	v61 =	vmul.f32 v58, v39;
	v42 =	vadd.f32 v59, v42;
	_ =	sdelay $0x1  }
0x5c4: {  	v62 =	vmul.f32 v46, v40;
	v42 =	vadd.f32 v61, v42;
	_ =	sdelay $0x1  }
0x5c5: {  	v63 =	vmul.f32 v60, v41;
	v42 =	vadd.f32 v62, v42;
	_ =	sdelay $0x1  }
0x5c6: {  	s30 =	simm.s32 $0x10;
	s26 =	simm.s32 $0x80;
	v42 =	vadd.f32 v63, v42  }
0x5c7: {  	s28 =	simm.s32 $0x20;
	s9 =	sand.u32 $0x70, s30;
	s29 =	sand.u32 $0x1C00, s26  }
.LBB2_52:
0x5c8: {  	p0 =	sne.s32 s28, $0x3F0;
	s9 =	sor.u32 s9, s29;
	[tilespmem:s25+$0x0] =	vst v42  }
0x5c9: {  	s25 =	sadd.s32 $0x10, s25;
	v42 =	vld [tilespmem:s9+$0xB000]  }
0x5ca: {  	v43 =	vld [tilespmem:s25+$0x0]  }
0x5cb: {  	v44 =	vld [tilespmem:s9+$0xB080];
	_ =	sdelay $0x1  }
0x5cc: {  	v45 =	vld [tilespmem:s9+$0xB100]  }
0x5cd: {  	v42 =	vmul.f32 v42, v34  }
0x5ce: {  	v46 =	vld [tilespmem:s9+$0xB180]  }
0x5cf: {  	v42 =	vadd.f32 v42, v43;
	v43 =	vmul.f32 v44, v35  }
0x5d0: {  	v44 =	vld [tilespmem:s9+$0xB200]  }
0x5d1: {  	v42 =	vadd.f32 v43, v42;
	v43 =	vmul.f32 v45, v38  }
0x5d2: {  	v45 =	vld [tilespmem:s9+$0xB280]  }
0x5d3: {  	v42 =	vadd.f32 v43, v42;
	v43 =	vmul.f32 v46, v36  }
0x5d4: {  	v46 =	vld [tilespmem:s9+$0xB300]  }
0x5d5: {  	v42 =	vadd.f32 v43, v42;
	v43 =	vmul.f32 v44, v37  }
0x5d6: {  	v44 =	vld [tilespmem:s9+$0xB380]  }
0x5d7: {  	v42 =	vadd.f32 v43, v42;
	v43 =	vmul.f32 v45, v39;
	_ =	sdelay $0x1  }
0x5d8: {  	v42 =	vadd.f32 v43, v42;
	v43 =	vmul.f32 v46, v40  }
.Ltmp31:
0x5d9: {  	(pc) =	sbr.rel @p0 .LBB2_52-.Ltmp31, $3  }
0x5da: {  	v42 =	vadd.f32 v43, v42;
	v43 =	vmul.f32 v44, v41;
	_ =	sdelay $0x1  }
0x5db: {  	s26 =	sadd.s32 $0x80, s26;
	v42 =	vadd.f32 v43, v42  }
0x5dc: {  	s29 =	sand.u32 $0x1C00, s26;
	s9 =	sand.u32 $0x70, s28;
	s28 =	sadd.s32 $0x10, s28  }
0x5dd: {  	s9 =	sor.u32 s9, s29;
	[tilespmem:s25+$0x0] =	vst v42  }
0x5de: {  	s30 =	sadd.s32 $0x10, s25;
	v42 =	vld [tilespmem:s9+$0xB000]  }
0x5df: {  	v43 =	vld [tilespmem:s30+$0x0]  }
0x5e0: {  	v44 =	vld [tilespmem:s9+$0xB080];
	_ =	sdelay $0x1  }
0x5e1: {  	v45 =	vld [tilespmem:s9+$0xB100]  }
0x5e2: {  	v34 =	vmul.f32 v42, v34  }
0x5e3: {  	v60 =	vld [tilespmem:s9+$0xB180]  }
0x5e4: {  	v35 =	vmul.f32 v44, v35;
	v34 =	vadd.f32 v34, v43  }
0x5e5: {  	v61 =	vld [tilespmem:s9+$0xB200]  }
0x5e6: {  	v62 =	vmul.f32 v45, v38;
	v34 =	vadd.f32 v35, v34  }
0x5e7: {  	v63 =	vld [tilespmem:s9+$0xB280]  }
0x5e8: {  	v44 =	vmul.f32 v60, v36;
	v34 =	vadd.f32 v62, v34  }
0x5e9: {  	v45 =	vld [tilespmem:s9+$0xB300]  }
0x5ea: {  	v46 =	vmul.f32 v61, v37;
	v34 =	vadd.f32 v44, v34  }
0x5eb: {  	v47 =	vld [tilespmem:s9+$0xB380]  }
0x5ec: {  	v48 =	vmul.f32 v63, v39;
	v34 =	vadd.f32 v46, v34;
	_ =	sdelay $0x1  }
0x5ed: {  	v49 =	vmul.f32 v45, v40;
	v34 =	vadd.f32 v48, v34;
	_ =	sdelay $0x1  }
0x5ee: {  	v50 =	vmul.f32 v47, v41;
	v34 =	vadd.f32 v49, v34;
	_ =	sdelay $0x1  }
0x5ef: {  	v34 =	vadd.f32 v50, v34;
	_ =	sdelay $0x1  }
0x5f0: {  	s25 =	simm.s32 $0x0;
	[tilespmem:s30+$0x0] =	vst v34  }
0x5f1: {  	s26 =	sand.u32 $0x70, s25;
	s9 =	sand.u32 $0x1C00, s25;
	v34 =	vld [tilespmem:$0x8F00]  }
0x5f2: {  	s9 =	sor.u32 s26, s9;
	v35 =	vld [tilespmem:$0x8F10]  }
0x5f3: {  	s25 =	simm.s32 $0x11000;
	v51 =	vld [tilespmem:s9+$0xD000]  }
0x5f4: {  	v52 =	vld [tilespmem:s25+$0x0]  }
0x5f5: {  	v53 =	vld [tilespmem:s9+$0xD080]  }
0x5f6: {  	v38 =	vld [tilespmem:$0x8F20]  }
0x5f7: {  	v54 =	vld [tilespmem:s9+$0xD100]  }
0x5f8: {  	v36 =	vld [tilespmem:$0x8F30];
	v55 =	vmul.f32 v51, v34  }
0x5f9: {  	v56 =	vld [tilespmem:s9+$0xD180]  }
0x5fa: {  	v37 =	vld [tilespmem:$0x8F40];
	v40 =	vmul.f32 v53, v35;
	v42 =	vadd.f32 v55, v52  }
0x5fb: {  	v57 =	vld [tilespmem:s9+$0xD200]  }
0x5fc: {  	v39 =	vld [tilespmem:$0x8F50];
	v41 =	vmul.f32 v54, v38;
	v42 =	vadd.f32 v40, v42  }
0x5fd: {  	v58 =	vld [tilespmem:s9+$0xD280]  }
0x5fe: {  	v46 =	vld [tilespmem:s9+$0xD300];
	v43 =	vmul.f32 v56, v36;
	v42 =	vadd.f32 v41, v42  }
0x5ff: {  	v40 =	vld [tilespmem:$0x8F60]  }
0x600: {  	v60 =	vld [tilespmem:s9+$0xD380];
	v59 =	vmul.f32 v57, v37;
	v42 =	vadd.f32 v43, v42  }
0x601: {  	v41 =	vld [tilespmem:$0x8F70]  }
0x602: {  	v61 =	vmul.f32 v58, v39;
	v42 =	vadd.f32 v59, v42;
	_ =	sdelay $0x1  }
0x603: {  	v62 =	vmul.f32 v46, v40;
	v42 =	vadd.f32 v61, v42;
	_ =	sdelay $0x1  }
0x604: {  	v63 =	vmul.f32 v60, v41;
	v42 =	vadd.f32 v62, v42;
	_ =	sdelay $0x1  }
0x605: {  	s26 =	simm.s32 $0x80;
	s30 =	simm.s32 $0x10;
	v42 =	vadd.f32 v63, v42  }
0x606: {  	s28 =	simm.s32 $0x20;
	s29 =	sand.u32 $0x1C00, s26;
	s9 =	sand.u32 $0x70, s30  }
.LBB2_54:
0x607: {  	p0 =	sne.s32 s28, $0x3F0;
	s9 =	sor.u32 s9, s29;
	[tilespmem:s25+$0x0] =	vst v42  }
0x608: {  	s25 =	sadd.s32 $0x10, s25;
	v42 =	vld [tilespmem:s9+$0xD000]  }
0x609: {  	v43 =	vld [tilespmem:s25+$0x0]  }
0x60a: {  	v44 =	vld [tilespmem:s9+$0xD080];
	_ =	sdelay $0x1  }
0x60b: {  	v45 =	vld [tilespmem:s9+$0xD100]  }
0x60c: {  	v42 =	vmul.f32 v42, v34  }
0x60d: {  	v46 =	vld [tilespmem:s9+$0xD180]  }
0x60e: {  	v42 =	vadd.f32 v42, v43;
	v43 =	vmul.f32 v44, v35  }
0x60f: {  	v44 =	vld [tilespmem:s9+$0xD200]  }
0x610: {  	v42 =	vadd.f32 v43, v42;
	v43 =	vmul.f32 v45, v38  }
0x611: {  	v45 =	vld [tilespmem:s9+$0xD280]  }
0x612: {  	v42 =	vadd.f32 v43, v42;
	v43 =	vmul.f32 v46, v36  }
0x613: {  	v46 =	vld [tilespmem:s9+$0xD300]  }
0x614: {  	v42 =	vadd.f32 v43, v42;
	v43 =	vmul.f32 v44, v37  }
0x615: {  	v44 =	vld [tilespmem:s9+$0xD380]  }
0x616: {  	v42 =	vadd.f32 v43, v42;
	v43 =	vmul.f32 v45, v39;
	_ =	sdelay $0x1  }
0x617: {  	v42 =	vadd.f32 v43, v42;
	v43 =	vmul.f32 v46, v40  }
.Ltmp32:
0x618: {  	(pc) =	sbr.rel @p0 .LBB2_54-.Ltmp32, $3  }
0x619: {  	v42 =	vadd.f32 v43, v42;
	v43 =	vmul.f32 v44, v41;
	_ =	sdelay $0x1  }
0x61a: {  	s26 =	sadd.s32 $0x80, s26;
	v42 =	vadd.f32 v43, v42  }
0x61b: {  	s29 =	sand.u32 $0x1C00, s26;
	s9 =	sand.u32 $0x70, s28;
	s28 =	sadd.s32 $0x10, s28  }
0x61c: {  	s9 =	sor.u32 s9, s29;
	[tilespmem:s25+$0x0] =	vst v42  }
0x61d: {  	s30 =	sadd.s32 $0x10, s25;
	v42 =	vld [tilespmem:s9+$0xD000]  }
0x61e: {  	v43 =	vld [tilespmem:s30+$0x0]  }
0x61f: {  	v44 =	vld [tilespmem:s9+$0xD080];
	_ =	sdelay $0x1  }
0x620: {  	v45 =	vld [tilespmem:s9+$0xD100]  }
0x621: {  	v34 =	vmul.f32 v42, v34  }
0x622: {  	v60 =	vld [tilespmem:s9+$0xD180]  }
0x623: {  	v35 =	vmul.f32 v44, v35;
	v34 =	vadd.f32 v34, v43  }
0x624: {  	v61 =	vld [tilespmem:s9+$0xD200]  }
0x625: {  	v62 =	vmul.f32 v45, v38;
	v34 =	vadd.f32 v35, v34  }
0x626: {  	v63 =	vld [tilespmem:s9+$0xD280]  }
0x627: {  	v44 =	vmul.f32 v60, v36;
	v34 =	vadd.f32 v62, v34  }
0x628: {  	v45 =	vld [tilespmem:s9+$0xD300]  }
0x629: {  	v46 =	vmul.f32 v61, v37;
	v34 =	vadd.f32 v44, v34  }
0x62a: {  	v47 =	vld [tilespmem:s9+$0xD380]  }
0x62b: {  	v48 =	vmul.f32 v63, v39;
	v34 =	vadd.f32 v46, v34;
	_ =	sdelay $0x1  }
0x62c: {  	v49 =	vmul.f32 v45, v40;
	v34 =	vadd.f32 v48, v34;
	_ =	sdelay $0x1  }
0x62d: {  	v50 =	vmul.f32 v47, v41;
	v34 =	vadd.f32 v49, v34;
	_ =	sdelay $0x1  }
0x62e: {  	v34 =	vadd.f32 v50, v34;
	_ =	sdelay $0x1  }
0x62f: {  	s25 =	simm.s32 $0x0;
	[tilespmem:s30+$0x0] =	vst v34  }
0x630: {  	s26 =	sand.u32 $0x70, s25;
	s9 =	sand.u32 $0x1C00, s25;
	v34 =	vld [tilespmem:$0x8F80]  }
0x631: {  	s9 =	sor.u32 s26, s9;
	v35 =	vld [tilespmem:$0x8F90]  }
0x632: {  	s25 =	simm.s32 $0x11000;
	v51 =	vld [tilespmem:s9+$0xF000]  }
0x633: {  	v52 =	vld [tilespmem:s25+$0x0]  }
0x634: {  	v53 =	vld [tilespmem:s9+$0xF080]  }
0x635: {  	v38 =	vld [tilespmem:$0x8FA0]  }
0x636: {  	v54 =	vld [tilespmem:s9+$0xF100]  }
0x637: {  	v36 =	vld [tilespmem:$0x8FB0];
	v55 =	vmul.f32 v51, v34  }
0x638: {  	v56 =	vld [tilespmem:s9+$0xF180]  }
0x639: {  	v37 =	vld [tilespmem:$0x8FC0];
	v40 =	vmul.f32 v53, v35;
	v42 =	vadd.f32 v55, v52  }
0x63a: {  	v57 =	vld [tilespmem:s9+$0xF200]  }
0x63b: {  	v39 =	vld [tilespmem:$0x8FD0];
	v41 =	vmul.f32 v54, v38;
	v42 =	vadd.f32 v40, v42  }
0x63c: {  	v58 =	vld [tilespmem:s9+$0xF280]  }
0x63d: {  	v46 =	vld [tilespmem:s9+$0xF300];
	v43 =	vmul.f32 v56, v36;
	v42 =	vadd.f32 v41, v42  }
0x63e: {  	v40 =	vld [tilespmem:$0x8FE0]  }
0x63f: {  	v60 =	vld [tilespmem:s9+$0xF380];
	v59 =	vmul.f32 v57, v37;
	v42 =	vadd.f32 v43, v42  }
0x640: {  	v41 =	vld [tilespmem:$0x8FF0]  }
0x641: {  	v61 =	vmul.f32 v58, v39;
	v42 =	vadd.f32 v59, v42;
	_ =	sdelay $0x1  }
0x642: {  	v62 =	vmul.f32 v46, v40;
	v42 =	vadd.f32 v61, v42;
	_ =	sdelay $0x1  }
0x643: {  	v63 =	vmul.f32 v60, v41;
	v42 =	vadd.f32 v62, v42;
	_ =	sdelay $0x1  }
0x644: {  	s26 =	simm.s32 $0x80;
	s30 =	simm.s32 $0x10;
	v42 =	vadd.f32 v63, v42  }
0x645: {  	s28 =	simm.s32 $0x20;
	s29 =	sand.u32 $0x1C00, s26;
	s9 =	sand.u32 $0x70, s30  }
.LBB2_56:
0x646: {  	p0 =	sne.s32 s28, $0x3F0;
	s9 =	sor.u32 s9, s29;
	[tilespmem:s25+$0x0] =	vst v42  }
0x647: {  	s25 =	sadd.s32 $0x10, s25;
	v42 =	vld [tilespmem:s9+$0xF000]  }
0x648: {  	v43 =	vld [tilespmem:s25+$0x0]  }
0x649: {  	v44 =	vld [tilespmem:s9+$0xF080];
	_ =	sdelay $0x1  }
0x64a: {  	v45 =	vld [tilespmem:s9+$0xF100]  }
0x64b: {  	v42 =	vmul.f32 v42, v34  }
0x64c: {  	v46 =	vld [tilespmem:s9+$0xF180]  }
0x64d: {  	v42 =	vadd.f32 v42, v43;
	v43 =	vmul.f32 v44, v35  }
0x64e: {  	v44 =	vld [tilespmem:s9+$0xF200]  }
0x64f: {  	v42 =	vadd.f32 v43, v42;
	v43 =	vmul.f32 v45, v38  }
0x650: {  	v45 =	vld [tilespmem:s9+$0xF280]  }
0x651: {  	v42 =	vadd.f32 v43, v42;
	v43 =	vmul.f32 v46, v36  }
0x652: {  	v46 =	vld [tilespmem:s9+$0xF300]  }
0x653: {  	v42 =	vadd.f32 v43, v42;
	v43 =	vmul.f32 v44, v37  }
0x654: {  	v44 =	vld [tilespmem:s9+$0xF380]  }
0x655: {  	v42 =	vadd.f32 v43, v42;
	v43 =	vmul.f32 v45, v39;
	_ =	sdelay $0x1  }
0x656: {  	v42 =	vadd.f32 v43, v42;
	v43 =	vmul.f32 v46, v40  }
.Ltmp33:
0x657: {  	(pc) =	sbr.rel @p0 .LBB2_56-.Ltmp33, $3  }
0x658: {  	v42 =	vadd.f32 v43, v42;
	v43 =	vmul.f32 v44, v41;
	_ =	sdelay $0x1  }
0x659: {  	s26 =	sadd.s32 $0x80, s26;
	v42 =	vadd.f32 v43, v42  }
0x65a: {  	s29 =	sand.u32 $0x1C00, s26;
	s9 =	sand.u32 $0x70, s28;
	s28 =	sadd.s32 $0x10, s28  }
0x65b: {  	s9 =	sor.u32 s9, s29;
	[tilespmem:s25+$0x0] =	vst v42  }
0x65c: {  	s30 =	sadd.s32 $0x10, s25;
	v42 =	vld [tilespmem:s9+$0xF000]  }
0x65d: {  	v43 =	vld [tilespmem:s30+$0x0]  }
0x65e: {  	v44 =	vld [tilespmem:s9+$0xF080];
	_ =	sdelay $0x1  }
0x65f: {  	v45 =	vld [tilespmem:s9+$0xF100]  }
0x660: {  	v34 =	vmul.f32 v42, v34  }
0x661: {  	v53 =	vld [tilespmem:s9+$0xF180]  }
0x662: {  	v35 =	vmul.f32 v44, v35;
	v34 =	vadd.f32 v34, v43  }
0x663: {  	v54 =	vld [tilespmem:s9+$0xF200]  }
0x664: {  	v55 =	vmul.f32 v45, v38;
	v34 =	vadd.f32 v35, v34  }
0x665: {  	v56 =	vld [tilespmem:s9+$0xF280]  }
0x666: {  	v57 =	vmul.f32 v53, v36;
	v34 =	vadd.f32 v55, v34  }
0x667: {  	v58 =	vld [tilespmem:s9+$0xF300]  }
0x668: {  	v59 =	vmul.f32 v54, v37;
	v34 =	vadd.f32 v57, v34  }
0x669: {  	v60 =	vld [tilespmem:s9+$0xF380]  }
0x66a: {  	v61 =	vmul.f32 v56, v39;
	v34 =	vadd.f32 v59, v34;
	_ =	sdelay $0x1  }
0x66b: {  	v62 =	vmul.f32 v58, v40;
	v34 =	vadd.f32 v61, v34;
	_ =	sdelay $0x1  }
0x66c: {  	v63 =	vmul.f32 v60, v41;
	v34 =	vadd.f32 v62, v34;
	_ =	sdelay $0x1  }
0x66d: {  	s24 =	sadd.s32 $0x1, s24;
	v34 =	vadd.f32 v63, v34  }
0x66e: {  	p0 =	sne.s32 s24, s12  }
.Ltmp34:
0x66f: {  	[tilespmem:s30+$0x0] =	vst v34;
	(pc) =	sbr.rel @p0 .LBB2_1-.Ltmp34, $4  }
0x670: {  	[hbm4b:s11+s23] =	stream.strided.scatter [tilespmem:s22], [sflag:$0x2], $0x400, s15, s23, $0x38;
	[tilespmem:$0x11800] =	vst v63  }
0x671: {  	_ =	swait.ge [sflag:s14], $0x400  }
0x672: {  	[sflag:s14] =	ssyncset.done $0x0  }
0x673: {  	[sflag:s14] =	ssyncadd.s32 $0xFFFFFC00  }
0x674: {  	_ =	sfence.sel $0x180000  }
0x675: {  	[bflag:$0x0] =	sbarrier.arrive $0xFFFF  }
0x676: {  	_ =	strace $0x90000047  }
0x677: {  	s0 =	stileid.u32;
	[bflag:$0x2] =	sbarrier.arrive $0xFFFF  }
0x678: {  	p0 =	sne.s32 s0, $0x0;
	s0 =	rddreg [dreg:$0x4]  }
0x679: {  	s0 =	sadd.s32 @!p0 $0x100000, s0  }
0x67a: {  	[sflag:s0] =	ssyncadd.tile.s32 @!p0 $0x1;
	_ =	shalt  }
.Lfunc_end2:
_tile_overlayer_lowered:
.L_overlay_start_2:
0x67b: {  	(tag) =	ssettag $0x2  }
0x67c: {  	s0 =	rddreg [dreg:$0x0];
	s2 =	stileid.u32  }
0x67d: {  	s1 =	rddreg [dreg:$0x1];
	p0 =	sne.s32 s2, $0x0  }
0x67e: {  	s3 =	rddreg [dreg:$0x2];
	[bflag:$0x3] =	sbarrier.arrive $0xFFFF;
	s2 =	simm.s32 @!p0 $0x1C02  }
0x67f: {  	[timem:s3], [sflag:s2] =	dma.local @!p0 [hbm:s0], s1  }
0x680: {  	s0 =	simm.s32 @!p0 $0x2  }
0x681: {  	_ =	swait.ge @!p0 [sflag:s0], s1  }
0x682: {  	s1 =	ssub.s32 @!p0 $0x0, s1;
	[sflag:s0] =	ssyncset.done @!p0 $0x0  }
0x683: {  	[sflag:s0] =	ssyncadd.s32 @!p0 s1  }
0x684: {  	[bflag:$0x3] =	sbarrier.arrive $0xFFFF  }
0x685: {  	_ =	shalt  }

</sc_bundles>
